<compile_context>
chip_gen: v7x
topology: tpu7x:2x2x1
jax: 0.10.2.dev20260603
libtpu: 0.0.44.dev20260713+nightly
codegen_flags: <defaults>
</compile_context>

<pallas_src>
import functools

import jax
import jax.numpy as jnp
from jax import lax
from jax.experimental import pallas as pl
from jax.experimental.pallas import tpu as pltpu
from jax.experimental.pallas import tpu_sc as plsc

BATCH = 4096
SEQ = 200
D_EMBED = 32
NUM_WORKERS = 32
BBLK = 128
DTILES = D_EMBED // 8
PADW = 133
K = 10
NROUNDS = SEQ // K


def _sc_gather(tokens_t, emb):
    mesh = plsc.VectorSubcoreMesh(core_axis_name="c", subcore_axis_name="s")

    @functools.partial(
        pl.kernel,
        mesh=mesh,
        out_type=jax.ShapeDtypeStruct((SEQ, DTILES, NUM_WORKERS, 8, BBLK),
                                      jnp.float32),
        scratch_types=[
            pltpu.VMEM((SEQ // 8, 8, BBLK), jnp.int32),
            pltpu.VMEM((K, BBLK, D_EMBED), jnp.float32),
            pltpu.VMEM((K, DTILES, 8, PADW), jnp.float32),
            pltpu.SemaphoreType.DMA((K,)),
            pltpu.SemaphoreType.DMA((K,)),
        ],
        compiler_params=pltpu.CompilerParams(
            use_tc_tiling_on_sc=False, needs_layout_passes=False),
    )
    def k(tok_hbm, emb_hbm, out_hbm, idx_v, rows_v, rt_v, gsem, ssem):
        wid = lax.axis_index("s") * 2 + lax.axis_index("c")
        pltpu.sync_copy(tok_hbm.at[:, wid], idx_v)
        lane = jax.lax.iota(jnp.int32, 16)

        dt_lo, ds_lo = lane >> 3, lane & 7

        def transpose_chunk(b):
            src = rows_v.at[b]
            dst = rt_v.at[b]

            @plsc.parallel_loop(0, BBLK, 1, unroll=8)
            def _body(j):
                jvec = jnp.zeros((16,), jnp.int32) + j
                v0 = src[j, pl.ds(0, 16)]
                v1 = src[j, pl.ds(16, 16)]
                plsc.store_scatter(dst, [dt_lo, ds_lo, jvec], v0)
                plsc.store_scatter(dst, [dt_lo + 2, ds_lo, jvec], v1)

        def round_body(g, carry):
            base = g * K
            gathers = []
            for b in range(K):
                s_ = base + b
                gathers.append(pltpu.async_copy(
                    emb_hbm.at[idx_v.at[lax.div(s_, 8), lax.rem(s_, 8)]],
                    rows_v.at[b], gsem.at[b]))
            stores = []
            for b in range(K):
                s = base + b
                gathers[b].wait()
                transpose_chunk(b)
                stores.append(pltpu.async_copy(
                    rt_v.at[b].at[:, :, pl.ds(0, BBLK)],
                    out_hbm.at[s, :, wid],
                    ssem.at[b]))
            for h in stores:
                h.wait()
            return carry

        lax.fori_loop(0, NROUNDS, round_body, 0)

    return k(tokens_t, emb)


def kernel(tokens, emb):
    tok4 = tokens.T.reshape(SEQ // 8, 8, NUM_WORKERS, BBLK).transpose(0, 2, 1, 3)
    out5 = _sc_gather(tok4, emb)
    return out5.transpose(2, 4, 0, 1, 3).reshape(BATCH, SEQ, D_EMBED)

# --- scband reference (transcript-rebuilt; emitter-appended) ---
"""Pipeline reference for scband-positional-embedder-80350248173941 (READ-ONLY COPY).

The authoritative reference and input builder live on the scoring server;
editing this copy changes nothing except your own understanding.
"""

import math
import jax, jax.numpy as jnp
import numpy as np

NUM_POSSIBLE_TOKENS = 100000
D_EMBED = 32
BATCH = 4096
SEQ = 200

def positional_embedding_matrix(position_id: int, d_out: int) -> jnp.ndarray:
    assert d_out % 2 == 0
    position = jnp.arange(position_id, dtype=jnp.float32)[:, None]
    div_term = jnp.exp(jnp.arange(0, d_out, 2, dtype=jnp.float32) * (-math.log(10000.0) / d_out))
    pe = jnp.zeros((position_id, d_out), dtype=jnp.float32)
    pe = pe.at[:, 0::2].set(jnp.sin(position * div_term))
    pe = pe.at[:, 1::2].set(jnp.cos(position * div_term))
    return pe

def setup_inputs(seed: int = 0) -> dict:
    key = jax.random.key(seed)
    k_tok, = jax.random.split(key, 1)
    tokens = jax.random.randint(k_tok, (BATCH, SEQ), 0, NUM_POSSIBLE_TOKENS, dtype=jnp.int64 if jax.config.jax_enable_x64 else jnp.int32)
    emb = positional_embedding_matrix(NUM_POSSIBLE_TOKENS, D_EMBED)
    return {"tokens": tokens, "emb": emb}

def reference(tokens, emb):
    # PositionalEmbedder.forward: self.emb[tokens]
    return jnp.take(emb, tokens, axis=0)

if __name__ == "__main__":
    import jax
    _d = setup_inputs()
    print(jax.jit(kernel)(*tuple(_d.values())))

</pallas_src>

<mosaic_0001>
#map = affine_map<(d0, d1) -> (0, 0, 0, 0)>
#map1 = affine_map<(d0, d1) -> (0, 0)>
#map2 = affine_map<(d0, d1) -> (0, 0, 0, 0, 0)>
module attributes {stable_mosaic.version = 14 : i64} {
  func.func @k(%arg0: i32, %arg1: i32, %arg2: memref<25x32x8x128xi32, #tpu.memory_space<hbm>>, %arg3: memref<100000x32xf32, #tpu.memory_space<hbm>>, %arg4: memref<200x4x32x8x128xf32, #tpu.memory_space<hbm>>, %arg5: memref<25x8x128xi32, #tpu.memory_space<vmem>>, %arg6: memref<10x128x32xf32, #tpu.memory_space<vmem>>, %arg7: memref<10x4x8x133xf32, #tpu.memory_space<vmem>>, %arg8: memref<10x!tpu.dma_semaphore, #tpu.memory_space<semaphore_mem>>, %arg9: memref<10x!tpu.dma_semaphore, #tpu.memory_space<semaphore_mem>>) attributes {dimension_semantics = [#tpu.dimension_semantics<core_parallel>, #tpu.dimension_semantics<subcore_parallel>], iteration_bounds = array<i64: 2, 16>, scalar_prefetch = 0 : i64, scratch_operands = 5 : i64, tpu.core_type = #tpu.core_type<sc_vector_subcore>, window_params = [{transform_indices = #map}, {transform_indices = #map1}, {transform_indices = #map2}]} {
    %mul3A = arith.constant 2 : i32
    %mul3A_0 = arith.muli %arg1, %mul3A : i32
    %add3A = arith.addi %mul3A_0, %arg0 : i32
    "tpu.region"() ({
      %run_scoped3A = tpu.sem_alloc : memref<!tpu.dma_semaphore, #tpu.memory_space<semaphore_mem>>
      %dma_start3A = arith.constant 0 : i32
      %dma_start3A_10 = arith.constant 0 : i32
      %dma_start3A_11 = arith.constant 0 : i32
      %dma_start3A_12 = tpu.memref_slice %arg2[%dma_start3A, %add3A, %dma_start3A_10, %dma_start3A_11] : memref<25x32x8x128xi32, #tpu.memory_space<hbm>> -> memref<25x1x8x128xi32, #tpu.memory_space<hbm>>
      %dma_start3A_13 = tpu.memref_squeeze %dma_start3A_12 : memref<25x1x8x128xi32, #tpu.memory_space<hbm>> -> memref<25x8x128xi32, #tpu.memory_space<hbm>>
      %dma_start3A_14 = arith.constant 0 : i32
      %dma_start3A_15 = arith.constant 0 : i32
      %dma_start3A_16 = arith.constant 0 : i32
      %dma_start3A_17 = tpu.memref_slice %arg2[%dma_start3A_14, %add3A, %dma_start3A_15, %dma_start3A_16] : memref<25x32x8x128xi32, #tpu.memory_space<hbm>> -> memref<25x1x8x128xi32, #tpu.memory_space<hbm>>
      %dma_start3A_18 = tpu.memref_squeeze %dma_start3A_17 : memref<25x1x8x128xi32, #tpu.memory_space<hbm>> -> memref<25x8x128xi32, #tpu.memory_space<hbm>>
      tpu.enqueue_dma source(%dma_start3A_18 : memref<25x8x128xi32, #tpu.memory_space<hbm>>) target(%arg5 : memref<25x8x128xi32, #tpu.memory_space<vmem>>) target_semaphore(%run_scoped3A : memref<!tpu.dma_semaphore, #tpu.memory_space<semaphore_mem>>)
      %dma_wait3A = arith.constant 0 : i32
      %dma_wait3A_19 = arith.constant 0 : i32
      %dma_wait3A_20 = arith.constant 0 : i32
      %dma_wait3A_21 = tpu.memref_slice %arg2[%dma_wait3A, %add3A, %dma_wait3A_19, %dma_wait3A_20] : memref<25x32x8x128xi32, #tpu.memory_space<hbm>> -> memref<25x1x8x128xi32, #tpu.memory_space<hbm>>
      %dma_wait3A_22 = tpu.memref_squeeze %dma_wait3A_21 : memref<25x1x8x128xi32, #tpu.memory_space<hbm>> -> memref<25x8x128xi32, #tpu.memory_space<hbm>>
      %dma_wait3A_23 = arith.constant 0 : i32
      %dma_wait3A_24 = arith.constant 0 : i32
      %dma_wait3A_25 = arith.constant 0 : i32
      %dma_wait3A_26 = tpu.memref_slice %arg2[%dma_wait3A_23, %add3A, %dma_wait3A_24, %dma_wait3A_25] : memref<25x32x8x128xi32, #tpu.memory_space<hbm>> -> memref<25x1x8x128xi32, #tpu.memory_space<hbm>>
      %dma_wait3A_27 = tpu.memref_squeeze %dma_wait3A_26 : memref<25x1x8x128xi32, #tpu.memory_space<hbm>> -> memref<25x8x128xi32, #tpu.memory_space<hbm>>
      tpu.wait_dma2 semaphore(%run_scoped3A : memref<!tpu.dma_semaphore, #tpu.memory_space<semaphore_mem>>) src(%dma_wait3A_27 : memref<25x8x128xi32, #tpu.memory_space<hbm>>) dst(%arg5 : memref<25x8x128xi32, #tpu.memory_space<vmem>>)
      tpu.yield
    }) : () -> ()
    %iota3A = tpu.iota {dimensions = array<i32: 0>} : vector<16xi32>
    %shift_right_arithmetic3A = arith.constant 3 : i32
    %shift_right_arithmetic3A_1 = vector.broadcast %shift_right_arithmetic3A : i32 to vector<16xi32>
    %shift_right_arithmetic3A_2 = arith.shrsi %iota3A, %shift_right_arithmetic3A_1 : vector<16xi32>
    %and3A = arith.constant 7 : i32
    %and3A_3 = vector.broadcast %and3A : i32 to vector<16xi32>
    %and3A_4 = arith.andi %iota3A, %and3A_3 : vector<16xi32>
    %scan3A = arith.constant 0 : i32
    %scan3A_5 = arith.constant 0 : i32
    %scan3A_6 = arith.constant 20 : i32
    %scan3A_7 = arith.addi %scan3A_5, %scan3A_6 : i32
    %scan3A_8 = arith.constant 1 : i32
    scf.for %scan3A_10 = %scan3A_5 to %scan3A_7 step %scan3A_8  : i32 {
      %mul3A_11 = arith.constant 10 : i32
      %mul3A_12 = arith.muli %scan3A_10, %mul3A_11 : i32
      %add3A_13 = arith.constant 0 : i32
      %add3A_14 = arith.addi %mul3A_12, %add3A_13 : i32
      %div3A = arith.constant 8 : i32
      %div3A_15 = arith.divsi %add3A_14, %div3A : i32
      %rem3A = arith.constant 8 : i32
      %rem3A_16 = arith.remsi %add3A_14, %rem3A : i32
      %dma_start3A = arith.constant 0 : i32
      %dma_start3A_17 = arith.constant 0 : i32
      %dma_start3A_18 = arith.constant 0 : i32
      %dma_start3A_19 = arith.constant 0 : i32
      %dma_start3A_20 = tpu.memref_slice %arg6[%dma_start3A, %dma_start3A_18, %dma_start3A_19] : memref<10x128x32xf32, #tpu.memory_space<vmem>> -> memref<1x128x32xf32, #tpu.memory_space<vmem>>
      %dma_start3A_21 = tpu.memref_squeeze %dma_start3A_20 : memref<1x128x32xf32, #tpu.memory_space<vmem>> -> memref<128x32xf32, #tpu.memory_space<vmem>>
      %dma_start3A_22 = arith.constant 0 : i32
      %dma_start3A_23 = tpu.memref_slice %arg5[%div3A_15, %rem3A_16, %dma_start3A_22] : memref<25x8x128xi32, #tpu.memory_space<vmem>> -> memref<1x1x128xi32, #tpu.memory_space<vmem>>
      %dma_start3A_24 = tpu.memref_squeeze %dma_start3A_23 : memref<1x1x128xi32, #tpu.memory_space<vmem>> -> memref<128xi32, #tpu.memory_space<vmem>>
      %dma_start3A_25 = arith.constant 0 : i32
      %dma_start3A_26 = arith.constant 0 : i32
      %dma_start3A_27 = tpu.memref_slice %arg3[%dma_start3A_25, %dma_start3A_26] : memref<100000x32xf32, #tpu.memory_space<hbm>> -> memref<100000x32xf32, #tpu.memory_space<hbm>>
      %dma_start3A_28 = tpu.memref_slice %arg8[%dma_start3A_17] : memref<10x!tpu.dma_semaphore, #tpu.memory_space<semaphore_mem>> -> memref<1x!tpu.dma_semaphore, #tpu.memory_space<semaphore_mem>>
      %dma_start3A_29 = tpu.memref_squeeze %dma_start3A_28 : memref<1x!tpu.dma_semaphore, #tpu.memory_space<semaphore_mem>> -> memref<!tpu.dma_semaphore, #tpu.memory_space<semaphore_mem>>
      tpu.enqueue_indirect_dma source(%dma_start3A_27 : memref<100000x32xf32, #tpu.memory_space<hbm>>) target(%dma_start3A_21 : memref<128x32xf32, #tpu.memory_space<vmem>>) offsets(%dma_start3A_24 : memref<128xi32, #tpu.memory_space<vmem>>) semaphore(%dma_start3A_29 : memref<!tpu.dma_semaphore, #tpu.memory_space<semaphore_mem>>)
      %add3A_30 = arith.constant 1 : i32
      %add3A_31 = arith.addi %mul3A_12, %add3A_30 : i32
      %div3A_32 = arith.constant 8 : i32
      %div3A_33 = arith.divsi %add3A_31, %div3A_32 : i32
      %rem3A_34 = arith.constant 8 : i32
      %rem3A_35 = arith.remsi %add3A_31, %rem3A_34 : i32
      %dma_start3A_36 = arith.constant 1 : i32
      %dma_start3A_37 = arith.constant 1 : i32
      %dma_start3A_38 = arith.constant 0 : i32
      %dma_start3A_39 = arith.constant 0 : i32
      %dma_start3A_40 = tpu.memref_slice %arg6[%dma_start3A_36, %dma_start3A_38, %dma_start3A_39] : memref<10x128x32xf32, #tpu.memory_space<vmem>> -> memref<1x128x32xf32, #tpu.memory_space<vmem>>
      %dma_start3A_41 = tpu.memref_squeeze %dma_start3A_40 : memref<1x128x32xf32, #tpu.memory_space<vmem>> -> memref<128x32xf32, #tpu.memory_space<vmem>>
      %dma_start3A_42 = arith.constant 0 : i32
      %dma_start3A_43 = tpu.memref_slice %arg5[%div3A_33, %rem3A_35, %dma_start3A_42] : memref<25x8x128xi32, #tpu.memory_space<vmem>> -> memref<1x1x128xi32, #tpu.memory_space<vmem>>
      %dma_start3A_44 = tpu.memref_squeeze %dma_start3A_43 : memref<1x1x128xi32, #tpu.memory_space<vmem>> -> memref<128xi32, #tpu.memory_space<vmem>>
      %dma_start3A_45 = arith.constant 0 : i32
      %dma_start3A_46 = arith.constant 0 : i32
      %dma_start3A_47 = tpu.memref_slice %arg3[%dma_start3A_45, %dma_start3A_46] : memref<100000x32xf32, #tpu.memory_space<hbm>> -> memref<100000x32xf32, #tpu.memory_space<hbm>>
      %dma_start3A_48 = tpu.memref_slice %arg8[%dma_start3A_37] : memref<10x!tpu.dma_semaphore, #tpu.memory_space<semaphore_mem>> -> memref<1x!tpu.dma_semaphore, #tpu.memory_space<semaphore_mem>>
      %dma_start3A_49 = tpu.memref_squeeze %dma_start3A_48 : memref<1x!tpu.dma_semaphore, #tpu.memory_space<semaphore_mem>> -> memref<!tpu.dma_semaphore, #tpu.memory_space<semaphore_mem>>
      tpu.enqueue_indirect_dma source(%dma_start3A_47 : memref<100000x32xf32, #tpu.memory_space<hbm>>) target(%dma_start3A_41 : memref<128x32xf32, #tpu.memory_space<vmem>>) offsets(%dma_start3A_44 : memref<128xi32, #tpu.memory_space<vmem>>) semaphore(%dma_start3A_49 : memref<!tpu.dma_semaphore, #tpu.memory_space<semaphore_mem>>)
      %add3A_50 = arith.constant 2 : i32
      %add3A_51 = arith.addi %mul3A_12, %add3A_50 : i32
      %div3A_52 = arith.constant 8 : i32
      %div3A_53 = arith.divsi %add3A_51, %div3A_52 : i32
      %rem3A_54 = arith.constant 8 : i32
      %rem3A_55 = arith.remsi %add3A_51, %rem3A_54 : i32
      %dma_start3A_56 = arith.constant 2 : i32
      %dma_start3A_57 = arith.constant 2 : i32
      %dma_start3A_58 = arith.constant 0 : i32
      %dma_start3A_59 = arith.constant 0 : i32
      %dma_start3A_60 = tpu.memref_slice %arg6[%dma_start3A_56, %dma_start3A_58, %dma_start3A_59] : memref<10x128x32xf32, #tpu.memory_space<vmem>> -> memref<1x128x32xf32, #tpu.memory_space<vmem>>
      %dma_start3A_61 = tpu.memref_squeeze %dma_start3A_60 : memref<1x128x32xf32, #tpu.memory_space<vmem>> -> memref<128x32xf32, #tpu.memory_space<vmem>>
      %dma_start3A_62 = arith.constant 0 : i32
      %dma_start3A_63 = tpu.memref_slice %arg5[%div3A_53, %rem3A_55, %dma_start3A_62] : memref<25x8x128xi32, #tpu.memory_space<vmem>> -> memref<1x1x128xi32, #tpu.memory_space<vmem>>
      %dma_start3A_64 = tpu.memref_squeeze %dma_start3A_63 : memref<1x1x128xi32, #tpu.memory_space<vmem>> -> memref<128xi32, #tpu.memory_space<vmem>>
      %dma_start3A_65 = arith.constant 0 : i32
      %dma_start3A_66 = arith.constant 0 : i32
      %dma_start3A_67 = tpu.memref_slice %arg3[%dma_start3A_65, %dma_start3A_66] : memref<100000x32xf32, #tpu.memory_space<hbm>> -> memref<100000x32xf32, #tpu.memory_space<hbm>>
      %dma_start3A_68 = tpu.memref_slice %arg8[%dma_start3A_57] : memref<10x!tpu.dma_semaphore, #tpu.memory_space<semaphore_mem>> -> memref<1x!tpu.dma_semaphore, #tpu.memory_space<semaphore_mem>>
      %dma_start3A_69 = tpu.memref_squeeze %dma_start3A_68 : memref<1x!tpu.dma_semaphore, #tpu.memory_space<semaphore_mem>> -> memref<!tpu.dma_semaphore, #tpu.memory_space<semaphore_mem>>
      tpu.enqueue_indirect_dma source(%dma_start3A_67 : memref<100000x32xf32, #tpu.memory_space<hbm>>) target(%dma_start3A_61 : memref<128x32xf32, #tpu.memory_space<vmem>>) offsets(%dma_start3A_64 : memref<128xi32, #tpu.memory_space<vmem>>) semaphore(%dma_start3A_69 : memref<!tpu.dma_semaphore, #tpu.memory_space<semaphore_mem>>)
      %add3A_70 = arith.constant 3 : i32
      %add3A_71 = arith.addi %mul3A_12, %add3A_70 : i32
      %div3A_72 = arith.constant 8 : i32
      %div3A_73 = arith.divsi %add3A_71, %div3A_72 : i32
      %rem3A_74 = arith.constant 8 : i32
      %rem3A_75 = arith.remsi %add3A_71, %rem3A_74 : i32
      %dma_start3A_76 = arith.constant 3 : i32
      %dma_start3A_77 = arith.constant 3 : i32
      %dma_start3A_78 = arith.constant 0 : i32
      %dma_start3A_79 = arith.constant 0 : i32
      %dma_start3A_80 = tpu.memref_slice %arg6[%dma_start3A_76, %dma_start3A_78, %dma_start3A_79] : memref<10x128x32xf32, #tpu.memory_space<vmem>> -> memref<1x128x32xf32, #tpu.memory_space<vmem>>
      %dma_start3A_81 = tpu.memref_squeeze %dma_start3A_80 : memref<1x128x32xf32, #tpu.memory_space<vmem>> -> memref<128x32xf32, #tpu.memory_space<vmem>>
      %dma_start3A_82 = arith.constant 0 : i32
      %dma_start3A_83 = tpu.memref_slice %arg5[%div3A_73, %rem3A_75, %dma_start3A_82] : memref<25x8x128xi32, #tpu.memory_space<vmem>> -> memref<1x1x128xi32, #tpu.memory_space<vmem>>
      %dma_start3A_84 = tpu.memref_squeeze %dma_start3A_83 : memref<1x1x128xi32, #tpu.memory_space<vmem>> -> memref<128xi32, #tpu.memory_space<vmem>>
      %dma_start3A_85 = arith.constant 0 : i32
      %dma_start3A_86 = arith.constant 0 : i32
      %dma_start3A_87 = tpu.memref_slice %arg3[%dma_start3A_85, %dma_start3A_86] : memref<100000x32xf32, #tpu.memory_space<hbm>> -> memref<100000x32xf32, #tpu.memory_space<hbm>>
      %dma_start3A_88 = tpu.memref_slice %arg8[%dma_start3A_77] : memref<10x!tpu.dma_semaphore, #tpu.memory_space<semaphore_mem>> -> memref<1x!tpu.dma_semaphore, #tpu.memory_space<semaphore_mem>>
      %dma_start3A_89 = tpu.memref_squeeze %dma_start3A_88 : memref<1x!tpu.dma_semaphore, #tpu.memory_space<semaphore_mem>> -> memref<!tpu.dma_semaphore, #tpu.memory_space<semaphore_mem>>
      tpu.enqueue_indirect_dma source(%dma_start3A_87 : memref<100000x32xf32, #tpu.memory_space<hbm>>) target(%dma_start3A_81 : memref<128x32xf32, #tpu.memory_space<vmem>>) offsets(%dma_start3A_84 : memref<128xi32, #tpu.memory_space<vmem>>) semaphore(%dma_start3A_89 : memref<!tpu.dma_semaphore, #tpu.memory_space<semaphore_mem>>)
      %add3A_90 = arith.constant 4 : i32
      %add3A_91 = arith.addi %mul3A_12, %add3A_90 : i32
      %div3A_92 = arith.constant 8 : i32
      %div3A_93 = arith.divsi %add3A_91, %div3A_92 : i32
      %rem3A_94 = arith.constant 8 : i32
      %rem3A_95 = arith.remsi %add3A_91, %rem3A_94 : i32
      %dma_start3A_96 = arith.constant 4 : i32
      %dma_start3A_97 = arith.constant 4 : i32
      %dma_start3A_98 = arith.constant 0 : i32
      %dma_start3A_99 = arith.constant 0 : i32
      %dma_start3A_100 = tpu.memref_slice %arg6[%dma_start3A_96, %dma_start3A_98, %dma_start3A_99] : memref<10x128x32xf32, #tpu.memory_space<vmem>> -> memref<1x128x32xf32, #tpu.memory_space<vmem>>
      %dma_start3A_101 = tpu.memref_squeeze %dma_start3A_100 : memref<1x128x32xf32, #tpu.memory_space<vmem>> -> memref<128x32xf32, #tpu.memory_space<vmem>>
      %dma_start3A_102 = arith.constant 0 : i32
      %dma_start3A_103 = tpu.memref_slice %arg5[%div3A_93, %rem3A_95, %dma_start3A_102] : memref<25x8x128xi32, #tpu.memory_space<vmem>> -> memref<1x1x128xi32, #tpu.memory_space<vmem>>
      %dma_start3A_104 = tpu.memref_squeeze %dma_start3A_103 : memref<1x1x128xi32, #tpu.memory_space<vmem>> -> memref<128xi32, #tpu.memory_space<vmem>>
      %dma_start3A_105 = arith.constant 0 : i32
      %dma_start3A_106 = arith.constant 0 : i32
      %dma_start3A_107 = tpu.memref_slice %arg3[%dma_start3A_105, %dma_start3A_106] : memref<100000x32xf32, #tpu.memory_space<hbm>> -> memref<100000x32xf32, #tpu.memory_space<hbm>>
      %dma_start3A_108 = tpu.memref_slice %arg8[%dma_start3A_97] : memref<10x!tpu.dma_semaphore, #tpu.memory_space<semaphore_mem>> -> memref<1x!tpu.dma_semaphore, #tpu.memory_space<semaphore_mem>>
      %dma_start3A_109 = tpu.memref_squeeze %dma_start3A_108 : memref<1x!tpu.dma_semaphore, #tpu.memory_space<semaphore_mem>> -> memref<!tpu.dma_semaphore, #tpu.memory_space<semaphore_mem>>
      tpu.enqueue_indirect_dma source(%dma_start3A_107 : memref<100000x32xf32, #tpu.memory_space<hbm>>) target(%dma_start3A_101 : memref<128x32xf32, #tpu.memory_space<vmem>>) offsets(%dma_start3A_104 : memref<128xi32, #tpu.memory_space<vmem>>) semaphore(%dma_start3A_109 : memref<!tpu.dma_semaphore, #tpu.memory_space<semaphore_mem>>)
      %add3A_110 = arith.constant 5 : i32
      %add3A_111 = arith.addi %mul3A_12, %add3A_110 : i32
      %div3A_112 = arith.constant 8 : i32
      %div3A_113 = arith.divsi %add3A_111, %div3A_112 : i32
      %rem3A_114 = arith.constant 8 : i32
      %rem3A_115 = arith.remsi %add3A_111, %rem3A_114 : i32
      %dma_start3A_116 = arith.constant 5 : i32
      %dma_start3A_117 = arith.constant 5 : i32
      %dma_start3A_118 = arith.constant 0 : i32
      %dma_start3A_119 = arith.constant 0 : i32
      %dma_start3A_120 = tpu.memref_slice %arg6[%dma_start3A_116, %dma_start3A_118, %dma_start3A_119] : memref<10x128x32xf32, #tpu.memory_space<vmem>> -> memref<1x128x32xf32, #tpu.memory_space<vmem>>
      %dma_start3A_121 = tpu.memref_squeeze %dma_start3A_120 : memref<1x128x32xf32, #tpu.memory_space<vmem>> -> memref<128x32xf32, #tpu.memory_space<vmem>>
      %dma_start3A_122 = arith.constant 0 : i32
      %dma_start3A_123 = tpu.memref_slice %arg5[%div3A_113, %rem3A_115, %dma_start3A_122] : memref<25x8x128xi32, #tpu.memory_space<vmem>> -> memref<1x1x128xi32, #tpu.memory_space<vmem>>
      %dma_start3A_124 = tpu.memref_squeeze %dma_start3A_123 : memref<1x1x128xi32, #tpu.memory_space<vmem>> -> memref<128xi32, #tpu.memory_space<vmem>>
      %dma_start3A_125 = arith.constant 0 : i32
      %dma_start3A_126 = arith.constant 0 : i32
      %dma_start3A_127 = tpu.memref_slice %arg3[%dma_start3A_125, %dma_start3A_126] : memref<100000x32xf32, #tpu.memory_space<hbm>> -> memref<100000x32xf32, #tpu.memory_space<hbm>>
      %dma_start3A_128 = tpu.memref_slice %arg8[%dma_start3A_117] : memref<10x!tpu.dma_semaphore, #tpu.memory_space<semaphore_mem>> -> memref<1x!tpu.dma_semaphore, #tpu.memory_space<semaphore_mem>>
      %dma_start3A_129 = tpu.memref_squeeze %dma_start3A_128 : memref<1x!tpu.dma_semaphore, #tpu.memory_space<semaphore_mem>> -> memref<!tpu.dma_semaphore, #tpu.memory_space<semaphore_mem>>
      tpu.enqueue_indirect_dma source(%dma_start3A_127 : memref<100000x32xf32, #tpu.memory_space<hbm>>) target(%dma_start3A_121 : memref<128x32xf32, #tpu.memory_space<vmem>>) offsets(%dma_start3A_124 : memref<128xi32, #tpu.memory_space<vmem>>) semaphore(%dma_start3A_129 : memref<!tpu.dma_semaphore, #tpu.memory_space<semaphore_mem>>)
      %add3A_130 = arith.constant 6 : i32
      %add3A_131 = arith.addi %mul3A_12, %add3A_130 : i32
      %div3A_132 = arith.constant 8 : i32
      %div3A_133 = arith.divsi %add3A_131, %div3A_132 : i32
      %rem3A_134 = arith.constant 8 : i32
      %rem3A_135 = arith.remsi %add3A_131, %rem3A_134 : i32
      %dma_start3A_136 = arith.constant 6 : i32
      %dma_start3A_137 = arith.constant 6 : i32
      %dma_start3A_138 = arith.constant 0 : i32
      %dma_start3A_139 = arith.constant 0 : i32
      %dma_start3A_140 = tpu.memref_slice %arg6[%dma_start3A_136, %dma_start3A_138, %dma_start3A_139] : memref<10x128x32xf32, #tpu.memory_space<vmem>> -> memref<1x128x32xf32, #tpu.memory_space<vmem>>
      %dma_start3A_141 = tpu.memref_squeeze %dma_start3A_140 : memref<1x128x32xf32, #tpu.memory_space<vmem>> -> memref<128x32xf32, #tpu.memory_space<vmem>>
      %dma_start3A_142 = arith.constant 0 : i32
      %dma_start3A_143 = tpu.memref_slice %arg5[%div3A_133, %rem3A_135, %dma_start3A_142] : memref<25x8x128xi32, #tpu.memory_space<vmem>> -> memref<1x1x128xi32, #tpu.memory_space<vmem>>
      %dma_start3A_144 = tpu.memref_squeeze %dma_start3A_143 : memref<1x1x128xi32, #tpu.memory_space<vmem>> -> memref<128xi32, #tpu.memory_space<vmem>>
      %dma_start3A_145 = arith.constant 0 : i32
      %dma_start3A_146 = arith.constant 0 : i32
      %dma_start3A_147 = tpu.memref_slice %arg3[%dma_start3A_145, %dma_start3A_146] : memref<100000x32xf32, #tpu.memory_space<hbm>> -> memref<100000x32xf32, #tpu.memory_space<hbm>>
      %dma_start3A_148 = tpu.memref_slice %arg8[%dma_start3A_137] : memref<10x!tpu.dma_semaphore, #tpu.memory_space<semaphore_mem>> -> memref<1x!tpu.dma_semaphore, #tpu.memory_space<semaphore_mem>>
      %dma_start3A_149 = tpu.memref_squeeze %dma_start3A_148 : memref<1x!tpu.dma_semaphore, #tpu.memory_space<semaphore_mem>> -> memref<!tpu.dma_semaphore, #tpu.memory_space<semaphore_mem>>
      tpu.enqueue_indirect_dma source(%dma_start3A_147 : memref<100000x32xf32, #tpu.memory_space<hbm>>) target(%dma_start3A_141 : memref<128x32xf32, #tpu.memory_space<vmem>>) offsets(%dma_start3A_144 : memref<128xi32, #tpu.memory_space<vmem>>) semaphore(%dma_start3A_149 : memref<!tpu.dma_semaphore, #tpu.memory_space<semaphore_mem>>)
      %add3A_150 = arith.constant 7 : i32
      %add3A_151 = arith.addi %mul3A_12, %add3A_150 : i32
      %div3A_152 = arith.constant 8 : i32
      %div3A_153 = arith.divsi %add3A_151, %div3A_152 : i32
      %rem3A_154 = arith.constant 8 : i32
      %rem3A_155 = arith.remsi %add3A_151, %rem3A_154 : i32
      %dma_start3A_156 = arith.constant 7 : i32
      %dma_start3A_157 = arith.constant 7 : i32
      %dma_start3A_158 = arith.constant 0 : i32
      %dma_start3A_159 = arith.constant 0 : i32
      %dma_start3A_160 = tpu.memref_slice %arg6[%dma_start3A_156, %dma_start3A_158, %dma_start3A_159] : memref<10x128x32xf32, #tpu.memory_space<vmem>> -> memref<1x128x32xf32, #tpu.memory_space<vmem>>
      %dma_start3A_161 = tpu.memref_squeeze %dma_start3A_160 : memref<1x128x32xf32, #tpu.memory_space<vmem>> -> memref<128x32xf32, #tpu.memory_space<vmem>>
      %dma_start3A_162 = arith.constant 0 : i32
      %dma_start3A_163 = tpu.memref_slice %arg5[%div3A_153, %rem3A_155, %dma_start3A_162] : memref<25x8x128xi32, #tpu.memory_space<vmem>> -> memref<1x1x128xi32, #tpu.memory_space<vmem>>
      %dma_start3A_164 = tpu.memref_squeeze %dma_start3A_163 : memref<1x1x128xi32, #tpu.memory_space<vmem>> -> memref<128xi32, #tpu.memory_space<vmem>>
      %dma_start3A_165 = arith.constant 0 : i32
      %dma_start3A_166 = arith.constant 0 : i32
      %dma_start3A_167 = tpu.memref_slice %arg3[%dma_start3A_165, %dma_start3A_166] : memref<100000x32xf32, #tpu.memory_space<hbm>> -> memref<100000x32xf32, #tpu.memory_space<hbm>>
      %dma_start3A_168 = tpu.memref_slice %arg8[%dma_start3A_157] : memref<10x!tpu.dma_semaphore, #tpu.memory_space<semaphore_mem>> -> memref<1x!tpu.dma_semaphore, #tpu.memory_space<semaphore_mem>>
      %dma_start3A_169 = tpu.memref_squeeze %dma_start3A_168 : memref<1x!tpu.dma_semaphore, #tpu.memory_space<semaphore_mem>> -> memref<!tpu.dma_semaphore, #tpu.memory_space<semaphore_mem>>
      tpu.enqueue_indirect_dma source(%dma_start3A_167 : memref<100000x32xf32, #tpu.memory_space<hbm>>) target(%dma_start3A_161 : memref<128x32xf32, #tpu.memory_space<vmem>>) offsets(%dma_start3A_164 : memref<128xi32, #tpu.memory_space<vmem>>) semaphore(%dma_start3A_169 : memref<!tpu.dma_semaphore, #tpu.memory_space<semaphore_mem>>)
      %add3A_170 = arith.constant 8 : i32
      %add3A_171 = arith.addi %mul3A_12, %add3A_170 : i32
      %div3A_172 = arith.constant 8 : i32
      %div3A_173 = arith.divsi %add3A_171, %div3A_172 : i32
      %rem3A_174 = arith.constant 8 : i32
      %rem3A_175 = arith.remsi %add3A_171, %rem3A_174 : i32
      %dma_start3A_176 = arith.constant 8 : i32
      %dma_start3A_177 = arith.constant 8 : i32
      %dma_start3A_178 = arith.constant 0 : i32
      %dma_start3A_179 = arith.constant 0 : i32
      %dma_start3A_180 = tpu.memref_slice %arg6[%dma_start3A_176, %dma_start3A_178, %dma_start3A_179] : memref<10x128x32xf32, #tpu.memory_space<vmem>> -> memref<1x128x32xf32, #tpu.memory_space<vmem>>
      %dma_start3A_181 = tpu.memref_squeeze %dma_start3A_180 : memref<1x128x32xf32, #tpu.memory_space<vmem>> -> memref<128x32xf32, #tpu.memory_space<vmem>>
      %dma_start3A_182 = arith.constant 0 : i32
      %dma_start3A_183 = tpu.memref_slice %arg5[%div3A_173, %rem3A_175, %dma_start3A_182] : memref<25x8x128xi32, #tpu.memory_space<vmem>> -> memref<1x1x128xi32, #tpu.memory_space<vmem>>
      %dma_start3A_184 = tpu.memref_squeeze %dma_start3A_183 : memref<1x1x128xi32, #tpu.memory_space<vmem>> -> memref<128xi32, #tpu.memory_space<vmem>>
      %dma_start3A_185 = arith.constant 0 : i32
      %dma_start3A_186 = arith.constant 0 : i32
      %dma_start3A_187 = tpu.memref_slice %arg3[%dma_start3A_185, %dma_start3A_186] : memref<100000x32xf32, #tpu.memory_space<hbm>> -> memref<100000x32xf32, #tpu.memory_space<hbm>>
      %dma_start3A_188 = tpu.memref_slice %arg8[%dma_start3A_177] : memref<10x!tpu.dma_semaphore, #tpu.memory_space<semaphore_mem>> -> memref<1x!tpu.dma_semaphore, #tpu.memory_space<semaphore_mem>>
      %dma_start3A_189 = tpu.memref_squeeze %dma_start3A_188 : memref<1x!tpu.dma_semaphore, #tpu.memory_space<semaphore_mem>> -> memref<!tpu.dma_semaphore, #tpu.memory_space<semaphore_mem>>
      tpu.enqueue_indirect_dma source(%dma_start3A_187 : memref<100000x32xf32, #tpu.memory_space<hbm>>) target(%dma_start3A_181 : memref<128x32xf32, #tpu.memory_space<vmem>>) offsets(%dma_start3A_184 : memref<128xi32, #tpu.memory_space<vmem>>) semaphore(%dma_start3A_189 : memref<!tpu.dma_semaphore, #tpu.memory_space<semaphore_mem>>)
      %add3A_190 = arith.constant 9 : i32
      %add3A_191 = arith.addi %mul3A_12, %add3A_190 : i32
      %div3A_192 = arith.constant 8 : i32
      %div3A_193 = arith.divsi %add3A_191, %div3A_192 : i32
      %rem3A_194 = arith.constant 8 : i32
      %rem3A_195 = arith.remsi %add3A_191, %rem3A_194 : i32
      %dma_start3A_196 = arith.constant 9 : i32
      %dma_start3A_197 = arith.constant 9 : i32
      %dma_start3A_198 = arith.constant 0 : i32
      %dma_start3A_199 = arith.constant 0 : i32
      %dma_start3A_200 = tpu.memref_slice %arg6[%dma_start3A_196, %dma_start3A_198, %dma_start3A_199] : memref<10x128x32xf32, #tpu.memory_space<vmem>> -> memref<1x128x32xf32, #tpu.memory_space<vmem>>
      %dma_start3A_201 = tpu.memref_squeeze %dma_start3A_200 : memref<1x128x32xf32, #tpu.memory_space<vmem>> -> memref<128x32xf32, #tpu.memory_space<vmem>>
      %dma_start3A_202 = arith.constant 0 : i32
      %dma_start3A_203 = tpu.memref_slice %arg5[%div3A_193, %rem3A_195, %dma_start3A_202] : memref<25x8x128xi32, #tpu.memory_space<vmem>> -> memref<1x1x128xi32, #tpu.memory_space<vmem>>
      %dma_start3A_204 = tpu.memref_squeeze %dma_start3A_203 : memref<1x1x128xi32, #tpu.memory_space<vmem>> -> memref<128xi32, #tpu.memory_space<vmem>>
      %dma_start3A_205 = arith.constant 0 : i32
      %dma_start3A_206 = arith.constant 0 : i32
      %dma_start3A_207 = tpu.memref_slice %arg3[%dma_start3A_205, %dma_start3A_206] : memref<100000x32xf32, #tpu.memory_space<hbm>> -> memref<100000x32xf32, #tpu.memory_space<hbm>>
      %dma_start3A_208 = tpu.memref_slice %arg8[%dma_start3A_197] : memref<10x!tpu.dma_semaphore, #tpu.memory_space<semaphore_mem>> -> memref<1x!tpu.dma_semaphore, #tpu.memory_space<semaphore_mem>>
      %dma_start3A_209 = tpu.memref_squeeze %dma_start3A_208 : memref<1x!tpu.dma_semaphore, #tpu.memory_space<semaphore_mem>> -> memref<!tpu.dma_semaphore, #tpu.memory_space<semaphore_mem>>
      tpu.enqueue_indirect_dma source(%dma_start3A_207 : memref<100000x32xf32, #tpu.memory_space<hbm>>) target(%dma_start3A_201 : memref<128x32xf32, #tpu.memory_space<vmem>>) offsets(%dma_start3A_204 : memref<128xi32, #tpu.memory_space<vmem>>) semaphore(%dma_start3A_209 : memref<!tpu.dma_semaphore, #tpu.memory_space<semaphore_mem>>)
      %add3A_210 = arith.constant 0 : i32
      %add3A_211 = arith.addi %mul3A_12, %add3A_210 : i32
      %dma_wait3A = arith.constant 0 : i32
      %dma_wait3A_212 = arith.constant 0 : i32
      %dma_wait3A_213 = arith.constant 0 : i32
      %dma_wait3A_214 = arith.constant 0 : i32
      %dma_wait3A_215 = tpu.memref_slice %arg6[%dma_wait3A, %dma_wait3A_213, %dma_wait3A_214] : memref<10x128x32xf32, #tpu.memory_space<vmem>> -> memref<1x128x32xf32, #tpu.memory_space<vmem>>
      %dma_wait3A_216 = tpu.memref_squeeze %dma_wait3A_215 : memref<1x128x32xf32, #tpu.memory_space<vmem>> -> memref<128x32xf32, #tpu.memory_space<vmem>>
      %dma_wait3A_217 = arith.constant 0 : i32
      %dma_wait3A_218 = tpu.memref_slice %arg5[%div3A_15, %rem3A_16, %dma_wait3A_217] : memref<25x8x128xi32, #tpu.memory_space<vmem>> -> memref<1x1x128xi32, #tpu.memory_space<vmem>>
      %dma_wait3A_219 = tpu.memref_squeeze %dma_wait3A_218 : memref<1x1x128xi32, #tpu.memory_space<vmem>> -> memref<128xi32, #tpu.memory_space<vmem>>
      %dma_wait3A_220 = arith.constant 0 : i32
      %dma_wait3A_221 = arith.constant 0 : i32
      %dma_wait3A_222 = tpu.memref_slice %arg3[%dma_wait3A_220, %dma_wait3A_221] : memref<100000x32xf32, #tpu.memory_space<hbm>> -> memref<100000x32xf32, #tpu.memory_space<hbm>>
      %dma_wait3A_223 = tpu.memref_slice %arg8[%dma_wait3A_212] : memref<10x!tpu.dma_semaphore, #tpu.memory_space<semaphore_mem>> -> memref<1x!tpu.dma_semaphore, #tpu.memory_space<semaphore_mem>>
      %dma_wait3A_224 = tpu.memref_squeeze %dma_wait3A_223 : memref<1x!tpu.dma_semaphore, #tpu.memory_space<semaphore_mem>> -> memref<!tpu.dma_semaphore, #tpu.memory_space<semaphore_mem>>
      tpu.wait_indirect_dma semaphore(%dma_wait3A_224 : memref<!tpu.dma_semaphore, #tpu.memory_space<semaphore_mem>>) src(%dma_wait3A_222 : memref<100000x32xf32, #tpu.memory_space<hbm>>) dst(%dma_wait3A_216 : memref<128x32xf32, #tpu.memory_space<vmem>>)
      %parallel_loop3A = arith.constant 0 : i32
      %parallel_loop3A_225 = arith.constant 128 : i32
      %parallel_loop3A_226 = arith.constant 1 : i32
      %parallel_loop3A_227 = arith.constant 0 : i32
      %parallel_loop3A_228 = arith.constant 0 : i32
      scf.for %parallel_loop3A_1058 = %parallel_loop3A to %parallel_loop3A_225 step %parallel_loop3A_226  : i32 {
        %parallel_loop3A_1059 = arith.constant 0 : i32
        %parallel_loop3A_1060 = vector.broadcast %parallel_loop3A_1059 : i32 to vector<16xi32>
        %parallel_loop3A_1061 = vector.broadcast %parallel_loop3A_1058 : i32 to vector<16xi32>
        %parallel_loop3A_1062 = arith.addi %parallel_loop3A_1060, %parallel_loop3A_1061 : vector<16xi32>
        %parallel_loop3A_1063 = arith.constant 0 : i32
        %parallel_loop3A_1064 = arith.constant 0 : i32
        %parallel_loop3A_1065 = tpu.memref_slice %arg6[%parallel_loop3A_227, %parallel_loop3A_1063, %parallel_loop3A_1064] : memref<10x128x32xf32, #tpu.memory_space<vmem>> -> memref<1x128x32xf32, #tpu.memory_space<vmem>>
        %parallel_loop3A_1066 = tpu.memref_squeeze %parallel_loop3A_1065 : memref<1x128x32xf32, #tpu.memory_space<vmem>> -> memref<128x32xf32, #tpu.memory_space<vmem>>
        %parallel_loop3A_1067 = arith.index_cast %parallel_loop3A_1058 : i32 to index
        %parallel_loop3A_1068 = arith.constant 0 : index
        %parallel_loop3A_1069 = tpu.vector_load %parallel_loop3A_1066[%parallel_loop3A_1067, %parallel_loop3A_1068] {strides = array<i32>} : memref<128x32xf32, #tpu.memory_space<vmem>>, vector<16xf32>,
        %parallel_loop3A_1070 = arith.constant 0 : i32
        %parallel_loop3A_1071 = arith.constant 0 : i32
        %parallel_loop3A_1072 = tpu.memref_slice %arg6[%parallel_loop3A_227, %parallel_loop3A_1070, %parallel_loop3A_1071] : memref<10x128x32xf32, #tpu.memory_space<vmem>> -> memref<1x128x32xf32, #tpu.memory_space<vmem>>
        %parallel_loop3A_1073 = tpu.memref_squeeze %parallel_loop3A_1072 : memref<1x128x32xf32, #tpu.memory_space<vmem>> -> memref<128x32xf32, #tpu.memory_space<vmem>>
        %parallel_loop3A_1074 = arith.index_cast %parallel_loop3A_1058 : i32 to index
        %parallel_loop3A_1075 = arith.constant 16 : index
        %parallel_loop3A_1076 = tpu.vector_load %parallel_loop3A_1073[%parallel_loop3A_1074, %parallel_loop3A_1075] {strides = array<i32>} : memref<128x32xf32, #tpu.memory_space<vmem>>, vector<16xf32>,
        %parallel_loop3A_1077 = arith.constant 0 : i32
        %parallel_loop3A_1078 = arith.constant 0 : i32
        %parallel_loop3A_1079 = arith.constant 0 : i32
        %parallel_loop3A_1080 = tpu.memref_slice %arg7[%parallel_loop3A_228, %parallel_loop3A_1077, %parallel_loop3A_1078, %parallel_loop3A_1079] : memref<10x4x8x133xf32, #tpu.memory_space<vmem>> -> memref<1x4x8x133xf32, #tpu.memory_space<vmem>>
        %parallel_loop3A_1081 = tpu.memref_squeeze %parallel_loop3A_1080 : memref<1x4x8x133xf32, #tpu.memory_space<vmem>> -> memref<4x8x133xf32, #tpu.memory_space<vmem>>
        tpu.vector_store_idx %parallel_loop3A_1081[%shift_right_arithmetic3A_2, %and3A_4, %parallel_loop3A_1062], %parallel_loop3A_1069 : memref<4x8x133xf32, #tpu.memory_space<vmem>>[vector<16xi32>, vector<16xi32>, vector<16xi32>], vector<16xf32>,
        %parallel_loop3A_1082 = arith.constant 2 : i32
        %parallel_loop3A_1083 = vector.broadcast %parallel_loop3A_1082 : i32 to vector<16xi32>
        %parallel_loop3A_1084 = arith.addi %shift_right_arithmetic3A_2, %parallel_loop3A_1083 : vector<16xi32>
        %parallel_loop3A_1085 = arith.constant 0 : i32
        %parallel_loop3A_1086 = arith.constant 0 : i32
        %parallel_loop3A_1087 = arith.constant 0 : i32
        %parallel_loop3A_1088 = tpu.memref_slice %arg7[%parallel_loop3A_228, %parallel_loop3A_1085, %parallel_loop3A_1086, %parallel_loop3A_1087] : memref<10x4x8x133xf32, #tpu.memory_space<vmem>> -> memref<1x4x8x133xf32, #tpu.memory_space<vmem>>
        %parallel_loop3A_1089 = tpu.memref_squeeze %parallel_loop3A_1088 : memref<1x4x8x133xf32, #tpu.memory_space<vmem>> -> memref<4x8x133xf32, #tpu.memory_space<vmem>>
        tpu.vector_store_idx %parallel_loop3A_1089[%parallel_loop3A_1084, %and3A_4, %parallel_loop3A_1062], %parallel_loop3A_1076 : memref<4x8x133xf32, #tpu.memory_space<vmem>>[vector<16xi32>, vector<16xi32>, vector<16xi32>], vector<16xf32>,
      } {sc.loop_unroll_factor = 8 : i64, sc.parallel_access}
      %dma_start3A_229 = arith.constant 0 : i32
      %dma_start3A_230 = arith.constant 0 : i32
      %dma_start3A_231 = arith.constant 0 : i32
      %dma_start3A_232 = arith.constant 0 : i32
      %dma_start3A_233 = arith.constant 0 : i32
      %dma_start3A_234 = tpu.memref_slice %arg7[%dma_start3A_229, %dma_start3A_231, %dma_start3A_232, %dma_start3A_233] : memref<10x4x8x133xf32, #tpu.memory_space<vmem>> -> memref<1x4x8x133xf32, #tpu.memory_space<vmem>>
      %dma_start3A_235 = tpu.memref_squeeze %dma_start3A_234 : memref<1x4x8x133xf32, #tpu.memory_space<vmem>> -> memref<4x8x133xf32, #tpu.memory_space<vmem>>
      %dma_start3A_236 = arith.constant 0 : i32
      %dma_start3A_237 = arith.constant 0 : i32
      %dma_start3A_238 = arith.constant 0 : i32
      %dma_start3A_239 = tpu.memref_slice %dma_start3A_235[%dma_start3A_236, %dma_start3A_237, %dma_start3A_238] : memref<4x8x133xf32, #tpu.memory_space<vmem>> -> memref<4x8x128xf32, #tpu.memory_space<vmem>>
      %dma_start3A_240 = arith.constant 0 : i32
      %dma_start3A_241 = arith.constant 0 : i32
      %dma_start3A_242 = arith.constant 0 : i32
      %dma_start3A_243 = tpu.memref_slice %arg4[%add3A_211, %dma_start3A_240, %add3A, %dma_start3A_241, %dma_start3A_242] : memref<200x4x32x8x128xf32, #tpu.memory_space<hbm>> -> memref<1x4x1x8x128xf32, #tpu.memory_space<hbm>>
      %dma_start3A_244 = tpu.memref_squeeze %dma_start3A_243 : memref<1x4x1x8x128xf32, #tpu.memory_space<hbm>> -> memref<4x8x128xf32, #tpu.memory_space<hbm>>
      %dma_start3A_245 = tpu.memref_slice %arg9[%dma_start3A_230] : memref<10x!tpu.dma_semaphore, #tpu.memory_space<semaphore_mem>> -> memref<1x!tpu.dma_semaphore, #tpu.memory_space<semaphore_mem>>
      %dma_start3A_246 = tpu.memref_squeeze %dma_start3A_245 : memref<1x!tpu.dma_semaphore, #tpu.memory_space<semaphore_mem>> -> memref<!tpu.dma_semaphore, #tpu.memory_space<semaphore_mem>>
      %dma_start3A_247 = arith.constant 0 : i32
      %dma_start3A_248 = arith.constant 0 : i32
      %dma_start3A_249 = arith.constant 0 : i32
      %dma_start3A_250 = tpu.memref_slice %arg4[%add3A_211, %dma_start3A_247, %add3A, %dma_start3A_248, %dma_start3A_249] : memref<200x4x32x8x128xf32, #tpu.memory_space<hbm>> -> memref<1x4x1x8x128xf32, #tpu.memory_space<hbm>>
      %dma_start3A_251 = tpu.memref_squeeze %dma_start3A_250 : memref<1x4x1x8x128xf32, #tpu.memory_space<hbm>> -> memref<4x8x128xf32, #tpu.memory_space<hbm>>
      %dma_start3A_252 = arith.constant 0 : i32
      %dma_start3A_253 = arith.constant 0 : i32
      %dma_start3A_254 = arith.constant 0 : i32
      %dma_start3A_255 = tpu.memref_slice %arg7[%dma_start3A_229, %dma_start3A_252, %dma_start3A_253, %dma_start3A_254] : memref<10x4x8x133xf32, #tpu.memory_space<vmem>> -> memref<1x4x8x133xf32, #tpu.memory_space<vmem>>
      %dma_start3A_256 = tpu.memref_squeeze %dma_start3A_255 : memref<1x4x8x133xf32, #tpu.memory_space<vmem>> -> memref<4x8x133xf32, #tpu.memory_space<vmem>>
      %dma_start3A_257 = arith.constant 0 : i32
      %dma_start3A_258 = arith.constant 0 : i32
      %dma_start3A_259 = arith.constant 0 : i32
      %dma_start3A_260 = tpu.memref_slice %dma_start3A_256[%dma_start3A_257, %dma_start3A_258, %dma_start3A_259] : memref<4x8x133xf32, #tpu.memory_space<vmem>> -> memref<4x8x128xf32, #tpu.memory_space<vmem>>
      tpu.enqueue_dma source(%dma_start3A_260 : memref<4x8x128xf32, #tpu.memory_space<vmem>>) target(%dma_start3A_251 : memref<4x8x128xf32, #tpu.memory_space<hbm>>) target_semaphore(%dma_start3A_246 : memref<!tpu.dma_semaphore, #tpu.memory_space<semaphore_mem>>)
      %add3A_261 = arith.constant 1 : i32
      %add3A_262 = arith.addi %mul3A_12, %add3A_261 : i32
      %dma_wait3A_263 = arith.constant 1 : i32
      %dma_wait3A_264 = arith.constant 1 : i32
      %dma_wait3A_265 = arith.constant 0 : i32
      %dma_wait3A_266 = arith.constant 0 : i32
      %dma_wait3A_267 = tpu.memref_slice %arg6[%dma_wait3A_263, %dma_wait3A_265, %dma_wait3A_266] : memref<10x128x32xf32, #tpu.memory_space<vmem>> -> memref<1x128x32xf32, #tpu.memory_space<vmem>>
      %dma_wait3A_268 = tpu.memref_squeeze %dma_wait3A_267 : memref<1x128x32xf32, #tpu.memory_space<vmem>> -> memref<128x32xf32, #tpu.memory_space<vmem>>
      %dma_wait3A_269 = arith.constant 0 : i32
      %dma_wait3A_270 = tpu.memref_slice %arg5[%div3A_33, %rem3A_35, %dma_wait3A_269] : memref<25x8x128xi32, #tpu.memory_space<vmem>> -> memref<1x1x128xi32, #tpu.memory_space<vmem>>
      %dma_wait3A_271 = tpu.memref_squeeze %dma_wait3A_270 : memref<1x1x128xi32, #tpu.memory_space<vmem>> -> memref<128xi32, #tpu.memory_space<vmem>>
      %dma_wait3A_272 = arith.constant 0 : i32
      %dma_wait3A_273 = arith.constant 0 : i32
      %dma_wait3A_274 = tpu.memref_slice %arg3[%dma_wait3A_272, %dma_wait3A_273] : memref<100000x32xf32, #tpu.memory_space<hbm>> -> memref<100000x32xf32, #tpu.memory_space<hbm>>
      %dma_wait3A_275 = tpu.memref_slice %arg8[%dma_wait3A_264] : memref<10x!tpu.dma_semaphore, #tpu.memory_space<semaphore_mem>> -> memref<1x!tpu.dma_semaphore, #tpu.memory_space<semaphore_mem>>
      %dma_wait3A_276 = tpu.memref_squeeze %dma_wait3A_275 : memref<1x!tpu.dma_semaphore, #tpu.memory_space<semaphore_mem>> -> memref<!tpu.dma_semaphore, #tpu.memory_space<semaphore_mem>>
      tpu.wait_indirect_dma semaphore(%dma_wait3A_276 : memref<!tpu.dma_semaphore, #tpu.memory_space<semaphore_mem>>) src(%dma_wait3A_274 : memref<100000x32xf32, #tpu.memory_space<hbm>>) dst(%dma_wait3A_268 : memref<128x32xf32, #tpu.memory_space<vmem>>)
      %parallel_loop3A_277 = arith.constant 0 : i32
      %parallel_loop3A_278 = arith.constant 128 : i32
      %parallel_loop3A_279 = arith.constant 1 : i32
      %parallel_loop3A_280 = arith.constant 1 : i32
      %parallel_loop3A_281 = arith.constant 1 : i32
      scf.for %parallel_loop3A_1058 = %parallel_loop3A_277 to %parallel_loop3A_278 step %parallel_loop3A_279  : i32 {
        %parallel_loop3A_1059 = arith.constant 0 : i32
        %parallel_loop3A_1060 = vector.broadcast %parallel_loop3A_1059 : i32 to vector<16xi32>
        %parallel_loop3A_1061 = vector.broadcast %parallel_loop3A_1058 : i32 to vector<16xi32>
        %parallel_loop3A_1062 = arith.addi %parallel_loop3A_1060, %parallel_loop3A_1061 : vector<16xi32>
        %parallel_loop3A_1063 = arith.constant 0 : i32
        %parallel_loop3A_1064 = arith.constant 0 : i32
        %parallel_loop3A_1065 = tpu.memref_slice %arg6[%parallel_loop3A_280, %parallel_loop3A_1063, %parallel_loop3A_1064] : memref<10x128x32xf32, #tpu.memory_space<vmem>> -> memref<1x128x32xf32, #tpu.memory_space<vmem>>
        %parallel_loop3A_1066 = tpu.memref_squeeze %parallel_loop3A_1065 : memref<1x128x32xf32, #tpu.memory_space<vmem>> -> memref<128x32xf32, #tpu.memory_space<vmem>>
        %parallel_loop3A_1067 = arith.index_cast %parallel_loop3A_1058 : i32 to index
        %parallel_loop3A_1068 = arith.constant 0 : index
        %parallel_loop3A_1069 = tpu.vector_load %parallel_loop3A_1066[%parallel_loop3A_1067, %parallel_loop3A_1068] {strides = array<i32>} : memref<128x32xf32, #tpu.memory_space<vmem>>, vector<16xf32>,
        %parallel_loop3A_1070 = arith.constant 0 : i32
        %parallel_loop3A_1071 = arith.constant 0 : i32
        %parallel_loop3A_1072 = tpu.memref_slice %arg6[%parallel_loop3A_280, %parallel_loop3A_1070, %parallel_loop3A_1071] : memref<10x128x32xf32, #tpu.memory_space<vmem>> -> memref<1x128x32xf32, #tpu.memory_space<vmem>>
        %parallel_loop3A_1073 = tpu.memref_squeeze %parallel_loop3A_1072 : memref<1x128x32xf32, #tpu.memory_space<vmem>> -> memref<128x32xf32, #tpu.memory_space<vmem>>
        %parallel_loop3A_1074 = arith.index_cast %parallel_loop3A_1058 : i32 to index
        %parallel_loop3A_1075 = arith.constant 16 : index
        %parallel_loop3A_1076 = tpu.vector_load %parallel_loop3A_1073[%parallel_loop3A_1074, %parallel_loop3A_1075] {strides = array<i32>} : memref<128x32xf32, #tpu.memory_space<vmem>>, vector<16xf32>,
        %parallel_loop3A_1077 = arith.constant 0 : i32
        %parallel_loop3A_1078 = arith.constant 0 : i32
        %parallel_loop3A_1079 = arith.constant 0 : i32
        %parallel_loop3A_1080 = tpu.memref_slice %arg7[%parallel_loop3A_281, %parallel_loop3A_1077, %parallel_loop3A_1078, %parallel_loop3A_1079] : memref<10x4x8x133xf32, #tpu.memory_space<vmem>> -> memref<1x4x8x133xf32, #tpu.memory_space<vmem>>
        %parallel_loop3A_1081 = tpu.memref_squeeze %parallel_loop3A_1080 : memref<1x4x8x133xf32, #tpu.memory_space<vmem>> -> memref<4x8x133xf32, #tpu.memory_space<vmem>>
        tpu.vector_store_idx %parallel_loop3A_1081[%shift_right_arithmetic3A_2, %and3A_4, %parallel_loop3A_1062], %parallel_loop3A_1069 : memref<4x8x133xf32, #tpu.memory_space<vmem>>[vector<16xi32>, vector<16xi32>, vector<16xi32>], vector<16xf32>,
        %parallel_loop3A_1082 = arith.constant 2 : i32
        %parallel_loop3A_1083 = vector.broadcast %parallel_loop3A_1082 : i32 to vector<16xi32>
        %parallel_loop3A_1084 = arith.addi %shift_right_arithmetic3A_2, %parallel_loop3A_1083 : vector<16xi32>
        %parallel_loop3A_1085 = arith.constant 0 : i32
        %parallel_loop3A_1086 = arith.constant 0 : i32
        %parallel_loop3A_1087 = arith.constant 0 : i32
        %parallel_loop3A_1088 = tpu.memref_slice %arg7[%parallel_loop3A_281, %parallel_loop3A_1085, %parallel_loop3A_1086, %parallel_loop3A_1087] : memref<10x4x8x133xf32, #tpu.memory_space<vmem>> -> memref<1x4x8x133xf32, #tpu.memory_space<vmem>>
        %parallel_loop3A_1089 = tpu.memref_squeeze %parallel_loop3A_1088 : memref<1x4x8x133xf32, #tpu.memory_space<vmem>> -> memref<4x8x133xf32, #tpu.memory_space<vmem>>
        tpu.vector_store_idx %parallel_loop3A_1089[%parallel_loop3A_1084, %and3A_4, %parallel_loop3A_1062], %parallel_loop3A_1076 : memref<4x8x133xf32, #tpu.memory_space<vmem>>[vector<16xi32>, vector<16xi32>, vector<16xi32>], vector<16xf32>,
      } {sc.loop_unroll_factor = 8 : i64, sc.parallel_access}
      %dma_start3A_282 = arith.constant 1 : i32
      %dma_start3A_283 = arith.constant 1 : i32
      %dma_start3A_284 = arith.constant 0 : i32
      %dma_start3A_285 = arith.constant 0 : i32
      %dma_start3A_286 = arith.constant 0 : i32
      %dma_start3A_287 = tpu.memref_slice %arg7[%dma_start3A_282, %dma_start3A_284, %dma_start3A_285, %dma_start3A_286] : memref<10x4x8x133xf32, #tpu.memory_space<vmem>> -> memref<1x4x8x133xf32, #tpu.memory_space<vmem>>
      %dma_start3A_288 = tpu.memref_squeeze %dma_start3A_287 : memref<1x4x8x133xf32, #tpu.memory_space<vmem>> -> memref<4x8x133xf32, #tpu.memory_space<vmem>>
      %dma_start3A_289 = arith.constant 0 : i32
      %dma_start3A_290 = arith.constant 0 : i32
      %dma_start3A_291 = arith.constant 0 : i32
      %dma_start3A_292 = tpu.memref_slice %dma_start3A_288[%dma_start3A_289, %dma_start3A_290, %dma_start3A_291] : memref<4x8x133xf32, #tpu.memory_space<vmem>> -> memref<4x8x128xf32, #tpu.memory_space<vmem>>
      %dma_start3A_293 = arith.constant 0 : i32
      %dma_start3A_294 = arith.constant 0 : i32
      %dma_start3A_295 = arith.constant 0 : i32
      %dma_start3A_296 = tpu.memref_slice %arg4[%add3A_262, %dma_start3A_293, %add3A, %dma_start3A_294, %dma_start3A_295] : memref<200x4x32x8x128xf32, #tpu.memory_space<hbm>> -> memref<1x4x1x8x128xf32, #tpu.memory_space<hbm>>
      %dma_start3A_297 = tpu.memref_squeeze %dma_start3A_296 : memref<1x4x1x8x128xf32, #tpu.memory_space<hbm>> -> memref<4x8x128xf32, #tpu.memory_space<hbm>>
      %dma_start3A_298 = tpu.memref_slice %arg9[%dma_start3A_283] : memref<10x!tpu.dma_semaphore, #tpu.memory_space<semaphore_mem>> -> memref<1x!tpu.dma_semaphore, #tpu.memory_space<semaphore_mem>>
      %dma_start3A_299 = tpu.memref_squeeze %dma_start3A_298 : memref<1x!tpu.dma_semaphore, #tpu.memory_space<semaphore_mem>> -> memref<!tpu.dma_semaphore, #tpu.memory_space<semaphore_mem>>
      %dma_start3A_300 = arith.constant 0 : i32
      %dma_start3A_301 = arith.constant 0 : i32
      %dma_start3A_302 = arith.constant 0 : i32
      %dma_start3A_303 = tpu.memref_slice %arg4[%add3A_262, %dma_start3A_300, %add3A, %dma_start3A_301, %dma_start3A_302] : memref<200x4x32x8x128xf32, #tpu.memory_space<hbm>> -> memref<1x4x1x8x128xf32, #tpu.memory_space<hbm>>
      %dma_start3A_304 = tpu.memref_squeeze %dma_start3A_303 : memref<1x4x1x8x128xf32, #tpu.memory_space<hbm>> -> memref<4x8x128xf32, #tpu.memory_space<hbm>>
      %dma_start3A_305 = arith.constant 0 : i32
      %dma_start3A_306 = arith.constant 0 : i32
      %dma_start3A_307 = arith.constant 0 : i32
      %dma_start3A_308 = tpu.memref_slice %arg7[%dma_start3A_282, %dma_start3A_305, %dma_start3A_306, %dma_start3A_307] : memref<10x4x8x133xf32, #tpu.memory_space<vmem>> -> memref<1x4x8x133xf32, #tpu.memory_space<vmem>>
      %dma_start3A_309 = tpu.memref_squeeze %dma_start3A_308 : memref<1x4x8x133xf32, #tpu.memory_space<vmem>> -> memref<4x8x133xf32, #tpu.memory_space<vmem>>
      %dma_start3A_310 = arith.constant 0 : i32
      %dma_start3A_311 = arith.constant 0 : i32
      %dma_start3A_312 = arith.constant 0 : i32
      %dma_start3A_313 = tpu.memref_slice %dma_start3A_309[%dma_start3A_310, %dma_start3A_311, %dma_start3A_312] : memref<4x8x133xf32, #tpu.memory_space<vmem>> -> memref<4x8x128xf32, #tpu.memory_space<vmem>>
      tpu.enqueue_dma source(%dma_start3A_313 : memref<4x8x128xf32, #tpu.memory_space<vmem>>) target(%dma_start3A_304 : memref<4x8x128xf32, #tpu.memory_space<hbm>>) target_semaphore(%dma_start3A_299 : memref<!tpu.dma_semaphore, #tpu.memory_space<semaphore_mem>>)
      %add3A_314 = arith.constant 2 : i32
      %add3A_315 = arith.addi %mul3A_12, %add3A_314 : i32
      %dma_wait3A_316 = arith.constant 2 : i32
      %dma_wait3A_317 = arith.constant 2 : i32
      %dma_wait3A_318 = arith.constant 0 : i32
      %dma_wait3A_319 = arith.constant 0 : i32
      %dma_wait3A_320 = tpu.memref_slice %arg6[%dma_wait3A_316, %dma_wait3A_318, %dma_wait3A_319] : memref<10x128x32xf32, #tpu.memory_space<vmem>> -> memref<1x128x32xf32, #tpu.memory_space<vmem>>
      %dma_wait3A_321 = tpu.memref_squeeze %dma_wait3A_320 : memref<1x128x32xf32, #tpu.memory_space<vmem>> -> memref<128x32xf32, #tpu.memory_space<vmem>>
      %dma_wait3A_322 = arith.constant 0 : i32
      %dma_wait3A_323 = tpu.memref_slice %arg5[%div3A_53, %rem3A_55, %dma_wait3A_322] : memref<25x8x128xi32, #tpu.memory_space<vmem>> -> memref<1x1x128xi32, #tpu.memory_space<vmem>>
      %dma_wait3A_324 = tpu.memref_squeeze %dma_wait3A_323 : memref<1x1x128xi32, #tpu.memory_space<vmem>> -> memref<128xi32, #tpu.memory_space<vmem>>
      %dma_wait3A_325 = arith.constant 0 : i32
      %dma_wait3A_326 = arith.constant 0 : i32
      %dma_wait3A_327 = tpu.memref_slice %arg3[%dma_wait3A_325, %dma_wait3A_326] : memref<100000x32xf32, #tpu.memory_space<hbm>> -> memref<100000x32xf32, #tpu.memory_space<hbm>>
      %dma_wait3A_328 = tpu.memref_slice %arg8[%dma_wait3A_317] : memref<10x!tpu.dma_semaphore, #tpu.memory_space<semaphore_mem>> -> memref<1x!tpu.dma_semaphore, #tpu.memory_space<semaphore_mem>>
      %dma_wait3A_329 = tpu.memref_squeeze %dma_wait3A_328 : memref<1x!tpu.dma_semaphore, #tpu.memory_space<semaphore_mem>> -> memref<!tpu.dma_semaphore, #tpu.memory_space<semaphore_mem>>
      tpu.wait_indirect_dma semaphore(%dma_wait3A_329 : memref<!tpu.dma_semaphore, #tpu.memory_space<semaphore_mem>>) src(%dma_wait3A_327 : memref<100000x32xf32, #tpu.memory_space<hbm>>) dst(%dma_wait3A_321 : memref<128x32xf32, #tpu.memory_space<vmem>>)
      %parallel_loop3A_330 = arith.constant 0 : i32
      %parallel_loop3A_331 = arith.constant 128 : i32
      %parallel_loop3A_332 = arith.constant 1 : i32
      %parallel_loop3A_333 = arith.constant 2 : i32
      %parallel_loop3A_334 = arith.constant 2 : i32
      scf.for %parallel_loop3A_1058 = %parallel_loop3A_330 to %parallel_loop3A_331 step %parallel_loop3A_332  : i32 {
        %parallel_loop3A_1059 = arith.constant 0 : i32
        %parallel_loop3A_1060 = vector.broadcast %parallel_loop3A_1059 : i32 to vector<16xi32>
        %parallel_loop3A_1061 = vector.broadcast %parallel_loop3A_1058 : i32 to vector<16xi32>
        %parallel_loop3A_1062 = arith.addi %parallel_loop3A_1060, %parallel_loop3A_1061 : vector<16xi32>
        %parallel_loop3A_1063 = arith.constant 0 : i32
        %parallel_loop3A_1064 = arith.constant 0 : i32
        %parallel_loop3A_1065 = tpu.memref_slice %arg6[%parallel_loop3A_333, %parallel_loop3A_1063, %parallel_loop3A_1064] : memref<10x128x32xf32, #tpu.memory_space<vmem>> -> memref<1x128x32xf32, #tpu.memory_space<vmem>>
        %parallel_loop3A_1066 = tpu.memref_squeeze %parallel_loop3A_1065 : memref<1x128x32xf32, #tpu.memory_space<vmem>> -> memref<128x32xf32, #tpu.memory_space<vmem>>
        %parallel_loop3A_1067 = arith.index_cast %parallel_loop3A_1058 : i32 to index
        %parallel_loop3A_1068 = arith.constant 0 : index
        %parallel_loop3A_1069 = tpu.vector_load %parallel_loop3A_1066[%parallel_loop3A_1067, %parallel_loop3A_1068] {strides = array<i32>} : memref<128x32xf32, #tpu.memory_space<vmem>>, vector<16xf32>,
        %parallel_loop3A_1070 = arith.constant 0 : i32
        %parallel_loop3A_1071 = arith.constant 0 : i32
        %parallel_loop3A_1072 = tpu.memref_slice %arg6[%parallel_loop3A_333, %parallel_loop3A_1070, %parallel_loop3A_1071] : memref<10x128x32xf32, #tpu.memory_space<vmem>> -> memref<1x128x32xf32, #tpu.memory_space<vmem>>
        %parallel_loop3A_1073 = tpu.memref_squeeze %parallel_loop3A_1072 : memref<1x128x32xf32, #tpu.memory_space<vmem>> -> memref<128x32xf32, #tpu.memory_space<vmem>>
        %parallel_loop3A_1074 = arith.index_cast %parallel_loop3A_1058 : i32 to index
        %parallel_loop3A_1075 = arith.constant 16 : index
        %parallel_loop3A_1076 = tpu.vector_load %parallel_loop3A_1073[%parallel_loop3A_1074, %parallel_loop3A_1075] {strides = array<i32>} : memref<128x32xf32, #tpu.memory_space<vmem>>, vector<16xf32>,
        %parallel_loop3A_1077 = arith.constant 0 : i32
        %parallel_loop3A_1078 = arith.constant 0 : i32
        %parallel_loop3A_1079 = arith.constant 0 : i32
        %parallel_loop3A_1080 = tpu.memref_slice %arg7[%parallel_loop3A_334, %parallel_loop3A_1077, %parallel_loop3A_1078, %parallel_loop3A_1079] : memref<10x4x8x133xf32, #tpu.memory_space<vmem>> -> memref<1x4x8x133xf32, #tpu.memory_space<vmem>>
        %parallel_loop3A_1081 = tpu.memref_squeeze %parallel_loop3A_1080 : memref<1x4x8x133xf32, #tpu.memory_space<vmem>> -> memref<4x8x133xf32, #tpu.memory_space<vmem>>
        tpu.vector_store_idx %parallel_loop3A_1081[%shift_right_arithmetic3A_2, %and3A_4, %parallel_loop3A_1062], %parallel_loop3A_1069 : memref<4x8x133xf32, #tpu.memory_space<vmem>>[vector<16xi32>, vector<16xi32>, vector<16xi32>], vector<16xf32>,
        %parallel_loop3A_1082 = arith.constant 2 : i32
        %parallel_loop3A_1083 = vector.broadcast %parallel_loop3A_1082 : i32 to vector<16xi32>
        %parallel_loop3A_1084 = arith.addi %shift_right_arithmetic3A_2, %parallel_loop3A_1083 : vector<16xi32>
        %parallel_loop3A_1085 = arith.constant 0 : i32
        %parallel_loop3A_1086 = arith.constant 0 : i32
        %parallel_loop3A_1087 = arith.constant 0 : i32
        %parallel_loop3A_1088 = tpu.memref_slice %arg7[%parallel_loop3A_334, %parallel_loop3A_1085, %parallel_loop3A_1086, %parallel_loop3A_1087] : memref<10x4x8x133xf32, #tpu.memory_space<vmem>> -> memref<1x4x8x133xf32, #tpu.memory_space<vmem>>
        %parallel_loop3A_1089 = tpu.memref_squeeze %parallel_loop3A_1088 : memref<1x4x8x133xf32, #tpu.memory_space<vmem>> -> memref<4x8x133xf32, #tpu.memory_space<vmem>>
        tpu.vector_store_idx %parallel_loop3A_1089[%parallel_loop3A_1084, %and3A_4, %parallel_loop3A_1062], %parallel_loop3A_1076 : memref<4x8x133xf32, #tpu.memory_space<vmem>>[vector<16xi32>, vector<16xi32>, vector<16xi32>], vector<16xf32>,
      } {sc.loop_unroll_factor = 8 : i64, sc.parallel_access}
      %dma_start3A_335 = arith.constant 2 : i32
      %dma_start3A_336 = arith.constant 2 : i32
      %dma_start3A_337 = arith.constant 0 : i32
      %dma_start3A_338 = arith.constant 0 : i32
      %dma_start3A_339 = arith.constant 0 : i32
      %dma_start3A_340 = tpu.memref_slice %arg7[%dma_start3A_335, %dma_start3A_337, %dma_start3A_338, %dma_start3A_339] : memref<10x4x8x133xf32, #tpu.memory_space<vmem>> -> memref<1x4x8x133xf32, #tpu.memory_space<vmem>>
      %dma_start3A_341 = tpu.memref_squeeze %dma_start3A_340 : memref<1x4x8x133xf32, #tpu.memory_space<vmem>> -> memref<4x8x133xf32, #tpu.memory_space<vmem>>
      %dma_start3A_342 = arith.constant 0 : i32
      %dma_start3A_343 = arith.constant 0 : i32
      %dma_start3A_344 = arith.constant 0 : i32
      %dma_start3A_345 = tpu.memref_slice %dma_start3A_341[%dma_start3A_342, %dma_start3A_343, %dma_start3A_344] : memref<4x8x133xf32, #tpu.memory_space<vmem>> -> memref<4x8x128xf32, #tpu.memory_space<vmem>>
      %dma_start3A_346 = arith.constant 0 : i32
      %dma_start3A_347 = arith.constant 0 : i32
      %dma_start3A_348 = arith.constant 0 : i32
      %dma_start3A_349 = tpu.memref_slice %arg4[%add3A_315, %dma_start3A_346, %add3A, %dma_start3A_347, %dma_start3A_348] : memref<200x4x32x8x128xf32, #tpu.memory_space<hbm>> -> memref<1x4x1x8x128xf32, #tpu.memory_space<hbm>>
      %dma_start3A_350 = tpu.memref_squeeze %dma_start3A_349 : memref<1x4x1x8x128xf32, #tpu.memory_space<hbm>> -> memref<4x8x128xf32, #tpu.memory_space<hbm>>
      %dma_start3A_351 = tpu.memref_slice %arg9[%dma_start3A_336] : memref<10x!tpu.dma_semaphore, #tpu.memory_space<semaphore_mem>> -> memref<1x!tpu.dma_semaphore, #tpu.memory_space<semaphore_mem>>
      %dma_start3A_352 = tpu.memref_squeeze %dma_start3A_351 : memref<1x!tpu.dma_semaphore, #tpu.memory_space<semaphore_mem>> -> memref<!tpu.dma_semaphore, #tpu.memory_space<semaphore_mem>>
      %dma_start3A_353 = arith.constant 0 : i32
      %dma_start3A_354 = arith.constant 0 : i32
      %dma_start3A_355 = arith.constant 0 : i32
      %dma_start3A_356 = tpu.memref_slice %arg4[%add3A_315, %dma_start3A_353, %add3A, %dma_start3A_354, %dma_start3A_355] : memref<200x4x32x8x128xf32, #tpu.memory_space<hbm>> -> memref<1x4x1x8x128xf32, #tpu.memory_space<hbm>>
      %dma_start3A_357 = tpu.memref_squeeze %dma_start3A_356 : memref<1x4x1x8x128xf32, #tpu.memory_space<hbm>> -> memref<4x8x128xf32, #tpu.memory_space<hbm>>
      %dma_start3A_358 = arith.constant 0 : i32
      %dma_start3A_359 = arith.constant 0 : i32
      %dma_start3A_360 = arith.constant 0 : i32
      %dma_start3A_361 = tpu.memref_slice %arg7[%dma_start3A_335, %dma_start3A_358, %dma_start3A_359, %dma_start3A_360] : memref<10x4x8x133xf32, #tpu.memory_space<vmem>> -> memref<1x4x8x133xf32, #tpu.memory_space<vmem>>
      %dma_start3A_362 = tpu.memref_squeeze %dma_start3A_361 : memref<1x4x8x133xf32, #tpu.memory_space<vmem>> -> memref<4x8x133xf32, #tpu.memory_space<vmem>>
      %dma_start3A_363 = arith.constant 0 : i32
      %dma_start3A_364 = arith.constant 0 : i32
      %dma_start3A_365 = arith.constant 0 : i32
      %dma_start3A_366 = tpu.memref_slice %dma_start3A_362[%dma_start3A_363, %dma_start3A_364, %dma_start3A_365] : memref<4x8x133xf32, #tpu.memory_space<vmem>> -> memref<4x8x128xf32, #tpu.memory_space<vmem>>
      tpu.enqueue_dma source(%dma_start3A_366 : memref<4x8x128xf32, #tpu.memory_space<vmem>>) target(%dma_start3A_357 : memref<4x8x128xf32, #tpu.memory_space<hbm>>) target_semaphore(%dma_start3A_352 : memref<!tpu.dma_semaphore, #tpu.memory_space<semaphore_mem>>)
      %add3A_367 = arith.constant 3 : i32
      %add3A_368 = arith.addi %mul3A_12, %add3A_367 : i32
      %dma_wait3A_369 = arith.constant 3 : i32
      %dma_wait3A_370 = arith.constant 3 : i32
      %dma_wait3A_371 = arith.constant 0 : i32
      %dma_wait3A_372 = arith.constant 0 : i32
      %dma_wait3A_373 = tpu.memref_slice %arg6[%dma_wait3A_369, %dma_wait3A_371, %dma_wait3A_372] : memref<10x128x32xf32, #tpu.memory_space<vmem>> -> memref<1x128x32xf32, #tpu.memory_space<vmem>>
      %dma_wait3A_374 = tpu.memref_squeeze %dma_wait3A_373 : memref<1x128x32xf32, #tpu.memory_space<vmem>> -> memref<128x32xf32, #tpu.memory_space<vmem>>
      %dma_wait3A_375 = arith.constant 0 : i32
      %dma_wait3A_376 = tpu.memref_slice %arg5[%div3A_73, %rem3A_75, %dma_wait3A_375] : memref<25x8x128xi32, #tpu.memory_space<vmem>> -> memref<1x1x128xi32, #tpu.memory_space<vmem>>
      %dma_wait3A_377 = tpu.memref_squeeze %dma_wait3A_376 : memref<1x1x128xi32, #tpu.memory_space<vmem>> -> memref<128xi32, #tpu.memory_space<vmem>>
      %dma_wait3A_378 = arith.constant 0 : i32
      %dma_wait3A_379 = arith.constant 0 : i32
      %dma_wait3A_380 = tpu.memref_slice %arg3[%dma_wait3A_378, %dma_wait3A_379] : memref<100000x32xf32, #tpu.memory_space<hbm>> -> memref<100000x32xf32, #tpu.memory_space<hbm>>
      %dma_wait3A_381 = tpu.memref_slice %arg8[%dma_wait3A_370] : memref<10x!tpu.dma_semaphore, #tpu.memory_space<semaphore_mem>> -> memref<1x!tpu.dma_semaphore, #tpu.memory_space<semaphore_mem>>
      %dma_wait3A_382 = tpu.memref_squeeze %dma_wait3A_381 : memref<1x!tpu.dma_semaphore, #tpu.memory_space<semaphore_mem>> -> memref<!tpu.dma_semaphore, #tpu.memory_space<semaphore_mem>>
      tpu.wait_indirect_dma semaphore(%dma_wait3A_382 : memref<!tpu.dma_semaphore, #tpu.memory_space<semaphore_mem>>) src(%dma_wait3A_380 : memref<100000x32xf32, #tpu.memory_space<hbm>>) dst(%dma_wait3A_374 : memref<128x32xf32, #tpu.memory_space<vmem>>)
      %parallel_loop3A_383 = arith.constant 0 : i32
      %parallel_loop3A_384 = arith.constant 128 : i32
      %parallel_loop3A_385 = arith.constant 1 : i32
      %parallel_loop3A_386 = arith.constant 3 : i32
      %parallel_loop3A_387 = arith.constant 3 : i32
      scf.for %parallel_loop3A_1058 = %parallel_loop3A_383 to %parallel_loop3A_384 step %parallel_loop3A_385  : i32 {
        %parallel_loop3A_1059 = arith.constant 0 : i32
        %parallel_loop3A_1060 = vector.broadcast %parallel_loop3A_1059 : i32 to vector<16xi32>
        %parallel_loop3A_1061 = vector.broadcast %parallel_loop3A_1058 : i32 to vector<16xi32>
        %parallel_loop3A_1062 = arith.addi %parallel_loop3A_1060, %parallel_loop3A_1061 : vector<16xi32>
        %parallel_loop3A_1063 = arith.constant 0 : i32
        %parallel_loop3A_1064 = arith.constant 0 : i32
        %parallel_loop3A_1065 = tpu.memref_slice %arg6[%parallel_loop3A_386, %parallel_loop3A_1063, %parallel_loop3A_1064] : memref<10x128x32xf32, #tpu.memory_space<vmem>> -> memref<1x128x32xf32, #tpu.memory_space<vmem>>
        %parallel_loop3A_1066 = tpu.memref_squeeze %parallel_loop3A_1065 : memref<1x128x32xf32, #tpu.memory_space<vmem>> -> memref<128x32xf32, #tpu.memory_space<vmem>>
        %parallel_loop3A_1067 = arith.index_cast %parallel_loop3A_1058 : i32 to index
        %parallel_loop3A_1068 = arith.constant 0 : index
        %parallel_loop3A_1069 = tpu.vector_load %parallel_loop3A_1066[%parallel_loop3A_1067, %parallel_loop3A_1068] {strides = array<i32>} : memref<128x32xf32, #tpu.memory_space<vmem>>, vector<16xf32>,
        %parallel_loop3A_1070 = arith.constant 0 : i32
        %parallel_loop3A_1071 = arith.constant 0 : i32
        %parallel_loop3A_1072 = tpu.memref_slice %arg6[%parallel_loop3A_386, %parallel_loop3A_1070, %parallel_loop3A_1071] : memref<10x128x32xf32, #tpu.memory_space<vmem>> -> memref<1x128x32xf32, #tpu.memory_space<vmem>>
        %parallel_loop3A_1073 = tpu.memref_squeeze %parallel_loop3A_1072 : memref<1x128x32xf32, #tpu.memory_space<vmem>> -> memref<128x32xf32, #tpu.memory_space<vmem>>
        %parallel_loop3A_1074 = arith.index_cast %parallel_loop3A_1058 : i32 to index
        %parallel_loop3A_1075 = arith.constant 16 : index
        %parallel_loop3A_1076 = tpu.vector_load %parallel_loop3A_1073[%parallel_loop3A_1074, %parallel_loop3A_1075] {strides = array<i32>} : memref<128x32xf32, #tpu.memory_space<vmem>>, vector<16xf32>,
        %parallel_loop3A_1077 = arith.constant 0 : i32
        %parallel_loop3A_1078 = arith.constant 0 : i32
        %parallel_loop3A_1079 = arith.constant 0 : i32
        %parallel_loop3A_1080 = tpu.memref_slice %arg7[%parallel_loop3A_387, %parallel_loop3A_1077, %parallel_loop3A_1078, %parallel_loop3A_1079] : memref<10x4x8x133xf32, #tpu.memory_space<vmem>> -> memref<1x4x8x133xf32, #tpu.memory_space<vmem>>
        %parallel_loop3A_1081 = tpu.memref_squeeze %parallel_loop3A_1080 : memref<1x4x8x133xf32, #tpu.memory_space<vmem>> -> memref<4x8x133xf32, #tpu.memory_space<vmem>>
        tpu.vector_store_idx %parallel_loop3A_1081[%shift_right_arithmetic3A_2, %and3A_4, %parallel_loop3A_1062], %parallel_loop3A_1069 : memref<4x8x133xf32, #tpu.memory_space<vmem>>[vector<16xi32>, vector<16xi32>, vector<16xi32>], vector<16xf32>,
        %parallel_loop3A_1082 = arith.constant 2 : i32
        %parallel_loop3A_1083 = vector.broadcast %parallel_loop3A_1082 : i32 to vector<16xi32>
        %parallel_loop3A_1084 = arith.addi %shift_right_arithmetic3A_2, %parallel_loop3A_1083 : vector<16xi32>
        %parallel_loop3A_1085 = arith.constant 0 : i32
        %parallel_loop3A_1086 = arith.constant 0 : i32
        %parallel_loop3A_1087 = arith.constant 0 : i32
        %parallel_loop3A_1088 = tpu.memref_slice %arg7[%parallel_loop3A_387, %parallel_loop3A_1085, %parallel_loop3A_1086, %parallel_loop3A_1087] : memref<10x4x8x133xf32, #tpu.memory_space<vmem>> -> memref<1x4x8x133xf32, #tpu.memory_space<vmem>>
        %parallel_loop3A_1089 = tpu.memref_squeeze %parallel_loop3A_1088 : memref<1x4x8x133xf32, #tpu.memory_space<vmem>> -> memref<4x8x133xf32, #tpu.memory_space<vmem>>
        tpu.vector_store_idx %parallel_loop3A_1089[%parallel_loop3A_1084, %and3A_4, %parallel_loop3A_1062], %parallel_loop3A_1076 : memref<4x8x133xf32, #tpu.memory_space<vmem>>[vector<16xi32>, vector<16xi32>, vector<16xi32>], vector<16xf32>,
      } {sc.loop_unroll_factor = 8 : i64, sc.parallel_access}
      %dma_start3A_388 = arith.constant 3 : i32
      %dma_start3A_389 = arith.constant 3 : i32
      %dma_start3A_390 = arith.constant 0 : i32
      %dma_start3A_391 = arith.constant 0 : i32
      %dma_start3A_392 = arith.constant 0 : i32
      %dma_start3A_393 = tpu.memref_slice %arg7[%dma_start3A_388, %dma_start3A_390, %dma_start3A_391, %dma_start3A_392] : memref<10x4x8x133xf32, #tpu.memory_space<vmem>> -> memref<1x4x8x133xf32, #tpu.memory_space<vmem>>
      %dma_start3A_394 = tpu.memref_squeeze %dma_start3A_393 : memref<1x4x8x133xf32, #tpu.memory_space<vmem>> -> memref<4x8x133xf32, #tpu.memory_space<vmem>>
      %dma_start3A_395 = arith.constant 0 : i32
      %dma_start3A_396 = arith.constant 0 : i32
      %dma_start3A_397 = arith.constant 0 : i32
      %dma_start3A_398 = tpu.memref_slice %dma_start3A_394[%dma_start3A_395, %dma_start3A_396, %dma_start3A_397] : memref<4x8x133xf32, #tpu.memory_space<vmem>> -> memref<4x8x128xf32, #tpu.memory_space<vmem>>
      %dma_start3A_399 = arith.constant 0 : i32
      %dma_start3A_400 = arith.constant 0 : i32
      %dma_start3A_401 = arith.constant 0 : i32
      %dma_start3A_402 = tpu.memref_slice %arg4[%add3A_368, %dma_start3A_399, %add3A, %dma_start3A_400, %dma_start3A_401] : memref<200x4x32x8x128xf32, #tpu.memory_space<hbm>> -> memref<1x4x1x8x128xf32, #tpu.memory_space<hbm>>
      %dma_start3A_403 = tpu.memref_squeeze %dma_start3A_402 : memref<1x4x1x8x128xf32, #tpu.memory_space<hbm>> -> memref<4x8x128xf32, #tpu.memory_space<hbm>>
      %dma_start3A_404 = tpu.memref_slice %arg9[%dma_start3A_389] : memref<10x!tpu.dma_semaphore, #tpu.memory_space<semaphore_mem>> -> memref<1x!tpu.dma_semaphore, #tpu.memory_space<semaphore_mem>>
      %dma_start3A_405 = tpu.memref_squeeze %dma_start3A_404 : memref<1x!tpu.dma_semaphore, #tpu.memory_space<semaphore_mem>> -> memref<!tpu.dma_semaphore, #tpu.memory_space<semaphore_mem>>
      %dma_start3A_406 = arith.constant 0 : i32
      %dma_start3A_407 = arith.constant 0 : i32
      %dma_start3A_408 = arith.constant 0 : i32
      %dma_start3A_409 = tpu.memref_slice %arg4[%add3A_368, %dma_start3A_406, %add3A, %dma_start3A_407, %dma_start3A_408] : memref<200x4x32x8x128xf32, #tpu.memory_space<hbm>> -> memref<1x4x1x8x128xf32, #tpu.memory_space<hbm>>
      %dma_start3A_410 = tpu.memref_squeeze %dma_start3A_409 : memref<1x4x1x8x128xf32, #tpu.memory_space<hbm>> -> memref<4x8x128xf32, #tpu.memory_space<hbm>>
      %dma_start3A_411 = arith.constant 0 : i32
      %dma_start3A_412 = arith.constant 0 : i32
      %dma_start3A_413 = arith.constant 0 : i32
      %dma_start3A_414 = tpu.memref_slice %arg7[%dma_start3A_388, %dma_start3A_411, %dma_start3A_412, %dma_start3A_413] : memref<10x4x8x133xf32, #tpu.memory_space<vmem>> -> memref<1x4x8x133xf32, #tpu.memory_space<vmem>>
      %dma_start3A_415 = tpu.memref_squeeze %dma_start3A_414 : memref<1x4x8x133xf32, #tpu.memory_space<vmem>> -> memref<4x8x133xf32, #tpu.memory_space<vmem>>
      %dma_start3A_416 = arith.constant 0 : i32
      %dma_start3A_417 = arith.constant 0 : i32
      %dma_start3A_418 = arith.constant 0 : i32
      %dma_start3A_419 = tpu.memref_slice %dma_start3A_415[%dma_start3A_416, %dma_start3A_417, %dma_start3A_418] : memref<4x8x133xf32, #tpu.memory_space<vmem>> -> memref<4x8x128xf32, #tpu.memory_space<vmem>>
      tpu.enqueue_dma source(%dma_start3A_419 : memref<4x8x128xf32, #tpu.memory_space<vmem>>) target(%dma_start3A_410 : memref<4x8x128xf32, #tpu.memory_space<hbm>>) target_semaphore(%dma_start3A_405 : memref<!tpu.dma_semaphore, #tpu.memory_space<semaphore_mem>>)
      %add3A_420 = arith.constant 4 : i32
      %add3A_421 = arith.addi %mul3A_12, %add3A_420 : i32
      %dma_wait3A_422 = arith.constant 4 : i32
      %dma_wait3A_423 = arith.constant 4 : i32
      %dma_wait3A_424 = arith.constant 0 : i32
      %dma_wait3A_425 = arith.constant 0 : i32
      %dma_wait3A_426 = tpu.memref_slice %arg6[%dma_wait3A_422, %dma_wait3A_424, %dma_wait3A_425] : memref<10x128x32xf32, #tpu.memory_space<vmem>> -> memref<1x128x32xf32, #tpu.memory_space<vmem>>
      %dma_wait3A_427 = tpu.memref_squeeze %dma_wait3A_426 : memref<1x128x32xf32, #tpu.memory_space<vmem>> -> memref<128x32xf32, #tpu.memory_space<vmem>>
      %dma_wait3A_428 = arith.constant 0 : i32
      %dma_wait3A_429 = tpu.memref_slice %arg5[%div3A_93, %rem3A_95, %dma_wait3A_428] : memref<25x8x128xi32, #tpu.memory_space<vmem>> -> memref<1x1x128xi32, #tpu.memory_space<vmem>>
      %dma_wait3A_430 = tpu.memref_squeeze %dma_wait3A_429 : memref<1x1x128xi32, #tpu.memory_space<vmem>> -> memref<128xi32, #tpu.memory_space<vmem>>
      %dma_wait3A_431 = arith.constant 0 : i32
      %dma_wait3A_432 = arith.constant 0 : i32
      %dma_wait3A_433 = tpu.memref_slice %arg3[%dma_wait3A_431, %dma_wait3A_432] : memref<100000x32xf32, #tpu.memory_space<hbm>> -> memref<100000x32xf32, #tpu.memory_space<hbm>>
      %dma_wait3A_434 = tpu.memref_slice %arg8[%dma_wait3A_423] : memref<10x!tpu.dma_semaphore, #tpu.memory_space<semaphore_mem>> -> memref<1x!tpu.dma_semaphore, #tpu.memory_space<semaphore_mem>>
      %dma_wait3A_435 = tpu.memref_squeeze %dma_wait3A_434 : memref<1x!tpu.dma_semaphore, #tpu.memory_space<semaphore_mem>> -> memref<!tpu.dma_semaphore, #tpu.memory_space<semaphore_mem>>
      tpu.wait_indirect_dma semaphore(%dma_wait3A_435 : memref<!tpu.dma_semaphore, #tpu.memory_space<semaphore_mem>>) src(%dma_wait3A_433 : memref<100000x32xf32, #tpu.memory_space<hbm>>) dst(%dma_wait3A_427 : memref<128x32xf32, #tpu.memory_space<vmem>>)
      %parallel_loop3A_436 = arith.constant 0 : i32
      %parallel_loop3A_437 = arith.constant 128 : i32
      %parallel_loop3A_438 = arith.constant 1 : i32
      %parallel_loop3A_439 = arith.constant 4 : i32
      %parallel_loop3A_440 = arith.constant 4 : i32
      scf.for %parallel_loop3A_1058 = %parallel_loop3A_436 to %parallel_loop3A_437 step %parallel_loop3A_438  : i32 {
        %parallel_loop3A_1059 = arith.constant 0 : i32
        %parallel_loop3A_1060 = vector.broadcast %parallel_loop3A_1059 : i32 to vector<16xi32>
        %parallel_loop3A_1061 = vector.broadcast %parallel_loop3A_1058 : i32 to vector<16xi32>
        %parallel_loop3A_1062 = arith.addi %parallel_loop3A_1060, %parallel_loop3A_1061 : vector<16xi32>
        %parallel_loop3A_1063 = arith.constant 0 : i32
        %parallel_loop3A_1064 = arith.constant 0 : i32
        %parallel_loop3A_1065 = tpu.memref_slice %arg6[%parallel_loop3A_439, %parallel_loop3A_1063, %parallel_loop3A_1064] : memref<10x128x32xf32, #tpu.memory_space<vmem>> -> memref<1x128x32xf32, #tpu.memory_space<vmem>>
        %parallel_loop3A_1066 = tpu.memref_squeeze %parallel_loop3A_1065 : memref<1x128x32xf32, #tpu.memory_space<vmem>> -> memref<128x32xf32, #tpu.memory_space<vmem>>
        %parallel_loop3A_1067 = arith.index_cast %parallel_loop3A_1058 : i32 to index
        %parallel_loop3A_1068 = arith.constant 0 : index
        %parallel_loop3A_1069 = tpu.vector_load %parallel_loop3A_1066[%parallel_loop3A_1067, %parallel_loop3A_1068] {strides = array<i32>} : memref<128x32xf32, #tpu.memory_space<vmem>>, vector<16xf32>,
        %parallel_loop3A_1070 = arith.constant 0 : i32
        %parallel_loop3A_1071 = arith.constant 0 : i32
        %parallel_loop3A_1072 = tpu.memref_slice %arg6[%parallel_loop3A_439, %parallel_loop3A_1070, %parallel_loop3A_1071] : memref<10x128x32xf32, #tpu.memory_space<vmem>> -> memref<1x128x32xf32, #tpu.memory_space<vmem>>
        %parallel_loop3A_1073 = tpu.memref_squeeze %parallel_loop3A_1072 : memref<1x128x32xf32, #tpu.memory_space<vmem>> -> memref<128x32xf32, #tpu.memory_space<vmem>>
        %parallel_loop3A_1074 = arith.index_cast %parallel_loop3A_1058 : i32 to index
        %parallel_loop3A_1075 = arith.constant 16 : index
        %parallel_loop3A_1076 = tpu.vector_load %parallel_loop3A_1073[%parallel_loop3A_1074, %parallel_loop3A_1075] {strides = array<i32>} : memref<128x32xf32, #tpu.memory_space<vmem>>, vector<16xf32>,
        %parallel_loop3A_1077 = arith.constant 0 : i32
        %parallel_loop3A_1078 = arith.constant 0 : i32
        %parallel_loop3A_1079 = arith.constant 0 : i32
        %parallel_loop3A_1080 = tpu.memref_slice %arg7[%parallel_loop3A_440, %parallel_loop3A_1077, %parallel_loop3A_1078, %parallel_loop3A_1079] : memref<10x4x8x133xf32, #tpu.memory_space<vmem>> -> memref<1x4x8x133xf32, #tpu.memory_space<vmem>>
        %parallel_loop3A_1081 = tpu.memref_squeeze %parallel_loop3A_1080 : memref<1x4x8x133xf32, #tpu.memory_space<vmem>> -> memref<4x8x133xf32, #tpu.memory_space<vmem>>
        tpu.vector_store_idx %parallel_loop3A_1081[%shift_right_arithmetic3A_2, %and3A_4, %parallel_loop3A_1062], %parallel_loop3A_1069 : memref<4x8x133xf32, #tpu.memory_space<vmem>>[vector<16xi32>, vector<16xi32>, vector<16xi32>], vector<16xf32>,
        %parallel_loop3A_1082 = arith.constant 2 : i32
        %parallel_loop3A_1083 = vector.broadcast %parallel_loop3A_1082 : i32 to vector<16xi32>
        %parallel_loop3A_1084 = arith.addi %shift_right_arithmetic3A_2, %parallel_loop3A_1083 : vector<16xi32>
        %parallel_loop3A_1085 = arith.constant 0 : i32
        %parallel_loop3A_1086 = arith.constant 0 : i32
        %parallel_loop3A_1087 = arith.constant 0 : i32
        %parallel_loop3A_1088 = tpu.memref_slice %arg7[%parallel_loop3A_440, %parallel_loop3A_1085, %parallel_loop3A_1086, %parallel_loop3A_1087] : memref<10x4x8x133xf32, #tpu.memory_space<vmem>> -> memref<1x4x8x133xf32, #tpu.memory_space<vmem>>
        %parallel_loop3A_1089 = tpu.memref_squeeze %parallel_loop3A_1088 : memref<1x4x8x133xf32, #tpu.memory_space<vmem>> -> memref<4x8x133xf32, #tpu.memory_space<vmem>>
        tpu.vector_store_idx %parallel_loop3A_1089[%parallel_loop3A_1084, %and3A_4, %parallel_loop3A_1062], %parallel_loop3A_1076 : memref<4x8x133xf32, #tpu.memory_space<vmem>>[vector<16xi32>, vector<16xi32>, vector<16xi32>], vector<16xf32>,
      } {sc.loop_unroll_factor = 8 : i64, sc.parallel_access}
      %dma_start3A_441 = arith.constant 4 : i32
      %dma_start3A_442 = arith.constant 4 : i32
      %dma_start3A_443 = arith.constant 0 : i32
      %dma_start3A_444 = arith.constant 0 : i32
      %dma_start3A_445 = arith.constant 0 : i32
      %dma_start3A_446 = tpu.memref_slice %arg7[%dma_start3A_441, %dma_start3A_443, %dma_start3A_444, %dma_start3A_445] : memref<10x4x8x133xf32, #tpu.memory_space<vmem>> -> memref<1x4x8x133xf32, #tpu.memory_space<vmem>>
      %dma_start3A_447 = tpu.memref_squeeze %dma_start3A_446 : memref<1x4x8x133xf32, #tpu.memory_space<vmem>> -> memref<4x8x133xf32, #tpu.memory_space<vmem>>
      %dma_start3A_448 = arith.constant 0 : i32
      %dma_start3A_449 = arith.constant 0 : i32
      %dma_start3A_450 = arith.constant 0 : i32
      %dma_start3A_451 = tpu.memref_slice %dma_start3A_447[%dma_start3A_448, %dma_start3A_449, %dma_start3A_450] : memref<4x8x133xf32, #tpu.memory_space<vmem>> -> memref<4x8x128xf32, #tpu.memory_space<vmem>>
      %dma_start3A_452 = arith.constant 0 : i32
      %dma_start3A_453 = arith.constant 0 : i32
      %dma_start3A_454 = arith.constant 0 : i32
      %dma_start3A_455 = tpu.memref_slice %arg4[%add3A_421, %dma_start3A_452, %add3A, %dma_start3A_453, %dma_start3A_454] : memref<200x4x32x8x128xf32, #tpu.memory_space<hbm>> -> memref<1x4x1x8x128xf32, #tpu.memory_space<hbm>>
      %dma_start3A_456 = tpu.memref_squeeze %dma_start3A_455 : memref<1x4x1x8x128xf32, #tpu.memory_space<hbm>> -> memref<4x8x128xf32, #tpu.memory_space<hbm>>
      %dma_start3A_457 = tpu.memref_slice %arg9[%dma_start3A_442] : memref<10x!tpu.dma_semaphore, #tpu.memory_space<semaphore_mem>> -> memref<1x!tpu.dma_semaphore, #tpu.memory_space<semaphore_mem>>
      %dma_start3A_458 = tpu.memref_squeeze %dma_start3A_457 : memref<1x!tpu.dma_semaphore, #tpu.memory_space<semaphore_mem>> -> memref<!tpu.dma_semaphore, #tpu.memory_space<semaphore_mem>>
      %dma_start3A_459 = arith.constant 0 : i32
      %dma_start3A_460 = arith.constant 0 : i32
      %dma_start3A_461 = arith.constant 0 : i32
      %dma_start3A_462 = tpu.memref_slice %arg4[%add3A_421, %dma_start3A_459, %add3A, %dma_start3A_460, %dma_start3A_461] : memref<200x4x32x8x128xf32, #tpu.memory_space<hbm>> -> memref<1x4x1x8x128xf32, #tpu.memory_space<hbm>>
      %dma_start3A_463 = tpu.memref_squeeze %dma_start3A_462 : memref<1x4x1x8x128xf32, #tpu.memory_space<hbm>> -> memref<4x8x128xf32, #tpu.memory_space<hbm>>
      %dma_start3A_464 = arith.constant 0 : i32
      %dma_start3A_465 = arith.constant 0 : i32
      %dma_start3A_466 = arith.constant 0 : i32
      %dma_start3A_467 = tpu.memref_slice %arg7[%dma_start3A_441, %dma_start3A_464, %dma_start3A_465, %dma_start3A_466] : memref<10x4x8x133xf32, #tpu.memory_space<vmem>> -> memref<1x4x8x133xf32, #tpu.memory_space<vmem>>
      %dma_start3A_468 = tpu.memref_squeeze %dma_start3A_467 : memref<1x4x8x133xf32, #tpu.memory_space<vmem>> -> memref<4x8x133xf32, #tpu.memory_space<vmem>>
      %dma_start3A_469 = arith.constant 0 : i32
      %dma_start3A_470 = arith.constant 0 : i32
      %dma_start3A_471 = arith.constant 0 : i32
      %dma_start3A_472 = tpu.memref_slice %dma_start3A_468[%dma_start3A_469, %dma_start3A_470, %dma_start3A_471] : memref<4x8x133xf32, #tpu.memory_space<vmem>> -> memref<4x8x128xf32, #tpu.memory_space<vmem>>
      tpu.enqueue_dma source(%dma_start3A_472 : memref<4x8x128xf32, #tpu.memory_space<vmem>>) target(%dma_start3A_463 : memref<4x8x128xf32, #tpu.memory_space<hbm>>) target_semaphore(%dma_start3A_458 : memref<!tpu.dma_semaphore, #tpu.memory_space<semaphore_mem>>)
      %add3A_473 = arith.constant 5 : i32
      %add3A_474 = arith.addi %mul3A_12, %add3A_473 : i32
      %dma_wait3A_475 = arith.constant 5 : i32
      %dma_wait3A_476 = arith.constant 5 : i32
      %dma_wait3A_477 = arith.constant 0 : i32
      %dma_wait3A_478 = arith.constant 0 : i32
      %dma_wait3A_479 = tpu.memref_slice %arg6[%dma_wait3A_475, %dma_wait3A_477, %dma_wait3A_478] : memref<10x128x32xf32, #tpu.memory_space<vmem>> -> memref<1x128x32xf32, #tpu.memory_space<vmem>>
      %dma_wait3A_480 = tpu.memref_squeeze %dma_wait3A_479 : memref<1x128x32xf32, #tpu.memory_space<vmem>> -> memref<128x32xf32, #tpu.memory_space<vmem>>
      %dma_wait3A_481 = arith.constant 0 : i32
      %dma_wait3A_482 = tpu.memref_slice %arg5[%div3A_113, %rem3A_115, %dma_wait3A_481] : memref<25x8x128xi32, #tpu.memory_space<vmem>> -> memref<1x1x128xi32, #tpu.memory_space<vmem>>
      %dma_wait3A_483 = tpu.memref_squeeze %dma_wait3A_482 : memref<1x1x128xi32, #tpu.memory_space<vmem>> -> memref<128xi32, #tpu.memory_space<vmem>>
      %dma_wait3A_484 = arith.constant 0 : i32
      %dma_wait3A_485 = arith.constant 0 : i32
      %dma_wait3A_486 = tpu.memref_slice %arg3[%dma_wait3A_484, %dma_wait3A_485] : memref<100000x32xf32, #tpu.memory_space<hbm>> -> memref<100000x32xf32, #tpu.memory_space<hbm>>
      %dma_wait3A_487 = tpu.memref_slice %arg8[%dma_wait3A_476] : memref<10x!tpu.dma_semaphore, #tpu.memory_space<semaphore_mem>> -> memref<1x!tpu.dma_semaphore, #tpu.memory_space<semaphore_mem>>
      %dma_wait3A_488 = tpu.memref_squeeze %dma_wait3A_487 : memref<1x!tpu.dma_semaphore, #tpu.memory_space<semaphore_mem>> -> memref<!tpu.dma_semaphore, #tpu.memory_space<semaphore_mem>>
      tpu.wait_indirect_dma semaphore(%dma_wait3A_488 : memref<!tpu.dma_semaphore, #tpu.memory_space<semaphore_mem>>) src(%dma_wait3A_486 : memref<100000x32xf32, #tpu.memory_space<hbm>>) dst(%dma_wait3A_480 : memref<128x32xf32, #tpu.memory_space<vmem>>)
      %parallel_loop3A_489 = arith.constant 0 : i32
      %parallel_loop3A_490 = arith.constant 128 : i32
      %parallel_loop3A_491 = arith.constant 1 : i32
      %parallel_loop3A_492 = arith.constant 5 : i32
      %parallel_loop3A_493 = arith.constant 5 : i32
      scf.for %parallel_loop3A_1058 = %parallel_loop3A_489 to %parallel_loop3A_490 step %parallel_loop3A_491  : i32 {
        %parallel_loop3A_1059 = arith.constant 0 : i32
        %parallel_loop3A_1060 = vector.broadcast %parallel_loop3A_1059 : i32 to vector<16xi32>
        %parallel_loop3A_1061 = vector.broadcast %parallel_loop3A_1058 : i32 to vector<16xi32>
        %parallel_loop3A_1062 = arith.addi %parallel_loop3A_1060, %parallel_loop3A_1061 : vector<16xi32>
        %parallel_loop3A_1063 = arith.constant 0 : i32
        %parallel_loop3A_1064 = arith.constant 0 : i32
        %parallel_loop3A_1065 = tpu.memref_slice %arg6[%parallel_loop3A_492, %parallel_loop3A_1063, %parallel_loop3A_1064] : memref<10x128x32xf32, #tpu.memory_space<vmem>> -> memref<1x128x32xf32, #tpu.memory_space<vmem>>
        %parallel_loop3A_1066 = tpu.memref_squeeze %parallel_loop3A_1065 : memref<1x128x32xf32, #tpu.memory_space<vmem>> -> memref<128x32xf32, #tpu.memory_space<vmem>>
        %parallel_loop3A_1067 = arith.index_cast %parallel_loop3A_1058 : i32 to index
        %parallel_loop3A_1068 = arith.constant 0 : index
        %parallel_loop3A_1069 = tpu.vector_load %parallel_loop3A_1066[%parallel_loop3A_1067, %parallel_loop3A_1068] {strides = array<i32>} : memref<128x32xf32, #tpu.memory_space<vmem>>, vector<16xf32>,
        %parallel_loop3A_1070 = arith.constant 0 : i32
        %parallel_loop3A_1071 = arith.constant 0 : i32
        %parallel_loop3A_1072 = tpu.memref_slice %arg6[%parallel_loop3A_492, %parallel_loop3A_1070, %parallel_loop3A_1071] : memref<10x128x32xf32, #tpu.memory_space<vmem>> -> memref<1x128x32xf32, #tpu.memory_space<vmem>>
        %parallel_loop3A_1073 = tpu.memref_squeeze %parallel_loop3A_1072 : memref<1x128x32xf32, #tpu.memory_space<vmem>> -> memref<128x32xf32, #tpu.memory_space<vmem>>
        %parallel_loop3A_1074 = arith.index_cast %parallel_loop3A_1058 : i32 to index
        %parallel_loop3A_1075 = arith.constant 16 : index
        %parallel_loop3A_1076 = tpu.vector_load %parallel_loop3A_1073[%parallel_loop3A_1074, %parallel_loop3A_1075] {strides = array<i32>} : memref<128x32xf32, #tpu.memory_space<vmem>>, vector<16xf32>,
        %parallel_loop3A_1077 = arith.constant 0 : i32
        %parallel_loop3A_1078 = arith.constant 0 : i32
        %parallel_loop3A_1079 = arith.constant 0 : i32
        %parallel_loop3A_1080 = tpu.memref_slice %arg7[%parallel_loop3A_493, %parallel_loop3A_1077, %parallel_loop3A_1078, %parallel_loop3A_1079] : memref<10x4x8x133xf32, #tpu.memory_space<vmem>> -> memref<1x4x8x133xf32, #tpu.memory_space<vmem>>
        %parallel_loop3A_1081 = tpu.memref_squeeze %parallel_loop3A_1080 : memref<1x4x8x133xf32, #tpu.memory_space<vmem>> -> memref<4x8x133xf32, #tpu.memory_space<vmem>>
        tpu.vector_store_idx %parallel_loop3A_1081[%shift_right_arithmetic3A_2, %and3A_4, %parallel_loop3A_1062], %parallel_loop3A_1069 : memref<4x8x133xf32, #tpu.memory_space<vmem>>[vector<16xi32>, vector<16xi32>, vector<16xi32>], vector<16xf32>,
        %parallel_loop3A_1082 = arith.constant 2 : i32
        %parallel_loop3A_1083 = vector.broadcast %parallel_loop3A_1082 : i32 to vector<16xi32>
        %parallel_loop3A_1084 = arith.addi %shift_right_arithmetic3A_2, %parallel_loop3A_1083 : vector<16xi32>
        %parallel_loop3A_1085 = arith.constant 0 : i32
        %parallel_loop3A_1086 = arith.constant 0 : i32
        %parallel_loop3A_1087 = arith.constant 0 : i32
        %parallel_loop3A_1088 = tpu.memref_slice %arg7[%parallel_loop3A_493, %parallel_loop3A_1085, %parallel_loop3A_1086, %parallel_loop3A_1087] : memref<10x4x8x133xf32, #tpu.memory_space<vmem>> -> memref<1x4x8x133xf32, #tpu.memory_space<vmem>>
        %parallel_loop3A_1089 = tpu.memref_squeeze %parallel_loop3A_1088 : memref<1x4x8x133xf32, #tpu.memory_space<vmem>> -> memref<4x8x133xf32, #tpu.memory_space<vmem>>
        tpu.vector_store_idx %parallel_loop3A_1089[%parallel_loop3A_1084, %and3A_4, %parallel_loop3A_1062], %parallel_loop3A_1076 : memref<4x8x133xf32, #tpu.memory_space<vmem>>[vector<16xi32>, vector<16xi32>, vector<16xi32>], vector<16xf32>,
      } {sc.loop_unroll_factor = 8 : i64, sc.parallel_access}
      %dma_start3A_494 = arith.constant 5 : i32
      %dma_start3A_495 = arith.constant 5 : i32
      %dma_start3A_496 = arith.constant 0 : i32
      %dma_start3A_497 = arith.constant 0 : i32
      %dma_start3A_498 = arith.constant 0 : i32
      %dma_start3A_499 = tpu.memref_slice %arg7[%dma_start3A_494, %dma_start3A_496, %dma_start3A_497, %dma_start3A_498] : memref<10x4x8x133xf32, #tpu.memory_space<vmem>> -> memref<1x4x8x133xf32, #tpu.memory_space<vmem>>
      %dma_start3A_500 = tpu.memref_squeeze %dma_start3A_499 : memref<1x4x8x133xf32, #tpu.memory_space<vmem>> -> memref<4x8x133xf32, #tpu.memory_space<vmem>>
      %dma_start3A_501 = arith.constant 0 : i32
      %dma_start3A_502 = arith.constant 0 : i32
      %dma_start3A_503 = arith.constant 0 : i32
      %dma_start3A_504 = tpu.memref_slice %dma_start3A_500[%dma_start3A_501, %dma_start3A_502, %dma_start3A_503] : memref<4x8x133xf32, #tpu.memory_space<vmem>> -> memref<4x8x128xf32, #tpu.memory_space<vmem>>
      %dma_start3A_505 = arith.constant 0 : i32
      %dma_start3A_506 = arith.constant 0 : i32
      %dma_start3A_507 = arith.constant 0 : i32
      %dma_start3A_508 = tpu.memref_slice %arg4[%add3A_474, %dma_start3A_505, %add3A, %dma_start3A_506, %dma_start3A_507] : memref<200x4x32x8x128xf32, #tpu.memory_space<hbm>> -> memref<1x4x1x8x128xf32, #tpu.memory_space<hbm>>
      %dma_start3A_509 = tpu.memref_squeeze %dma_start3A_508 : memref<1x4x1x8x128xf32, #tpu.memory_space<hbm>> -> memref<4x8x128xf32, #tpu.memory_space<hbm>>
      %dma_start3A_510 = tpu.memref_slice %arg9[%dma_start3A_495] : memref<10x!tpu.dma_semaphore, #tpu.memory_space<semaphore_mem>> -> memref<1x!tpu.dma_semaphore, #tpu.memory_space<semaphore_mem>>
      %dma_start3A_511 = tpu.memref_squeeze %dma_start3A_510 : memref<1x!tpu.dma_semaphore, #tpu.memory_space<semaphore_mem>> -> memref<!tpu.dma_semaphore, #tpu.memory_space<semaphore_mem>>
      %dma_start3A_512 = arith.constant 0 : i32
      %dma_start3A_513 = arith.constant 0 : i32
      %dma_start3A_514 = arith.constant 0 : i32
      %dma_start3A_515 = tpu.memref_slice %arg4[%add3A_474, %dma_start3A_512, %add3A, %dma_start3A_513, %dma_start3A_514] : memref<200x4x32x8x128xf32, #tpu.memory_space<hbm>> -> memref<1x4x1x8x128xf32, #tpu.memory_space<hbm>>
      %dma_start3A_516 = tpu.memref_squeeze %dma_start3A_515 : memref<1x4x1x8x128xf32, #tpu.memory_space<hbm>> -> memref<4x8x128xf32, #tpu.memory_space<hbm>>
      %dma_start3A_517 = arith.constant 0 : i32
      %dma_start3A_518 = arith.constant 0 : i32
      %dma_start3A_519 = arith.constant 0 : i32
      %dma_start3A_520 = tpu.memref_slice %arg7[%dma_start3A_494, %dma_start3A_517, %dma_start3A_518, %dma_start3A_519] : memref<10x4x8x133xf32, #tpu.memory_space<vmem>> -> memref<1x4x8x133xf32, #tpu.memory_space<vmem>>
      %dma_start3A_521 = tpu.memref_squeeze %dma_start3A_520 : memref<1x4x8x133xf32, #tpu.memory_space<vmem>> -> memref<4x8x133xf32, #tpu.memory_space<vmem>>
      %dma_start3A_522 = arith.constant 0 : i32
      %dma_start3A_523 = arith.constant 0 : i32
      %dma_start3A_524 = arith.constant 0 : i32
      %dma_start3A_525 = tpu.memref_slice %dma_start3A_521[%dma_start3A_522, %dma_start3A_523, %dma_start3A_524] : memref<4x8x133xf32, #tpu.memory_space<vmem>> -> memref<4x8x128xf32, #tpu.memory_space<vmem>>
      tpu.enqueue_dma source(%dma_start3A_525 : memref<4x8x128xf32, #tpu.memory_space<vmem>>) target(%dma_start3A_516 : memref<4x8x128xf32, #tpu.memory_space<hbm>>) target_semaphore(%dma_start3A_511 : memref<!tpu.dma_semaphore, #tpu.memory_space<semaphore_mem>>)
      %add3A_526 = arith.constant 6 : i32
      %add3A_527 = arith.addi %mul3A_12, %add3A_526 : i32
      %dma_wait3A_528 = arith.constant 6 : i32
      %dma_wait3A_529 = arith.constant 6 : i32
      %dma_wait3A_530 = arith.constant 0 : i32
      %dma_wait3A_531 = arith.constant 0 : i32
      %dma_wait3A_532 = tpu.memref_slice %arg6[%dma_wait3A_528, %dma_wait3A_530, %dma_wait3A_531] : memref<10x128x32xf32, #tpu.memory_space<vmem>> -> memref<1x128x32xf32, #tpu.memory_space<vmem>>
      %dma_wait3A_533 = tpu.memref_squeeze %dma_wait3A_532 : memref<1x128x32xf32, #tpu.memory_space<vmem>> -> memref<128x32xf32, #tpu.memory_space<vmem>>
      %dma_wait3A_534 = arith.constant 0 : i32
      %dma_wait3A_535 = tpu.memref_slice %arg5[%div3A_133, %rem3A_135, %dma_wait3A_534] : memref<25x8x128xi32, #tpu.memory_space<vmem>> -> memref<1x1x128xi32, #tpu.memory_space<vmem>>
      %dma_wait3A_536 = tpu.memref_squeeze %dma_wait3A_535 : memref<1x1x128xi32, #tpu.memory_space<vmem>> -> memref<128xi32, #tpu.memory_space<vmem>>
      %dma_wait3A_537 = arith.constant 0 : i32
      %dma_wait3A_538 = arith.constant 0 : i32
      %dma_wait3A_539 = tpu.memref_slice %arg3[%dma_wait3A_537, %dma_wait3A_538] : memref<100000x32xf32, #tpu.memory_space<hbm>> -> memref<100000x32xf32, #tpu.memory_space<hbm>>
      %dma_wait3A_540 = tpu.memref_slice %arg8[%dma_wait3A_529] : memref<10x!tpu.dma_semaphore, #tpu.memory_space<semaphore_mem>> -> memref<1x!tpu.dma_semaphore, #tpu.memory_space<semaphore_mem>>
      %dma_wait3A_541 = tpu.memref_squeeze %dma_wait3A_540 : memref<1x!tpu.dma_semaphore, #tpu.memory_space<semaphore_mem>> -> memref<!tpu.dma_semaphore, #tpu.memory_space<semaphore_mem>>
      tpu.wait_indirect_dma semaphore(%dma_wait3A_541 : memref<!tpu.dma_semaphore, #tpu.memory_space<semaphore_mem>>) src(%dma_wait3A_539 : memref<100000x32xf32, #tpu.memory_space<hbm>>) dst(%dma_wait3A_533 : memref<128x32xf32, #tpu.memory_space<vmem>>)
      %parallel_loop3A_542 = arith.constant 0 : i32
      %parallel_loop3A_543 = arith.constant 128 : i32
      %parallel_loop3A_544 = arith.constant 1 : i32
      %parallel_loop3A_545 = arith.constant 6 : i32
      %parallel_loop3A_546 = arith.constant 6 : i32
      scf.for %parallel_loop3A_1058 = %parallel_loop3A_542 to %parallel_loop3A_543 step %parallel_loop3A_544  : i32 {
        %parallel_loop3A_1059 = arith.constant 0 : i32
        %parallel_loop3A_1060 = vector.broadcast %parallel_loop3A_1059 : i32 to vector<16xi32>
        %parallel_loop3A_1061 = vector.broadcast %parallel_loop3A_1058 : i32 to vector<16xi32>
        %parallel_loop3A_1062 = arith.addi %parallel_loop3A_1060, %parallel_loop3A_1061 : vector<16xi32>
        %parallel_loop3A_1063 = arith.constant 0 : i32
        %parallel_loop3A_1064 = arith.constant 0 : i32
        %parallel_loop3A_1065 = tpu.memref_slice %arg6[%parallel_loop3A_545, %parallel_loop3A_1063, %parallel_loop3A_1064] : memref<10x128x32xf32, #tpu.memory_space<vmem>> -> memref<1x128x32xf32, #tpu.memory_space<vmem>>
        %parallel_loop3A_1066 = tpu.memref_squeeze %parallel_loop3A_1065 : memref<1x128x32xf32, #tpu.memory_space<vmem>> -> memref<128x32xf32, #tpu.memory_space<vmem>>
        %parallel_loop3A_1067 = arith.index_cast %parallel_loop3A_1058 : i32 to index
        %parallel_loop3A_1068 = arith.constant 0 : index
        %parallel_loop3A_1069 = tpu.vector_load %parallel_loop3A_1066[%parallel_loop3A_1067, %parallel_loop3A_1068] {strides = array<i32>} : memref<128x32xf32, #tpu.memory_space<vmem>>, vector<16xf32>,
        %parallel_loop3A_1070 = arith.constant 0 : i32
        %parallel_loop3A_1071 = arith.constant 0 : i32
        %parallel_loop3A_1072 = tpu.memref_slice %arg6[%parallel_loop3A_545, %parallel_loop3A_1070, %parallel_loop3A_1071] : memref<10x128x32xf32, #tpu.memory_space<vmem>> -> memref<1x128x32xf32, #tpu.memory_space<vmem>>
        %parallel_loop3A_1073 = tpu.memref_squeeze %parallel_loop3A_1072 : memref<1x128x32xf32, #tpu.memory_space<vmem>> -> memref<128x32xf32, #tpu.memory_space<vmem>>
        %parallel_loop3A_1074 = arith.index_cast %parallel_loop3A_1058 : i32 to index
        %parallel_loop3A_1075 = arith.constant 16 : index
        %parallel_loop3A_1076 = tpu.vector_load %parallel_loop3A_1073[%parallel_loop3A_1074, %parallel_loop3A_1075] {strides = array<i32>} : memref<128x32xf32, #tpu.memory_space<vmem>>, vector<16xf32>,
        %parallel_loop3A_1077 = arith.constant 0 : i32
        %parallel_loop3A_1078 = arith.constant 0 : i32
        %parallel_loop3A_1079 = arith.constant 0 : i32
        %parallel_loop3A_1080 = tpu.memref_slice %arg7[%parallel_loop3A_546, %parallel_loop3A_1077, %parallel_loop3A_1078, %parallel_loop3A_1079] : memref<10x4x8x133xf32, #tpu.memory_space<vmem>> -> memref<1x4x8x133xf32, #tpu.memory_space<vmem>>
        %parallel_loop3A_1081 = tpu.memref_squeeze %parallel_loop3A_1080 : memref<1x4x8x133xf32, #tpu.memory_space<vmem>> -> memref<4x8x133xf32, #tpu.memory_space<vmem>>
        tpu.vector_store_idx %parallel_loop3A_1081[%shift_right_arithmetic3A_2, %and3A_4, %parallel_loop3A_1062], %parallel_loop3A_1069 : memref<4x8x133xf32, #tpu.memory_space<vmem>>[vector<16xi32>, vector<16xi32>, vector<16xi32>], vector<16xf32>,
        %parallel_loop3A_1082 = arith.constant 2 : i32
        %parallel_loop3A_1083 = vector.broadcast %parallel_loop3A_1082 : i32 to vector<16xi32>
        %parallel_loop3A_1084 = arith.addi %shift_right_arithmetic3A_2, %parallel_loop3A_1083 : vector<16xi32>
        %parallel_loop3A_1085 = arith.constant 0 : i32
        %parallel_loop3A_1086 = arith.constant 0 : i32
        %parallel_loop3A_1087 = arith.constant 0 : i32
        %parallel_loop3A_1088 = tpu.memref_slice %arg7[%parallel_loop3A_546, %parallel_loop3A_1085, %parallel_loop3A_1086, %parallel_loop3A_1087] : memref<10x4x8x133xf32, #tpu.memory_space<vmem>> -> memref<1x4x8x133xf32, #tpu.memory_space<vmem>>
        %parallel_loop3A_1089 = tpu.memref_squeeze %parallel_loop3A_1088 : memref<1x4x8x133xf32, #tpu.memory_space<vmem>> -> memref<4x8x133xf32, #tpu.memory_space<vmem>>
        tpu.vector_store_idx %parallel_loop3A_1089[%parallel_loop3A_1084, %and3A_4, %parallel_loop3A_1062], %parallel_loop3A_1076 : memref<4x8x133xf32, #tpu.memory_space<vmem>>[vector<16xi32>, vector<16xi32>, vector<16xi32>], vector<16xf32>,
      } {sc.loop_unroll_factor = 8 : i64, sc.parallel_access}
      %dma_start3A_547 = arith.constant 6 : i32
      %dma_start3A_548 = arith.constant 6 : i32
      %dma_start3A_549 = arith.constant 0 : i32
      %dma_start3A_550 = arith.constant 0 : i32
      %dma_start3A_551 = arith.constant 0 : i32
      %dma_start3A_552 = tpu.memref_slice %arg7[%dma_start3A_547, %dma_start3A_549, %dma_start3A_550, %dma_start3A_551] : memref<10x4x8x133xf32, #tpu.memory_space<vmem>> -> memref<1x4x8x133xf32, #tpu.memory_space<vmem>>
      %dma_start3A_553 = tpu.memref_squeeze %dma_start3A_552 : memref<1x4x8x133xf32, #tpu.memory_space<vmem>> -> memref<4x8x133xf32, #tpu.memory_space<vmem>>
      %dma_start3A_554 = arith.constant 0 : i32
      %dma_start3A_555 = arith.constant 0 : i32
      %dma_start3A_556 = arith.constant 0 : i32
      %dma_start3A_557 = tpu.memref_slice %dma_start3A_553[%dma_start3A_554, %dma_start3A_555, %dma_start3A_556] : memref<4x8x133xf32, #tpu.memory_space<vmem>> -> memref<4x8x128xf32, #tpu.memory_space<vmem>>
      %dma_start3A_558 = arith.constant 0 : i32
      %dma_start3A_559 = arith.constant 0 : i32
      %dma_start3A_560 = arith.constant 0 : i32
      %dma_start3A_561 = tpu.memref_slice %arg4[%add3A_527, %dma_start3A_558, %add3A, %dma_start3A_559, %dma_start3A_560] : memref<200x4x32x8x128xf32, #tpu.memory_space<hbm>> -> memref<1x4x1x8x128xf32, #tpu.memory_space<hbm>>
      %dma_start3A_562 = tpu.memref_squeeze %dma_start3A_561 : memref<1x4x1x8x128xf32, #tpu.memory_space<hbm>> -> memref<4x8x128xf32, #tpu.memory_space<hbm>>
      %dma_start3A_563 = tpu.memref_slice %arg9[%dma_start3A_548] : memref<10x!tpu.dma_semaphore, #tpu.memory_space<semaphore_mem>> -> memref<1x!tpu.dma_semaphore, #tpu.memory_space<semaphore_mem>>
      %dma_start3A_564 = tpu.memref_squeeze %dma_start3A_563 : memref<1x!tpu.dma_semaphore, #tpu.memory_space<semaphore_mem>> -> memref<!tpu.dma_semaphore, #tpu.memory_space<semaphore_mem>>
      %dma_start3A_565 = arith.constant 0 : i32
      %dma_start3A_566 = arith.constant 0 : i32
      %dma_start3A_567 = arith.constant 0 : i32
      %dma_start3A_568 = tpu.memref_slice %arg4[%add3A_527, %dma_start3A_565, %add3A, %dma_start3A_566, %dma_start3A_567] : memref<200x4x32x8x128xf32, #tpu.memory_space<hbm>> -> memref<1x4x1x8x128xf32, #tpu.memory_space<hbm>>
      %dma_start3A_569 = tpu.memref_squeeze %dma_start3A_568 : memref<1x4x1x8x128xf32, #tpu.memory_space<hbm>> -> memref<4x8x128xf32, #tpu.memory_space<hbm>>
      %dma_start3A_570 = arith.constant 0 : i32
      %dma_start3A_571 = arith.constant 0 : i32
      %dma_start3A_572 = arith.constant 0 : i32
      %dma_start3A_573 = tpu.memref_slice %arg7[%dma_start3A_547, %dma_start3A_570, %dma_start3A_571, %dma_start3A_572] : memref<10x4x8x133xf32, #tpu.memory_space<vmem>> -> memref<1x4x8x133xf32, #tpu.memory_space<vmem>>
      %dma_start3A_574 = tpu.memref_squeeze %dma_start3A_573 : memref<1x4x8x133xf32, #tpu.memory_space<vmem>> -> memref<4x8x133xf32, #tpu.memory_space<vmem>>
      %dma_start3A_575 = arith.constant 0 : i32
      %dma_start3A_576 = arith.constant 0 : i32
      %dma_start3A_577 = arith.constant 0 : i32
      %dma_start3A_578 = tpu.memref_slice %dma_start3A_574[%dma_start3A_575, %dma_start3A_576, %dma_start3A_577] : memref<4x8x133xf32, #tpu.memory_space<vmem>> -> memref<4x8x128xf32, #tpu.memory_space<vmem>>
      tpu.enqueue_dma source(%dma_start3A_578 : memref<4x8x128xf32, #tpu.memory_space<vmem>>) target(%dma_start3A_569 : memref<4x8x128xf32, #tpu.memory_space<hbm>>) target_semaphore(%dma_start3A_564 : memref<!tpu.dma_semaphore, #tpu.memory_space<semaphore_mem>>)
      %add3A_579 = arith.constant 7 : i32
      %add3A_580 = arith.addi %mul3A_12, %add3A_579 : i32
      %dma_wait3A_581 = arith.constant 7 : i32
      %dma_wait3A_582 = arith.constant 7 : i32
      %dma_wait3A_583 = arith.constant 0 : i32
      %dma_wait3A_584 = arith.constant 0 : i32
      %dma_wait3A_585 = tpu.memref_slice %arg6[%dma_wait3A_581, %dma_wait3A_583, %dma_wait3A_584] : memref<10x128x32xf32, #tpu.memory_space<vmem>> -> memref<1x128x32xf32, #tpu.memory_space<vmem>>
      %dma_wait3A_586 = tpu.memref_squeeze %dma_wait3A_585 : memref<1x128x32xf32, #tpu.memory_space<vmem>> -> memref<128x32xf32, #tpu.memory_space<vmem>>
      %dma_wait3A_587 = arith.constant 0 : i32
      %dma_wait3A_588 = tpu.memref_slice %arg5[%div3A_153, %rem3A_155, %dma_wait3A_587] : memref<25x8x128xi32, #tpu.memory_space<vmem>> -> memref<1x1x128xi32, #tpu.memory_space<vmem>>
      %dma_wait3A_589 = tpu.memref_squeeze %dma_wait3A_588 : memref<1x1x128xi32, #tpu.memory_space<vmem>> -> memref<128xi32, #tpu.memory_space<vmem>>
      %dma_wait3A_590 = arith.constant 0 : i32
      %dma_wait3A_591 = arith.constant 0 : i32
      %dma_wait3A_592 = tpu.memref_slice %arg3[%dma_wait3A_590, %dma_wait3A_591] : memref<100000x32xf32, #tpu.memory_space<hbm>> -> memref<100000x32xf32, #tpu.memory_space<hbm>>
      %dma_wait3A_593 = tpu.memref_slice %arg8[%dma_wait3A_582] : memref<10x!tpu.dma_semaphore, #tpu.memory_space<semaphore_mem>> -> memref<1x!tpu.dma_semaphore, #tpu.memory_space<semaphore_mem>>
      %dma_wait3A_594 = tpu.memref_squeeze %dma_wait3A_593 : memref<1x!tpu.dma_semaphore, #tpu.memory_space<semaphore_mem>> -> memref<!tpu.dma_semaphore, #tpu.memory_space<semaphore_mem>>
      tpu.wait_indirect_dma semaphore(%dma_wait3A_594 : memref<!tpu.dma_semaphore, #tpu.memory_space<semaphore_mem>>) src(%dma_wait3A_592 : memref<100000x32xf32, #tpu.memory_space<hbm>>) dst(%dma_wait3A_586 : memref<128x32xf32, #tpu.memory_space<vmem>>)
      %parallel_loop3A_595 = arith.constant 0 : i32
      %parallel_loop3A_596 = arith.constant 128 : i32
      %parallel_loop3A_597 = arith.constant 1 : i32
      %parallel_loop3A_598 = arith.constant 7 : i32
      %parallel_loop3A_599 = arith.constant 7 : i32
      scf.for %parallel_loop3A_1058 = %parallel_loop3A_595 to %parallel_loop3A_596 step %parallel_loop3A_597  : i32 {
        %parallel_loop3A_1059 = arith.constant 0 : i32
        %parallel_loop3A_1060 = vector.broadcast %parallel_loop3A_1059 : i32 to vector<16xi32>
        %parallel_loop3A_1061 = vector.broadcast %parallel_loop3A_1058 : i32 to vector<16xi32>
        %parallel_loop3A_1062 = arith.addi %parallel_loop3A_1060, %parallel_loop3A_1061 : vector<16xi32>
        %parallel_loop3A_1063 = arith.constant 0 : i32
        %parallel_loop3A_1064 = arith.constant 0 : i32
        %parallel_loop3A_1065 = tpu.memref_slice %arg6[%parallel_loop3A_598, %parallel_loop3A_1063, %parallel_loop3A_1064] : memref<10x128x32xf32, #tpu.memory_space<vmem>> -> memref<1x128x32xf32, #tpu.memory_space<vmem>>
        %parallel_loop3A_1066 = tpu.memref_squeeze %parallel_loop3A_1065 : memref<1x128x32xf32, #tpu.memory_space<vmem>> -> memref<128x32xf32, #tpu.memory_space<vmem>>
        %parallel_loop3A_1067 = arith.index_cast %parallel_loop3A_1058 : i32 to index
        %parallel_loop3A_1068 = arith.constant 0 : index
        %parallel_loop3A_1069 = tpu.vector_load %parallel_loop3A_1066[%parallel_loop3A_1067, %parallel_loop3A_1068] {strides = array<i32>} : memref<128x32xf32, #tpu.memory_space<vmem>>, vector<16xf32>,
        %parallel_loop3A_1070 = arith.constant 0 : i32
        %parallel_loop3A_1071 = arith.constant 0 : i32
        %parallel_loop3A_1072 = tpu.memref_slice %arg6[%parallel_loop3A_598, %parallel_loop3A_1070, %parallel_loop3A_1071] : memref<10x128x32xf32, #tpu.memory_space<vmem>> -> memref<1x128x32xf32, #tpu.memory_space<vmem>>
        %parallel_loop3A_1073 = tpu.memref_squeeze %parallel_loop3A_1072 : memref<1x128x32xf32, #tpu.memory_space<vmem>> -> memref<128x32xf32, #tpu.memory_space<vmem>>
        %parallel_loop3A_1074 = arith.index_cast %parallel_loop3A_1058 : i32 to index
        %parallel_loop3A_1075 = arith.constant 16 : index
        %parallel_loop3A_1076 = tpu.vector_load %parallel_loop3A_1073[%parallel_loop3A_1074, %parallel_loop3A_1075] {strides = array<i32>} : memref<128x32xf32, #tpu.memory_space<vmem>>, vector<16xf32>,
        %parallel_loop3A_1077 = arith.constant 0 : i32
        %parallel_loop3A_1078 = arith.constant 0 : i32
        %parallel_loop3A_1079 = arith.constant 0 : i32
        %parallel_loop3A_1080 = tpu.memref_slice %arg7[%parallel_loop3A_599, %parallel_loop3A_1077, %parallel_loop3A_1078, %parallel_loop3A_1079] : memref<10x4x8x133xf32, #tpu.memory_space<vmem>> -> memref<1x4x8x133xf32, #tpu.memory_space<vmem>>
        %parallel_loop3A_1081 = tpu.memref_squeeze %parallel_loop3A_1080 : memref<1x4x8x133xf32, #tpu.memory_space<vmem>> -> memref<4x8x133xf32, #tpu.memory_space<vmem>>
        tpu.vector_store_idx %parallel_loop3A_1081[%shift_right_arithmetic3A_2, %and3A_4, %parallel_loop3A_1062], %parallel_loop3A_1069 : memref<4x8x133xf32, #tpu.memory_space<vmem>>[vector<16xi32>, vector<16xi32>, vector<16xi32>], vector<16xf32>,
        %parallel_loop3A_1082 = arith.constant 2 : i32
        %parallel_loop3A_1083 = vector.broadcast %parallel_loop3A_1082 : i32 to vector<16xi32>
        %parallel_loop3A_1084 = arith.addi %shift_right_arithmetic3A_2, %parallel_loop3A_1083 : vector<16xi32>
        %parallel_loop3A_1085 = arith.constant 0 : i32
        %parallel_loop3A_1086 = arith.constant 0 : i32
        %parallel_loop3A_1087 = arith.constant 0 : i32
        %parallel_loop3A_1088 = tpu.memref_slice %arg7[%parallel_loop3A_599, %parallel_loop3A_1085, %parallel_loop3A_1086, %parallel_loop3A_1087] : memref<10x4x8x133xf32, #tpu.memory_space<vmem>> -> memref<1x4x8x133xf32, #tpu.memory_space<vmem>>
        %parallel_loop3A_1089 = tpu.memref_squeeze %parallel_loop3A_1088 : memref<1x4x8x133xf32, #tpu.memory_space<vmem>> -> memref<4x8x133xf32, #tpu.memory_space<vmem>>
        tpu.vector_store_idx %parallel_loop3A_1089[%parallel_loop3A_1084, %and3A_4, %parallel_loop3A_1062], %parallel_loop3A_1076 : memref<4x8x133xf32, #tpu.memory_space<vmem>>[vector<16xi32>, vector<16xi32>, vector<16xi32>], vector<16xf32>,
      } {sc.loop_unroll_factor = 8 : i64, sc.parallel_access}
      %dma_start3A_600 = arith.constant 7 : i32
      %dma_start3A_601 = arith.constant 7 : i32
      %dma_start3A_602 = arith.constant 0 : i32
      %dma_start3A_603 = arith.constant 0 : i32
      %dma_start3A_604 = arith.constant 0 : i32
      %dma_start3A_605 = tpu.memref_slice %arg7[%dma_start3A_600, %dma_start3A_602, %dma_start3A_603, %dma_start3A_604] : memref<10x4x8x133xf32, #tpu.memory_space<vmem>> -> memref<1x4x8x133xf32, #tpu.memory_space<vmem>>
      %dma_start3A_606 = tpu.memref_squeeze %dma_start3A_605 : memref<1x4x8x133xf32, #tpu.memory_space<vmem>> -> memref<4x8x133xf32, #tpu.memory_space<vmem>>
      %dma_start3A_607 = arith.constant 0 : i32
      %dma_start3A_608 = arith.constant 0 : i32
      %dma_start3A_609 = arith.constant 0 : i32
      %dma_start3A_610 = tpu.memref_slice %dma_start3A_606[%dma_start3A_607, %dma_start3A_608, %dma_start3A_609] : memref<4x8x133xf32, #tpu.memory_space<vmem>> -> memref<4x8x128xf32, #tpu.memory_space<vmem>>
      %dma_start3A_611 = arith.constant 0 : i32
      %dma_start3A_612 = arith.constant 0 : i32
      %dma_start3A_613 = arith.constant 0 : i32
      %dma_start3A_614 = tpu.memref_slice %arg4[%add3A_580, %dma_start3A_611, %add3A, %dma_start3A_612, %dma_start3A_613] : memref<200x4x32x8x128xf32, #tpu.memory_space<hbm>> -> memref<1x4x1x8x128xf32, #tpu.memory_space<hbm>>
      %dma_start3A_615 = tpu.memref_squeeze %dma_start3A_614 : memref<1x4x1x8x128xf32, #tpu.memory_space<hbm>> -> memref<4x8x128xf32, #tpu.memory_space<hbm>>
      %dma_start3A_616 = tpu.memref_slice %arg9[%dma_start3A_601] : memref<10x!tpu.dma_semaphore, #tpu.memory_space<semaphore_mem>> -> memref<1x!tpu.dma_semaphore, #tpu.memory_space<semaphore_mem>>
      %dma_start3A_617 = tpu.memref_squeeze %dma_start3A_616 : memref<1x!tpu.dma_semaphore, #tpu.memory_space<semaphore_mem>> -> memref<!tpu.dma_semaphore, #tpu.memory_space<semaphore_mem>>
      %dma_start3A_618 = arith.constant 0 : i32
      %dma_start3A_619 = arith.constant 0 : i32
      %dma_start3A_620 = arith.constant 0 : i32
      %dma_start3A_621 = tpu.memref_slice %arg4[%add3A_580, %dma_start3A_618, %add3A, %dma_start3A_619, %dma_start3A_620] : memref<200x4x32x8x128xf32, #tpu.memory_space<hbm>> -> memref<1x4x1x8x128xf32, #tpu.memory_space<hbm>>
      %dma_start3A_622 = tpu.memref_squeeze %dma_start3A_621 : memref<1x4x1x8x128xf32, #tpu.memory_space<hbm>> -> memref<4x8x128xf32, #tpu.memory_space<hbm>>
      %dma_start3A_623 = arith.constant 0 : i32
      %dma_start3A_624 = arith.constant 0 : i32
      %dma_start3A_625 = arith.constant 0 : i32
      %dma_start3A_626 = tpu.memref_slice %arg7[%dma_start3A_600, %dma_start3A_623, %dma_start3A_624, %dma_start3A_625] : memref<10x4x8x133xf32, #tpu.memory_space<vmem>> -> memref<1x4x8x133xf32, #tpu.memory_space<vmem>>
      %dma_start3A_627 = tpu.memref_squeeze %dma_start3A_626 : memref<1x4x8x133xf32, #tpu.memory_space<vmem>> -> memref<4x8x133xf32, #tpu.memory_space<vmem>>
      %dma_start3A_628 = arith.constant 0 : i32
      %dma_start3A_629 = arith.constant 0 : i32
      %dma_start3A_630 = arith.constant 0 : i32
      %dma_start3A_631 = tpu.memref_slice %dma_start3A_627[%dma_start3A_628, %dma_start3A_629, %dma_start3A_630] : memref<4x8x133xf32, #tpu.memory_space<vmem>> -> memref<4x8x128xf32, #tpu.memory_space<vmem>>
      tpu.enqueue_dma source(%dma_start3A_631 : memref<4x8x128xf32, #tpu.memory_space<vmem>>) target(%dma_start3A_622 : memref<4x8x128xf32, #tpu.memory_space<hbm>>) target_semaphore(%dma_start3A_617 : memref<!tpu.dma_semaphore, #tpu.memory_space<semaphore_mem>>)
      %add3A_632 = arith.constant 8 : i32
      %add3A_633 = arith.addi %mul3A_12, %add3A_632 : i32
      %dma_wait3A_634 = arith.constant 8 : i32
      %dma_wait3A_635 = arith.constant 8 : i32
      %dma_wait3A_636 = arith.constant 0 : i32
      %dma_wait3A_637 = arith.constant 0 : i32
      %dma_wait3A_638 = tpu.memref_slice %arg6[%dma_wait3A_634, %dma_wait3A_636, %dma_wait3A_637] : memref<10x128x32xf32, #tpu.memory_space<vmem>> -> memref<1x128x32xf32, #tpu.memory_space<vmem>>
      %dma_wait3A_639 = tpu.memref_squeeze %dma_wait3A_638 : memref<1x128x32xf32, #tpu.memory_space<vmem>> -> memref<128x32xf32, #tpu.memory_space<vmem>>
      %dma_wait3A_640 = arith.constant 0 : i32
      %dma_wait3A_641 = tpu.memref_slice %arg5[%div3A_173, %rem3A_175, %dma_wait3A_640] : memref<25x8x128xi32, #tpu.memory_space<vmem>> -> memref<1x1x128xi32, #tpu.memory_space<vmem>>
      %dma_wait3A_642 = tpu.memref_squeeze %dma_wait3A_641 : memref<1x1x128xi32, #tpu.memory_space<vmem>> -> memref<128xi32, #tpu.memory_space<vmem>>
      %dma_wait3A_643 = arith.constant 0 : i32
      %dma_wait3A_644 = arith.constant 0 : i32
      %dma_wait3A_645 = tpu.memref_slice %arg3[%dma_wait3A_643, %dma_wait3A_644] : memref<100000x32xf32, #tpu.memory_space<hbm>> -> memref<100000x32xf32, #tpu.memory_space<hbm>>
      %dma_wait3A_646 = tpu.memref_slice %arg8[%dma_wait3A_635] : memref<10x!tpu.dma_semaphore, #tpu.memory_space<semaphore_mem>> -> memref<1x!tpu.dma_semaphore, #tpu.memory_space<semaphore_mem>>
      %dma_wait3A_647 = tpu.memref_squeeze %dma_wait3A_646 : memref<1x!tpu.dma_semaphore, #tpu.memory_space<semaphore_mem>> -> memref<!tpu.dma_semaphore, #tpu.memory_space<semaphore_mem>>
      tpu.wait_indirect_dma semaphore(%dma_wait3A_647 : memref<!tpu.dma_semaphore, #tpu.memory_space<semaphore_mem>>) src(%dma_wait3A_645 : memref<100000x32xf32, #tpu.memory_space<hbm>>) dst(%dma_wait3A_639 : memref<128x32xf32, #tpu.memory_space<vmem>>)
      %parallel_loop3A_648 = arith.constant 0 : i32
      %parallel_loop3A_649 = arith.constant 128 : i32
      %parallel_loop3A_650 = arith.constant 1 : i32
      %parallel_loop3A_651 = arith.constant 8 : i32
      %parallel_loop3A_652 = arith.constant 8 : i32
      scf.for %parallel_loop3A_1058 = %parallel_loop3A_648 to %parallel_loop3A_649 step %parallel_loop3A_650  : i32 {
        %parallel_loop3A_1059 = arith.constant 0 : i32
        %parallel_loop3A_1060 = vector.broadcast %parallel_loop3A_1059 : i32 to vector<16xi32>
        %parallel_loop3A_1061 = vector.broadcast %parallel_loop3A_1058 : i32 to vector<16xi32>
        %parallel_loop3A_1062 = arith.addi %parallel_loop3A_1060, %parallel_loop3A_1061 : vector<16xi32>
        %parallel_loop3A_1063 = arith.constant 0 : i32
        %parallel_loop3A_1064 = arith.constant 0 : i32
        %parallel_loop3A_1065 = tpu.memref_slice %arg6[%parallel_loop3A_651, %parallel_loop3A_1063, %parallel_loop3A_1064] : memref<10x128x32xf32, #tpu.memory_space<vmem>> -> memref<1x128x32xf32, #tpu.memory_space<vmem>>
        %parallel_loop3A_1066 = tpu.memref_squeeze %parallel_loop3A_1065 : memref<1x128x32xf32, #tpu.memory_space<vmem>> -> memref<128x32xf32, #tpu.memory_space<vmem>>
        %parallel_loop3A_1067 = arith.index_cast %parallel_loop3A_1058 : i32 to index
        %parallel_loop3A_1068 = arith.constant 0 : index
        %parallel_loop3A_1069 = tpu.vector_load %parallel_loop3A_1066[%parallel_loop3A_1067, %parallel_loop3A_1068] {strides = array<i32>} : memref<128x32xf32, #tpu.memory_space<vmem>>, vector<16xf32>,
        %parallel_loop3A_1070 = arith.constant 0 : i32
        %parallel_loop3A_1071 = arith.constant 0 : i32
        %parallel_loop3A_1072 = tpu.memref_slice %arg6[%parallel_loop3A_651, %parallel_loop3A_1070, %parallel_loop3A_1071] : memref<10x128x32xf32, #tpu.memory_space<vmem>> -> memref<1x128x32xf32, #tpu.memory_space<vmem>>
        %parallel_loop3A_1073 = tpu.memref_squeeze %parallel_loop3A_1072 : memref<1x128x32xf32, #tpu.memory_space<vmem>> -> memref<128x32xf32, #tpu.memory_space<vmem>>
        %parallel_loop3A_1074 = arith.index_cast %parallel_loop3A_1058 : i32 to index
        %parallel_loop3A_1075 = arith.constant 16 : index
        %parallel_loop3A_1076 = tpu.vector_load %parallel_loop3A_1073[%parallel_loop3A_1074, %parallel_loop3A_1075] {strides = array<i32>} : memref<128x32xf32, #tpu.memory_space<vmem>>, vector<16xf32>,
        %parallel_loop3A_1077 = arith.constant 0 : i32
        %parallel_loop3A_1078 = arith.constant 0 : i32
        %parallel_loop3A_1079 = arith.constant 0 : i32
        %parallel_loop3A_1080 = tpu.memref_slice %arg7[%parallel_loop3A_652, %parallel_loop3A_1077, %parallel_loop3A_1078, %parallel_loop3A_1079] : memref<10x4x8x133xf32, #tpu.memory_space<vmem>> -> memref<1x4x8x133xf32, #tpu.memory_space<vmem>>
        %parallel_loop3A_1081 = tpu.memref_squeeze %parallel_loop3A_1080 : memref<1x4x8x133xf32, #tpu.memory_space<vmem>> -> memref<4x8x133xf32, #tpu.memory_space<vmem>>
        tpu.vector_store_idx %parallel_loop3A_1081[%shift_right_arithmetic3A_2, %and3A_4, %parallel_loop3A_1062], %parallel_loop3A_1069 : memref<4x8x133xf32, #tpu.memory_space<vmem>>[vector<16xi32>, vector<16xi32>, vector<16xi32>], vector<16xf32>,
        %parallel_loop3A_1082 = arith.constant 2 : i32
        %parallel_loop3A_1083 = vector.broadcast %parallel_loop3A_1082 : i32 to vector<16xi32>
        %parallel_loop3A_1084 = arith.addi %shift_right_arithmetic3A_2, %parallel_loop3A_1083 : vector<16xi32>
        %parallel_loop3A_1085 = arith.constant 0 : i32
        %parallel_loop3A_1086 = arith.constant 0 : i32
        %parallel_loop3A_1087 = arith.constant 0 : i32
        %parallel_loop3A_1088 = tpu.memref_slice %arg7[%parallel_loop3A_652, %parallel_loop3A_1085, %parallel_loop3A_1086, %parallel_loop3A_1087] : memref<10x4x8x133xf32, #tpu.memory_space<vmem>> -> memref<1x4x8x133xf32, #tpu.memory_space<vmem>>
        %parallel_loop3A_1089 = tpu.memref_squeeze %parallel_loop3A_1088 : memref<1x4x8x133xf32, #tpu.memory_space<vmem>> -> memref<4x8x133xf32, #tpu.memory_space<vmem>>
        tpu.vector_store_idx %parallel_loop3A_1089[%parallel_loop3A_1084, %and3A_4, %parallel_loop3A_1062], %parallel_loop3A_1076 : memref<4x8x133xf32, #tpu.memory_space<vmem>>[vector<16xi32>, vector<16xi32>, vector<16xi32>], vector<16xf32>,
      } {sc.loop_unroll_factor = 8 : i64, sc.parallel_access}
      %dma_start3A_653 = arith.constant 8 : i32
      %dma_start3A_654 = arith.constant 8 : i32
      %dma_start3A_655 = arith.constant 0 : i32
      %dma_start3A_656 = arith.constant 0 : i32
      %dma_start3A_657 = arith.constant 0 : i32
      %dma_start3A_658 = tpu.memref_slice %arg7[%dma_start3A_653, %dma_start3A_655, %dma_start3A_656, %dma_start3A_657] : memref<10x4x8x133xf32, #tpu.memory_space<vmem>> -> memref<1x4x8x133xf32, #tpu.memory_space<vmem>>
      %dma_start3A_659 = tpu.memref_squeeze %dma_start3A_658 : memref<1x4x8x133xf32, #tpu.memory_space<vmem>> -> memref<4x8x133xf32, #tpu.memory_space<vmem>>
      %dma_start3A_660 = arith.constant 0 : i32
      %dma_start3A_661 = arith.constant 0 : i32
      %dma_start3A_662 = arith.constant 0 : i32
      %dma_start3A_663 = tpu.memref_slice %dma_start3A_659[%dma_start3A_660, %dma_start3A_661, %dma_start3A_662] : memref<4x8x133xf32, #tpu.memory_space<vmem>> -> memref<4x8x128xf32, #tpu.memory_space<vmem>>
      %dma_start3A_664 = arith.constant 0 : i32
      %dma_start3A_665 = arith.constant 0 : i32
      %dma_start3A_666 = arith.constant 0 : i32
      %dma_start3A_667 = tpu.memref_slice %arg4[%add3A_633, %dma_start3A_664, %add3A, %dma_start3A_665, %dma_start3A_666] : memref<200x4x32x8x128xf32, #tpu.memory_space<hbm>> -> memref<1x4x1x8x128xf32, #tpu.memory_space<hbm>>
      %dma_start3A_668 = tpu.memref_squeeze %dma_start3A_667 : memref<1x4x1x8x128xf32, #tpu.memory_space<hbm>> -> memref<4x8x128xf32, #tpu.memory_space<hbm>>
      %dma_start3A_669 = tpu.memref_slice %arg9[%dma_start3A_654] : memref<10x!tpu.dma_semaphore, #tpu.memory_space<semaphore_mem>> -> memref<1x!tpu.dma_semaphore, #tpu.memory_space<semaphore_mem>>
      %dma_start3A_670 = tpu.memref_squeeze %dma_start3A_669 : memref<1x!tpu.dma_semaphore, #tpu.memory_space<semaphore_mem>> -> memref<!tpu.dma_semaphore, #tpu.memory_space<semaphore_mem>>
      %dma_start3A_671 = arith.constant 0 : i32
      %dma_start3A_672 = arith.constant 0 : i32
      %dma_start3A_673 = arith.constant 0 : i32
      %dma_start3A_674 = tpu.memref_slice %arg4[%add3A_633, %dma_start3A_671, %add3A, %dma_start3A_672, %dma_start3A_673] : memref<200x4x32x8x128xf32, #tpu.memory_space<hbm>> -> memref<1x4x1x8x128xf32, #tpu.memory_space<hbm>>
      %dma_start3A_675 = tpu.memref_squeeze %dma_start3A_674 : memref<1x4x1x8x128xf32, #tpu.memory_space<hbm>> -> memref<4x8x128xf32, #tpu.memory_space<hbm>>
      %dma_start3A_676 = arith.constant 0 : i32
      %dma_start3A_677 = arith.constant 0 : i32
      %dma_start3A_678 = arith.constant 0 : i32
      %dma_start3A_679 = tpu.memref_slice %arg7[%dma_start3A_653, %dma_start3A_676, %dma_start3A_677, %dma_start3A_678] : memref<10x4x8x133xf32, #tpu.memory_space<vmem>> -> memref<1x4x8x133xf32, #tpu.memory_space<vmem>>
      %dma_start3A_680 = tpu.memref_squeeze %dma_start3A_679 : memref<1x4x8x133xf32, #tpu.memory_space<vmem>> -> memref<4x8x133xf32, #tpu.memory_space<vmem>>
      %dma_start3A_681 = arith.constant 0 : i32
      %dma_start3A_682 = arith.constant 0 : i32
      %dma_start3A_683 = arith.constant 0 : i32
      %dma_start3A_684 = tpu.memref_slice %dma_start3A_680[%dma_start3A_681, %dma_start3A_682, %dma_start3A_683] : memref<4x8x133xf32, #tpu.memory_space<vmem>> -> memref<4x8x128xf32, #tpu.memory_space<vmem>>
      tpu.enqueue_dma source(%dma_start3A_684 : memref<4x8x128xf32, #tpu.memory_space<vmem>>) target(%dma_start3A_675 : memref<4x8x128xf32, #tpu.memory_space<hbm>>) target_semaphore(%dma_start3A_670 : memref<!tpu.dma_semaphore, #tpu.memory_space<semaphore_mem>>)
      %add3A_685 = arith.constant 9 : i32
      %add3A_686 = arith.addi %mul3A_12, %add3A_685 : i32
      %dma_wait3A_687 = arith.constant 9 : i32
      %dma_wait3A_688 = arith.constant 9 : i32
      %dma_wait3A_689 = arith.constant 0 : i32
      %dma_wait3A_690 = arith.constant 0 : i32
      %dma_wait3A_691 = tpu.memref_slice %arg6[%dma_wait3A_687, %dma_wait3A_689, %dma_wait3A_690] : memref<10x128x32xf32, #tpu.memory_space<vmem>> -> memref<1x128x32xf32, #tpu.memory_space<vmem>>
      %dma_wait3A_692 = tpu.memref_squeeze %dma_wait3A_691 : memref<1x128x32xf32, #tpu.memory_space<vmem>> -> memref<128x32xf32, #tpu.memory_space<vmem>>
      %dma_wait3A_693 = arith.constant 0 : i32
      %dma_wait3A_694 = tpu.memref_slice %arg5[%div3A_193, %rem3A_195, %dma_wait3A_693] : memref<25x8x128xi32, #tpu.memory_space<vmem>> -> memref<1x1x128xi32, #tpu.memory_space<vmem>>
      %dma_wait3A_695 = tpu.memref_squeeze %dma_wait3A_694 : memref<1x1x128xi32, #tpu.memory_space<vmem>> -> memref<128xi32, #tpu.memory_space<vmem>>
      %dma_wait3A_696 = arith.constant 0 : i32
      %dma_wait3A_697 = arith.constant 0 : i32
      %dma_wait3A_698 = tpu.memref_slice %arg3[%dma_wait3A_696, %dma_wait3A_697] : memref<100000x32xf32, #tpu.memory_space<hbm>> -> memref<100000x32xf32, #tpu.memory_space<hbm>>
      %dma_wait3A_699 = tpu.memref_slice %arg8[%dma_wait3A_688] : memref<10x!tpu.dma_semaphore, #tpu.memory_space<semaphore_mem>> -> memref<1x!tpu.dma_semaphore, #tpu.memory_space<semaphore_mem>>
      %dma_wait3A_700 = tpu.memref_squeeze %dma_wait3A_699 : memref<1x!tpu.dma_semaphore, #tpu.memory_space<semaphore_mem>> -> memref<!tpu.dma_semaphore, #tpu.memory_space<semaphore_mem>>
      tpu.wait_indirect_dma semaphore(%dma_wait3A_700 : memref<!tpu.dma_semaphore, #tpu.memory_space<semaphore_mem>>) src(%dma_wait3A_698 : memref<100000x32xf32, #tpu.memory_space<hbm>>) dst(%dma_wait3A_692 : memref<128x32xf32, #tpu.memory_space<vmem>>)
      %parallel_loop3A_701 = arith.constant 0 : i32
      %parallel_loop3A_702 = arith.constant 128 : i32
      %parallel_loop3A_703 = arith.constant 1 : i32
      %parallel_loop3A_704 = arith.constant 9 : i32
      %parallel_loop3A_705 = arith.constant 9 : i32
      scf.for %parallel_loop3A_1058 = %parallel_loop3A_701 to %parallel_loop3A_702 step %parallel_loop3A_703  : i32 {
        %parallel_loop3A_1059 = arith.constant 0 : i32
        %parallel_loop3A_1060 = vector.broadcast %parallel_loop3A_1059 : i32 to vector<16xi32>
        %parallel_loop3A_1061 = vector.broadcast %parallel_loop3A_1058 : i32 to vector<16xi32>
        %parallel_loop3A_1062 = arith.addi %parallel_loop3A_1060, %parallel_loop3A_1061 : vector<16xi32>
        %parallel_loop3A_1063 = arith.constant 0 : i32
        %parallel_loop3A_1064 = arith.constant 0 : i32
        %parallel_loop3A_1065 = tpu.memref_slice %arg6[%parallel_loop3A_704, %parallel_loop3A_1063, %parallel_loop3A_1064] : memref<10x128x32xf32, #tpu.memory_space<vmem>> -> memref<1x128x32xf32, #tpu.memory_space<vmem>>
        %parallel_loop3A_1066 = tpu.memref_squeeze %parallel_loop3A_1065 : memref<1x128x32xf32, #tpu.memory_space<vmem>> -> memref<128x32xf32, #tpu.memory_space<vmem>>
        %parallel_loop3A_1067 = arith.index_cast %parallel_loop3A_1058 : i32 to index
        %parallel_loop3A_1068 = arith.constant 0 : index
        %parallel_loop3A_1069 = tpu.vector_load %parallel_loop3A_1066[%parallel_loop3A_1067, %parallel_loop3A_1068] {strides = array<i32>} : memref<128x32xf32, #tpu.memory_space<vmem>>, vector<16xf32>,
        %parallel_loop3A_1070 = arith.constant 0 : i32
        %parallel_loop3A_1071 = arith.constant 0 : i32
        %parallel_loop3A_1072 = tpu.memref_slice %arg6[%parallel_loop3A_704, %parallel_loop3A_1070, %parallel_loop3A_1071] : memref<10x128x32xf32, #tpu.memory_space<vmem>> -> memref<1x128x32xf32, #tpu.memory_space<vmem>>
        %parallel_loop3A_1073 = tpu.memref_squeeze %parallel_loop3A_1072 : memref<1x128x32xf32, #tpu.memory_space<vmem>> -> memref<128x32xf32, #tpu.memory_space<vmem>>
        %parallel_loop3A_1074 = arith.index_cast %parallel_loop3A_1058 : i32 to index
        %parallel_loop3A_1075 = arith.constant 16 : index
        %parallel_loop3A_1076 = tpu.vector_load %parallel_loop3A_1073[%parallel_loop3A_1074, %parallel_loop3A_1075] {strides = array<i32>} : memref<128x32xf32, #tpu.memory_space<vmem>>, vector<16xf32>,
        %parallel_loop3A_1077 = arith.constant 0 : i32
        %parallel_loop3A_1078 = arith.constant 0 : i32
        %parallel_loop3A_1079 = arith.constant 0 : i32
        %parallel_loop3A_1080 = tpu.memref_slice %arg7[%parallel_loop3A_705, %parallel_loop3A_1077, %parallel_loop3A_1078, %parallel_loop3A_1079] : memref<10x4x8x133xf32, #tpu.memory_space<vmem>> -> memref<1x4x8x133xf32, #tpu.memory_space<vmem>>
        %parallel_loop3A_1081 = tpu.memref_squeeze %parallel_loop3A_1080 : memref<1x4x8x133xf32, #tpu.memory_space<vmem>> -> memref<4x8x133xf32, #tpu.memory_space<vmem>>
        tpu.vector_store_idx %parallel_loop3A_1081[%shift_right_arithmetic3A_2, %and3A_4, %parallel_loop3A_1062], %parallel_loop3A_1069 : memref<4x8x133xf32, #tpu.memory_space<vmem>>[vector<16xi32>, vector<16xi32>, vector<16xi32>], vector<16xf32>,
        %parallel_loop3A_1082 = arith.constant 2 : i32
        %parallel_loop3A_1083 = vector.broadcast %parallel_loop3A_1082 : i32 to vector<16xi32>
        %parallel_loop3A_1084 = arith.addi %shift_right_arithmetic3A_2, %parallel_loop3A_1083 : vector<16xi32>
        %parallel_loop3A_1085 = arith.constant 0 : i32
        %parallel_loop3A_1086 = arith.constant 0 : i32
        %parallel_loop3A_1087 = arith.constant 0 : i32
        %parallel_loop3A_1088 = tpu.memref_slice %arg7[%parallel_loop3A_705, %parallel_loop3A_1085, %parallel_loop3A_1086, %parallel_loop3A_1087] : memref<10x4x8x133xf32, #tpu.memory_space<vmem>> -> memref<1x4x8x133xf32, #tpu.memory_space<vmem>>
        %parallel_loop3A_1089 = tpu.memref_squeeze %parallel_loop3A_1088 : memref<1x4x8x133xf32, #tpu.memory_space<vmem>> -> memref<4x8x133xf32, #tpu.memory_space<vmem>>
        tpu.vector_store_idx %parallel_loop3A_1089[%parallel_loop3A_1084, %and3A_4, %parallel_loop3A_1062], %parallel_loop3A_1076 : memref<4x8x133xf32, #tpu.memory_space<vmem>>[vector<16xi32>, vector<16xi32>, vector<16xi32>], vector<16xf32>,
      } {sc.loop_unroll_factor = 8 : i64, sc.parallel_access}
      %dma_start3A_706 = arith.constant 9 : i32
      %dma_start3A_707 = arith.constant 9 : i32
      %dma_start3A_708 = arith.constant 0 : i32
      %dma_start3A_709 = arith.constant 0 : i32
      %dma_start3A_710 = arith.constant 0 : i32
      %dma_start3A_711 = tpu.memref_slice %arg7[%dma_start3A_706, %dma_start3A_708, %dma_start3A_709, %dma_start3A_710] : memref<10x4x8x133xf32, #tpu.memory_space<vmem>> -> memref<1x4x8x133xf32, #tpu.memory_space<vmem>>
      %dma_start3A_712 = tpu.memref_squeeze %dma_start3A_711 : memref<1x4x8x133xf32, #tpu.memory_space<vmem>> -> memref<4x8x133xf32, #tpu.memory_space<vmem>>
      %dma_start3A_713 = arith.constant 0 : i32
      %dma_start3A_714 = arith.constant 0 : i32
      %dma_start3A_715 = arith.constant 0 : i32
      %dma_start3A_716 = tpu.memref_slice %dma_start3A_712[%dma_start3A_713, %dma_start3A_714, %dma_start3A_715] : memref<4x8x133xf32, #tpu.memory_space<vmem>> -> memref<4x8x128xf32, #tpu.memory_space<vmem>>
      %dma_start3A_717 = arith.constant 0 : i32
      %dma_start3A_718 = arith.constant 0 : i32
      %dma_start3A_719 = arith.constant 0 : i32
      %dma_start3A_720 = tpu.memref_slice %arg4[%add3A_686, %dma_start3A_717, %add3A, %dma_start3A_718, %dma_start3A_719] : memref<200x4x32x8x128xf32, #tpu.memory_space<hbm>> -> memref<1x4x1x8x128xf32, #tpu.memory_space<hbm>>
      %dma_start3A_721 = tpu.memref_squeeze %dma_start3A_720 : memref<1x4x1x8x128xf32, #tpu.memory_space<hbm>> -> memref<4x8x128xf32, #tpu.memory_space<hbm>>
      %dma_start3A_722 = tpu.memref_slice %arg9[%dma_start3A_707] : memref<10x!tpu.dma_semaphore, #tpu.memory_space<semaphore_mem>> -> memref<1x!tpu.dma_semaphore, #tpu.memory_space<semaphore_mem>>
      %dma_start3A_723 = tpu.memref_squeeze %dma_start3A_722 : memref<1x!tpu.dma_semaphore, #tpu.memory_space<semaphore_mem>> -> memref<!tpu.dma_semaphore, #tpu.memory_space<semaphore_mem>>
      %dma_start3A_724 = arith.constant 0 : i32
      %dma_start3A_725 = arith.constant 0 : i32
      %dma_start3A_726 = arith.constant 0 : i32
      %dma_start3A_727 = tpu.memref_slice %arg4[%add3A_686, %dma_start3A_724, %add3A, %dma_start3A_725, %dma_start3A_726] : memref<200x4x32x8x128xf32, #tpu.memory_space<hbm>> -> memref<1x4x1x8x128xf32, #tpu.memory_space<hbm>>
      %dma_start3A_728 = tpu.memref_squeeze %dma_start3A_727 : memref<1x4x1x8x128xf32, #tpu.memory_space<hbm>> -> memref<4x8x128xf32, #tpu.memory_space<hbm>>
      %dma_start3A_729 = arith.constant 0 : i32
      %dma_start3A_730 = arith.constant 0 : i32
      %dma_start3A_731 = arith.constant 0 : i32
      %dma_start3A_732 = tpu.memref_slice %arg7[%dma_start3A_706, %dma_start3A_729, %dma_start3A_730, %dma_start3A_731] : memref<10x4x8x133xf32, #tpu.memory_space<vmem>> -> memref<1x4x8x133xf32, #tpu.memory_space<vmem>>
      %dma_start3A_733 = tpu.memref_squeeze %dma_start3A_732 : memref<1x4x8x133xf32, #tpu.memory_space<vmem>> -> memref<4x8x133xf32, #tpu.memory_space<vmem>>
      %dma_start3A_734 = arith.constant 0 : i32
      %dma_start3A_735 = arith.constant 0 : i32
      %dma_start3A_736 = arith.constant 0 : i32
      %dma_start3A_737 = tpu.memref_slice %dma_start3A_733[%dma_start3A_734, %dma_start3A_735, %dma_start3A_736] : memref<4x8x133xf32, #tpu.memory_space<vmem>> -> memref<4x8x128xf32, #tpu.memory_space<vmem>>
      tpu.enqueue_dma source(%dma_start3A_737 : memref<4x8x128xf32, #tpu.memory_space<vmem>>) target(%dma_start3A_728 : memref<4x8x128xf32, #tpu.memory_space<hbm>>) target_semaphore(%dma_start3A_723 : memref<!tpu.dma_semaphore, #tpu.memory_space<semaphore_mem>>)
      %dma_wait3A_738 = arith.constant 0 : i32
      %dma_wait3A_739 = arith.constant 0 : i32
      %dma_wait3A_740 = arith.constant 0 : i32
      %dma_wait3A_741 = arith.constant 0 : i32
      %dma_wait3A_742 = arith.constant 0 : i32
      %dma_wait3A_743 = tpu.memref_slice %arg7[%dma_wait3A_738, %dma_wait3A_740, %dma_wait3A_741, %dma_wait3A_742] : memref<10x4x8x133xf32, #tpu.memory_space<vmem>> -> memref<1x4x8x133xf32, #tpu.memory_space<vmem>>
      %dma_wait3A_744 = tpu.memref_squeeze %dma_wait3A_743 : memref<1x4x8x133xf32, #tpu.memory_space<vmem>> -> memref<4x8x133xf32, #tpu.memory_space<vmem>>
      %dma_wait3A_745 = arith.constant 0 : i32
      %dma_wait3A_746 = arith.constant 0 : i32
      %dma_wait3A_747 = arith.constant 0 : i32
      %dma_wait3A_748 = tpu.memref_slice %dma_wait3A_744[%dma_wait3A_745, %dma_wait3A_746, %dma_wait3A_747] : memref<4x8x133xf32, #tpu.memory_space<vmem>> -> memref<4x8x128xf32, #tpu.memory_space<vmem>>
      %dma_wait3A_749 = arith.constant 0 : i32
      %dma_wait3A_750 = arith.constant 0 : i32
      %dma_wait3A_751 = arith.constant 0 : i32
      %dma_wait3A_752 = tpu.memref_slice %arg4[%add3A_211, %dma_wait3A_749, %add3A, %dma_wait3A_750, %dma_wait3A_751] : memref<200x4x32x8x128xf32, #tpu.memory_space<hbm>> -> memref<1x4x1x8x128xf32, #tpu.memory_space<hbm>>
      %dma_wait3A_753 = tpu.memref_squeeze %dma_wait3A_752 : memref<1x4x1x8x128xf32, #tpu.memory_space<hbm>> -> memref<4x8x128xf32, #tpu.memory_space<hbm>>
      %dma_wait3A_754 = tpu.memref_slice %arg9[%dma_wait3A_739] : memref<10x!tpu.dma_semaphore, #tpu.memory_space<semaphore_mem>> -> memref<1x!tpu.dma_semaphore, #tpu.memory_space<semaphore_mem>>
      %dma_wait3A_755 = tpu.memref_squeeze %dma_wait3A_754 : memref<1x!tpu.dma_semaphore, #tpu.memory_space<semaphore_mem>> -> memref<!tpu.dma_semaphore, #tpu.memory_space<semaphore_mem>>
      %dma_wait3A_756 = arith.constant 0 : i32
      %dma_wait3A_757 = arith.constant 0 : i32
      %dma_wait3A_758 = arith.constant 0 : i32
      %dma_wait3A_759 = tpu.memref_slice %arg4[%add3A_211, %dma_wait3A_756, %add3A, %dma_wait3A_757, %dma_wait3A_758] : memref<200x4x32x8x128xf32, #tpu.memory_space<hbm>> -> memref<1x4x1x8x128xf32, #tpu.memory_space<hbm>>
      %dma_wait3A_760 = tpu.memref_squeeze %dma_wait3A_759 : memref<1x4x1x8x128xf32, #tpu.memory_space<hbm>> -> memref<4x8x128xf32, #tpu.memory_space<hbm>>
      %dma_wait3A_761 = arith.constant 0 : i32
      %dma_wait3A_762 = arith.constant 0 : i32
      %dma_wait3A_763 = arith.constant 0 : i32
      %dma_wait3A_764 = tpu.memref_slice %arg7[%dma_wait3A_738, %dma_wait3A_761, %dma_wait3A_762, %dma_wait3A_763] : memref<10x4x8x133xf32, #tpu.memory_space<vmem>> -> memref<1x4x8x133xf32, #tpu.memory_space<vmem>>
      %dma_wait3A_765 = tpu.memref_squeeze %dma_wait3A_764 : memref<1x4x8x133xf32, #tpu.memory_space<vmem>> -> memref<4x8x133xf32, #tpu.memory_space<vmem>>
      %dma_wait3A_766 = arith.constant 0 : i32
      %dma_wait3A_767 = arith.constant 0 : i32
      %dma_wait3A_768 = arith.constant 0 : i32
      %dma_wait3A_769 = tpu.memref_slice %dma_wait3A_765[%dma_wait3A_766, %dma_wait3A_767, %dma_wait3A_768] : memref<4x8x133xf32, #tpu.memory_space<vmem>> -> memref<4x8x128xf32, #tpu.memory_space<vmem>>
      tpu.wait_dma2 semaphore(%dma_wait3A_755 : memref<!tpu.dma_semaphore, #tpu.memory_space<semaphore_mem>>) src(%dma_wait3A_769 : memref<4x8x128xf32, #tpu.memory_space<vmem>>) dst(%dma_wait3A_760 : memref<4x8x128xf32, #tpu.memory_space<hbm>>)
      %dma_wait3A_770 = arith.constant 1 : i32
      %dma_wait3A_771 = arith.constant 1 : i32
      %dma_wait3A_772 = arith.constant 0 : i32
      %dma_wait3A_773 = arith.constant 0 : i32
      %dma_wait3A_774 = arith.constant 0 : i32
      %dma_wait3A_775 = tpu.memref_slice %arg7[%dma_wait3A_770, %dma_wait3A_772, %dma_wait3A_773, %dma_wait3A_774] : memref<10x4x8x133xf32, #tpu.memory_space<vmem>> -> memref<1x4x8x133xf32, #tpu.memory_space<vmem>>
      %dma_wait3A_776 = tpu.memref_squeeze %dma_wait3A_775 : memref<1x4x8x133xf32, #tpu.memory_space<vmem>> -> memref<4x8x133xf32, #tpu.memory_space<vmem>>
      %dma_wait3A_777 = arith.constant 0 : i32
      %dma_wait3A_778 = arith.constant 0 : i32
      %dma_wait3A_779 = arith.constant 0 : i32
      %dma_wait3A_780 = tpu.memref_slice %dma_wait3A_776[%dma_wait3A_777, %dma_wait3A_778, %dma_wait3A_779] : memref<4x8x133xf32, #tpu.memory_space<vmem>> -> memref<4x8x128xf32, #tpu.memory_space<vmem>>
      %dma_wait3A_781 = arith.constant 0 : i32
      %dma_wait3A_782 = arith.constant 0 : i32
      %dma_wait3A_783 = arith.constant 0 : i32
      %dma_wait3A_784 = tpu.memref_slice %arg4[%add3A_262, %dma_wait3A_781, %add3A, %dma_wait3A_782, %dma_wait3A_783] : memref<200x4x32x8x128xf32, #tpu.memory_space<hbm>> -> memref<1x4x1x8x128xf32, #tpu.memory_space<hbm>>
      %dma_wait3A_785 = tpu.memref_squeeze %dma_wait3A_784 : memref<1x4x1x8x128xf32, #tpu.memory_space<hbm>> -> memref<4x8x128xf32, #tpu.memory_space<hbm>>
      %dma_wait3A_786 = tpu.memref_slice %arg9[%dma_wait3A_771] : memref<10x!tpu.dma_semaphore, #tpu.memory_space<semaphore_mem>> -> memref<1x!tpu.dma_semaphore, #tpu.memory_space<semaphore_mem>>
      %dma_wait3A_787 = tpu.memref_squeeze %dma_wait3A_786 : memref<1x!tpu.dma_semaphore, #tpu.memory_space<semaphore_mem>> -> memref<!tpu.dma_semaphore, #tpu.memory_space<semaphore_mem>>
      %dma_wait3A_788 = arith.constant 0 : i32
      %dma_wait3A_789 = arith.constant 0 : i32
      %dma_wait3A_790 = arith.constant 0 : i32
      %dma_wait3A_791 = tpu.memref_slice %arg4[%add3A_262, %dma_wait3A_788, %add3A, %dma_wait3A_789, %dma_wait3A_790] : memref<200x4x32x8x128xf32, #tpu.memory_space<hbm>> -> memref<1x4x1x8x128xf32, #tpu.memory_space<hbm>>
      %dma_wait3A_792 = tpu.memref_squeeze %dma_wait3A_791 : memref<1x4x1x8x128xf32, #tpu.memory_space<hbm>> -> memref<4x8x128xf32, #tpu.memory_space<hbm>>
      %dma_wait3A_793 = arith.constant 0 : i32
      %dma_wait3A_794 = arith.constant 0 : i32
      %dma_wait3A_795 = arith.constant 0 : i32
      %dma_wait3A_796 = tpu.memref_slice %arg7[%dma_wait3A_770, %dma_wait3A_793, %dma_wait3A_794, %dma_wait3A_795] : memref<10x4x8x133xf32, #tpu.memory_space<vmem>> -> memref<1x4x8x133xf32, #tpu.memory_space<vmem>>
      %dma_wait3A_797 = tpu.memref_squeeze %dma_wait3A_796 : memref<1x4x8x133xf32, #tpu.memory_space<vmem>> -> memref<4x8x133xf32, #tpu.memory_space<vmem>>
      %dma_wait3A_798 = arith.constant 0 : i32
      %dma_wait3A_799 = arith.constant 0 : i32
      %dma_wait3A_800 = arith.constant 0 : i32
      %dma_wait3A_801 = tpu.memref_slice %dma_wait3A_797[%dma_wait3A_798, %dma_wait3A_799, %dma_wait3A_800] : memref<4x8x133xf32, #tpu.memory_space<vmem>> -> memref<4x8x128xf32, #tpu.memory_space<vmem>>
      tpu.wait_dma2 semaphore(%dma_wait3A_787 : memref<!tpu.dma_semaphore, #tpu.memory_space<semaphore_mem>>) src(%dma_wait3A_801 : memref<4x8x128xf32, #tpu.memory_space<vmem>>) dst(%dma_wait3A_792 : memref<4x8x128xf32, #tpu.memory_space<hbm>>)
      %dma_wait3A_802 = arith.constant 2 : i32
      %dma_wait3A_803 = arith.constant 2 : i32
      %dma_wait3A_804 = arith.constant 0 : i32
      %dma_wait3A_805 = arith.constant 0 : i32
      %dma_wait3A_806 = arith.constant 0 : i32
      %dma_wait3A_807 = tpu.memref_slice %arg7[%dma_wait3A_802, %dma_wait3A_804, %dma_wait3A_805, %dma_wait3A_806] : memref<10x4x8x133xf32, #tpu.memory_space<vmem>> -> memref<1x4x8x133xf32, #tpu.memory_space<vmem>>
      %dma_wait3A_808 = tpu.memref_squeeze %dma_wait3A_807 : memref<1x4x8x133xf32, #tpu.memory_space<vmem>> -> memref<4x8x133xf32, #tpu.memory_space<vmem>>
      %dma_wait3A_809 = arith.constant 0 : i32
      %dma_wait3A_810 = arith.constant 0 : i32
      %dma_wait3A_811 = arith.constant 0 : i32
      %dma_wait3A_812 = tpu.memref_slice %dma_wait3A_808[%dma_wait3A_809, %dma_wait3A_810, %dma_wait3A_811] : memref<4x8x133xf32, #tpu.memory_space<vmem>> -> memref<4x8x128xf32, #tpu.memory_space<vmem>>
      %dma_wait3A_813 = arith.constant 0 : i32
      %dma_wait3A_814 = arith.constant 0 : i32
      %dma_wait3A_815 = arith.constant 0 : i32
      %dma_wait3A_816 = tpu.memref_slice %arg4[%add3A_315, %dma_wait3A_813, %add3A, %dma_wait3A_814, %dma_wait3A_815] : memref<200x4x32x8x128xf32, #tpu.memory_space<hbm>> -> memref<1x4x1x8x128xf32, #tpu.memory_space<hbm>>
      %dma_wait3A_817 = tpu.memref_squeeze %dma_wait3A_816 : memref<1x4x1x8x128xf32, #tpu.memory_space<hbm>> -> memref<4x8x128xf32, #tpu.memory_space<hbm>>
      %dma_wait3A_818 = tpu.memref_slice %arg9[%dma_wait3A_803] : memref<10x!tpu.dma_semaphore, #tpu.memory_space<semaphore_mem>> -> memref<1x!tpu.dma_semaphore, #tpu.memory_space<semaphore_mem>>
      %dma_wait3A_819 = tpu.memref_squeeze %dma_wait3A_818 : memref<1x!tpu.dma_semaphore, #tpu.memory_space<semaphore_mem>> -> memref<!tpu.dma_semaphore, #tpu.memory_space<semaphore_mem>>
      %dma_wait3A_820 = arith.constant 0 : i32
      %dma_wait3A_821 = arith.constant 0 : i32
      %dma_wait3A_822 = arith.constant 0 : i32
      %dma_wait3A_823 = tpu.memref_slice %arg4[%add3A_315, %dma_wait3A_820, %add3A, %dma_wait3A_821, %dma_wait3A_822] : memref<200x4x32x8x128xf32, #tpu.memory_space<hbm>> -> memref<1x4x1x8x128xf32, #tpu.memory_space<hbm>>
      %dma_wait3A_824 = tpu.memref_squeeze %dma_wait3A_823 : memref<1x4x1x8x128xf32, #tpu.memory_space<hbm>> -> memref<4x8x128xf32, #tpu.memory_space<hbm>>
      %dma_wait3A_825 = arith.constant 0 : i32
      %dma_wait3A_826 = arith.constant 0 : i32
      %dma_wait3A_827 = arith.constant 0 : i32
      %dma_wait3A_828 = tpu.memref_slice %arg7[%dma_wait3A_802, %dma_wait3A_825, %dma_wait3A_826, %dma_wait3A_827] : memref<10x4x8x133xf32, #tpu.memory_space<vmem>> -> memref<1x4x8x133xf32, #tpu.memory_space<vmem>>
      %dma_wait3A_829 = tpu.memref_squeeze %dma_wait3A_828 : memref<1x4x8x133xf32, #tpu.memory_space<vmem>> -> memref<4x8x133xf32, #tpu.memory_space<vmem>>
      %dma_wait3A_830 = arith.constant 0 : i32
      %dma_wait3A_831 = arith.constant 0 : i32
      %dma_wait3A_832 = arith.constant 0 : i32
      %dma_wait3A_833 = tpu.memref_slice %dma_wait3A_829[%dma_wait3A_830, %dma_wait3A_831, %dma_wait3A_832] : memref<4x8x133xf32, #tpu.memory_space<vmem>> -> memref<4x8x128xf32, #tpu.memory_space<vmem>>
      tpu.wait_dma2 semaphore(%dma_wait3A_819 : memref<!tpu.dma_semaphore, #tpu.memory_space<semaphore_mem>>) src(%dma_wait3A_833 : memref<4x8x128xf32, #tpu.memory_space<vmem>>) dst(%dma_wait3A_824 : memref<4x8x128xf32, #tpu.memory_space<hbm>>)
      %dma_wait3A_834 = arith.constant 3 : i32
      %dma_wait3A_835 = arith.constant 3 : i32
      %dma_wait3A_836 = arith.constant 0 : i32
      %dma_wait3A_837 = arith.constant 0 : i32
      %dma_wait3A_838 = arith.constant 0 : i32
      %dma_wait3A_839 = tpu.memref_slice %arg7[%dma_wait3A_834, %dma_wait3A_836, %dma_wait3A_837, %dma_wait3A_838] : memref<10x4x8x133xf32, #tpu.memory_space<vmem>> -> memref<1x4x8x133xf32, #tpu.memory_space<vmem>>
      %dma_wait3A_840 = tpu.memref_squeeze %dma_wait3A_839 : memref<1x4x8x133xf32, #tpu.memory_space<vmem>> -> memref<4x8x133xf32, #tpu.memory_space<vmem>>
      %dma_wait3A_841 = arith.constant 0 : i32
      %dma_wait3A_842 = arith.constant 0 : i32
      %dma_wait3A_843 = arith.constant 0 : i32
      %dma_wait3A_844 = tpu.memref_slice %dma_wait3A_840[%dma_wait3A_841, %dma_wait3A_842, %dma_wait3A_843] : memref<4x8x133xf32, #tpu.memory_space<vmem>> -> memref<4x8x128xf32, #tpu.memory_space<vmem>>
      %dma_wait3A_845 = arith.constant 0 : i32
      %dma_wait3A_846 = arith.constant 0 : i32
      %dma_wait3A_847 = arith.constant 0 : i32
      %dma_wait3A_848 = tpu.memref_slice %arg4[%add3A_368, %dma_wait3A_845, %add3A, %dma_wait3A_846, %dma_wait3A_847] : memref<200x4x32x8x128xf32, #tpu.memory_space<hbm>> -> memref<1x4x1x8x128xf32, #tpu.memory_space<hbm>>
      %dma_wait3A_849 = tpu.memref_squeeze %dma_wait3A_848 : memref<1x4x1x8x128xf32, #tpu.memory_space<hbm>> -> memref<4x8x128xf32, #tpu.memory_space<hbm>>
      %dma_wait3A_850 = tpu.memref_slice %arg9[%dma_wait3A_835] : memref<10x!tpu.dma_semaphore, #tpu.memory_space<semaphore_mem>> -> memref<1x!tpu.dma_semaphore, #tpu.memory_space<semaphore_mem>>
      %dma_wait3A_851 = tpu.memref_squeeze %dma_wait3A_850 : memref<1x!tpu.dma_semaphore, #tpu.memory_space<semaphore_mem>> -> memref<!tpu.dma_semaphore, #tpu.memory_space<semaphore_mem>>
      %dma_wait3A_852 = arith.constant 0 : i32
      %dma_wait3A_853 = arith.constant 0 : i32
      %dma_wait3A_854 = arith.constant 0 : i32
      %dma_wait3A_855 = tpu.memref_slice %arg4[%add3A_368, %dma_wait3A_852, %add3A, %dma_wait3A_853, %dma_wait3A_854] : memref<200x4x32x8x128xf32, #tpu.memory_space<hbm>> -> memref<1x4x1x8x128xf32, #tpu.memory_space<hbm>>
      %dma_wait3A_856 = tpu.memref_squeeze %dma_wait3A_855 : memref<1x4x1x8x128xf32, #tpu.memory_space<hbm>> -> memref<4x8x128xf32, #tpu.memory_space<hbm>>
      %dma_wait3A_857 = arith.constant 0 : i32
      %dma_wait3A_858 = arith.constant 0 : i32
      %dma_wait3A_859 = arith.constant 0 : i32
      %dma_wait3A_860 = tpu.memref_slice %arg7[%dma_wait3A_834, %dma_wait3A_857, %dma_wait3A_858, %dma_wait3A_859] : memref<10x4x8x133xf32, #tpu.memory_space<vmem>> -> memref<1x4x8x133xf32, #tpu.memory_space<vmem>>
      %dma_wait3A_861 = tpu.memref_squeeze %dma_wait3A_860 : memref<1x4x8x133xf32, #tpu.memory_space<vmem>> -> memref<4x8x133xf32, #tpu.memory_space<vmem>>
      %dma_wait3A_862 = arith.constant 0 : i32
      %dma_wait3A_863 = arith.constant 0 : i32
      %dma_wait3A_864 = arith.constant 0 : i32
      %dma_wait3A_865 = tpu.memref_slice %dma_wait3A_861[%dma_wait3A_862, %dma_wait3A_863, %dma_wait3A_864] : memref<4x8x133xf32, #tpu.memory_space<vmem>> -> memref<4x8x128xf32, #tpu.memory_space<vmem>>
      tpu.wait_dma2 semaphore(%dma_wait3A_851 : memref<!tpu.dma_semaphore, #tpu.memory_space<semaphore_mem>>) src(%dma_wait3A_865 : memref<4x8x128xf32, #tpu.memory_space<vmem>>) dst(%dma_wait3A_856 : memref<4x8x128xf32, #tpu.memory_space<hbm>>)
      %dma_wait3A_866 = arith.constant 4 : i32
      %dma_wait3A_867 = arith.constant 4 : i32
      %dma_wait3A_868 = arith.constant 0 : i32
      %dma_wait3A_869 = arith.constant 0 : i32
      %dma_wait3A_870 = arith.constant 0 : i32
      %dma_wait3A_871 = tpu.memref_slice %arg7[%dma_wait3A_866, %dma_wait3A_868, %dma_wait3A_869, %dma_wait3A_870] : memref<10x4x8x133xf32, #tpu.memory_space<vmem>> -> memref<1x4x8x133xf32, #tpu.memory_space<vmem>>
      %dma_wait3A_872 = tpu.memref_squeeze %dma_wait3A_871 : memref<1x4x8x133xf32, #tpu.memory_space<vmem>> -> memref<4x8x133xf32, #tpu.memory_space<vmem>>
      %dma_wait3A_873 = arith.constant 0 : i32
      %dma_wait3A_874 = arith.constant 0 : i32
      %dma_wait3A_875 = arith.constant 0 : i32
      %dma_wait3A_876 = tpu.memref_slice %dma_wait3A_872[%dma_wait3A_873, %dma_wait3A_874, %dma_wait3A_875] : memref<4x8x133xf32, #tpu.memory_space<vmem>> -> memref<4x8x128xf32, #tpu.memory_space<vmem>>
      %dma_wait3A_877 = arith.constant 0 : i32
      %dma_wait3A_878 = arith.constant 0 : i32
      %dma_wait3A_879 = arith.constant 0 : i32
      %dma_wait3A_880 = tpu.memref_slice %arg4[%add3A_421, %dma_wait3A_877, %add3A, %dma_wait3A_878, %dma_wait3A_879] : memref<200x4x32x8x128xf32, #tpu.memory_space<hbm>> -> memref<1x4x1x8x128xf32, #tpu.memory_space<hbm>>
      %dma_wait3A_881 = tpu.memref_squeeze %dma_wait3A_880 : memref<1x4x1x8x128xf32, #tpu.memory_space<hbm>> -> memref<4x8x128xf32, #tpu.memory_space<hbm>>
      %dma_wait3A_882 = tpu.memref_slice %arg9[%dma_wait3A_867] : memref<10x!tpu.dma_semaphore, #tpu.memory_space<semaphore_mem>> -> memref<1x!tpu.dma_semaphore, #tpu.memory_space<semaphore_mem>>
      %dma_wait3A_883 = tpu.memref_squeeze %dma_wait3A_882 : memref<1x!tpu.dma_semaphore, #tpu.memory_space<semaphore_mem>> -> memref<!tpu.dma_semaphore, #tpu.memory_space<semaphore_mem>>
      %dma_wait3A_884 = arith.constant 0 : i32
      %dma_wait3A_885 = arith.constant 0 : i32
      %dma_wait3A_886 = arith.constant 0 : i32
      %dma_wait3A_887 = tpu.memref_slice %arg4[%add3A_421, %dma_wait3A_884, %add3A, %dma_wait3A_885, %dma_wait3A_886] : memref<200x4x32x8x128xf32, #tpu.memory_space<hbm>> -> memref<1x4x1x8x128xf32, #tpu.memory_space<hbm>>
      %dma_wait3A_888 = tpu.memref_squeeze %dma_wait3A_887 : memref<1x4x1x8x128xf32, #tpu.memory_space<hbm>> -> memref<4x8x128xf32, #tpu.memory_space<hbm>>
      %dma_wait3A_889 = arith.constant 0 : i32
      %dma_wait3A_890 = arith.constant 0 : i32
      %dma_wait3A_891 = arith.constant 0 : i32
      %dma_wait3A_892 = tpu.memref_slice %arg7[%dma_wait3A_866, %dma_wait3A_889, %dma_wait3A_890, %dma_wait3A_891] : memref<10x4x8x133xf32, #tpu.memory_space<vmem>> -> memref<1x4x8x133xf32, #tpu.memory_space<vmem>>
      %dma_wait3A_893 = tpu.memref_squeeze %dma_wait3A_892 : memref<1x4x8x133xf32, #tpu.memory_space<vmem>> -> memref<4x8x133xf32, #tpu.memory_space<vmem>>
      %dma_wait3A_894 = arith.constant 0 : i32
      %dma_wait3A_895 = arith.constant 0 : i32
      %dma_wait3A_896 = arith.constant 0 : i32
      %dma_wait3A_897 = tpu.memref_slice %dma_wait3A_893[%dma_wait3A_894, %dma_wait3A_895, %dma_wait3A_896] : memref<4x8x133xf32, #tpu.memory_space<vmem>> -> memref<4x8x128xf32, #tpu.memory_space<vmem>>
      tpu.wait_dma2 semaphore(%dma_wait3A_883 : memref<!tpu.dma_semaphore, #tpu.memory_space<semaphore_mem>>) src(%dma_wait3A_897 : memref<4x8x128xf32, #tpu.memory_space<vmem>>) dst(%dma_wait3A_888 : memref<4x8x128xf32, #tpu.memory_space<hbm>>)
      %dma_wait3A_898 = arith.constant 5 : i32
      %dma_wait3A_899 = arith.constant 5 : i32
      %dma_wait3A_900 = arith.constant 0 : i32
      %dma_wait3A_901 = arith.constant 0 : i32
      %dma_wait3A_902 = arith.constant 0 : i32
      %dma_wait3A_903 = tpu.memref_slice %arg7[%dma_wait3A_898, %dma_wait3A_900, %dma_wait3A_901, %dma_wait3A_902] : memref<10x4x8x133xf32, #tpu.memory_space<vmem>> -> memref<1x4x8x133xf32, #tpu.memory_space<vmem>>
      %dma_wait3A_904 = tpu.memref_squeeze %dma_wait3A_903 : memref<1x4x8x133xf32, #tpu.memory_space<vmem>> -> memref<4x8x133xf32, #tpu.memory_space<vmem>>
      %dma_wait3A_905 = arith.constant 0 : i32
      %dma_wait3A_906 = arith.constant 0 : i32
      %dma_wait3A_907 = arith.constant 0 : i32
      %dma_wait3A_908 = tpu.memref_slice %dma_wait3A_904[%dma_wait3A_905, %dma_wait3A_906, %dma_wait3A_907] : memref<4x8x133xf32, #tpu.memory_space<vmem>> -> memref<4x8x128xf32, #tpu.memory_space<vmem>>
      %dma_wait3A_909 = arith.constant 0 : i32
      %dma_wait3A_910 = arith.constant 0 : i32
      %dma_wait3A_911 = arith.constant 0 : i32
      %dma_wait3A_912 = tpu.memref_slice %arg4[%add3A_474, %dma_wait3A_909, %add3A, %dma_wait3A_910, %dma_wait3A_911] : memref<200x4x32x8x128xf32, #tpu.memory_space<hbm>> -> memref<1x4x1x8x128xf32, #tpu.memory_space<hbm>>
      %dma_wait3A_913 = tpu.memref_squeeze %dma_wait3A_912 : memref<1x4x1x8x128xf32, #tpu.memory_space<hbm>> -> memref<4x8x128xf32, #tpu.memory_space<hbm>>
      %dma_wait3A_914 = tpu.memref_slice %arg9[%dma_wait3A_899] : memref<10x!tpu.dma_semaphore, #tpu.memory_space<semaphore_mem>> -> memref<1x!tpu.dma_semaphore, #tpu.memory_space<semaphore_mem>>
      %dma_wait3A_915 = tpu.memref_squeeze %dma_wait3A_914 : memref<1x!tpu.dma_semaphore, #tpu.memory_space<semaphore_mem>> -> memref<!tpu.dma_semaphore, #tpu.memory_space<semaphore_mem>>
      %dma_wait3A_916 = arith.constant 0 : i32
      %dma_wait3A_917 = arith.constant 0 : i32
      %dma_wait3A_918 = arith.constant 0 : i32
      %dma_wait3A_919 = tpu.memref_slice %arg4[%add3A_474, %dma_wait3A_916, %add3A, %dma_wait3A_917, %dma_wait3A_918] : memref<200x4x32x8x128xf32, #tpu.memory_space<hbm>> -> memref<1x4x1x8x128xf32, #tpu.memory_space<hbm>>
      %dma_wait3A_920 = tpu.memref_squeeze %dma_wait3A_919 : memref<1x4x1x8x128xf32, #tpu.memory_space<hbm>> -> memref<4x8x128xf32, #tpu.memory_space<hbm>>
      %dma_wait3A_921 = arith.constant 0 : i32
      %dma_wait3A_922 = arith.constant 0 : i32
      %dma_wait3A_923 = arith.constant 0 : i32
      %dma_wait3A_924 = tpu.memref_slice %arg7[%dma_wait3A_898, %dma_wait3A_921, %dma_wait3A_922, %dma_wait3A_923] : memref<10x4x8x133xf32, #tpu.memory_space<vmem>> -> memref<1x4x8x133xf32, #tpu.memory_space<vmem>>
      %dma_wait3A_925 = tpu.memref_squeeze %dma_wait3A_924 : memref<1x4x8x133xf32, #tpu.memory_space<vmem>> -> memref<4x8x133xf32, #tpu.memory_space<vmem>>
      %dma_wait3A_926 = arith.constant 0 : i32
      %dma_wait3A_927 = arith.constant 0 : i32
      %dma_wait3A_928 = arith.constant 0 : i32
      %dma_wait3A_929 = tpu.memref_slice %dma_wait3A_925[%dma_wait3A_926, %dma_wait3A_927, %dma_wait3A_928] : memref<4x8x133xf32, #tpu.memory_space<vmem>> -> memref<4x8x128xf32, #tpu.memory_space<vmem>>
      tpu.wait_dma2 semaphore(%dma_wait3A_915 : memref<!tpu.dma_semaphore, #tpu.memory_space<semaphore_mem>>) src(%dma_wait3A_929 : memref<4x8x128xf32, #tpu.memory_space<vmem>>) dst(%dma_wait3A_920 : memref<4x8x128xf32, #tpu.memory_space<hbm>>)
      %dma_wait3A_930 = arith.constant 6 : i32
      %dma_wait3A_931 = arith.constant 6 : i32
      %dma_wait3A_932 = arith.constant 0 : i32
      %dma_wait3A_933 = arith.constant 0 : i32
      %dma_wait3A_934 = arith.constant 0 : i32
      %dma_wait3A_935 = tpu.memref_slice %arg7[%dma_wait3A_930, %dma_wait3A_932, %dma_wait3A_933, %dma_wait3A_934] : memref<10x4x8x133xf32, #tpu.memory_space<vmem>> -> memref<1x4x8x133xf32, #tpu.memory_space<vmem>>
      %dma_wait3A_936 = tpu.memref_squeeze %dma_wait3A_935 : memref<1x4x8x133xf32, #tpu.memory_space<vmem>> -> memref<4x8x133xf32, #tpu.memory_space<vmem>>
      %dma_wait3A_937 = arith.constant 0 : i32
      %dma_wait3A_938 = arith.constant 0 : i32
      %dma_wait3A_939 = arith.constant 0 : i32
      %dma_wait3A_940 = tpu.memref_slice %dma_wait3A_936[%dma_wait3A_937, %dma_wait3A_938, %dma_wait3A_939] : memref<4x8x133xf32, #tpu.memory_space<vmem>> -> memref<4x8x128xf32, #tpu.memory_space<vmem>>
      %dma_wait3A_941 = arith.constant 0 : i32
      %dma_wait3A_942 = arith.constant 0 : i32
      %dma_wait3A_943 = arith.constant 0 : i32
      %dma_wait3A_944 = tpu.memref_slice %arg4[%add3A_527, %dma_wait3A_941, %add3A, %dma_wait3A_942, %dma_wait3A_943] : memref<200x4x32x8x128xf32, #tpu.memory_space<hbm>> -> memref<1x4x1x8x128xf32, #tpu.memory_space<hbm>>
      %dma_wait3A_945 = tpu.memref_squeeze %dma_wait3A_944 : memref<1x4x1x8x128xf32, #tpu.memory_space<hbm>> -> memref<4x8x128xf32, #tpu.memory_space<hbm>>
      %dma_wait3A_946 = tpu.memref_slice %arg9[%dma_wait3A_931] : memref<10x!tpu.dma_semaphore, #tpu.memory_space<semaphore_mem>> -> memref<1x!tpu.dma_semaphore, #tpu.memory_space<semaphore_mem>>
      %dma_wait3A_947 = tpu.memref_squeeze %dma_wait3A_946 : memref<1x!tpu.dma_semaphore, #tpu.memory_space<semaphore_mem>> -> memref<!tpu.dma_semaphore, #tpu.memory_space<semaphore_mem>>
      %dma_wait3A_948 = arith.constant 0 : i32
      %dma_wait3A_949 = arith.constant 0 : i32
      %dma_wait3A_950 = arith.constant 0 : i32
      %dma_wait3A_951 = tpu.memref_slice %arg4[%add3A_527, %dma_wait3A_948, %add3A, %dma_wait3A_949, %dma_wait3A_950] : memref<200x4x32x8x128xf32, #tpu.memory_space<hbm>> -> memref<1x4x1x8x128xf32, #tpu.memory_space<hbm>>
      %dma_wait3A_952 = tpu.memref_squeeze %dma_wait3A_951 : memref<1x4x1x8x128xf32, #tpu.memory_space<hbm>> -> memref<4x8x128xf32, #tpu.memory_space<hbm>>
      %dma_wait3A_953 = arith.constant 0 : i32
      %dma_wait3A_954 = arith.constant 0 : i32
      %dma_wait3A_955 = arith.constant 0 : i32
      %dma_wait3A_956 = tpu.memref_slice %arg7[%dma_wait3A_930, %dma_wait3A_953, %dma_wait3A_954, %dma_wait3A_955] : memref<10x4x8x133xf32, #tpu.memory_space<vmem>> -> memref<1x4x8x133xf32, #tpu.memory_space<vmem>>
      %dma_wait3A_957 = tpu.memref_squeeze %dma_wait3A_956 : memref<1x4x8x133xf32, #tpu.memory_space<vmem>> -> memref<4x8x133xf32, #tpu.memory_space<vmem>>
      %dma_wait3A_958 = arith.constant 0 : i32
      %dma_wait3A_959 = arith.constant 0 : i32
      %dma_wait3A_960 = arith.constant 0 : i32
      %dma_wait3A_961 = tpu.memref_slice %dma_wait3A_957[%dma_wait3A_958, %dma_wait3A_959, %dma_wait3A_960] : memref<4x8x133xf32, #tpu.memory_space<vmem>> -> memref<4x8x128xf32, #tpu.memory_space<vmem>>
      tpu.wait_dma2 semaphore(%dma_wait3A_947 : memref<!tpu.dma_semaphore, #tpu.memory_space<semaphore_mem>>) src(%dma_wait3A_961 : memref<4x8x128xf32, #tpu.memory_space<vmem>>) dst(%dma_wait3A_952 : memref<4x8x128xf32, #tpu.memory_space<hbm>>)
      %dma_wait3A_962 = arith.constant 7 : i32
      %dma_wait3A_963 = arith.constant 7 : i32
      %dma_wait3A_964 = arith.constant 0 : i32
      %dma_wait3A_965 = arith.constant 0 : i32
      %dma_wait3A_966 = arith.constant 0 : i32
      %dma_wait3A_967 = tpu.memref_slice %arg7[%dma_wait3A_962, %dma_wait3A_964, %dma_wait3A_965, %dma_wait3A_966] : memref<10x4x8x133xf32, #tpu.memory_space<vmem>> -> memref<1x4x8x133xf32, #tpu.memory_space<vmem>>
      %dma_wait3A_968 = tpu.memref_squeeze %dma_wait3A_967 : memref<1x4x8x133xf32, #tpu.memory_space<vmem>> -> memref<4x8x133xf32, #tpu.memory_space<vmem>>
      %dma_wait3A_969 = arith.constant 0 : i32
      %dma_wait3A_970 = arith.constant 0 : i32
      %dma_wait3A_971 = arith.constant 0 : i32
      %dma_wait3A_972 = tpu.memref_slice %dma_wait3A_968[%dma_wait3A_969, %dma_wait3A_970, %dma_wait3A_971] : memref<4x8x133xf32, #tpu.memory_space<vmem>> -> memref<4x8x128xf32, #tpu.memory_space<vmem>>
      %dma_wait3A_973 = arith.constant 0 : i32
      %dma_wait3A_974 = arith.constant 0 : i32
      %dma_wait3A_975 = arith.constant 0 : i32
      %dma_wait3A_976 = tpu.memref_slice %arg4[%add3A_580, %dma_wait3A_973, %add3A, %dma_wait3A_974, %dma_wait3A_975] : memref<200x4x32x8x128xf32, #tpu.memory_space<hbm>> -> memref<1x4x1x8x128xf32, #tpu.memory_space<hbm>>
      %dma_wait3A_977 = tpu.memref_squeeze %dma_wait3A_976 : memref<1x4x1x8x128xf32, #tpu.memory_space<hbm>> -> memref<4x8x128xf32, #tpu.memory_space<hbm>>
      %dma_wait3A_978 = tpu.memref_slice %arg9[%dma_wait3A_963] : memref<10x!tpu.dma_semaphore, #tpu.memory_space<semaphore_mem>> -> memref<1x!tpu.dma_semaphore, #tpu.memory_space<semaphore_mem>>
      %dma_wait3A_979 = tpu.memref_squeeze %dma_wait3A_978 : memref<1x!tpu.dma_semaphore, #tpu.memory_space<semaphore_mem>> -> memref<!tpu.dma_semaphore, #tpu.memory_space<semaphore_mem>>
      %dma_wait3A_980 = arith.constant 0 : i32
      %dma_wait3A_981 = arith.constant 0 : i32
      %dma_wait3A_982 = arith.constant 0 : i32
      %dma_wait3A_983 = tpu.memref_slice %arg4[%add3A_580, %dma_wait3A_980, %add3A, %dma_wait3A_981, %dma_wait3A_982] : memref<200x4x32x8x128xf32, #tpu.memory_space<hbm>> -> memref<1x4x1x8x128xf32, #tpu.memory_space<hbm>>
      %dma_wait3A_984 = tpu.memref_squeeze %dma_wait3A_983 : memref<1x4x1x8x128xf32, #tpu.memory_space<hbm>> -> memref<4x8x128xf32, #tpu.memory_space<hbm>>
      %dma_wait3A_985 = arith.constant 0 : i32
      %dma_wait3A_986 = arith.constant 0 : i32
      %dma_wait3A_987 = arith.constant 0 : i32
      %dma_wait3A_988 = tpu.memref_slice %arg7[%dma_wait3A_962, %dma_wait3A_985, %dma_wait3A_986, %dma_wait3A_987] : memref<10x4x8x133xf32, #tpu.memory_space<vmem>> -> memref<1x4x8x133xf32, #tpu.memory_space<vmem>>
      %dma_wait3A_989 = tpu.memref_squeeze %dma_wait3A_988 : memref<1x4x8x133xf32, #tpu.memory_space<vmem>> -> memref<4x8x133xf32, #tpu.memory_space<vmem>>
      %dma_wait3A_990 = arith.constant 0 : i32
      %dma_wait3A_991 = arith.constant 0 : i32
      %dma_wait3A_992 = arith.constant 0 : i32
      %dma_wait3A_993 = tpu.memref_slice %dma_wait3A_989[%dma_wait3A_990, %dma_wait3A_991, %dma_wait3A_992] : memref<4x8x133xf32, #tpu.memory_space<vmem>> -> memref<4x8x128xf32, #tpu.memory_space<vmem>>
      tpu.wait_dma2 semaphore(%dma_wait3A_979 : memref<!tpu.dma_semaphore, #tpu.memory_space<semaphore_mem>>) src(%dma_wait3A_993 : memref<4x8x128xf32, #tpu.memory_space<vmem>>) dst(%dma_wait3A_984 : memref<4x8x128xf32, #tpu.memory_space<hbm>>)
      %dma_wait3A_994 = arith.constant 8 : i32
      %dma_wait3A_995 = arith.constant 8 : i32
      %dma_wait3A_996 = arith.constant 0 : i32
      %dma_wait3A_997 = arith.constant 0 : i32
      %dma_wait3A_998 = arith.constant 0 : i32
      %dma_wait3A_999 = tpu.memref_slice %arg7[%dma_wait3A_994, %dma_wait3A_996, %dma_wait3A_997, %dma_wait3A_998] : memref<10x4x8x133xf32, #tpu.memory_space<vmem>> -> memref<1x4x8x133xf32, #tpu.memory_space<vmem>>
      %dma_wait3A_1000 = tpu.memref_squeeze %dma_wait3A_999 : memref<1x4x8x133xf32, #tpu.memory_space<vmem>> -> memref<4x8x133xf32, #tpu.memory_space<vmem>>
      %dma_wait3A_1001 = arith.constant 0 : i32
      %dma_wait3A_1002 = arith.constant 0 : i32
      %dma_wait3A_1003 = arith.constant 0 : i32
      %dma_wait3A_1004 = tpu.memref_slice %dma_wait3A_1000[%dma_wait3A_1001, %dma_wait3A_1002, %dma_wait3A_1003] : memref<4x8x133xf32, #tpu.memory_space<vmem>> -> memref<4x8x128xf32, #tpu.memory_space<vmem>>
      %dma_wait3A_1005 = arith.constant 0 : i32
      %dma_wait3A_1006 = arith.constant 0 : i32
      %dma_wait3A_1007 = arith.constant 0 : i32
      %dma_wait3A_1008 = tpu.memref_slice %arg4[%add3A_633, %dma_wait3A_1005, %add3A, %dma_wait3A_1006, %dma_wait3A_1007] : memref<200x4x32x8x128xf32, #tpu.memory_space<hbm>> -> memref<1x4x1x8x128xf32, #tpu.memory_space<hbm>>
      %dma_wait3A_1009 = tpu.memref_squeeze %dma_wait3A_1008 : memref<1x4x1x8x128xf32, #tpu.memory_space<hbm>> -> memref<4x8x128xf32, #tpu.memory_space<hbm>>
      %dma_wait3A_1010 = tpu.memref_slice %arg9[%dma_wait3A_995] : memref<10x!tpu.dma_semaphore, #tpu.memory_space<semaphore_mem>> -> memref<1x!tpu.dma_semaphore, #tpu.memory_space<semaphore_mem>>
      %dma_wait3A_1011 = tpu.memref_squeeze %dma_wait3A_1010 : memref<1x!tpu.dma_semaphore, #tpu.memory_space<semaphore_mem>> -> memref<!tpu.dma_semaphore, #tpu.memory_space<semaphore_mem>>
      %dma_wait3A_1012 = arith.constant 0 : i32
      %dma_wait3A_1013 = arith.constant 0 : i32
      %dma_wait3A_1014 = arith.constant 0 : i32
      %dma_wait3A_1015 = tpu.memref_slice %arg4[%add3A_633, %dma_wait3A_1012, %add3A, %dma_wait3A_1013, %dma_wait3A_1014] : memref<200x4x32x8x128xf32, #tpu.memory_space<hbm>> -> memref<1x4x1x8x128xf32, #tpu.memory_space<hbm>>
      %dma_wait3A_1016 = tpu.memref_squeeze %dma_wait3A_1015 : memref<1x4x1x8x128xf32, #tpu.memory_space<hbm>> -> memref<4x8x128xf32, #tpu.memory_space<hbm>>
      %dma_wait3A_1017 = arith.constant 0 : i32
      %dma_wait3A_1018 = arith.constant 0 : i32
      %dma_wait3A_1019 = arith.constant 0 : i32
      %dma_wait3A_1020 = tpu.memref_slice %arg7[%dma_wait3A_994, %dma_wait3A_1017, %dma_wait3A_1018, %dma_wait3A_1019] : memref<10x4x8x133xf32, #tpu.memory_space<vmem>> -> memref<1x4x8x133xf32, #tpu.memory_space<vmem>>
      %dma_wait3A_1021 = tpu.memref_squeeze %dma_wait3A_1020 : memref<1x4x8x133xf32, #tpu.memory_space<vmem>> -> memref<4x8x133xf32, #tpu.memory_space<vmem>>
      %dma_wait3A_1022 = arith.constant 0 : i32
      %dma_wait3A_1023 = arith.constant 0 : i32
      %dma_wait3A_1024 = arith.constant 0 : i32
      %dma_wait3A_1025 = tpu.memref_slice %dma_wait3A_1021[%dma_wait3A_1022, %dma_wait3A_1023, %dma_wait3A_1024] : memref<4x8x133xf32, #tpu.memory_space<vmem>> -> memref<4x8x128xf32, #tpu.memory_space<vmem>>
      tpu.wait_dma2 semaphore(%dma_wait3A_1011 : memref<!tpu.dma_semaphore, #tpu.memory_space<semaphore_mem>>) src(%dma_wait3A_1025 : memref<4x8x128xf32, #tpu.memory_space<vmem>>) dst(%dma_wait3A_1016 : memref<4x8x128xf32, #tpu.memory_space<hbm>>)
      %dma_wait3A_1026 = arith.constant 9 : i32
      %dma_wait3A_1027 = arith.constant 9 : i32
      %dma_wait3A_1028 = arith.constant 0 : i32
      %dma_wait3A_1029 = arith.constant 0 : i32
      %dma_wait3A_1030 = arith.constant 0 : i32
      %dma_wait3A_1031 = tpu.memref_slice %arg7[%dma_wait3A_1026, %dma_wait3A_1028, %dma_wait3A_1029, %dma_wait3A_1030] : memref<10x4x8x133xf32, #tpu.memory_space<vmem>> -> memref<1x4x8x133xf32, #tpu.memory_space<vmem>>
      %dma_wait3A_1032 = tpu.memref_squeeze %dma_wait3A_1031 : memref<1x4x8x133xf32, #tpu.memory_space<vmem>> -> memref<4x8x133xf32, #tpu.memory_space<vmem>>
      %dma_wait3A_1033 = arith.constant 0 : i32
      %dma_wait3A_1034 = arith.constant 0 : i32
      %dma_wait3A_1035 = arith.constant 0 : i32
      %dma_wait3A_1036 = tpu.memref_slice %dma_wait3A_1032[%dma_wait3A_1033, %dma_wait3A_1034, %dma_wait3A_1035] : memref<4x8x133xf32, #tpu.memory_space<vmem>> -> memref<4x8x128xf32, #tpu.memory_space<vmem>>
      %dma_wait3A_1037 = arith.constant 0 : i32
      %dma_wait3A_1038 = arith.constant 0 : i32
      %dma_wait3A_1039 = arith.constant 0 : i32
      %dma_wait3A_1040 = tpu.memref_slice %arg4[%add3A_686, %dma_wait3A_1037, %add3A, %dma_wait3A_1038, %dma_wait3A_1039] : memref<200x4x32x8x128xf32, #tpu.memory_space<hbm>> -> memref<1x4x1x8x128xf32, #tpu.memory_space<hbm>>
      %dma_wait3A_1041 = tpu.memref_squeeze %dma_wait3A_1040 : memref<1x4x1x8x128xf32, #tpu.memory_space<hbm>> -> memref<4x8x128xf32, #tpu.memory_space<hbm>>
      %dma_wait3A_1042 = tpu.memref_slice %arg9[%dma_wait3A_1027] : memref<10x!tpu.dma_semaphore, #tpu.memory_space<semaphore_mem>> -> memref<1x!tpu.dma_semaphore, #tpu.memory_space<semaphore_mem>>
      %dma_wait3A_1043 = tpu.memref_squeeze %dma_wait3A_1042 : memref<1x!tpu.dma_semaphore, #tpu.memory_space<semaphore_mem>> -> memref<!tpu.dma_semaphore, #tpu.memory_space<semaphore_mem>>
      %dma_wait3A_1044 = arith.constant 0 : i32
      %dma_wait3A_1045 = arith.constant 0 : i32
      %dma_wait3A_1046 = arith.constant 0 : i32
      %dma_wait3A_1047 = tpu.memref_slice %arg4[%add3A_686, %dma_wait3A_1044, %add3A, %dma_wait3A_1045, %dma_wait3A_1046] : memref<200x4x32x8x128xf32, #tpu.memory_space<hbm>> -> memref<1x4x1x8x128xf32, #tpu.memory_space<hbm>>
      %dma_wait3A_1048 = tpu.memref_squeeze %dma_wait3A_1047 : memref<1x4x1x8x128xf32, #tpu.memory_space<hbm>> -> memref<4x8x128xf32, #tpu.memory_space<hbm>>
      %dma_wait3A_1049 = arith.constant 0 : i32
      %dma_wait3A_1050 = arith.constant 0 : i32
      %dma_wait3A_1051 = arith.constant 0 : i32
      %dma_wait3A_1052 = tpu.memref_slice %arg7[%dma_wait3A_1026, %dma_wait3A_1049, %dma_wait3A_1050, %dma_wait3A_1051] : memref<10x4x8x133xf32, #tpu.memory_space<vmem>> -> memref<1x4x8x133xf32, #tpu.memory_space<vmem>>
      %dma_wait3A_1053 = tpu.memref_squeeze %dma_wait3A_1052 : memref<1x4x8x133xf32, #tpu.memory_space<vmem>> -> memref<4x8x133xf32, #tpu.memory_space<vmem>>
      %dma_wait3A_1054 = arith.constant 0 : i32
      %dma_wait3A_1055 = arith.constant 0 : i32
      %dma_wait3A_1056 = arith.constant 0 : i32
      %dma_wait3A_1057 = tpu.memref_slice %dma_wait3A_1053[%dma_wait3A_1054, %dma_wait3A_1055, %dma_wait3A_1056] : memref<4x8x133xf32, #tpu.memory_space<vmem>> -> memref<4x8x128xf32, #tpu.memory_space<vmem>>
      tpu.wait_dma2 semaphore(%dma_wait3A_1043 : memref<!tpu.dma_semaphore, #tpu.memory_space<semaphore_mem>>) src(%dma_wait3A_1057 : memref<4x8x128xf32, #tpu.memory_space<vmem>>) dst(%dma_wait3A_1048 : memref<4x8x128xf32, #tpu.memory_space<hbm>>)
    }
    %scan3A_9 = arith.constant 20 : i32
    return
  }
}

</mosaic_0001>

<sc_bundles>
// kernel: kernel.3.cloned.1.call-start
scs
__scs_entry_jumppad:
0x0: {  	(pc) =	sbr.rel $0x88, $3  }
0x1: {  	(tag) =	ssettag $0x0;
	lr =	simm.s32 $0x1  }
0x2: {  	[smem:$0x3F9F] =	sst lr;
	_ =	strace $0xD0000000  }
0x3: {  	_ = 	snop  }
0x4: {  	_ = 	snop  }
0x5: {  	_ = 	snop  }
0x6: {  	_ = 	snop  }
0x7: {  	_ = 	snop  }
__scs_overlays_trampoline_lowered:
0x8: {  	[smem:$0x3FAE] =	sst s0  }
0x9: {  	[smem:$0x3FAF] =	sst s1  }
0xa: {  	[smem:$0x3FB0] =	sst s2  }
0xb: {  	[smem:$0x3FB1] =	sst s3  }
0xc: {  	[smem:$0x3FB2] =	sst s4  }
0xd: {  	[smem:$0x3FB3] =	sst s5  }
0xe: {  	[smem:$0x3FB4] =	sst s6  }
0xf: {  	[smem:$0x3FB5] =	sst s7  }
0x10: {  	[smem:$0x3FB6] =	sst s8  }
0x11: {  	[smem:$0x3FB7] =	sst s9;
	s0 =	simm.s32 @!p0 $0x0  }
0x12: {  	s1 =	sld [smem:$0x3F9D];
	s0 =	simm.s32 @p0 $0x1  }
0x13: {  	[smem:$0x3FB8] =	sst s0;
	s0 =	simm.s32 @!p1 $0x0  }
0x14: {  	s2 =	sld [smem:$0x3F9C];
	s0 =	simm.s32 @p1 $0x1  }
0x15: {  	[smem:$0x3FB9] =	sst s0;
	s0 =	simm.s32 @!p2 $0x0  }
0x16: {  	s3 =	sld [smem:$0x3FDB];
	s0 =	simm.s32 @p2 $0x1  }
0x17: {  	s4 =	simm.s32 $0x1BF5;
	[smem:$0x3FBB] =	sst s0  }
0x18: {  	s0 =	sld [smem:$0x3F9E];
	_ =	swait.ge [sflag:s4], $0x0  }
0x19: {  	s7 =	sld [smem:$0x3F9F]  }
0x1a: {  	s8 =	sadd.s32 $0xFFFFE003, lr  }
0x1b: {  	s9 =	sadd.s32 $0xFFFFFEF7, lr;
	s5 =	simm.s32 $0xFFFFFFFF;
	p2 =	slt.u32 s8, $0xFFFFF086  }
0x1c: {  	p1 =	slt.u32 s9, $0xF7A;
	s5 =	simm.s32 @!p2 $0x0  }
0x1d: {  	s5 =	simm.s32 @p1 $0x1;
	p0 =	seq.s32 s7, s2  }
0x1e: {  	s7 =	smul.u32 @!p0 $0xF7A, s2;
	p2 =	seq.s32 @!p0 s5, $0x0  }
0x1f: {  	s9 =	smul.u32 $0xF7A, s1;
	s8 =	simm.s32 @!p0 $0x1BF5;
	p2 =	por !p2, p0  }
0x20: {  	[sflag:s8] =	ssyncset.s32 @!p0 $0xFFFFF086;
	s6 =	sadd.s32 @!p0 s3, s7;
	s7 =	simm.s32 @!p0 $0x108  }
0x21: {  	s3 =	sadd.s32 s3, s9;
	s6 =	sadd.s32 @!p0 $0x88, s6;
	s7 =	simm.s32 @p2 $0x1082  }
0x22: {  	[simem:s7], [sflag:s8] =	dma.local @!p0 [hbm:s6], $0xF7A  }
0x23: {  	s9 =	sor.u32 $0xD0000000, s2;
	s6 =	simm.s32 $0x108;
	_ =	swait.ge @!p0 [sflag:s8], $0x0  }
0x24: {  	s3 =	sadd.s32 $0x88, s3;
	s6 =	simm.s32 @!p1 $0x1082;
	[sflag:s4] =	ssyncset.s32 $0xFFFFF086  }
0x25: {  	[simem:s6], [sflag:s4] =	dma.local [hbm:s3], $0xF7A  }
0x26: {  	[smem:$0x3F9F] =	sst s1;
	(tag) =	ssettag s2;
	_ =	strace s9  }
0x27: {  	s1 =	sld [smem:$0x3FAF]  }
0x28: {  	s2 =	sld [smem:$0x3FB0]  }
0x29: {  	s4 =	sld [smem:$0x3FB2]  }
0x2a: {  	p0 =	seq.s32 s5, $0x0;
	s5 =	sld [smem:$0x3FB3]  }
0x2b: {  	s6 =	sld [smem:$0x3FB4]  }
0x2c: {  	s7 =	sld [smem:$0x3FB5]  }
0x2d: {  	s3 =	simm.s32 $0x108;
	s8 =	sld [smem:$0x3FB6]  }
0x2e: {  	s3 =	simm.s32 @!p0 $0x1082;
	s9 =	sld [smem:$0x3FB7]  }
0x2f: {  	lr =	sadd.s32 s0, s3;
	s0 =	sld [smem:$0x3FAE]  }
0x30: {  	s3 =	sld [smem:$0x3FB1]  }
0x31: {  	[smem:$0x3FBA] =	sst s10  }
0x32: {  	s10 =	sld [smem:$0x3FB8];
	_ =	sdelay $0x3  }
0x33: {  	p0 =	seq.s32 s10, $0x1;
	s10 =	sld [smem:$0x3FBA];
	_ =	sdelay $0x3  }
0x34: {  	[smem:$0x3FBA] =	sst s10  }
0x35: {  	s10 =	sld [smem:$0x3FB9];
	_ =	sdelay $0x3  }
0x36: {  	p1 =	seq.s32 s10, $0x1;
	s10 =	sld [smem:$0x3FBA];
	_ =	sdelay $0x3  }
0x37: {  	[smem:$0x3FBA] =	sst s10  }
0x38: {  	s10 =	sld [smem:$0x3FBB]  }
0x39: {  	_ = 	snop;
	(pc) =	sbr.ind lr, $3  }
0x3a: {  	_ = 	snop  }
0x3b: {  	_ = 	snop  }
0x3c: {  	p2 =	seq.s32 s10, $0x1;
	s10 =	sld [smem:$0x3FBA]  }
0x3d: {  	_ =	shalt  }
0x3e: {  	_ =	shalt  }
0x3f: {  	_ =	shalt  }
0x40: {  	_ =	shalt  }
0x41: {  	_ =	shalt  }
0x42: {  	_ =	shalt  }
0x43: {  	_ =	shalt  }
0x44: {  	_ =	shalt  }
0x45: {  	_ =	shalt  }
0x46: {  	_ =	shalt  }
0x47: {  	_ =	shalt  }
0x48: {  	_ =	shalt  }
0x49: {  	_ =	shalt  }
0x4a: {  	_ =	shalt  }
0x4b: {  	_ =	shalt  }
0x4c: {  	_ =	shalt  }
0x4d: {  	_ =	shalt  }
0x4e: {  	_ =	shalt  }
0x4f: {  	_ =	shalt  }
0x50: {  	_ =	shalt  }
0x51: {  	_ =	shalt  }
0x52: {  	_ =	shalt  }
0x53: {  	_ =	shalt  }
0x54: {  	_ =	shalt  }
0x55: {  	_ =	shalt  }
0x56: {  	_ =	shalt  }
0x57: {  	_ =	shalt  }
0x58: {  	_ =	shalt  }
0x59: {  	_ =	shalt  }
0x5a: {  	_ =	shalt  }
0x5b: {  	_ =	shalt  }
0x5c: {  	_ =	shalt  }
0x5d: {  	_ =	shalt  }
0x5e: {  	_ =	shalt  }
0x5f: {  	_ =	shalt  }
0x60: {  	_ =	shalt  }
0x61: {  	_ =	shalt  }
0x62: {  	_ =	shalt  }
0x63: {  	_ =	shalt  }
0x64: {  	_ =	shalt  }
0x65: {  	_ =	shalt  }
0x66: {  	_ =	shalt  }
0x67: {  	_ =	shalt  }
0x68: {  	_ =	shalt  }
0x69: {  	_ =	shalt  }
0x6a: {  	_ =	shalt  }
0x6b: {  	_ =	shalt  }
0x6c: {  	_ =	shalt  }
0x6d: {  	_ =	shalt  }
0x6e: {  	_ =	shalt  }
0x6f: {  	_ =	shalt  }
0x70: {  	_ =	shalt  }
0x71: {  	_ =	shalt  }
0x72: {  	_ =	shalt  }
0x73: {  	_ =	shalt  }
0x74: {  	_ =	shalt  }
0x75: {  	_ =	shalt  }
0x76: {  	_ =	shalt  }
0x77: {  	_ =	shalt  }
0x78: {  	_ =	shalt  }
0x79: {  	_ =	shalt  }
0x7a: {  	_ =	shalt  }
0x7b: {  	_ =	shalt  }
0x7c: {  	_ =	shalt  }
0x7d: {  	_ =	shalt  }
0x7e: {  	_ =	shalt  }
0x7f: {  	_ =	shalt  }
0x80: {  	_ =	shalt  }
0x81: {  	_ =	shalt  }
0x82: {  	_ =	shalt  }
0x83: {  	_ =	shalt  }
0x84: {  	_ =	shalt  }
0x85: {  	_ =	shalt  }
0x86: {  	_ =	shalt  }
0x87: {  	_ =	shalt  }
.Lfunc_end0:
.L_simem_size_0:
called_computation_lowered:
.L_overlay_start_0:
0x88: {  	s2 =	sld [smem:$0x3FD9]  }
0x89: {  	s3 =	sld [smem:$0x3FFE];
	_ =	sdelay $0x1  }
0x8a: {  	s1 =	srdreg.scid  }
0x8b: {  	s0 =	sand.u32 $0x1, s1  }
0x8c: {  	s17 =	sshll.u32 s0, $0xA;
	s2 =	sadd.s32 s3, s2  }
0x8d: {  	s2 =	sadd.s32 s2, s17  }
0x8e: {  	[smem:$0x3FC6] =	sst s2  }
0x8f: {  	_ = 	snop  }
0x90: {  	s2 =	sld [smem:$0x3FC9]  }
0x91: {  	s18 =	sld [smem:$0x3FD0];
	(tm) =	ssettm $0x1  }
0x92: {  	s4 =	sld [smem:$0x3FFB];
	_ =	sdelay $0x3  }
0x93: {  	_ =	strace s4  }
0x94: {  	s4 =	sld [smem:$0x3FFC];
	_ =	sdelay $0x3  }
0x95: {  	_ =	strace s4  }
0x96: {  	s4 =	sld [smem:$0x3FFD];
	_ =	sdelay $0x3  }
0x97: {  	_ =	strace s4  }
0x98: {  	_ =	strace $0x8FFFFFFF  }
0x99: {  	s19 =	sld [smem:$0x3FDB];
	_ =	sdelay $0x1  }
0x9a: {  	s5 =	simm.s32 $_scs_section_size  }
0x9b: {  	s6 =	simm.s32 $_size__tile_overlayer_lowered;
	s7 =	simm.s32 $_tile_overlayer_lowered  }
0x9c: {  	s22 =	simm.s32 $0x1BFF;
	s21 =	sshll.u32 s7, $0x1;
	s4 =	sadd.s32 s5, s19  }
0x9d: {  	s8 =	simm.s32 $0x0;
	s20 =	sshll.u32 s6, $0x1;
	s6 =	sadd.s32 s21, s4  }
0x9e: {  	[timem:s8], [sflag:s22] =	dma.local [hbm:s6], s20  }
0x9f: {  	_ =	swait.ge [sflag:s22], s20  }
0xa0: {  	s5 =	ssub.s32 $0x0, s20;
	[sflag:s22] =	ssyncset.done $0x0  }
0xa1: {  	[sflag:s22] =	ssyncadd.s32 s5;
	_ =	sdelay $0x1  }
0xa2: {  	s23 =	simm.s32 $0x1B8B  }
0xa3: {  	_ =	swait.ge [sflag:s23], $0x1  }
0xa4: {  	[sflag:s23] =	ssyncset.done $0x0  }
0xa5: {  	s25 =	simm.s32 $0x1B8E;
	s24 =	sld [smem:$0x3FFE];
	[sflag:s23] =	ssyncadd.s32 $0xFFFFFFFF  }
0xa6: {  	s26 =	simm.s32 $execute0_lowered;
	[smem:$0x3FD2] =	sst s25  }
0xa7: {  	s6 =	sshll.u32 s26, $0x1;
	_ =	strace $0x80000046;
	[dreg:$0x1] =	wrdreg $0xFFFFFFFF  }
0xa8: {  	s28 =	simm.s32 $_size_execute0_lowered;
	s4 =	sadd.s32 s4, s6;
	[dreg:$0x0] =	wrdreg $0x0  }
0xa9: {  	s6 =	sshll.u32 s28, $0x1;
	[dreg:$0x2] =	wrdreg s4  }
0xaa: {  	[dreg:$0x3] =	wrdreg s6  }
0xab: {  	[dreg:$0x4] =	wrdreg $0xC0  }
0xac: {  	_ =	task [dreg:s8], $0x5FFFF  }
0xad: {  	[dreg:$0x1] =	wrdreg $0xFFFFFFFF  }
0xae: {  	[dreg:$0x0] =	wrdreg $0x60  }
0xaf: {  	[dreg:$0x2] =	wrdreg s2  }
0xb0: {  	[dreg:$0x3] =	wrdreg s24  }
0xb1: {  	[dreg:$0x4] =	wrdreg s18  }
0xb2: {  	[dreg:$0x5] =	wrdreg $0x9  }
0xb3: {  	_ =	task.clear_ibuf [dreg:s8], $0x6FFFF;
	_ =	strace $0x90000046  }
0xb4: {  	s29 =	simm.s32 $0x9;
	_ =	strace $0x80000048  }
0xb5: {  	_ =	swait.ge [sflag:s29], $0x1  }
0xb6: {  	[sflag:s29] =	ssyncadd.s32 $0xFFFFFFFF  }
0xb7: {  	_ =	strace $0x90000048  }
0xb8: {  	_ =	sfence  }
0xb9: {  	s30 =	sld [smem:$0x0];
	_ =	sdelay $0x2  }
0xba: {  	s31 =	sshll.u32 s1, $0xD;
	s1 =	sshrl.u32 s1, $0x2  }
0xbb: {  	s3 =	sand.u32 $0x4000, s31;
	s1 =	sadd.s32 s1, s30  }
0xbc: {  	s0 =	sor.u32 s3, s0;
	s1 =	sshll.u32 s1, $0x11  }
0xbd: {  	s0 =	sor.u32 s1, s0  }
0xbe: {  	s0 =	sadd.s32 $0x8F2B, s0  }
0xbf: {  	[sflag:s0] =	ssyncadd.remote.s32 $0x1  }
0xc0: {  	_ =	sfence.sel $0xFFFF  }
0xc1: {  	[dreg:$0x0] =	wrdreg $0xFFFFFFFF;
	(pc) =	sbr.abs _section_cstart, $3  }
0xc2: {  	[dreg:$0x1] =	wrdreg $0xFFFFFFFF  }
0xc3: {  	_ =	task.clear_ibuf [dreg:s8], $0x2FFFF;
	_ =	strace $0x9FFFFFFF  }
0xc4: {  	(tm) =	ssettm $0x7FFFFFFF  }
0xc5: {  	_ =	shalt  }
tec
execute0_lowered:
.L_overlay_start_1:
0x0: {  	(tag) =	ssettag $0x1  }
0x1: {  	s0 =	rddreg [dreg:$0x0]  }
0x2: {  	s2 =	rddreg [dreg:$0x1]  }
0x3: {  	s1 =	rddreg [dreg:$0x2];
	s3 =	simm.s32 $0x0;
	s4 =	srdreg.scid  }
0x4: {  	s5 =	stileid.u32;
	s11 =	simm.s32 $0x80;
	s23 =	simm.s32 $0x10400  }
0x5: {  	s17 =	simm.s32 $0x12600;
	s9 =	simm.s32 $0x13700;
	s28 =	simm.s32 $0x14800  }
0x6: {  	s29 =	simm.s32 $0x15900;
	s10 =	simm.s32 $0x16A00;
	s24 =	simm.s32 $0x17B00;
	v0 =	vlaneseq.u32  }
0x7: {  	s15 =	simm.s32 $0x18C00;
	s31 =	simm.s32 $0x19D00;
	v1 =	vimm.s32 $0x0;
	vm0 =	vcmask $0x300;
	s4 =	sand.u32 $0x1, s4;
	v0 =	vmul.u32 $0x88, v0  }
0x8: {  	s5 =	sshll.u32 s5, $0xB;
	v1 =	vsel vm0, $0x3, v1;
	s6 =	ssub.s32 $0x2, s4;
	s4 =	sshll.u32 s4, $0xA  }
0x9: {  	s16 =	simm.s32 $0x13;
	s8 =	simm.s32 $0x14;
	s4 =	sor.u32 s4, s5;
	v2 =	vadd.s32 $0x880, v0;
	v3 =	vor.u32 $0x1, v0;
	v4 =	vadd.s32 $0x881, v0  }
0xa: {  	[smem:$0x7FF] =	sst s3;
	s7 =	sshrl.u32 s6, $0x1;
	v5 =	vor.u32 $0x2, v0;
	v6 =	vadd.s32 $0x882, v0;
	v7 =	vor.u32 $0x3, v0;
	s26 =	sshrl.u32 s4, $0x3  }
0xb: {  	_ =	strace $0x80000047;
	v8 =	vadd.s32 $0x883, v0;
	v9 =	vor.u32 $0x4, v0;
	v10 =	vadd.s32 $0x884, v0;
	s25 =	ssub.s32 s6, s7;
	s0 =	sadd.s32 s0, s26  }
0xc: {  	s5 =	sadd.s32 $0x400, s2;
	v11 =	vor.u32 $0x5, v0;
	v12 =	vadd.s32 $0x885, v0;
	v13 =	vor.u32 $0x6, v0;
	s30 =	smax.u32 s25, $0x1;
	[dreg:$0x4] =	wrdreg s0  }
0xd: {  	s2 =	simm.s32 $0x11500;
	v14 =	vadd.s32 $0x886, v0;
	v15 =	vor.u32 $0x7, v0;
	v16 =	vadd.s32 $0x887, v0;
	s6 =	simm.s32 $0x0;
	[dreg:$0x5] =	wrdreg s30  }
.LBB2_1:
0xe: {  	[dreg:$0x6] =	wrdreg s6  }
0xf: {  	s0 =	rddreg [dreg:$0x4]  }
0x10: {  	s26 =	simm.s32 $0x400;
	s7 =	simm.s32 $0x8000;
	s30 =	simm.s32 $0x15  }
0x11: {  	[tilespmem:s3], [sflag:$0x15] =	stream.strided.gather [hbm4b:s0+s26], $0x6400, s7, s26, $0x38;
	[tilespmem:$0x1AE00] =	vst v63  }
0x12: {  	_ =	swait.ge [sflag:s30], $0x6400  }
0x13: {  	[sflag:s30] =	ssyncset.done $0x0  }
0x14: {  	s26 =	simm.s32 $0x0;
	[sflag:s30] =	ssyncadd.s32 $0xFFFF9C00  }
.LBB2_2:
0x15: {  	s6 =	smul.u32 $0x1400, s26;
	_ =	sdelay $0x1  }
0x16: {  	s7 =	sshll.u32 s26, $0x8;
	s6 =	sand.u32 $0x3F000, s6  }
0x17: {  	s18 =	sand.u32 $0x300, s7;
	s12 =	sshrl.u32 s6, $0x2  }
0x18: {  	s22 =	smul.u32 $0xA, s26;
	s0 =	simm.s32 $0x6400;
	s6 =	sor.u32 s18, s12  }
0x19: {  	[tilespmem:s0], [sflag:$0x1] =	stream.indirect.gather [hbm4b:s5+s11], $0x20, s6, s11, $0xb8;
	[tilespmem:$0x1AE00] =	vst v63  }
0x1a: {  	s6 =	sor.u32 $0x1, s22  }
0x1b: {  	s21 =	sshll.u32 s6, $0x7  }
0x1c: {  	s25 =	simm.s32 $0x7400;
	s20 =	sadd.s32 $0x2, s22;
	s7 =	sand.u32 $0x380, s21  }
0x1d: {  	s19 =	sadd.s32 $0x3, s22;
	s0 =	sshll.u32 s20, $0x7;
	s7 =	sor.u32 s7, s12  }
0x1e: {  	[tilespmem:s25], [sflag:$0x2] =	stream.indirect.gather [hbm4b:s5+s11], $0x20, s7, s11, $0xb8;
	[tilespmem:$0x1AE00] =	vst v63  }
0x1f: {  	s13 =	sshll.u32 s19, $0x7;
	s12 =	simm.s32 $0x8400;
	s7 =	sand.u32 $0x1FF00, s0  }
0x20: {  	[tilespmem:s12], [sflag:$0x3] =	stream.indirect.gather [hbm4b:s5+s11], $0x20, s7, s11, $0xb8;
	[tilespmem:$0x1AE00] =	vst v63  }
0x21: {  	s14 =	simm.s32 $0x9400;
	s30 =	sadd.s32 $0x4, s22;
	s7 =	sand.u32 $0x1FF80, s13  }
0x22: {  	[tilespmem:s14], [sflag:$0x4] =	stream.indirect.gather [hbm4b:s5+s11], $0x20, s7, s11, $0xb8;
	[tilespmem:$0x1AE00] =	vst v63  }
0x23: {  	s21 =	sshll.u32 s30, $0x7;
	s14 =	sadd.s32 $0x5, s22  }
0x24: {  	s25 =	simm.s32 $0xA400;
	s7 =	sand.u32 $0x1FF00, s21;
	s12 =	sshll.u32 s14, $0x7  }
0x25: {  	[tilespmem:s25], [sflag:$0x5] =	stream.indirect.gather [hbm4b:s5+s11], $0x20, s7, s11, $0xb8;
	[tilespmem:$0x1AE00] =	vst v63  }
0x26: {  	s13 =	simm.s32 $0xB400;
	s7 =	sand.u32 $0x1FF80, s12  }
0x27: {  	[tilespmem:s13], [sflag:$0x6] =	stream.indirect.gather [hbm4b:s5+s11], $0x20, s7, s11, $0xb8;
	[tilespmem:$0x1AE00] =	vst v63  }
0x28: {  	s13 =	sadd.s32 $0x6, s22  }
0x29: {  	s21 =	sshll.u32 s13, $0x7  }
0x2a: {  	s25 =	simm.s32 $0xC400;
	s7 =	sand.u32 $0x1FF00, s21;
	s21 =	sadd.s32 $0x7, s22  }
0x2b: {  	[tilespmem:s25], [sflag:$0x7] =	stream.indirect.gather [hbm4b:s5+s11], $0x20, s7, s11, $0xb8;
	[tilespmem:$0x1AE00] =	vst v63  }
0x2c: {  	s12 =	sshll.u32 s21, $0x7  }
0x2d: {  	s25 =	simm.s32 $0xD400;
	s7 =	sand.u32 $0x1FF80, s12  }
0x2e: {  	[tilespmem:s25], [sflag:$0x8] =	stream.indirect.gather [hbm4b:s5+s11], $0x20, s7, s11, $0xb8;
	[tilespmem:$0x1AE00] =	vst v63  }
0x2f: {  	s7 =	sadd.s32 $0x8, s22  }
0x30: {  	s0 =	sshll.u32 s7, $0x7  }
0x31: {  	s12 =	sand.u32 $0x1FC00, s0  }
0x32: {  	s25 =	simm.s32 $0xE400;
	s12 =	sor.u32 s18, s12  }
0x33: {  	[tilespmem:s25], [sflag:$0x9] =	stream.indirect.gather [hbm4b:s5+s11], $0x20, s12, s11, $0xb8;
	[tilespmem:$0x1AE00] =	vst v63  }
0x34: {  	s25 =	sadd.s32 $0x9, s22  }
0x35: {  	s0 =	simm.s32 $0x0;
	s18 =	sshll.u32 s25, $0x7  }
0x36: {  	s22 =	simm.s32 $0xF400;
	s12 =	sand.u32 $0x1FF80, s18;
	s18 =	simm.s32 $0x7  }
0x37: {  	v18 =	vmov s0;
	[tilespmem:s22], [sflag:$0xA] =	stream.indirect.gather [hbm4b:s5+s11], $0x20, s12, s11, $0xb8;
	[tilespmem:$0x1AE00] =	vst v63  }
0x38: {  	v18 =	vshrl.u32 v18, $0x3;
	v17 =	vmov s18;
	s18 =	simm.s32 $0x1  }
0x39: {  	v18 =	vshll.u32 v18, v1;
	v17 =	vshrl.u32 v17, $0x3;
	_ =	swait.ge [sflag:s18], $0x1000  }
0x3a: {  	v18 =	vbroadcast v18, $0x0;
	s22 =	simm.s32 $0x1;
	v17 =	vshll.u32 v17, v1;
	[sflag:s18] =	ssyncset.done $0x0  }
0x3b: {  	v19 =	vmov s22;
	v17 =	vbroadcast v17, $0x0;
	[sflag:s18] =	ssyncadd.s32 $0xFFFFF000;
	s18 =	simm.s32 $0x6480  }
0x3c: {  	s22 =	simm.s32 $0x2;
	v25 =	vadd.s32 v0, v18;
	v19 =	vshrl.u32 v19, $0x3;
	v24 =	vld [tilespmem:s18+$0xFFFFFF80]  }
0x3d: {  	v22 =	vmov s22;
	v19 =	vshll.u32 v19, v1;
	v20 =	vld [tilespmem:s18+$0x60];
	v21 =	vadd.s32 v15, v17  }
0x3e: {  	s0 =	simm.s32 $0x3;
	v18 =	vadd.s32 v2, v18;
	v22 =	vshrl.u32 v22, $0x3;
	v19 =	vbroadcast v19, $0x0;
	v26 =	vld [tilespmem:s18+$0xFFFFFF90]  }
0x3f: {  	v27 =	vmov s0;
	v23 =	vld [tilespmem:s18+$0x70];
	v22 =	vshll.u32 v22, v1;
	v17 =	vadd.s32 v16, v17  }
0x40: {  	v27 =	vshrl.u32 v27, $0x3;
	s22 =	simm.s32 $0x4;
	v28 =	vld [tilespmem:s18+$0xFFFFFFA0];
	v22 =	vbroadcast v22, $0x0;
	v29 =	vadd.s32 v3, v19  }
0x41: {  	v30 =	vld [tilespmem:s18+$0xFFFFFFB0];
	v31 =	vadd.s32 v4, v19;
	v19 =	vshll.u32 v27, v1;
	v27 =	vmov s22;
	[tilespmem:v25+s23+$0x0] =	vst.idx.msk $0xffff, v24  }
0x42: {  	s0 =	simm.s32 $0x5;
	v32 =	vld [tilespmem:s18+$0xFFFFFFC0];
	v33 =	vadd.s32 v5, v22;
	v34 =	vbroadcast v19, $0x0;
	v19 =	vshrl.u32 v27, $0x3;
	[tilespmem:v21+s23+$0x0] =	vst.idx.msk $0xffff, v20  }
0x43: {  	v19 =	vshll.u32 v19, v1;
	v25 =	vadd.s32 v6, v22;
	v22 =	vmov s0;
	v20 =	vld [tilespmem:s18+$0xFFFFFFD0];
	[tilespmem:v18+s23+$0x0] =	vst.idx.msk $0xffff, v26  }
0x44: {  	s22 =	simm.s32 $0x6;
	v35 =	vbroadcast v19, $0x0;
	v21 =	vadd.s32 v7, v34;
	v18 =	vshrl.u32 v22, $0x3;
	[tilespmem:v17+s23+$0x0] =	vst.idx.msk $0xffff, v23;
	v17 =	vld [tilespmem:s18+$0xFFFFFFE0]  }
0x45: {  	v19 =	vld [tilespmem:s18+$0xFFFFFFF0];
	v22 =	vmov s22;
	[tilespmem:v29+s23+$0x0] =	vst.idx.msk $0xffff, v28;
	v23 =	vadd.s32 v8, v34;
	v18 =	vshll.u32 v18, v1  }
0x46: {  	s0 =	simm.s32 $0xF;
	v24 =	vld [tilespmem:s18+$0x0];
	v26 =	vadd.s32 v9, v35;
	v29 =	vshrl.u32 v22, $0x3;
	[tilespmem:v31+s23+$0x0] =	vst.idx.msk $0xffff, v30;
	v27 =	vbroadcast v18, $0x0  }
0x47: {  	s12 =	simm.s32 $0x8;
	s22 =	simm.s32 $0x10;
	v28 =	vmov s0;
	v22 =	vadd.s32 v10, v35;
	[tilespmem:v33+s23+$0x0] =	vst.idx.msk $0xffff, v32;
	v18 =	vld [tilespmem:s18+$0x10];
	v29 =	vshll.u32 v29, v1  }
.LBB2_3:
0x48: {  	p0 =	slt.u32 s22, $0x78;
	v28 =	vshrl.u32 v28, $0x3;
	[tilespmem:v25+s23+$0x0] =	vst.idx.msk $0xffff, v20;
	v20 =	vld [tilespmem:s18+$0x20];
	v25 =	vadd.s32 v11, v27;
	v29 =	vbroadcast v29, $0x0  }
0x49: {  	v30 =	vmov s12;
	v28 =	vshll.u32 v28, v1;
	[tilespmem:v21+s23+$0x0] =	vst.idx.msk $0xffff, v17;
	v17 =	vld [tilespmem:s18+$0x30];
	v21 =	vadd.s32 v12, v27  }
0x4a: {  	s0 =	sadd.s32 $0x1, s12;
	v27 =	vshrl.u32 v30, $0x3;
	v28 =	vbroadcast v28, $0x0;
	[tilespmem:v23+s23+$0x0] =	vst.idx.msk $0xffff, v19;
	v19 =	vld [tilespmem:s18+$0x40];
	v23 =	vadd.s32 v13, v29  }
0x4b: {  	v30 =	vmov s0;
	v27 =	vshll.u32 v27, v1;
	[tilespmem:v26+s23+$0x0] =	vst.idx.msk $0xffff, v24;
	v24 =	vld [tilespmem:s18+$0x50];
	v26 =	vadd.s32 v14, v29;
	s18 =	sadd.s32 $0x100, s18  }
0x4c: {  	s0 =	sadd.s32 $0x2, s12;
	v27 =	vbroadcast v27, $0x0;
	v29 =	vshrl.u32 v30, $0x3;
	v30 =	vld [tilespmem:s18+$0x60];
	v31 =	vadd.s32 v15, v28;
	[tilespmem:v22+s23+$0x0] =	vst.idx.msk $0xffff, v18  }
0x4d: {  	v18 =	vshll.u32 v29, v1;
	v22 =	vmov s0;
	v28 =	vadd.s32 v16, v28;
	v29 =	vld [tilespmem:s18+$0x70];
	[tilespmem:v25+s23+$0x0] =	vst.idx.msk $0xffff, v20  }
0x4e: {  	s0 =	sadd.s32 $0x3, s12;
	v25 =	vadd.s32 v0, v27;
	v18 =	vbroadcast v18, $0x0;
	v22 =	vshrl.u32 v22, $0x3;
	v20 =	vld [tilespmem:s18+$0xFFFFFF80];
	[tilespmem:v21+s23+$0x0] =	vst.idx.msk $0xffff, v17  }
0x4f: {  	v21 =	vadd.s32 v2, v27;
	v22 =	vshll.u32 v22, v1;
	v27 =	vmov s0;
	v17 =	vld [tilespmem:s18+$0xFFFFFF90];
	[tilespmem:v23+s23+$0x0] =	vst.idx.msk $0xffff, v19  }
0x50: {  	s0 =	sadd.s32 $0x4, s12;
	v23 =	vadd.s32 v3, v18;
	v22 =	vbroadcast v22, $0x0;
	v27 =	vshrl.u32 v27, $0x3;
	v19 =	vld [tilespmem:s18+$0xFFFFFFA0];
	[tilespmem:v26+s23+$0x0] =	vst.idx.msk $0xffff, v24  }
0x51: {  	v18 =	vadd.s32 v4, v18;
	v26 =	vshll.u32 v27, v1;
	v27 =	vmov s0;
	v24 =	vld [tilespmem:s18+$0xFFFFFFB0];
	[tilespmem:v31+s23+$0x0] =	vst.idx.msk $0xffff, v30  }
0x52: {  	s0 =	sadd.s32 $0x5, s12;
	v31 =	vadd.s32 v5, v22;
	v26 =	vbroadcast v26, $0x0;
	v27 =	vshrl.u32 v27, $0x3;
	v30 =	vld [tilespmem:s18+$0xFFFFFFC0];
	[tilespmem:v28+s23+$0x0] =	vst.idx.msk $0xffff, v29  }
.Ltmp0:
0x53: {  	[tilespmem:v25+s23+$0x0] =	vst.idx.msk $0xffff, v20;
	v20 =	vld [tilespmem:s18+$0xFFFFFFD0];
	v25 =	vadd.s32 v6, v22;
	v22 =	vshll.u32 v27, v1;
	v27 =	vmov s0;
	(pc) =	sbr.rel @p0 .LBB2_3-.Ltmp0, $4  }
0x54: {  	s0 =	sadd.s32 $0x6, s12;
	s12 =	smov.u32 s22;
	[tilespmem:v21+s23+$0x0] =	vst.idx.msk $0xffff, v17;
	v17 =	vld [tilespmem:s18+$0xFFFFFFE0];
	v21 =	vadd.s32 v7, v26;
	v22 =	vbroadcast v22, $0x0;
	v27 =	vshrl.u32 v27, $0x3  }
0x55: {  	v28 =	vmov s0;
	[tilespmem:v23+s23+$0x0] =	vst.idx.msk $0xffff, v19;
	v19 =	vld [tilespmem:s18+$0xFFFFFFF0];
	v23 =	vadd.s32 v8, v26;
	v27 =	vshll.u32 v27, v1  }
0x56: {  	s0 =	sadd.s32 $0x7, s22;
	v29 =	vshrl.u32 v28, $0x3;
	[tilespmem:v18+s23+$0x0] =	vst.idx.msk $0xffff, v24;
	v24 =	vld [tilespmem:s18+$0x0];
	v26 =	vadd.s32 v9, v22;
	v27 =	vbroadcast v27, $0x0  }
0x57: {  	s22 =	sadd.s32 $0x8, s22;
	v28 =	vmov s0;
	v22 =	vadd.s32 v10, v22;
	v29 =	vshll.u32 v29, v1;
	[tilespmem:v31+s23+$0x0] =	vst.idx.msk $0xffff, v30;
	v18 =	vld [tilespmem:s18+$0x10]  }
0x58: {  	_ =	sdelay $0x3  }
0x59: {  	v28 =	vshrl.u32 v28, $0x3;
	[tilespmem:v25+s23+$0x0] =	vst.idx.msk $0xffff, v20;
	v20 =	vld [tilespmem:s18+$0x20];
	v25 =	vadd.s32 v11, v27;
	v29 =	vbroadcast v29, $0x0  }
0x5a: {  	v30 =	vmov s12;
	v28 =	vshll.u32 v28, v1;
	[tilespmem:v21+s23+$0x0] =	vst.idx.msk $0xffff, v17;
	v17 =	vld [tilespmem:s18+$0x30];
	v21 =	vadd.s32 v12, v27  }
0x5b: {  	s0 =	sadd.s32 $0x1, s12;
	v27 =	vshrl.u32 v30, $0x3;
	v28 =	vbroadcast v28, $0x0;
	[tilespmem:v23+s23+$0x0] =	vst.idx.msk $0xffff, v19;
	v19 =	vld [tilespmem:s18+$0x40];
	v23 =	vadd.s32 v13, v29  }
0x5c: {  	v30 =	vmov s0;
	v27 =	vshll.u32 v27, v1;
	[tilespmem:v26+s23+$0x0] =	vst.idx.msk $0xffff, v24;
	v24 =	vld [tilespmem:s18+$0x50];
	v26 =	vadd.s32 v14, v29;
	s18 =	sadd.s32 $0x100, s18  }
0x5d: {  	s22 =	sadd.s32 $0x2, s12;
	v27 =	vbroadcast v27, $0x0;
	v29 =	vshrl.u32 v30, $0x3;
	v30 =	vld [tilespmem:s18+$0x60];
	v31 =	vadd.s32 v15, v28;
	[tilespmem:v22+s23+$0x0] =	vst.idx.msk $0xffff, v18  }
0x5e: {  	v18 =	vshll.u32 v29, v1;
	v22 =	vmov s22;
	v29 =	vld [tilespmem:s18+$0x70];
	v28 =	vadd.s32 v16, v28;
	[tilespmem:v25+s23+$0x0] =	vst.idx.msk $0xffff, v20  }
0x5f: {  	s22 =	sadd.s32 $0x3, s12;
	v20 =	vld [tilespmem:s18+$0xFFFFFF80];
	v25 =	vadd.s32 v0, v27;
	v18 =	vbroadcast v18, $0x0;
	v22 =	vshrl.u32 v22, $0x3;
	[tilespmem:v21+s23+$0x0] =	vst.idx.msk $0xffff, v17  }
0x60: {  	v17 =	vld [tilespmem:s18+$0xFFFFFF90];
	v21 =	vadd.s32 v2, v27;
	v22 =	vshll.u32 v22, v1;
	v27 =	vmov s22;
	[tilespmem:v23+s23+$0x0] =	vst.idx.msk $0xffff, v19  }
0x61: {  	s22 =	sadd.s32 $0x4, s12;
	v19 =	vld [tilespmem:s18+$0xFFFFFFA0];
	v23 =	vadd.s32 v3, v18;
	v22 =	vbroadcast v22, $0x0;
	v27 =	vshrl.u32 v27, $0x3;
	[tilespmem:v26+s23+$0x0] =	vst.idx.msk $0xffff, v24  }
0x62: {  	v18 =	vadd.s32 v4, v18;
	v24 =	vld [tilespmem:s18+$0xFFFFFFB0];
	v26 =	vshll.u32 v27, v1;
	v27 =	vmov s22;
	[tilespmem:v31+s23+$0x0] =	vst.idx.msk $0xffff, v30  }
0x63: {  	s22 =	sadd.s32 $0x5, s12;
	v30 =	vld [tilespmem:s18+$0xFFFFFFC0];
	v31 =	vadd.s32 v5, v22;
	v26 =	vbroadcast v26, $0x0;
	v27 =	vshrl.u32 v27, $0x3;
	[tilespmem:v28+s23+$0x0] =	vst.idx.msk $0xffff, v29  }
0x64: {  	v22 =	vadd.s32 v6, v22;
	[tilespmem:v25+s23+$0x0] =	vst.idx.msk $0xffff, v20;
	v20 =	vld [tilespmem:s18+$0xFFFFFFD0];
	v25 =	vshll.u32 v27, v1;
	v27 =	vmov s22  }
0x65: {  	s12 =	sadd.s32 $0x6, s12;
	[tilespmem:v21+s23+$0x0] =	vst.idx.msk $0xffff, v17;
	v17 =	vld [tilespmem:s18+$0xFFFFFFE0];
	v21 =	vadd.s32 v7, v26;
	v25 =	vbroadcast v25, $0x0;
	v27 =	vshrl.u32 v27, $0x3  }
0x66: {  	[tilespmem:v23+s23+$0x0] =	vst.idx.msk $0xffff, v19;
	v19 =	vld [tilespmem:s18+$0xFFFFFFF0];
	v23 =	vadd.s32 v8, v26;
	v26 =	vshll.u32 v27, v1;
	v27 =	vmov s12  }
0x67: {  	[tilespmem:v18+s23+$0x0] =	vst.idx.msk $0xffff, v24;
	v18 =	vld [tilespmem:s18+$0x0];
	v24 =	vadd.s32 v9, v25;
	v26 =	vbroadcast v26, $0x0;
	v27 =	vshrl.u32 v27, $0x3  }
0x68: {  	v28 =	vld [tilespmem:s18+$0x10];
	v25 =	vadd.s32 v10, v25;
	[tilespmem:v31+s23+$0x0] =	vst.idx.msk $0xffff, v30;
	v27 =	vshll.u32 v27, v1  }
0x69: {  	[tilespmem:v22+s23+$0x0] =	vst.idx.msk $0xffff, v20;
	v20 =	vld [tilespmem:s18+$0x20];
	v22 =	vadd.s32 v11, v26;
	v27 =	vbroadcast v27, $0x0  }
0x6a: {  	[tilespmem:v21+s23+$0x0] =	vst.idx.msk $0xffff, v17;
	v17 =	vld [tilespmem:s18+$0x30];
	v21 =	vadd.s32 v12, v26  }
0x6b: {  	[tilespmem:v23+s23+$0x0] =	vst.idx.msk $0xffff, v19;
	v19 =	vld [tilespmem:s18+$0x40];
	v23 =	vadd.s32 v13, v27  }
0x6c: {  	[tilespmem:v24+s23+$0x0] =	vst.idx.msk $0xffff, v18;
	v18 =	vld [tilespmem:s18+$0x50];
	v24 =	vadd.s32 v14, v27  }
0x6d: {  	s18 =	smul.u32 $0x140000, s26;
	[tilespmem:v25+s23+$0x0] =	vst.idx.msk $0xffff, v28  }
0x6e: {  	[tilespmem:v22+s23+$0x0] =	vst.idx.msk $0xffff, v20  }
0x6f: {  	s0 =	sor.u32 s4, s18;
	[tilespmem:v21+s23+$0x0] =	vst.idx.msk $0xffff, v17  }
0x70: {  	s0 =	sshrl.u32 s0, $0x3;
	[tilespmem:v23+s23+$0x0] =	vst.idx.msk $0xffff, v19  }
0x71: {  	s12 =	simm.s32 $0x0;
	s18 =	sadd.s32 s1, s0;
	[tilespmem:v24+s23+$0x0] =	vst.idx.msk $0xffff, v18  }
0x72: {  	[hbm4b:s18+s12] =	stream.linear.scatter [tilespmem:s23], [sflag:$0xB], $0x80, $0x38;
	[tilespmem:$0x1AE00] =	vst v63  }
0x73: {  	s22 =	simm.s32 $0x10488;
	s0 =	sadd.s32 $0x10, s18  }
0x74: {  	[hbm4b:s0+s12] =	stream.linear.scatter [tilespmem:s22], [sflag:$0xB], $0x80, $0x38;
	[tilespmem:$0x1AE00] =	vst v63  }
0x75: {  	s0 =	sadd.s32 $0x20, s18;
	s22 =	simm.s32 $0x10510  }
0x76: {  	[hbm4b:s0+s12] =	stream.linear.scatter [tilespmem:s22], [sflag:$0xB], $0x80, $0x38;
	[tilespmem:$0x1AE00] =	vst v63  }
0x77: {  	s0 =	sadd.s32 $0x30, s18;
	s22 =	simm.s32 $0x10598  }
0x78: {  	[hbm4b:s0+s12] =	stream.linear.scatter [tilespmem:s22], [sflag:$0xB], $0x80, $0x38;
	[tilespmem:$0x1AE00] =	vst v63  }
0x79: {  	s0 =	sadd.s32 $0x40, s18;
	s22 =	simm.s32 $0x10620  }
0x7a: {  	[hbm4b:s0+s12] =	stream.linear.scatter [tilespmem:s22], [sflag:$0xB], $0x80, $0x38;
	[tilespmem:$0x1AE00] =	vst v63  }
0x7b: {  	s0 =	sadd.s32 $0x50, s18;
	s22 =	simm.s32 $0x106A8  }
0x7c: {  	[hbm4b:s0+s12] =	stream.linear.scatter [tilespmem:s22], [sflag:$0xB], $0x80, $0x38;
	[tilespmem:$0x1AE00] =	vst v63  }
0x7d: {  	s0 =	sadd.s32 $0x60, s18;
	s22 =	simm.s32 $0x10730  }
0x7e: {  	[hbm4b:s0+s12] =	stream.linear.scatter [tilespmem:s22], [sflag:$0xB], $0x80, $0x38;
	[tilespmem:$0x1AE00] =	vst v63  }
0x7f: {  	s0 =	sadd.s32 $0x70, s18;
	s22 =	simm.s32 $0x107B8  }
0x80: {  	[hbm4b:s0+s12] =	stream.linear.scatter [tilespmem:s22], [sflag:$0xB], $0x80, $0x38;
	[tilespmem:$0x1AE00] =	vst v63  }
0x81: {  	s0 =	sadd.s32 $0x1000, s18;
	s22 =	simm.s32 $0x10840  }
0x82: {  	[hbm4b:s0+s12] =	stream.linear.scatter [tilespmem:s22], [sflag:$0xB], $0x80, $0x38;
	[tilespmem:$0x1AE00] =	vst v63  }
0x83: {  	s0 =	sadd.s32 $0x1010, s18;
	s22 =	simm.s32 $0x108C8  }
0x84: {  	[hbm4b:s0+s12] =	stream.linear.scatter [tilespmem:s22], [sflag:$0xB], $0x80, $0x38;
	[tilespmem:$0x1AE00] =	vst v63  }
0x85: {  	s0 =	sadd.s32 $0x1020, s18;
	s22 =	simm.s32 $0x10950  }
0x86: {  	[hbm4b:s0+s12] =	stream.linear.scatter [tilespmem:s22], [sflag:$0xB], $0x80, $0x38;
	[tilespmem:$0x1AE00] =	vst v63  }
0x87: {  	s0 =	sadd.s32 $0x1030, s18;
	s22 =	simm.s32 $0x109D8  }
0x88: {  	[hbm4b:s0+s12] =	stream.linear.scatter [tilespmem:s22], [sflag:$0xB], $0x80, $0x38;
	[tilespmem:$0x1AE00] =	vst v63  }
0x89: {  	s0 =	sadd.s32 $0x1040, s18;
	s22 =	simm.s32 $0x10A60  }
0x8a: {  	[hbm4b:s0+s12] =	stream.linear.scatter [tilespmem:s22], [sflag:$0xB], $0x80, $0x38;
	[tilespmem:$0x1AE00] =	vst v63  }
0x8b: {  	s0 =	sadd.s32 $0x1050, s18;
	s22 =	simm.s32 $0x10AE8  }
0x8c: {  	[hbm4b:s0+s12] =	stream.linear.scatter [tilespmem:s22], [sflag:$0xB], $0x80, $0x38;
	[tilespmem:$0x1AE00] =	vst v63  }
0x8d: {  	s0 =	sadd.s32 $0x1060, s18;
	s22 =	simm.s32 $0x10B70  }
0x8e: {  	[hbm4b:s0+s12] =	stream.linear.scatter [tilespmem:s22], [sflag:$0xB], $0x80, $0x38;
	[tilespmem:$0x1AE00] =	vst v63  }
0x8f: {  	s0 =	sadd.s32 $0x1070, s18;
	s22 =	simm.s32 $0x10BF8  }
0x90: {  	[hbm4b:s0+s12] =	stream.linear.scatter [tilespmem:s22], [sflag:$0xB], $0x80, $0x38;
	[tilespmem:$0x1AE00] =	vst v63  }
0x91: {  	s0 =	sadd.s32 $0x2000, s18;
	s22 =	simm.s32 $0x10C80  }
0x92: {  	[hbm4b:s0+s12] =	stream.linear.scatter [tilespmem:s22], [sflag:$0xB], $0x80, $0x38;
	[tilespmem:$0x1AE00] =	vst v63  }
0x93: {  	s0 =	sadd.s32 $0x2010, s18;
	s22 =	simm.s32 $0x10D08  }
0x94: {  	[hbm4b:s0+s12] =	stream.linear.scatter [tilespmem:s22], [sflag:$0xB], $0x80, $0x38;
	[tilespmem:$0x1AE00] =	vst v63  }
0x95: {  	s0 =	sadd.s32 $0x2020, s18;
	s22 =	simm.s32 $0x10D90  }
0x96: {  	[hbm4b:s0+s12] =	stream.linear.scatter [tilespmem:s22], [sflag:$0xB], $0x80, $0x38;
	[tilespmem:$0x1AE00] =	vst v63  }
0x97: {  	s0 =	sadd.s32 $0x2030, s18;
	s22 =	simm.s32 $0x10E18  }
0x98: {  	[hbm4b:s0+s12] =	stream.linear.scatter [tilespmem:s22], [sflag:$0xB], $0x80, $0x38;
	[tilespmem:$0x1AE00] =	vst v63  }
0x99: {  	s0 =	sadd.s32 $0x2040, s18;
	s22 =	simm.s32 $0x10EA0  }
0x9a: {  	[hbm4b:s0+s12] =	stream.linear.scatter [tilespmem:s22], [sflag:$0xB], $0x80, $0x38;
	[tilespmem:$0x1AE00] =	vst v63  }
0x9b: {  	s0 =	sadd.s32 $0x2050, s18;
	s22 =	simm.s32 $0x10F28  }
0x9c: {  	[hbm4b:s0+s12] =	stream.linear.scatter [tilespmem:s22], [sflag:$0xB], $0x80, $0x38;
	[tilespmem:$0x1AE00] =	vst v63  }
0x9d: {  	s0 =	sadd.s32 $0x2060, s18;
	s22 =	simm.s32 $0x10FB0  }
0x9e: {  	[hbm4b:s0+s12] =	stream.linear.scatter [tilespmem:s22], [sflag:$0xB], $0x80, $0x38;
	[tilespmem:$0x1AE00] =	vst v63  }
0x9f: {  	s0 =	sadd.s32 $0x2070, s18;
	s22 =	simm.s32 $0x11038  }
0xa0: {  	[hbm4b:s0+s12] =	stream.linear.scatter [tilespmem:s22], [sflag:$0xB], $0x80, $0x38;
	[tilespmem:$0x1AE00] =	vst v63  }
0xa1: {  	s0 =	sadd.s32 $0x3000, s18;
	s22 =	simm.s32 $0x110C0  }
0xa2: {  	[hbm4b:s0+s12] =	stream.linear.scatter [tilespmem:s22], [sflag:$0xB], $0x80, $0x38;
	[tilespmem:$0x1AE00] =	vst v63  }
0xa3: {  	s0 =	sadd.s32 $0x3010, s18;
	s22 =	simm.s32 $0x11148  }
0xa4: {  	[hbm4b:s0+s12] =	stream.linear.scatter [tilespmem:s22], [sflag:$0xB], $0x80, $0x38;
	[tilespmem:$0x1AE00] =	vst v63  }
0xa5: {  	s0 =	sadd.s32 $0x3020, s18;
	s22 =	simm.s32 $0x111D0  }
0xa6: {  	[hbm4b:s0+s12] =	stream.linear.scatter [tilespmem:s22], [sflag:$0xB], $0x80, $0x38;
	[tilespmem:$0x1AE00] =	vst v63  }
0xa7: {  	s0 =	sadd.s32 $0x3030, s18;
	s22 =	simm.s32 $0x11258  }
0xa8: {  	[hbm4b:s0+s12] =	stream.linear.scatter [tilespmem:s22], [sflag:$0xB], $0x80, $0x38;
	[tilespmem:$0x1AE00] =	vst v63  }
0xa9: {  	s0 =	sadd.s32 $0x3040, s18;
	s22 =	simm.s32 $0x112E0  }
0xaa: {  	[hbm4b:s0+s12] =	stream.linear.scatter [tilespmem:s22], [sflag:$0xB], $0x80, $0x38;
	[tilespmem:$0x1AE00] =	vst v63  }
0xab: {  	s0 =	sadd.s32 $0x3050, s18;
	s22 =	simm.s32 $0x11368  }
0xac: {  	[hbm4b:s0+s12] =	stream.linear.scatter [tilespmem:s22], [sflag:$0xB], $0x80, $0x38;
	[tilespmem:$0x1AE00] =	vst v63  }
0xad: {  	s0 =	sadd.s32 $0x3060, s18;
	s22 =	simm.s32 $0x113F0  }
0xae: {  	[hbm4b:s0+s12] =	stream.linear.scatter [tilespmem:s22], [sflag:$0xB], $0x80, $0x38;
	[tilespmem:$0x1AE00] =	vst v63  }
0xaf: {  	s22 =	simm.s32 $0x7  }
0xb0: {  	s18 =	sadd.s32 $0x3070, s18;
	s0 =	simm.s32 $0x2;
	v17 =	vmov s22;
	s22 =	simm.s32 $0x11478  }
0xb1: {  	v18 =	vmov s12;
	[hbm4b:s18+s12] =	stream.linear.scatter [tilespmem:s22], [sflag:$0xB], $0x80, $0x38;
	v17 =	vshrl.u32 v17, $0x3;
	[tilespmem:$0x1AE00] =	vst v63  }
0xb2: {  	v18 =	vshrl.u32 v18, $0x3;
	_ =	swait.ge [sflag:s0], $0x1000;
	v17 =	vshll.u32 v17, v1  }
0xb3: {  	v18 =	vshll.u32 v18, v1;
	s22 =	simm.s32 $0x1;
	[sflag:s0] =	ssyncset.done $0x0;
	v17 =	vbroadcast v17, $0x0  }
0xb4: {  	v18 =	vbroadcast v18, $0x0;
	s18 =	simm.s32 $0x74F0;
	s12 =	simm.s32 $0x2;
	v19 =	vmov s22;
	[sflag:s0] =	ssyncadd.s32 $0xFFFFF000  }
0xb5: {  	v22 =	vmov s12;
	v19 =	vshrl.u32 v19, $0x3;
	v20 =	vld [tilespmem:s18+$0xFFFFFFF0];
	v21 =	vadd.s32 v15, v17  }
0xb6: {  	v25 =	vadd.s32 v0, v18;
	v22 =	vshrl.u32 v22, $0x3;
	v19 =	vshll.u32 v19, v1;
	v24 =	vld [tilespmem:s18+$0xFFFFFF10]  }
0xb7: {  	s22 =	simm.s32 $0x3;
	v22 =	vshll.u32 v22, v1;
	v23 =	vld [tilespmem:s18+$0x0];
	v17 =	vadd.s32 v16, v17;
	v19 =	vbroadcast v19, $0x0  }
0xb8: {  	v18 =	vadd.s32 v2, v18;
	v27 =	vmov s22;
	v26 =	vld [tilespmem:s18+$0xFFFFFF20];
	v22 =	vbroadcast v22, $0x0  }
0xb9: {  	s12 =	simm.s32 $0x4;
	v27 =	vshrl.u32 v27, $0x3;
	v28 =	vld [tilespmem:s18+$0xFFFFFF30];
	v29 =	vadd.s32 v3, v19;
	v31 =	vadd.s32 v4, v19  }
0xba: {  	v32 =	vld [tilespmem:s18+$0xFFFFFF50];
	v19 =	vshll.u32 v27, v1;
	v27 =	vmov s12;
	v33 =	vadd.s32 v5, v22;
	[tilespmem:v21+s2+$0x0] =	vst.idx.msk $0xffff, v20  }
0xbb: {  	s22 =	simm.s32 $0x5;
	v30 =	vld [tilespmem:s18+$0xFFFFFF40];
	v34 =	vbroadcast v19, $0x0;
	v19 =	vshrl.u32 v27, $0x3;
	[tilespmem:v25+s2+$0x0] =	vst.idx.msk $0xffff, v24  }
0xbc: {  	v19 =	vshll.u32 v19, v1;
	v20 =	vld [tilespmem:s18+$0xFFFFFF60];
	v25 =	vadd.s32 v6, v22;
	v22 =	vmov s22;
	[tilespmem:v17+s2+$0x0] =	vst.idx.msk $0xffff, v23  }
0xbd: {  	s12 =	simm.s32 $0x6;
	v21 =	vadd.s32 v7, v34;
	v35 =	vbroadcast v19, $0x0;
	[tilespmem:v18+s2+$0x0] =	vst.idx.msk $0xffff, v26;
	v17 =	vld [tilespmem:s18+$0xFFFFFF70];
	v18 =	vshrl.u32 v22, $0x3  }
0xbe: {  	v19 =	vld [tilespmem:s18+$0xFFFFFF80];
	v23 =	vadd.s32 v8, v34;
	v22 =	vmov s12;
	[tilespmem:v29+s2+$0x0] =	vst.idx.msk $0xffff, v28;
	v18 =	vshll.u32 v18, v1  }
0xbf: {  	s22 =	simm.s32 $0xF;
	v24 =	vld [tilespmem:s18+$0xFFFFFF90];
	v26 =	vadd.s32 v9, v35;
	v29 =	vshrl.u32 v22, $0x3;
	[tilespmem:v33+s2+$0x0] =	vst.idx.msk $0xffff, v32;
	v27 =	vbroadcast v18, $0x0  }
0xc0: {  	s12 =	simm.s32 $0x8;
	v28 =	vmov s22;
	s22 =	simm.s32 $0x10;
	v22 =	vadd.s32 v10, v35;
	[tilespmem:v31+s2+$0x0] =	vst.idx.msk $0xffff, v30;
	v18 =	vld [tilespmem:s18+$0xFFFFFFA0];
	v29 =	vshll.u32 v29, v1  }
.LBB2_5:
0xc1: {  	p0 =	slt.u32 s22, $0x78;
	v28 =	vshrl.u32 v28, $0x3;
	[tilespmem:v25+s2+$0x0] =	vst.idx.msk $0xffff, v20;
	v20 =	vld [tilespmem:s18+$0xFFFFFFB0];
	v25 =	vadd.s32 v11, v27;
	v29 =	vbroadcast v29, $0x0  }
0xc2: {  	v30 =	vmov s12;
	v28 =	vshll.u32 v28, v1;
	[tilespmem:v21+s2+$0x0] =	vst.idx.msk $0xffff, v17;
	v17 =	vld [tilespmem:s18+$0xFFFFFFC0];
	v21 =	vadd.s32 v12, v27  }
0xc3: {  	s0 =	sadd.s32 $0x1, s12;
	v27 =	vshrl.u32 v30, $0x3;
	v28 =	vbroadcast v28, $0x0;
	[tilespmem:v23+s2+$0x0] =	vst.idx.msk $0xffff, v19;
	v19 =	vld [tilespmem:s18+$0xFFFFFFD0];
	v23 =	vadd.s32 v13, v29  }
0xc4: {  	v30 =	vmov s0;
	v27 =	vshll.u32 v27, v1;
	[tilespmem:v26+s2+$0x0] =	vst.idx.msk $0xffff, v24;
	v24 =	vld [tilespmem:s18+$0xFFFFFFE0];
	v26 =	vadd.s32 v14, v29;
	s18 =	sadd.s32 $0x100, s18  }
0xc5: {  	s0 =	sadd.s32 $0x2, s12;
	v27 =	vbroadcast v27, $0x0;
	v29 =	vshrl.u32 v30, $0x3;
	v30 =	vld [tilespmem:s18+$0xFFFFFFF0];
	v31 =	vadd.s32 v15, v28;
	[tilespmem:v22+s2+$0x0] =	vst.idx.msk $0xffff, v18  }
0xc6: {  	v18 =	vshll.u32 v29, v1;
	v22 =	vmov s0;
	v28 =	vadd.s32 v16, v28;
	v29 =	vld [tilespmem:s18+$0x0];
	[tilespmem:v25+s2+$0x0] =	vst.idx.msk $0xffff, v20  }
0xc7: {  	s0 =	sadd.s32 $0x3, s12;
	v25 =	vadd.s32 v0, v27;
	v18 =	vbroadcast v18, $0x0;
	v22 =	vshrl.u32 v22, $0x3;
	v20 =	vld [tilespmem:s18+$0xFFFFFF10];
	[tilespmem:v21+s2+$0x0] =	vst.idx.msk $0xffff, v17  }
0xc8: {  	v21 =	vadd.s32 v2, v27;
	v22 =	vshll.u32 v22, v1;
	v27 =	vmov s0;
	v17 =	vld [tilespmem:s18+$0xFFFFFF20];
	[tilespmem:v23+s2+$0x0] =	vst.idx.msk $0xffff, v19  }
0xc9: {  	s0 =	sadd.s32 $0x4, s12;
	v23 =	vadd.s32 v3, v18;
	v22 =	vbroadcast v22, $0x0;
	v27 =	vshrl.u32 v27, $0x3;
	v19 =	vld [tilespmem:s18+$0xFFFFFF30];
	[tilespmem:v26+s2+$0x0] =	vst.idx.msk $0xffff, v24  }
0xca: {  	v18 =	vadd.s32 v4, v18;
	v26 =	vshll.u32 v27, v1;
	v27 =	vmov s0;
	v24 =	vld [tilespmem:s18+$0xFFFFFF40];
	[tilespmem:v31+s2+$0x0] =	vst.idx.msk $0xffff, v30  }
0xcb: {  	s0 =	sadd.s32 $0x5, s12;
	v31 =	vadd.s32 v5, v22;
	v26 =	vbroadcast v26, $0x0;
	v27 =	vshrl.u32 v27, $0x3;
	v30 =	vld [tilespmem:s18+$0xFFFFFF50];
	[tilespmem:v28+s2+$0x0] =	vst.idx.msk $0xffff, v29  }
.Ltmp1:
0xcc: {  	[tilespmem:v25+s2+$0x0] =	vst.idx.msk $0xffff, v20;
	v20 =	vld [tilespmem:s18+$0xFFFFFF60];
	v25 =	vadd.s32 v6, v22;
	v22 =	vshll.u32 v27, v1;
	v27 =	vmov s0;
	(pc) =	sbr.rel @p0 .LBB2_5-.Ltmp1, $4  }
0xcd: {  	s0 =	sadd.s32 $0x6, s12;
	s12 =	smov.u32 s22;
	[tilespmem:v21+s2+$0x0] =	vst.idx.msk $0xffff, v17;
	v17 =	vld [tilespmem:s18+$0xFFFFFF70];
	v21 =	vadd.s32 v7, v26;
	v22 =	vbroadcast v22, $0x0;
	v27 =	vshrl.u32 v27, $0x3  }
0xce: {  	v28 =	vmov s0;
	[tilespmem:v23+s2+$0x0] =	vst.idx.msk $0xffff, v19;
	v19 =	vld [tilespmem:s18+$0xFFFFFF80];
	v23 =	vadd.s32 v8, v26;
	v27 =	vshll.u32 v27, v1  }
0xcf: {  	s0 =	sadd.s32 $0x7, s22;
	v29 =	vshrl.u32 v28, $0x3;
	[tilespmem:v18+s2+$0x0] =	vst.idx.msk $0xffff, v24;
	v24 =	vld [tilespmem:s18+$0xFFFFFF90];
	v26 =	vadd.s32 v9, v22;
	v27 =	vbroadcast v27, $0x0  }
0xd0: {  	s22 =	sadd.s32 $0x8, s22;
	v28 =	vmov s0;
	v22 =	vadd.s32 v10, v22;
	v29 =	vshll.u32 v29, v1;
	[tilespmem:v31+s2+$0x0] =	vst.idx.msk $0xffff, v30;
	v18 =	vld [tilespmem:s18+$0xFFFFFFA0]  }
0xd1: {  	_ =	sdelay $0x3  }
0xd2: {  	v28 =	vshrl.u32 v28, $0x3;
	[tilespmem:v25+s2+$0x0] =	vst.idx.msk $0xffff, v20;
	v20 =	vld [tilespmem:s18+$0xFFFFFFB0];
	v25 =	vadd.s32 v11, v27;
	v29 =	vbroadcast v29, $0x0  }
0xd3: {  	v30 =	vmov s12;
	v28 =	vshll.u32 v28, v1;
	[tilespmem:v21+s2+$0x0] =	vst.idx.msk $0xffff, v17;
	v17 =	vld [tilespmem:s18+$0xFFFFFFC0];
	v21 =	vadd.s32 v12, v27  }
0xd4: {  	s0 =	sadd.s32 $0x1, s12;
	v27 =	vshrl.u32 v30, $0x3;
	v28 =	vbroadcast v28, $0x0;
	[tilespmem:v23+s2+$0x0] =	vst.idx.msk $0xffff, v19;
	v19 =	vld [tilespmem:s18+$0xFFFFFFD0];
	v23 =	vadd.s32 v13, v29  }
0xd5: {  	v30 =	vmov s0;
	v27 =	vshll.u32 v27, v1;
	[tilespmem:v26+s2+$0x0] =	vst.idx.msk $0xffff, v24;
	v24 =	vld [tilespmem:s18+$0xFFFFFFE0];
	v26 =	vadd.s32 v14, v29;
	s18 =	sadd.s32 $0x100, s18  }
0xd6: {  	s22 =	sadd.s32 $0x2, s12;
	v27 =	vbroadcast v27, $0x0;
	v29 =	vshrl.u32 v30, $0x3;
	v30 =	vld [tilespmem:s18+$0xFFFFFFF0];
	v31 =	vadd.s32 v15, v28;
	[tilespmem:v22+s2+$0x0] =	vst.idx.msk $0xffff, v18  }
0xd7: {  	v18 =	vshll.u32 v29, v1;
	v22 =	vmov s22;
	v29 =	vld [tilespmem:s18+$0x0];
	v28 =	vadd.s32 v16, v28;
	[tilespmem:v25+s2+$0x0] =	vst.idx.msk $0xffff, v20  }
0xd8: {  	s22 =	sadd.s32 $0x3, s12;
	v20 =	vld [tilespmem:s18+$0xFFFFFF10];
	v25 =	vadd.s32 v0, v27;
	v18 =	vbroadcast v18, $0x0;
	v22 =	vshrl.u32 v22, $0x3;
	[tilespmem:v21+s2+$0x0] =	vst.idx.msk $0xffff, v17  }
0xd9: {  	v17 =	vld [tilespmem:s18+$0xFFFFFF20];
	v21 =	vadd.s32 v2, v27;
	v22 =	vshll.u32 v22, v1;
	v27 =	vmov s22;
	[tilespmem:v23+s2+$0x0] =	vst.idx.msk $0xffff, v19  }
0xda: {  	s22 =	sadd.s32 $0x4, s12;
	v19 =	vld [tilespmem:s18+$0xFFFFFF30];
	v23 =	vadd.s32 v3, v18;
	v22 =	vbroadcast v22, $0x0;
	v27 =	vshrl.u32 v27, $0x3;
	[tilespmem:v26+s2+$0x0] =	vst.idx.msk $0xffff, v24  }
0xdb: {  	v18 =	vadd.s32 v4, v18;
	v24 =	vld [tilespmem:s18+$0xFFFFFF40];
	v26 =	vshll.u32 v27, v1;
	v27 =	vmov s22;
	[tilespmem:v31+s2+$0x0] =	vst.idx.msk $0xffff, v30  }
0xdc: {  	s22 =	sadd.s32 $0x5, s12;
	v30 =	vld [tilespmem:s18+$0xFFFFFF50];
	v31 =	vadd.s32 v5, v22;
	v26 =	vbroadcast v26, $0x0;
	v27 =	vshrl.u32 v27, $0x3;
	[tilespmem:v28+s2+$0x0] =	vst.idx.msk $0xffff, v29  }
0xdd: {  	v22 =	vadd.s32 v6, v22;
	v28 =	vmov s22;
	[tilespmem:v25+s2+$0x0] =	vst.idx.msk $0xffff, v20;
	v20 =	vld [tilespmem:s18+$0xFFFFFF60];
	v25 =	vshll.u32 v27, v1  }
0xde: {  	s12 =	sadd.s32 $0x6, s12;
	[tilespmem:v21+s2+$0x0] =	vst.idx.msk $0xffff, v17;
	v17 =	vld [tilespmem:s18+$0xFFFFFF70];
	v21 =	vadd.s32 v7, v26;
	v25 =	vbroadcast v25, $0x0;
	v27 =	vshrl.u32 v28, $0x3  }
0xdf: {  	[tilespmem:v23+s2+$0x0] =	vst.idx.msk $0xffff, v19;
	v19 =	vld [tilespmem:s18+$0xFFFFFF80];
	v23 =	vadd.s32 v8, v26;
	v26 =	vshll.u32 v27, v1;
	v27 =	vmov s12  }
0xe0: {  	[tilespmem:v18+s2+$0x0] =	vst.idx.msk $0xffff, v24;
	v18 =	vld [tilespmem:s18+$0xFFFFFF90];
	v24 =	vadd.s32 v9, v25;
	v26 =	vbroadcast v26, $0x0;
	v27 =	vshrl.u32 v27, $0x3  }
0xe1: {  	v28 =	vld [tilespmem:s18+$0xFFFFFFA0];
	v25 =	vadd.s32 v10, v25;
	[tilespmem:v31+s2+$0x0] =	vst.idx.msk $0xffff, v30;
	v27 =	vshll.u32 v27, v1  }
0xe2: {  	[tilespmem:v22+s2+$0x0] =	vst.idx.msk $0xffff, v20;
	v20 =	vld [tilespmem:s18+$0xFFFFFFB0];
	v22 =	vadd.s32 v11, v26;
	v27 =	vbroadcast v27, $0x0  }
0xe3: {  	[tilespmem:v21+s2+$0x0] =	vst.idx.msk $0xffff, v17;
	v17 =	vld [tilespmem:s18+$0xFFFFFFC0];
	v21 =	vadd.s32 v12, v26  }
0xe4: {  	[tilespmem:v23+s2+$0x0] =	vst.idx.msk $0xffff, v19;
	v19 =	vld [tilespmem:s18+$0xFFFFFFD0];
	v23 =	vadd.s32 v13, v27  }
0xe5: {  	[tilespmem:v24+s2+$0x0] =	vst.idx.msk $0xffff, v18;
	v18 =	vld [tilespmem:s18+$0xFFFFFFE0];
	v24 =	vadd.s32 v14, v27  }
0xe6: {  	[tilespmem:v25+s2+$0x0] =	vst.idx.msk $0xffff, v28  }
0xe7: {  	s18 =	sshll.u32 s6, $0x11;
	[tilespmem:v22+s2+$0x0] =	vst.idx.msk $0xffff, v20  }
0xe8: {  	s0 =	sor.u32 s4, s18;
	[tilespmem:v21+s2+$0x0] =	vst.idx.msk $0xffff, v17  }
0xe9: {  	s0 =	sshrl.u32 s0, $0x3;
	[tilespmem:v23+s2+$0x0] =	vst.idx.msk $0xffff, v19  }
0xea: {  	s6 =	simm.s32 $0x0;
	s12 =	sadd.s32 s1, s0;
	[tilespmem:v24+s2+$0x0] =	vst.idx.msk $0xffff, v18  }
0xeb: {  	[hbm4b:s12+s6] =	stream.linear.scatter [tilespmem:s2], [sflag:$0xC], $0x80, $0x38;
	[tilespmem:$0x1AE00] =	vst v63  }
0xec: {  	s22 =	simm.s32 $0x11588;
	s0 =	sadd.s32 $0x10, s12  }
0xed: {  	[hbm4b:s0+s6] =	stream.linear.scatter [tilespmem:s22], [sflag:$0xC], $0x80, $0x38;
	[tilespmem:$0x1AE00] =	vst v63  }
0xee: {  	s18 =	sadd.s32 $0x20, s12;
	s22 =	simm.s32 $0x11610  }
0xef: {  	[hbm4b:s18+s6] =	stream.linear.scatter [tilespmem:s22], [sflag:$0xC], $0x80, $0x38;
	[tilespmem:$0x1AE00] =	vst v63  }
0xf0: {  	s18 =	sadd.s32 $0x30, s12;
	s22 =	simm.s32 $0x11698  }
0xf1: {  	[hbm4b:s18+s6] =	stream.linear.scatter [tilespmem:s22], [sflag:$0xC], $0x80, $0x38;
	[tilespmem:$0x1AE00] =	vst v63  }
0xf2: {  	s18 =	sadd.s32 $0x40, s12;
	s22 =	simm.s32 $0x11720  }
0xf3: {  	[hbm4b:s18+s6] =	stream.linear.scatter [tilespmem:s22], [sflag:$0xC], $0x80, $0x38;
	[tilespmem:$0x1AE00] =	vst v63  }
0xf4: {  	s18 =	sadd.s32 $0x50, s12;
	s22 =	simm.s32 $0x117A8  }
0xf5: {  	[hbm4b:s18+s6] =	stream.linear.scatter [tilespmem:s22], [sflag:$0xC], $0x80, $0x38;
	[tilespmem:$0x1AE00] =	vst v63  }
0xf6: {  	s18 =	sadd.s32 $0x60, s12;
	s22 =	simm.s32 $0x11830  }
0xf7: {  	[hbm4b:s18+s6] =	stream.linear.scatter [tilespmem:s22], [sflag:$0xC], $0x80, $0x38;
	[tilespmem:$0x1AE00] =	vst v63  }
0xf8: {  	s18 =	sadd.s32 $0x70, s12;
	s22 =	simm.s32 $0x118B8  }
0xf9: {  	[hbm4b:s18+s6] =	stream.linear.scatter [tilespmem:s22], [sflag:$0xC], $0x80, $0x38;
	[tilespmem:$0x1AE00] =	vst v63  }
0xfa: {  	s18 =	sadd.s32 $0x1000, s12;
	s22 =	simm.s32 $0x11940  }
0xfb: {  	[hbm4b:s18+s6] =	stream.linear.scatter [tilespmem:s22], [sflag:$0xC], $0x80, $0x38;
	[tilespmem:$0x1AE00] =	vst v63  }
0xfc: {  	s18 =	sadd.s32 $0x1010, s12;
	s22 =	simm.s32 $0x119C8  }
0xfd: {  	[hbm4b:s18+s6] =	stream.linear.scatter [tilespmem:s22], [sflag:$0xC], $0x80, $0x38;
	[tilespmem:$0x1AE00] =	vst v63  }
0xfe: {  	s18 =	sadd.s32 $0x1020, s12;
	s22 =	simm.s32 $0x11A50  }
0xff: {  	[hbm4b:s18+s6] =	stream.linear.scatter [tilespmem:s22], [sflag:$0xC], $0x80, $0x38;
	[tilespmem:$0x1AE00] =	vst v63  }
0x100: {  	s18 =	sadd.s32 $0x1030, s12;
	s22 =	simm.s32 $0x11AD8  }
0x101: {  	[hbm4b:s18+s6] =	stream.linear.scatter [tilespmem:s22], [sflag:$0xC], $0x80, $0x38;
	[tilespmem:$0x1AE00] =	vst v63  }
0x102: {  	s18 =	sadd.s32 $0x1040, s12;
	s22 =	simm.s32 $0x11B60  }
0x103: {  	[hbm4b:s18+s6] =	stream.linear.scatter [tilespmem:s22], [sflag:$0xC], $0x80, $0x38;
	[tilespmem:$0x1AE00] =	vst v63  }
0x104: {  	s18 =	sadd.s32 $0x1050, s12;
	s22 =	simm.s32 $0x11BE8  }
0x105: {  	[hbm4b:s18+s6] =	stream.linear.scatter [tilespmem:s22], [sflag:$0xC], $0x80, $0x38;
	[tilespmem:$0x1AE00] =	vst v63  }
0x106: {  	s18 =	sadd.s32 $0x1060, s12;
	s22 =	simm.s32 $0x11C70  }
0x107: {  	[hbm4b:s18+s6] =	stream.linear.scatter [tilespmem:s22], [sflag:$0xC], $0x80, $0x38;
	[tilespmem:$0x1AE00] =	vst v63  }
0x108: {  	s18 =	sadd.s32 $0x1070, s12;
	s22 =	simm.s32 $0x11CF8  }
0x109: {  	[hbm4b:s18+s6] =	stream.linear.scatter [tilespmem:s22], [sflag:$0xC], $0x80, $0x38;
	[tilespmem:$0x1AE00] =	vst v63  }
0x10a: {  	s18 =	sadd.s32 $0x2000, s12;
	s22 =	simm.s32 $0x11D80  }
0x10b: {  	[hbm4b:s18+s6] =	stream.linear.scatter [tilespmem:s22], [sflag:$0xC], $0x80, $0x38;
	[tilespmem:$0x1AE00] =	vst v63  }
0x10c: {  	s18 =	sadd.s32 $0x2010, s12;
	s22 =	simm.s32 $0x11E08  }
0x10d: {  	[hbm4b:s18+s6] =	stream.linear.scatter [tilespmem:s22], [sflag:$0xC], $0x80, $0x38;
	[tilespmem:$0x1AE00] =	vst v63  }
0x10e: {  	s18 =	sadd.s32 $0x2020, s12;
	s22 =	simm.s32 $0x11E90  }
0x10f: {  	[hbm4b:s18+s6] =	stream.linear.scatter [tilespmem:s22], [sflag:$0xC], $0x80, $0x38;
	[tilespmem:$0x1AE00] =	vst v63  }
0x110: {  	s18 =	sadd.s32 $0x2030, s12;
	s22 =	simm.s32 $0x11F18  }
0x111: {  	[hbm4b:s18+s6] =	stream.linear.scatter [tilespmem:s22], [sflag:$0xC], $0x80, $0x38;
	[tilespmem:$0x1AE00] =	vst v63  }
0x112: {  	s18 =	sadd.s32 $0x2040, s12;
	s22 =	simm.s32 $0x11FA0  }
0x113: {  	[hbm4b:s18+s6] =	stream.linear.scatter [tilespmem:s22], [sflag:$0xC], $0x80, $0x38;
	[tilespmem:$0x1AE00] =	vst v63  }
0x114: {  	s18 =	sadd.s32 $0x2050, s12;
	s22 =	simm.s32 $0x12028  }
0x115: {  	[hbm4b:s18+s6] =	stream.linear.scatter [tilespmem:s22], [sflag:$0xC], $0x80, $0x38;
	[tilespmem:$0x1AE00] =	vst v63  }
0x116: {  	s18 =	sadd.s32 $0x2060, s12;
	s22 =	simm.s32 $0x120B0  }
0x117: {  	[hbm4b:s18+s6] =	stream.linear.scatter [tilespmem:s22], [sflag:$0xC], $0x80, $0x38;
	[tilespmem:$0x1AE00] =	vst v63  }
0x118: {  	s18 =	sadd.s32 $0x2070, s12;
	s22 =	simm.s32 $0x12138  }
0x119: {  	[hbm4b:s18+s6] =	stream.linear.scatter [tilespmem:s22], [sflag:$0xC], $0x80, $0x38;
	[tilespmem:$0x1AE00] =	vst v63  }
0x11a: {  	s18 =	sadd.s32 $0x3000, s12;
	s22 =	simm.s32 $0x121C0  }
0x11b: {  	[hbm4b:s18+s6] =	stream.linear.scatter [tilespmem:s22], [sflag:$0xC], $0x80, $0x38;
	[tilespmem:$0x1AE00] =	vst v63  }
0x11c: {  	s18 =	sadd.s32 $0x3010, s12;
	s22 =	simm.s32 $0x12248  }
0x11d: {  	[hbm4b:s18+s6] =	stream.linear.scatter [tilespmem:s22], [sflag:$0xC], $0x80, $0x38;
	[tilespmem:$0x1AE00] =	vst v63  }
0x11e: {  	s18 =	sadd.s32 $0x3020, s12;
	s22 =	simm.s32 $0x122D0  }
0x11f: {  	[hbm4b:s18+s6] =	stream.linear.scatter [tilespmem:s22], [sflag:$0xC], $0x80, $0x38;
	[tilespmem:$0x1AE00] =	vst v63  }
0x120: {  	s18 =	sadd.s32 $0x3030, s12;
	s22 =	simm.s32 $0x12358  }
0x121: {  	[hbm4b:s18+s6] =	stream.linear.scatter [tilespmem:s22], [sflag:$0xC], $0x80, $0x38;
	[tilespmem:$0x1AE00] =	vst v63  }
0x122: {  	s18 =	sadd.s32 $0x3040, s12;
	s22 =	simm.s32 $0x123E0  }
0x123: {  	[hbm4b:s18+s6] =	stream.linear.scatter [tilespmem:s22], [sflag:$0xC], $0x80, $0x38;
	[tilespmem:$0x1AE00] =	vst v63  }
0x124: {  	s18 =	sadd.s32 $0x3050, s12;
	s22 =	simm.s32 $0x12468  }
0x125: {  	[hbm4b:s18+s6] =	stream.linear.scatter [tilespmem:s22], [sflag:$0xC], $0x80, $0x38;
	[tilespmem:$0x1AE00] =	vst v63  }
0x126: {  	s18 =	sadd.s32 $0x3060, s12;
	s22 =	simm.s32 $0x124F0  }
0x127: {  	[hbm4b:s18+s6] =	stream.linear.scatter [tilespmem:s22], [sflag:$0xC], $0x80, $0x38;
	[tilespmem:$0x1AE00] =	vst v63  }
0x128: {  	s18 =	simm.s32 $0x7  }
0x129: {  	s12 =	sadd.s32 $0x3070, s12;
	s22 =	simm.s32 $0x12578;
	v17 =	vmov s18;
	s18 =	simm.s32 $0x3  }
0x12a: {  	v18 =	vmov s6;
	[hbm4b:s12+s6] =	stream.linear.scatter [tilespmem:s22], [sflag:$0xC], $0x80, $0x38;
	v17 =	vshrl.u32 v17, $0x3;
	[tilespmem:$0x1AE00] =	vst v63  }
0x12b: {  	v18 =	vshrl.u32 v18, $0x3;
	_ =	swait.ge [sflag:s18], $0x1000;
	v17 =	vshll.u32 v17, v1  }
0x12c: {  	v18 =	vshll.u32 v18, v1;
	s22 =	simm.s32 $0x1;
	[sflag:s18] =	ssyncset.done $0x0;
	v17 =	vbroadcast v17, $0x0  }
0x12d: {  	v18 =	vbroadcast v18, $0x0;
	s6 =	simm.s32 $0x84F0;
	s12 =	simm.s32 $0x2;
	v19 =	vmov s22;
	[sflag:s18] =	ssyncadd.s32 $0xFFFFF000  }
0x12e: {  	v22 =	vmov s12;
	v19 =	vshrl.u32 v19, $0x3;
	v20 =	vld [tilespmem:s6+$0xFFFFFFF0];
	v21 =	vadd.s32 v15, v17  }
0x12f: {  	v25 =	vadd.s32 v0, v18;
	v22 =	vshrl.u32 v22, $0x3;
	v19 =	vshll.u32 v19, v1;
	v24 =	vld [tilespmem:s6+$0xFFFFFF10]  }
0x130: {  	s18 =	simm.s32 $0x3;
	v22 =	vshll.u32 v22, v1;
	v23 =	vld [tilespmem:s6+$0x0];
	v17 =	vadd.s32 v16, v17;
	v19 =	vbroadcast v19, $0x0  }
0x131: {  	v18 =	vadd.s32 v2, v18;
	v26 =	vld [tilespmem:s6+$0xFFFFFF20];
	v27 =	vmov s18;
	v22 =	vbroadcast v22, $0x0  }
0x132: {  	s22 =	simm.s32 $0x4;
	v28 =	vld [tilespmem:s6+$0xFFFFFF30];
	v27 =	vshrl.u32 v27, $0x3;
	v29 =	vadd.s32 v3, v19;
	v31 =	vadd.s32 v4, v19  }
0x133: {  	v32 =	vld [tilespmem:s6+$0xFFFFFF50];
	v19 =	vshll.u32 v27, v1;
	v27 =	vmov s22;
	v33 =	vadd.s32 v5, v22;
	[tilespmem:v21+s17+$0x0] =	vst.idx.msk $0xffff, v20  }
0x134: {  	s12 =	simm.s32 $0x5;
	v30 =	vld [tilespmem:s6+$0xFFFFFF40];
	v34 =	vbroadcast v19, $0x0;
	v19 =	vshrl.u32 v27, $0x3;
	[tilespmem:v25+s17+$0x0] =	vst.idx.msk $0xffff, v24  }
0x135: {  	v19 =	vshll.u32 v19, v1;
	v20 =	vld [tilespmem:s6+$0xFFFFFF60];
	v25 =	vadd.s32 v6, v22;
	v22 =	vmov s12;
	[tilespmem:v17+s17+$0x0] =	vst.idx.msk $0xffff, v23  }
0x136: {  	s18 =	simm.s32 $0x6;
	v21 =	vadd.s32 v7, v34;
	v35 =	vbroadcast v19, $0x0;
	[tilespmem:v18+s17+$0x0] =	vst.idx.msk $0xffff, v26;
	v17 =	vld [tilespmem:s6+$0xFFFFFF70];
	v18 =	vshrl.u32 v22, $0x3  }
0x137: {  	v19 =	vld [tilespmem:s6+$0xFFFFFF80];
	v23 =	vadd.s32 v8, v34;
	v22 =	vmov s18;
	[tilespmem:v29+s17+$0x0] =	vst.idx.msk $0xffff, v28;
	v18 =	vshll.u32 v18, v1  }
0x138: {  	s22 =	simm.s32 $0xF;
	v24 =	vld [tilespmem:s6+$0xFFFFFF90];
	v26 =	vadd.s32 v9, v35;
	v29 =	vshrl.u32 v22, $0x3;
	[tilespmem:v33+s17+$0x0] =	vst.idx.msk $0xffff, v32;
	v27 =	vbroadcast v18, $0x0  }
0x139: {  	s12 =	simm.s32 $0x8;
	s18 =	simm.s32 $0x10;
	v28 =	vmov s22;
	v22 =	vadd.s32 v10, v35;
	[tilespmem:v31+s17+$0x0] =	vst.idx.msk $0xffff, v30;
	v18 =	vld [tilespmem:s6+$0xFFFFFFA0];
	v29 =	vshll.u32 v29, v1  }
.LBB2_7:
0x13a: {  	p0 =	slt.u32 s18, $0x78;
	v28 =	vshrl.u32 v28, $0x3;
	[tilespmem:v25+s17+$0x0] =	vst.idx.msk $0xffff, v20;
	v20 =	vld [tilespmem:s6+$0xFFFFFFB0];
	v25 =	vadd.s32 v11, v27;
	v29 =	vbroadcast v29, $0x0  }
0x13b: {  	v30 =	vmov s12;
	v28 =	vshll.u32 v28, v1;
	[tilespmem:v21+s17+$0x0] =	vst.idx.msk $0xffff, v17;
	v17 =	vld [tilespmem:s6+$0xFFFFFFC0];
	v21 =	vadd.s32 v12, v27  }
0x13c: {  	s0 =	sadd.s32 $0x1, s12;
	v27 =	vshrl.u32 v30, $0x3;
	v28 =	vbroadcast v28, $0x0;
	[tilespmem:v23+s17+$0x0] =	vst.idx.msk $0xffff, v19;
	v19 =	vld [tilespmem:s6+$0xFFFFFFD0];
	v23 =	vadd.s32 v13, v29  }
0x13d: {  	v30 =	vmov s0;
	v27 =	vshll.u32 v27, v1;
	[tilespmem:v26+s17+$0x0] =	vst.idx.msk $0xffff, v24;
	v24 =	vld [tilespmem:s6+$0xFFFFFFE0];
	v26 =	vadd.s32 v14, v29;
	s6 =	sadd.s32 $0x100, s6  }
0x13e: {  	s0 =	sadd.s32 $0x2, s12;
	v27 =	vbroadcast v27, $0x0;
	v29 =	vshrl.u32 v30, $0x3;
	v30 =	vld [tilespmem:s6+$0xFFFFFFF0];
	v31 =	vadd.s32 v15, v28;
	[tilespmem:v22+s17+$0x0] =	vst.idx.msk $0xffff, v18  }
0x13f: {  	v18 =	vshll.u32 v29, v1;
	v22 =	vmov s0;
	v28 =	vadd.s32 v16, v28;
	v29 =	vld [tilespmem:s6+$0x0];
	[tilespmem:v25+s17+$0x0] =	vst.idx.msk $0xffff, v20  }
0x140: {  	s0 =	sadd.s32 $0x3, s12;
	v25 =	vadd.s32 v0, v27;
	v18 =	vbroadcast v18, $0x0;
	v22 =	vshrl.u32 v22, $0x3;
	v20 =	vld [tilespmem:s6+$0xFFFFFF10];
	[tilespmem:v21+s17+$0x0] =	vst.idx.msk $0xffff, v17  }
0x141: {  	v21 =	vadd.s32 v2, v27;
	v22 =	vshll.u32 v22, v1;
	v27 =	vmov s0;
	v17 =	vld [tilespmem:s6+$0xFFFFFF20];
	[tilespmem:v23+s17+$0x0] =	vst.idx.msk $0xffff, v19  }
0x142: {  	s0 =	sadd.s32 $0x4, s12;
	v23 =	vadd.s32 v3, v18;
	v22 =	vbroadcast v22, $0x0;
	v27 =	vshrl.u32 v27, $0x3;
	v19 =	vld [tilespmem:s6+$0xFFFFFF30];
	[tilespmem:v26+s17+$0x0] =	vst.idx.msk $0xffff, v24  }
0x143: {  	v18 =	vadd.s32 v4, v18;
	v26 =	vshll.u32 v27, v1;
	v27 =	vmov s0;
	v24 =	vld [tilespmem:s6+$0xFFFFFF40];
	[tilespmem:v31+s17+$0x0] =	vst.idx.msk $0xffff, v30  }
0x144: {  	s0 =	sadd.s32 $0x5, s12;
	v31 =	vadd.s32 v5, v22;
	v26 =	vbroadcast v26, $0x0;
	v27 =	vshrl.u32 v27, $0x3;
	v30 =	vld [tilespmem:s6+$0xFFFFFF50];
	[tilespmem:v28+s17+$0x0] =	vst.idx.msk $0xffff, v29  }
.Ltmp2:
0x145: {  	[tilespmem:v25+s17+$0x0] =	vst.idx.msk $0xffff, v20;
	v20 =	vld [tilespmem:s6+$0xFFFFFF60];
	v25 =	vadd.s32 v6, v22;
	v22 =	vshll.u32 v27, v1;
	v27 =	vmov s0;
	(pc) =	sbr.rel @p0 .LBB2_7-.Ltmp2, $4  }
0x146: {  	s0 =	sadd.s32 $0x6, s12;
	s12 =	smov.u32 s18;
	[tilespmem:v21+s17+$0x0] =	vst.idx.msk $0xffff, v17;
	v17 =	vld [tilespmem:s6+$0xFFFFFF70];
	v21 =	vadd.s32 v7, v26;
	v22 =	vbroadcast v22, $0x0;
	v27 =	vshrl.u32 v27, $0x3  }
0x147: {  	v28 =	vmov s0;
	[tilespmem:v23+s17+$0x0] =	vst.idx.msk $0xffff, v19;
	v19 =	vld [tilespmem:s6+$0xFFFFFF80];
	v23 =	vadd.s32 v8, v26;
	v27 =	vshll.u32 v27, v1  }
0x148: {  	s0 =	sadd.s32 $0x7, s18;
	v29 =	vshrl.u32 v28, $0x3;
	[tilespmem:v18+s17+$0x0] =	vst.idx.msk $0xffff, v24;
	v24 =	vld [tilespmem:s6+$0xFFFFFF90];
	v26 =	vadd.s32 v9, v22;
	v27 =	vbroadcast v27, $0x0  }
0x149: {  	s18 =	sadd.s32 $0x8, s18;
	v28 =	vmov s0;
	v22 =	vadd.s32 v10, v22;
	v29 =	vshll.u32 v29, v1;
	[tilespmem:v31+s17+$0x0] =	vst.idx.msk $0xffff, v30;
	v18 =	vld [tilespmem:s6+$0xFFFFFFA0]  }
0x14a: {  	_ =	sdelay $0x3  }
0x14b: {  	v28 =	vshrl.u32 v28, $0x3;
	[tilespmem:v25+s17+$0x0] =	vst.idx.msk $0xffff, v20;
	v20 =	vld [tilespmem:s6+$0xFFFFFFB0];
	v25 =	vadd.s32 v11, v27;
	v29 =	vbroadcast v29, $0x0  }
0x14c: {  	v30 =	vmov s12;
	v28 =	vshll.u32 v28, v1;
	[tilespmem:v21+s17+$0x0] =	vst.idx.msk $0xffff, v17;
	v17 =	vld [tilespmem:s6+$0xFFFFFFC0];
	v21 =	vadd.s32 v12, v27  }
0x14d: {  	s0 =	sadd.s32 $0x1, s12;
	v27 =	vshrl.u32 v30, $0x3;
	v28 =	vbroadcast v28, $0x0;
	[tilespmem:v23+s17+$0x0] =	vst.idx.msk $0xffff, v19;
	v19 =	vld [tilespmem:s6+$0xFFFFFFD0];
	v23 =	vadd.s32 v13, v29  }
0x14e: {  	v30 =	vmov s0;
	v27 =	vshll.u32 v27, v1;
	[tilespmem:v26+s17+$0x0] =	vst.idx.msk $0xffff, v24;
	v24 =	vld [tilespmem:s6+$0xFFFFFFE0];
	v26 =	vadd.s32 v14, v29;
	s6 =	sadd.s32 $0x100, s6  }
0x14f: {  	s18 =	sadd.s32 $0x2, s12;
	v27 =	vbroadcast v27, $0x0;
	v29 =	vshrl.u32 v30, $0x3;
	v30 =	vld [tilespmem:s6+$0xFFFFFFF0];
	v31 =	vadd.s32 v15, v28;
	[tilespmem:v22+s17+$0x0] =	vst.idx.msk $0xffff, v18  }
0x150: {  	v18 =	vshll.u32 v29, v1;
	v22 =	vmov s18;
	v29 =	vld [tilespmem:s6+$0x0];
	v28 =	vadd.s32 v16, v28;
	[tilespmem:v25+s17+$0x0] =	vst.idx.msk $0xffff, v20  }
0x151: {  	s22 =	sadd.s32 $0x3, s12;
	v20 =	vld [tilespmem:s6+$0xFFFFFF10];
	v25 =	vadd.s32 v0, v27;
	v18 =	vbroadcast v18, $0x0;
	v22 =	vshrl.u32 v22, $0x3;
	[tilespmem:v21+s17+$0x0] =	vst.idx.msk $0xffff, v17  }
0x152: {  	v17 =	vld [tilespmem:s6+$0xFFFFFF20];
	v21 =	vadd.s32 v2, v27;
	v22 =	vshll.u32 v22, v1;
	v27 =	vmov s22;
	[tilespmem:v23+s17+$0x0] =	vst.idx.msk $0xffff, v19  }
0x153: {  	s18 =	sadd.s32 $0x4, s12;
	v19 =	vld [tilespmem:s6+$0xFFFFFF30];
	v23 =	vadd.s32 v3, v18;
	v22 =	vbroadcast v22, $0x0;
	v27 =	vshrl.u32 v27, $0x3;
	[tilespmem:v26+s17+$0x0] =	vst.idx.msk $0xffff, v24  }
0x154: {  	v18 =	vadd.s32 v4, v18;
	v24 =	vld [tilespmem:s6+$0xFFFFFF40];
	v26 =	vshll.u32 v27, v1;
	v27 =	vmov s18;
	[tilespmem:v31+s17+$0x0] =	vst.idx.msk $0xffff, v30  }
0x155: {  	s22 =	sadd.s32 $0x5, s12;
	v30 =	vld [tilespmem:s6+$0xFFFFFF50];
	v31 =	vadd.s32 v5, v22;
	v26 =	vbroadcast v26, $0x0;
	v27 =	vshrl.u32 v27, $0x3;
	[tilespmem:v28+s17+$0x0] =	vst.idx.msk $0xffff, v29  }
0x156: {  	v22 =	vadd.s32 v6, v22;
	v28 =	vmov s22;
	[tilespmem:v25+s17+$0x0] =	vst.idx.msk $0xffff, v20;
	v20 =	vld [tilespmem:s6+$0xFFFFFF60];
	v25 =	vshll.u32 v27, v1  }
0x157: {  	s12 =	sadd.s32 $0x6, s12;
	[tilespmem:v21+s17+$0x0] =	vst.idx.msk $0xffff, v17;
	v17 =	vld [tilespmem:s6+$0xFFFFFF70];
	v21 =	vadd.s32 v7, v26;
	v25 =	vbroadcast v25, $0x0;
	v27 =	vshrl.u32 v28, $0x3  }
0x158: {  	[tilespmem:v23+s17+$0x0] =	vst.idx.msk $0xffff, v19;
	v19 =	vld [tilespmem:s6+$0xFFFFFF80];
	v23 =	vadd.s32 v8, v26;
	v26 =	vshll.u32 v27, v1;
	v27 =	vmov s12  }
0x159: {  	[tilespmem:v18+s17+$0x0] =	vst.idx.msk $0xffff, v24;
	v18 =	vld [tilespmem:s6+$0xFFFFFF90];
	v24 =	vadd.s32 v9, v25;
	v26 =	vbroadcast v26, $0x0;
	v27 =	vshrl.u32 v27, $0x3  }
0x15a: {  	v28 =	vld [tilespmem:s6+$0xFFFFFFA0];
	v25 =	vadd.s32 v10, v25;
	[tilespmem:v31+s17+$0x0] =	vst.idx.msk $0xffff, v30;
	v27 =	vshll.u32 v27, v1  }
0x15b: {  	[tilespmem:v22+s17+$0x0] =	vst.idx.msk $0xffff, v20;
	v20 =	vld [tilespmem:s6+$0xFFFFFFB0];
	v22 =	vadd.s32 v11, v26;
	v27 =	vbroadcast v27, $0x0  }
0x15c: {  	[tilespmem:v21+s17+$0x0] =	vst.idx.msk $0xffff, v17;
	v17 =	vld [tilespmem:s6+$0xFFFFFFC0];
	v21 =	vadd.s32 v12, v26  }
0x15d: {  	[tilespmem:v23+s17+$0x0] =	vst.idx.msk $0xffff, v19;
	v19 =	vld [tilespmem:s6+$0xFFFFFFD0];
	v23 =	vadd.s32 v13, v27  }
0x15e: {  	[tilespmem:v24+s17+$0x0] =	vst.idx.msk $0xffff, v18;
	v18 =	vld [tilespmem:s6+$0xFFFFFFE0];
	v24 =	vadd.s32 v14, v27  }
0x15f: {  	[tilespmem:v25+s17+$0x0] =	vst.idx.msk $0xffff, v28  }
0x160: {  	s18 =	sshll.u32 s20, $0x11;
	[tilespmem:v22+s17+$0x0] =	vst.idx.msk $0xffff, v20  }
0x161: {  	s0 =	sor.u32 s4, s18;
	[tilespmem:v21+s17+$0x0] =	vst.idx.msk $0xffff, v17  }
0x162: {  	s0 =	sshrl.u32 s0, $0x3;
	[tilespmem:v23+s17+$0x0] =	vst.idx.msk $0xffff, v19  }
0x163: {  	s12 =	sadd.s32 s1, s0;
	s6 =	simm.s32 $0x0;
	[tilespmem:v24+s17+$0x0] =	vst.idx.msk $0xffff, v18  }
0x164: {  	[hbm4b:s12+s6] =	stream.linear.scatter [tilespmem:s17], [sflag:$0xD], $0x80, $0x38;
	[tilespmem:$0x1AE00] =	vst v63  }
0x165: {  	s18 =	simm.s32 $0x12688;
	s0 =	sadd.s32 $0x10, s12  }
0x166: {  	[hbm4b:s0+s6] =	stream.linear.scatter [tilespmem:s18], [sflag:$0xD], $0x80, $0x38;
	[tilespmem:$0x1AE00] =	vst v63  }
0x167: {  	s22 =	simm.s32 $0x12710;
	s20 =	sadd.s32 $0x20, s12  }
0x168: {  	[hbm4b:s20+s6] =	stream.linear.scatter [tilespmem:s22], [sflag:$0xD], $0x80, $0x38;
	[tilespmem:$0x1AE00] =	vst v63  }
0x169: {  	s20 =	sadd.s32 $0x30, s12;
	s22 =	simm.s32 $0x12798  }
0x16a: {  	[hbm4b:s20+s6] =	stream.linear.scatter [tilespmem:s22], [sflag:$0xD], $0x80, $0x38;
	[tilespmem:$0x1AE00] =	vst v63  }
0x16b: {  	s20 =	sadd.s32 $0x40, s12;
	s22 =	simm.s32 $0x12820  }
0x16c: {  	[hbm4b:s20+s6] =	stream.linear.scatter [tilespmem:s22], [sflag:$0xD], $0x80, $0x38;
	[tilespmem:$0x1AE00] =	vst v63  }
0x16d: {  	s20 =	sadd.s32 $0x50, s12;
	s22 =	simm.s32 $0x128A8  }
0x16e: {  	[hbm4b:s20+s6] =	stream.linear.scatter [tilespmem:s22], [sflag:$0xD], $0x80, $0x38;
	[tilespmem:$0x1AE00] =	vst v63  }
0x16f: {  	s20 =	sadd.s32 $0x60, s12;
	s22 =	simm.s32 $0x12930  }
0x170: {  	[hbm4b:s20+s6] =	stream.linear.scatter [tilespmem:s22], [sflag:$0xD], $0x80, $0x38;
	[tilespmem:$0x1AE00] =	vst v63  }
0x171: {  	s20 =	sadd.s32 $0x70, s12;
	s22 =	simm.s32 $0x129B8  }
0x172: {  	[hbm4b:s20+s6] =	stream.linear.scatter [tilespmem:s22], [sflag:$0xD], $0x80, $0x38;
	[tilespmem:$0x1AE00] =	vst v63  }
0x173: {  	s20 =	sadd.s32 $0x1000, s12;
	s22 =	simm.s32 $0x12A40  }
0x174: {  	[hbm4b:s20+s6] =	stream.linear.scatter [tilespmem:s22], [sflag:$0xD], $0x80, $0x38;
	[tilespmem:$0x1AE00] =	vst v63  }
0x175: {  	s20 =	sadd.s32 $0x1010, s12;
	s22 =	simm.s32 $0x12AC8  }
0x176: {  	[hbm4b:s20+s6] =	stream.linear.scatter [tilespmem:s22], [sflag:$0xD], $0x80, $0x38;
	[tilespmem:$0x1AE00] =	vst v63  }
0x177: {  	s20 =	sadd.s32 $0x1020, s12;
	s22 =	simm.s32 $0x12B50  }
0x178: {  	[hbm4b:s20+s6] =	stream.linear.scatter [tilespmem:s22], [sflag:$0xD], $0x80, $0x38;
	[tilespmem:$0x1AE00] =	vst v63  }
0x179: {  	s20 =	sadd.s32 $0x1030, s12;
	s22 =	simm.s32 $0x12BD8  }
0x17a: {  	[hbm4b:s20+s6] =	stream.linear.scatter [tilespmem:s22], [sflag:$0xD], $0x80, $0x38;
	[tilespmem:$0x1AE00] =	vst v63  }
0x17b: {  	s20 =	sadd.s32 $0x1040, s12;
	s22 =	simm.s32 $0x12C60  }
0x17c: {  	[hbm4b:s20+s6] =	stream.linear.scatter [tilespmem:s22], [sflag:$0xD], $0x80, $0x38;
	[tilespmem:$0x1AE00] =	vst v63  }
0x17d: {  	s20 =	sadd.s32 $0x1050, s12;
	s22 =	simm.s32 $0x12CE8  }
0x17e: {  	[hbm4b:s20+s6] =	stream.linear.scatter [tilespmem:s22], [sflag:$0xD], $0x80, $0x38;
	[tilespmem:$0x1AE00] =	vst v63  }
0x17f: {  	s20 =	sadd.s32 $0x1060, s12;
	s22 =	simm.s32 $0x12D70  }
0x180: {  	[hbm4b:s20+s6] =	stream.linear.scatter [tilespmem:s22], [sflag:$0xD], $0x80, $0x38;
	[tilespmem:$0x1AE00] =	vst v63  }
0x181: {  	s20 =	sadd.s32 $0x1070, s12;
	s22 =	simm.s32 $0x12DF8  }
0x182: {  	[hbm4b:s20+s6] =	stream.linear.scatter [tilespmem:s22], [sflag:$0xD], $0x80, $0x38;
	[tilespmem:$0x1AE00] =	vst v63  }
0x183: {  	s20 =	sadd.s32 $0x2000, s12;
	s22 =	simm.s32 $0x12E80  }
0x184: {  	[hbm4b:s20+s6] =	stream.linear.scatter [tilespmem:s22], [sflag:$0xD], $0x80, $0x38;
	[tilespmem:$0x1AE00] =	vst v63  }
0x185: {  	s20 =	sadd.s32 $0x2010, s12;
	s22 =	simm.s32 $0x12F08  }
0x186: {  	[hbm4b:s20+s6] =	stream.linear.scatter [tilespmem:s22], [sflag:$0xD], $0x80, $0x38;
	[tilespmem:$0x1AE00] =	vst v63  }
0x187: {  	s20 =	sadd.s32 $0x2020, s12;
	s22 =	simm.s32 $0x12F90  }
0x188: {  	[hbm4b:s20+s6] =	stream.linear.scatter [tilespmem:s22], [sflag:$0xD], $0x80, $0x38;
	[tilespmem:$0x1AE00] =	vst v63  }
0x189: {  	s20 =	sadd.s32 $0x2030, s12;
	s22 =	simm.s32 $0x13018  }
0x18a: {  	[hbm4b:s20+s6] =	stream.linear.scatter [tilespmem:s22], [sflag:$0xD], $0x80, $0x38;
	[tilespmem:$0x1AE00] =	vst v63  }
0x18b: {  	s20 =	sadd.s32 $0x2040, s12;
	s22 =	simm.s32 $0x130A0  }
0x18c: {  	[hbm4b:s20+s6] =	stream.linear.scatter [tilespmem:s22], [sflag:$0xD], $0x80, $0x38;
	[tilespmem:$0x1AE00] =	vst v63  }
0x18d: {  	s20 =	sadd.s32 $0x2050, s12;
	s22 =	simm.s32 $0x13128  }
0x18e: {  	[hbm4b:s20+s6] =	stream.linear.scatter [tilespmem:s22], [sflag:$0xD], $0x80, $0x38;
	[tilespmem:$0x1AE00] =	vst v63  }
0x18f: {  	s20 =	sadd.s32 $0x2060, s12;
	s22 =	simm.s32 $0x131B0  }
0x190: {  	[hbm4b:s20+s6] =	stream.linear.scatter [tilespmem:s22], [sflag:$0xD], $0x80, $0x38;
	[tilespmem:$0x1AE00] =	vst v63  }
0x191: {  	s20 =	sadd.s32 $0x2070, s12;
	s22 =	simm.s32 $0x13238  }
0x192: {  	[hbm4b:s20+s6] =	stream.linear.scatter [tilespmem:s22], [sflag:$0xD], $0x80, $0x38;
	[tilespmem:$0x1AE00] =	vst v63  }
0x193: {  	s20 =	sadd.s32 $0x3000, s12;
	s22 =	simm.s32 $0x132C0  }
0x194: {  	[hbm4b:s20+s6] =	stream.linear.scatter [tilespmem:s22], [sflag:$0xD], $0x80, $0x38;
	[tilespmem:$0x1AE00] =	vst v63  }
0x195: {  	s20 =	sadd.s32 $0x3010, s12;
	s22 =	simm.s32 $0x13348  }
0x196: {  	[hbm4b:s20+s6] =	stream.linear.scatter [tilespmem:s22], [sflag:$0xD], $0x80, $0x38;
	[tilespmem:$0x1AE00] =	vst v63  }
0x197: {  	s20 =	sadd.s32 $0x3020, s12;
	s22 =	simm.s32 $0x133D0  }
0x198: {  	[hbm4b:s20+s6] =	stream.linear.scatter [tilespmem:s22], [sflag:$0xD], $0x80, $0x38;
	[tilespmem:$0x1AE00] =	vst v63  }
0x199: {  	s20 =	sadd.s32 $0x3030, s12;
	s22 =	simm.s32 $0x13458  }
0x19a: {  	[hbm4b:s20+s6] =	stream.linear.scatter [tilespmem:s22], [sflag:$0xD], $0x80, $0x38;
	[tilespmem:$0x1AE00] =	vst v63  }
0x19b: {  	s20 =	sadd.s32 $0x3040, s12;
	s22 =	simm.s32 $0x134E0  }
0x19c: {  	[hbm4b:s20+s6] =	stream.linear.scatter [tilespmem:s22], [sflag:$0xD], $0x80, $0x38;
	[tilespmem:$0x1AE00] =	vst v63  }
0x19d: {  	s20 =	sadd.s32 $0x3050, s12;
	s22 =	simm.s32 $0x13568  }
0x19e: {  	[hbm4b:s20+s6] =	stream.linear.scatter [tilespmem:s22], [sflag:$0xD], $0x80, $0x38;
	[tilespmem:$0x1AE00] =	vst v63  }
0x19f: {  	s20 =	sadd.s32 $0x3060, s12;
	s22 =	simm.s32 $0x135F0  }
0x1a0: {  	[hbm4b:s20+s6] =	stream.linear.scatter [tilespmem:s22], [sflag:$0xD], $0x80, $0x38;
	[tilespmem:$0x1AE00] =	vst v63  }
0x1a1: {  	s20 =	simm.s32 $0x7  }
0x1a2: {  	s0 =	simm.s32 $0x4;
	s12 =	sadd.s32 $0x3070, s12;
	s22 =	simm.s32 $0x13678;
	v17 =	vmov s20  }
0x1a3: {  	v18 =	vmov s6;
	[hbm4b:s12+s6] =	stream.linear.scatter [tilespmem:s22], [sflag:$0xD], $0x80, $0x38;
	v17 =	vshrl.u32 v17, $0x3;
	[tilespmem:$0x1AE00] =	vst v63  }
0x1a4: {  	v18 =	vshrl.u32 v18, $0x3;
	_ =	swait.ge [sflag:s0], $0x1000;
	v17 =	vshll.u32 v17, v1  }
0x1a5: {  	v18 =	vshll.u32 v18, v1;
	s18 =	simm.s32 $0x1;
	[sflag:s0] =	ssyncset.done $0x0;
	v17 =	vbroadcast v17, $0x0  }
0x1a6: {  	v18 =	vbroadcast v18, $0x0;
	v19 =	vmov s18;
	s6 =	simm.s32 $0x94F0;
	[sflag:s0] =	ssyncadd.s32 $0xFFFFF000  }
0x1a7: {  	v19 =	vshrl.u32 v19, $0x3;
	s20 =	simm.s32 $0x2;
	v20 =	vld [tilespmem:s6+$0xFFFFFFF0];
	v21 =	vadd.s32 v15, v17  }
0x1a8: {  	v25 =	vadd.s32 v0, v18;
	v19 =	vshll.u32 v19, v1;
	v22 =	vmov s20;
	v24 =	vld [tilespmem:s6+$0xFFFFFF10]  }
0x1a9: {  	v19 =	vbroadcast v19, $0x0;
	s22 =	simm.s32 $0x3;
	v22 =	vshrl.u32 v22, $0x3;
	v23 =	vld [tilespmem:s6+$0x0];
	v17 =	vadd.s32 v16, v17  }
0x1aa: {  	v18 =	vadd.s32 v2, v18;
	v27 =	vmov s22;
	v22 =	vshll.u32 v22, v1;
	v26 =	vld [tilespmem:s6+$0xFFFFFF20]  }
0x1ab: {  	v29 =	vadd.s32 v3, v19;
	s12 =	simm.s32 $0x4;
	v27 =	vshrl.u32 v27, $0x3;
	v22 =	vbroadcast v22, $0x0;
	v28 =	vld [tilespmem:s6+$0xFFFFFF30]  }
0x1ac: {  	v31 =	vadd.s32 v4, v19;
	v19 =	vshll.u32 v27, v1;
	v27 =	vmov s12;
	v30 =	vld [tilespmem:s6+$0xFFFFFF40];
	[tilespmem:v21+s9+$0x0] =	vst.idx.msk $0xffff, v20  }
0x1ad: {  	s18 =	simm.s32 $0x5;
	v32 =	vld [tilespmem:s6+$0xFFFFFF50];
	v34 =	vbroadcast v19, $0x0;
	v19 =	vshrl.u32 v27, $0x3;
	v33 =	vadd.s32 v5, v22;
	[tilespmem:v25+s9+$0x0] =	vst.idx.msk $0xffff, v24  }
0x1ae: {  	v19 =	vshll.u32 v19, v1;
	v20 =	vld [tilespmem:s6+$0xFFFFFF60];
	v25 =	vadd.s32 v6, v22;
	v22 =	vmov s18;
	[tilespmem:v17+s9+$0x0] =	vst.idx.msk $0xffff, v23  }
0x1af: {  	s20 =	simm.s32 $0x6;
	v35 =	vbroadcast v19, $0x0;
	v21 =	vadd.s32 v7, v34;
	[tilespmem:v18+s9+$0x0] =	vst.idx.msk $0xffff, v26;
	v17 =	vld [tilespmem:s6+$0xFFFFFF70];
	v18 =	vshrl.u32 v22, $0x3  }
0x1b0: {  	v19 =	vld [tilespmem:s6+$0xFFFFFF80];
	[tilespmem:v29+s9+$0x0] =	vst.idx.msk $0xffff, v28;
	v23 =	vadd.s32 v8, v34;
	v22 =	vmov s20;
	v18 =	vshll.u32 v18, v1  }
0x1b1: {  	s22 =	simm.s32 $0xF;
	v24 =	vld [tilespmem:s6+$0xFFFFFF90];
	[tilespmem:v31+s9+$0x0] =	vst.idx.msk $0xffff, v30;
	v26 =	vadd.s32 v9, v35;
	v29 =	vshrl.u32 v22, $0x3;
	v27 =	vbroadcast v18, $0x0  }
0x1b2: {  	s12 =	simm.s32 $0x8;
	v28 =	vmov s22;
	s18 =	simm.s32 $0x10;
	[tilespmem:v33+s9+$0x0] =	vst.idx.msk $0xffff, v32;
	v22 =	vadd.s32 v10, v35;
	v18 =	vld [tilespmem:s6+$0xFFFFFFA0];
	v29 =	vshll.u32 v29, v1  }
.LBB2_9:
0x1b3: {  	p0 =	slt.u32 s18, $0x78;
	v28 =	vshrl.u32 v28, $0x3;
	[tilespmem:v25+s9+$0x0] =	vst.idx.msk $0xffff, v20;
	v20 =	vld [tilespmem:s6+$0xFFFFFFB0];
	v25 =	vadd.s32 v11, v27;
	v29 =	vbroadcast v29, $0x0  }
0x1b4: {  	v30 =	vmov s12;
	v28 =	vshll.u32 v28, v1;
	[tilespmem:v21+s9+$0x0] =	vst.idx.msk $0xffff, v17;
	v17 =	vld [tilespmem:s6+$0xFFFFFFC0];
	v21 =	vadd.s32 v12, v27  }
0x1b5: {  	s0 =	sadd.s32 $0x1, s12;
	v27 =	vshrl.u32 v30, $0x3;
	v28 =	vbroadcast v28, $0x0;
	[tilespmem:v23+s9+$0x0] =	vst.idx.msk $0xffff, v19;
	v19 =	vld [tilespmem:s6+$0xFFFFFFD0];
	v23 =	vadd.s32 v13, v29  }
0x1b6: {  	v30 =	vmov s0;
	v27 =	vshll.u32 v27, v1;
	[tilespmem:v26+s9+$0x0] =	vst.idx.msk $0xffff, v24;
	v24 =	vld [tilespmem:s6+$0xFFFFFFE0];
	v26 =	vadd.s32 v14, v29;
	s6 =	sadd.s32 $0x100, s6  }
0x1b7: {  	s0 =	sadd.s32 $0x2, s12;
	v27 =	vbroadcast v27, $0x0;
	v29 =	vshrl.u32 v30, $0x3;
	v30 =	vld [tilespmem:s6+$0xFFFFFFF0];
	v31 =	vadd.s32 v15, v28;
	[tilespmem:v22+s9+$0x0] =	vst.idx.msk $0xffff, v18  }
0x1b8: {  	v18 =	vshll.u32 v29, v1;
	v22 =	vmov s0;
	v28 =	vadd.s32 v16, v28;
	v29 =	vld [tilespmem:s6+$0x0];
	[tilespmem:v25+s9+$0x0] =	vst.idx.msk $0xffff, v20  }
0x1b9: {  	s0 =	sadd.s32 $0x3, s12;
	v25 =	vadd.s32 v0, v27;
	v18 =	vbroadcast v18, $0x0;
	v22 =	vshrl.u32 v22, $0x3;
	v20 =	vld [tilespmem:s6+$0xFFFFFF10];
	[tilespmem:v21+s9+$0x0] =	vst.idx.msk $0xffff, v17  }
0x1ba: {  	v21 =	vadd.s32 v2, v27;
	v22 =	vshll.u32 v22, v1;
	v27 =	vmov s0;
	v17 =	vld [tilespmem:s6+$0xFFFFFF20];
	[tilespmem:v23+s9+$0x0] =	vst.idx.msk $0xffff, v19  }
0x1bb: {  	s0 =	sadd.s32 $0x4, s12;
	v23 =	vadd.s32 v3, v18;
	v22 =	vbroadcast v22, $0x0;
	v27 =	vshrl.u32 v27, $0x3;
	v19 =	vld [tilespmem:s6+$0xFFFFFF30];
	[tilespmem:v26+s9+$0x0] =	vst.idx.msk $0xffff, v24  }
0x1bc: {  	v18 =	vadd.s32 v4, v18;
	v26 =	vshll.u32 v27, v1;
	v27 =	vmov s0;
	v24 =	vld [tilespmem:s6+$0xFFFFFF40];
	[tilespmem:v31+s9+$0x0] =	vst.idx.msk $0xffff, v30  }
0x1bd: {  	s0 =	sadd.s32 $0x5, s12;
	v31 =	vadd.s32 v5, v22;
	v26 =	vbroadcast v26, $0x0;
	v27 =	vshrl.u32 v27, $0x3;
	v30 =	vld [tilespmem:s6+$0xFFFFFF50];
	[tilespmem:v28+s9+$0x0] =	vst.idx.msk $0xffff, v29  }
.Ltmp3:
0x1be: {  	[tilespmem:v25+s9+$0x0] =	vst.idx.msk $0xffff, v20;
	v20 =	vld [tilespmem:s6+$0xFFFFFF60];
	v25 =	vadd.s32 v6, v22;
	v22 =	vshll.u32 v27, v1;
	v27 =	vmov s0;
	(pc) =	sbr.rel @p0 .LBB2_9-.Ltmp3, $4  }
0x1bf: {  	s0 =	sadd.s32 $0x6, s12;
	s12 =	smov.u32 s18;
	[tilespmem:v21+s9+$0x0] =	vst.idx.msk $0xffff, v17;
	v17 =	vld [tilespmem:s6+$0xFFFFFF70];
	v21 =	vadd.s32 v7, v26;
	v22 =	vbroadcast v22, $0x0;
	v27 =	vshrl.u32 v27, $0x3  }
0x1c0: {  	v28 =	vmov s0;
	[tilespmem:v23+s9+$0x0] =	vst.idx.msk $0xffff, v19;
	v19 =	vld [tilespmem:s6+$0xFFFFFF80];
	v23 =	vadd.s32 v8, v26;
	v27 =	vshll.u32 v27, v1  }
0x1c1: {  	s0 =	sadd.s32 $0x7, s18;
	v29 =	vshrl.u32 v28, $0x3;
	[tilespmem:v18+s9+$0x0] =	vst.idx.msk $0xffff, v24;
	v24 =	vld [tilespmem:s6+$0xFFFFFF90];
	v26 =	vadd.s32 v9, v22;
	v27 =	vbroadcast v27, $0x0  }
0x1c2: {  	s18 =	sadd.s32 $0x8, s18;
	v28 =	vmov s0;
	v22 =	vadd.s32 v10, v22;
	v29 =	vshll.u32 v29, v1;
	[tilespmem:v31+s9+$0x0] =	vst.idx.msk $0xffff, v30;
	v18 =	vld [tilespmem:s6+$0xFFFFFFA0]  }
0x1c3: {  	_ =	sdelay $0x3  }
0x1c4: {  	v28 =	vshrl.u32 v28, $0x3;
	[tilespmem:v25+s9+$0x0] =	vst.idx.msk $0xffff, v20;
	v20 =	vld [tilespmem:s6+$0xFFFFFFB0];
	v25 =	vadd.s32 v11, v27;
	v29 =	vbroadcast v29, $0x0  }
0x1c5: {  	v30 =	vmov s12;
	v28 =	vshll.u32 v28, v1;
	[tilespmem:v21+s9+$0x0] =	vst.idx.msk $0xffff, v17;
	v17 =	vld [tilespmem:s6+$0xFFFFFFC0];
	v21 =	vadd.s32 v12, v27  }
0x1c6: {  	s0 =	sadd.s32 $0x1, s12;
	v27 =	vshrl.u32 v30, $0x3;
	v28 =	vbroadcast v28, $0x0;
	[tilespmem:v23+s9+$0x0] =	vst.idx.msk $0xffff, v19;
	v19 =	vld [tilespmem:s6+$0xFFFFFFD0];
	v23 =	vadd.s32 v13, v29  }
0x1c7: {  	v30 =	vmov s0;
	v27 =	vshll.u32 v27, v1;
	[tilespmem:v26+s9+$0x0] =	vst.idx.msk $0xffff, v24;
	v24 =	vld [tilespmem:s6+$0xFFFFFFE0];
	v26 =	vadd.s32 v14, v29;
	s6 =	sadd.s32 $0x100, s6  }
0x1c8: {  	s20 =	sadd.s32 $0x2, s12;
	v27 =	vbroadcast v27, $0x0;
	v29 =	vshrl.u32 v30, $0x3;
	v30 =	vld [tilespmem:s6+$0xFFFFFFF0];
	v31 =	vadd.s32 v15, v28;
	[tilespmem:v22+s9+$0x0] =	vst.idx.msk $0xffff, v18  }
0x1c9: {  	v18 =	vshll.u32 v29, v1;
	v22 =	vmov s20;
	v29 =	vld [tilespmem:s6+$0x0];
	v28 =	vadd.s32 v16, v28;
	[tilespmem:v25+s9+$0x0] =	vst.idx.msk $0xffff, v20  }
0x1ca: {  	s22 =	sadd.s32 $0x3, s12;
	v20 =	vld [tilespmem:s6+$0xFFFFFF10];
	v25 =	vadd.s32 v0, v27;
	v18 =	vbroadcast v18, $0x0;
	v22 =	vshrl.u32 v22, $0x3;
	[tilespmem:v21+s9+$0x0] =	vst.idx.msk $0xffff, v17  }
0x1cb: {  	v17 =	vld [tilespmem:s6+$0xFFFFFF20];
	v21 =	vadd.s32 v2, v27;
	v22 =	vshll.u32 v22, v1;
	v27 =	vmov s22;
	[tilespmem:v23+s9+$0x0] =	vst.idx.msk $0xffff, v19  }
0x1cc: {  	s18 =	sadd.s32 $0x4, s12;
	v19 =	vld [tilespmem:s6+$0xFFFFFF30];
	v23 =	vadd.s32 v3, v18;
	v22 =	vbroadcast v22, $0x0;
	v27 =	vshrl.u32 v27, $0x3;
	[tilespmem:v26+s9+$0x0] =	vst.idx.msk $0xffff, v24  }
0x1cd: {  	v18 =	vadd.s32 v4, v18;
	v24 =	vld [tilespmem:s6+$0xFFFFFF40];
	v26 =	vshll.u32 v27, v1;
	v27 =	vmov s18;
	[tilespmem:v31+s9+$0x0] =	vst.idx.msk $0xffff, v30  }
0x1ce: {  	s20 =	sadd.s32 $0x5, s12;
	v30 =	vld [tilespmem:s6+$0xFFFFFF50];
	v31 =	vadd.s32 v5, v22;
	v26 =	vbroadcast v26, $0x0;
	v27 =	vshrl.u32 v27, $0x3;
	[tilespmem:v28+s9+$0x0] =	vst.idx.msk $0xffff, v29  }
0x1cf: {  	v22 =	vadd.s32 v6, v22;
	v28 =	vmov s20;
	[tilespmem:v25+s9+$0x0] =	vst.idx.msk $0xffff, v20;
	v20 =	vld [tilespmem:s6+$0xFFFFFF60];
	v25 =	vshll.u32 v27, v1  }
0x1d0: {  	s22 =	sadd.s32 $0x6, s12;
	[tilespmem:v21+s9+$0x0] =	vst.idx.msk $0xffff, v17;
	v17 =	vld [tilespmem:s6+$0xFFFFFF70];
	v21 =	vadd.s32 v7, v26;
	v25 =	vbroadcast v25, $0x0;
	v27 =	vshrl.u32 v28, $0x3  }
0x1d1: {  	[tilespmem:v23+s9+$0x0] =	vst.idx.msk $0xffff, v19;
	v19 =	vld [tilespmem:s6+$0xFFFFFF80];
	v23 =	vadd.s32 v8, v26;
	v26 =	vshll.u32 v27, v1;
	v27 =	vmov s22  }
0x1d2: {  	[tilespmem:v18+s9+$0x0] =	vst.idx.msk $0xffff, v24;
	v18 =	vld [tilespmem:s6+$0xFFFFFF90];
	v24 =	vadd.s32 v9, v25;
	v26 =	vbroadcast v26, $0x0;
	v27 =	vshrl.u32 v27, $0x3  }
0x1d3: {  	v28 =	vld [tilespmem:s6+$0xFFFFFFA0];
	v25 =	vadd.s32 v10, v25;
	[tilespmem:v31+s9+$0x0] =	vst.idx.msk $0xffff, v30;
	v27 =	vshll.u32 v27, v1  }
0x1d4: {  	[tilespmem:v22+s9+$0x0] =	vst.idx.msk $0xffff, v20;
	v20 =	vld [tilespmem:s6+$0xFFFFFFB0];
	v22 =	vadd.s32 v11, v26;
	v27 =	vbroadcast v27, $0x0  }
0x1d5: {  	[tilespmem:v21+s9+$0x0] =	vst.idx.msk $0xffff, v17;
	v17 =	vld [tilespmem:s6+$0xFFFFFFC0];
	v21 =	vadd.s32 v12, v26  }
0x1d6: {  	[tilespmem:v23+s9+$0x0] =	vst.idx.msk $0xffff, v19;
	v19 =	vld [tilespmem:s6+$0xFFFFFFD0];
	v23 =	vadd.s32 v13, v27  }
0x1d7: {  	[tilespmem:v24+s9+$0x0] =	vst.idx.msk $0xffff, v18;
	v18 =	vld [tilespmem:s6+$0xFFFFFFE0];
	v24 =	vadd.s32 v14, v27  }
0x1d8: {  	[tilespmem:v25+s9+$0x0] =	vst.idx.msk $0xffff, v28  }
0x1d9: {  	s12 =	sshll.u32 s19, $0x11;
	[tilespmem:v22+s9+$0x0] =	vst.idx.msk $0xffff, v20  }
0x1da: {  	s0 =	sor.u32 s4, s12;
	[tilespmem:v21+s9+$0x0] =	vst.idx.msk $0xffff, v17  }
0x1db: {  	s0 =	sshrl.u32 s0, $0x3;
	[tilespmem:v23+s9+$0x0] =	vst.idx.msk $0xffff, v19  }
0x1dc: {  	s12 =	sadd.s32 s1, s0;
	s6 =	simm.s32 $0x0;
	[tilespmem:v24+s9+$0x0] =	vst.idx.msk $0xffff, v18  }
0x1dd: {  	[hbm4b:s12+s6] =	stream.linear.scatter [tilespmem:s9], [sflag:$0xE], $0x80, $0x38;
	[tilespmem:$0x1AE00] =	vst v63  }
0x1de: {  	s18 =	simm.s32 $0x13788;
	s0 =	sadd.s32 $0x10, s12  }
0x1df: {  	[hbm4b:s0+s6] =	stream.linear.scatter [tilespmem:s18], [sflag:$0xE], $0x80, $0x38;
	[tilespmem:$0x1AE00] =	vst v63  }
0x1e0: {  	s19 =	simm.s32 $0x13810;
	s18 =	sadd.s32 $0x20, s12  }
0x1e1: {  	[hbm4b:s18+s6] =	stream.linear.scatter [tilespmem:s19], [sflag:$0xE], $0x80, $0x38;
	[tilespmem:$0x1AE00] =	vst v63  }
0x1e2: {  	s20 =	sadd.s32 $0x30, s12;
	s22 =	simm.s32 $0x13898  }
0x1e3: {  	[hbm4b:s20+s6] =	stream.linear.scatter [tilespmem:s22], [sflag:$0xE], $0x80, $0x38;
	[tilespmem:$0x1AE00] =	vst v63  }
0x1e4: {  	s18 =	sadd.s32 $0x40, s12;
	s19 =	simm.s32 $0x13920  }
0x1e5: {  	[hbm4b:s18+s6] =	stream.linear.scatter [tilespmem:s19], [sflag:$0xE], $0x80, $0x38;
	[tilespmem:$0x1AE00] =	vst v63  }
0x1e6: {  	s20 =	sadd.s32 $0x50, s12;
	s22 =	simm.s32 $0x139A8  }
0x1e7: {  	[hbm4b:s20+s6] =	stream.linear.scatter [tilespmem:s22], [sflag:$0xE], $0x80, $0x38;
	[tilespmem:$0x1AE00] =	vst v63  }
0x1e8: {  	s18 =	sadd.s32 $0x60, s12;
	s19 =	simm.s32 $0x13A30  }
0x1e9: {  	[hbm4b:s18+s6] =	stream.linear.scatter [tilespmem:s19], [sflag:$0xE], $0x80, $0x38;
	[tilespmem:$0x1AE00] =	vst v63  }
0x1ea: {  	s20 =	sadd.s32 $0x70, s12;
	s22 =	simm.s32 $0x13AB8  }
0x1eb: {  	[hbm4b:s20+s6] =	stream.linear.scatter [tilespmem:s22], [sflag:$0xE], $0x80, $0x38;
	[tilespmem:$0x1AE00] =	vst v63  }
0x1ec: {  	s18 =	sadd.s32 $0x1000, s12;
	s19 =	simm.s32 $0x13B40  }
0x1ed: {  	[hbm4b:s18+s6] =	stream.linear.scatter [tilespmem:s19], [sflag:$0xE], $0x80, $0x38;
	[tilespmem:$0x1AE00] =	vst v63  }
0x1ee: {  	s20 =	sadd.s32 $0x1010, s12;
	s22 =	simm.s32 $0x13BC8  }
0x1ef: {  	[hbm4b:s20+s6] =	stream.linear.scatter [tilespmem:s22], [sflag:$0xE], $0x80, $0x38;
	[tilespmem:$0x1AE00] =	vst v63  }
0x1f0: {  	s18 =	sadd.s32 $0x1020, s12;
	s19 =	simm.s32 $0x13C50  }
0x1f1: {  	[hbm4b:s18+s6] =	stream.linear.scatter [tilespmem:s19], [sflag:$0xE], $0x80, $0x38;
	[tilespmem:$0x1AE00] =	vst v63  }
0x1f2: {  	s20 =	sadd.s32 $0x1030, s12;
	s22 =	simm.s32 $0x13CD8  }
0x1f3: {  	[hbm4b:s20+s6] =	stream.linear.scatter [tilespmem:s22], [sflag:$0xE], $0x80, $0x38;
	[tilespmem:$0x1AE00] =	vst v63  }
0x1f4: {  	s18 =	sadd.s32 $0x1040, s12;
	s19 =	simm.s32 $0x13D60  }
0x1f5: {  	[hbm4b:s18+s6] =	stream.linear.scatter [tilespmem:s19], [sflag:$0xE], $0x80, $0x38;
	[tilespmem:$0x1AE00] =	vst v63  }
0x1f6: {  	s20 =	sadd.s32 $0x1050, s12;
	s22 =	simm.s32 $0x13DE8  }
0x1f7: {  	[hbm4b:s20+s6] =	stream.linear.scatter [tilespmem:s22], [sflag:$0xE], $0x80, $0x38;
	[tilespmem:$0x1AE00] =	vst v63  }
0x1f8: {  	s18 =	sadd.s32 $0x1060, s12;
	s19 =	simm.s32 $0x13E70  }
0x1f9: {  	[hbm4b:s18+s6] =	stream.linear.scatter [tilespmem:s19], [sflag:$0xE], $0x80, $0x38;
	[tilespmem:$0x1AE00] =	vst v63  }
0x1fa: {  	s20 =	sadd.s32 $0x1070, s12;
	s22 =	simm.s32 $0x13EF8  }
0x1fb: {  	[hbm4b:s20+s6] =	stream.linear.scatter [tilespmem:s22], [sflag:$0xE], $0x80, $0x38;
	[tilespmem:$0x1AE00] =	vst v63  }
0x1fc: {  	s18 =	sadd.s32 $0x2000, s12;
	s19 =	simm.s32 $0x13F80  }
0x1fd: {  	[hbm4b:s18+s6] =	stream.linear.scatter [tilespmem:s19], [sflag:$0xE], $0x80, $0x38;
	[tilespmem:$0x1AE00] =	vst v63  }
0x1fe: {  	s20 =	sadd.s32 $0x2010, s12;
	s22 =	simm.s32 $0x14008  }
0x1ff: {  	[hbm4b:s20+s6] =	stream.linear.scatter [tilespmem:s22], [sflag:$0xE], $0x80, $0x38;
	[tilespmem:$0x1AE00] =	vst v63  }
0x200: {  	s18 =	sadd.s32 $0x2020, s12;
	s19 =	simm.s32 $0x14090  }
0x201: {  	[hbm4b:s18+s6] =	stream.linear.scatter [tilespmem:s19], [sflag:$0xE], $0x80, $0x38;
	[tilespmem:$0x1AE00] =	vst v63  }
0x202: {  	s20 =	sadd.s32 $0x2030, s12;
	s22 =	simm.s32 $0x14118  }
0x203: {  	[hbm4b:s20+s6] =	stream.linear.scatter [tilespmem:s22], [sflag:$0xE], $0x80, $0x38;
	[tilespmem:$0x1AE00] =	vst v63  }
0x204: {  	s18 =	sadd.s32 $0x2040, s12;
	s19 =	simm.s32 $0x141A0  }
0x205: {  	[hbm4b:s18+s6] =	stream.linear.scatter [tilespmem:s19], [sflag:$0xE], $0x80, $0x38;
	[tilespmem:$0x1AE00] =	vst v63  }
0x206: {  	s20 =	sadd.s32 $0x2050, s12;
	s22 =	simm.s32 $0x14228  }
0x207: {  	[hbm4b:s20+s6] =	stream.linear.scatter [tilespmem:s22], [sflag:$0xE], $0x80, $0x38;
	[tilespmem:$0x1AE00] =	vst v63  }
0x208: {  	s18 =	sadd.s32 $0x2060, s12;
	s19 =	simm.s32 $0x142B0  }
0x209: {  	[hbm4b:s18+s6] =	stream.linear.scatter [tilespmem:s19], [sflag:$0xE], $0x80, $0x38;
	[tilespmem:$0x1AE00] =	vst v63  }
0x20a: {  	s20 =	sadd.s32 $0x2070, s12;
	s22 =	simm.s32 $0x14338  }
0x20b: {  	[hbm4b:s20+s6] =	stream.linear.scatter [tilespmem:s22], [sflag:$0xE], $0x80, $0x38;
	[tilespmem:$0x1AE00] =	vst v63  }
0x20c: {  	s18 =	sadd.s32 $0x3000, s12;
	s19 =	simm.s32 $0x143C0  }
0x20d: {  	[hbm4b:s18+s6] =	stream.linear.scatter [tilespmem:s19], [sflag:$0xE], $0x80, $0x38;
	[tilespmem:$0x1AE00] =	vst v63  }
0x20e: {  	s20 =	sadd.s32 $0x3010, s12;
	s22 =	simm.s32 $0x14448  }
0x20f: {  	[hbm4b:s20+s6] =	stream.linear.scatter [tilespmem:s22], [sflag:$0xE], $0x80, $0x38;
	[tilespmem:$0x1AE00] =	vst v63  }
0x210: {  	s18 =	sadd.s32 $0x3020, s12;
	s19 =	simm.s32 $0x144D0  }
0x211: {  	[hbm4b:s18+s6] =	stream.linear.scatter [tilespmem:s19], [sflag:$0xE], $0x80, $0x38;
	[tilespmem:$0x1AE00] =	vst v63  }
0x212: {  	s20 =	sadd.s32 $0x3030, s12;
	s22 =	simm.s32 $0x14558  }
0x213: {  	[hbm4b:s20+s6] =	stream.linear.scatter [tilespmem:s22], [sflag:$0xE], $0x80, $0x38;
	[tilespmem:$0x1AE00] =	vst v63  }
0x214: {  	s18 =	sadd.s32 $0x3040, s12;
	s19 =	simm.s32 $0x145E0  }
0x215: {  	[hbm4b:s18+s6] =	stream.linear.scatter [tilespmem:s19], [sflag:$0xE], $0x80, $0x38;
	[tilespmem:$0x1AE00] =	vst v63  }
0x216: {  	s20 =	sadd.s32 $0x3050, s12;
	s22 =	simm.s32 $0x14668  }
0x217: {  	[hbm4b:s20+s6] =	stream.linear.scatter [tilespmem:s22], [sflag:$0xE], $0x80, $0x38;
	[tilespmem:$0x1AE00] =	vst v63  }
0x218: {  	s19 =	sadd.s32 $0x3060, s12;
	s20 =	simm.s32 $0x146F0;
	s22 =	simm.s32 $0x7  }
0x219: {  	[hbm4b:s19+s6] =	stream.linear.scatter [tilespmem:s20], [sflag:$0xE], $0x80, $0x38;
	[tilespmem:$0x1AE00] =	vst v63  }
0x21a: {  	s12 =	sadd.s32 $0x3070, s12;
	s18 =	simm.s32 $0x14778;
	v17 =	vmov s22;
	s19 =	simm.s32 $0x5  }
0x21b: {  	v18 =	vmov s6;
	v17 =	vshrl.u32 v17, $0x3;
	[hbm4b:s12+s6] =	stream.linear.scatter [tilespmem:s18], [sflag:$0xE], $0x80, $0x38;
	[tilespmem:$0x1AE00] =	vst v63  }
0x21c: {  	v18 =	vshrl.u32 v18, $0x3;
	v17 =	vshll.u32 v17, v1;
	_ =	swait.ge [sflag:s19], $0x1000  }
0x21d: {  	v18 =	vshll.u32 v18, v1;
	s22 =	simm.s32 $0x2;
	s20 =	simm.s32 $0x1;
	v17 =	vbroadcast v17, $0x0;
	[sflag:s19] =	ssyncset.done $0x0  }
0x21e: {  	v18 =	vbroadcast v18, $0x0;
	v22 =	vmov s22;
	v19 =	vmov s20;
	s6 =	simm.s32 $0xA4F0;
	[sflag:s19] =	ssyncadd.s32 $0xFFFFF000  }
0x21f: {  	v22 =	vshrl.u32 v22, $0x3;
	v19 =	vshrl.u32 v19, $0x3;
	v21 =	vadd.s32 v15, v17;
	v20 =	vld [tilespmem:s6+$0xFFFFFFF0]  }
0x220: {  	v25 =	vadd.s32 v0, v18;
	v22 =	vshll.u32 v22, v1;
	v19 =	vshll.u32 v19, v1;
	v24 =	vld [tilespmem:s6+$0xFFFFFF10]  }
0x221: {  	s12 =	simm.s32 $0x3;
	v22 =	vbroadcast v22, $0x0;
	v17 =	vadd.s32 v16, v17;
	v19 =	vbroadcast v19, $0x0;
	v23 =	vld [tilespmem:s6+$0x0]  }
0x222: {  	v18 =	vadd.s32 v2, v18;
	v27 =	vmov s12;
	v26 =	vld [tilespmem:s6+$0xFFFFFF20]  }
0x223: {  	s18 =	simm.s32 $0x4;
	v27 =	vshrl.u32 v27, $0x3;
	v33 =	vadd.s32 v5, v22;
	v28 =	vld [tilespmem:s6+$0xFFFFFF30];
	v29 =	vadd.s32 v3, v19  }
0x224: {  	v31 =	vadd.s32 v4, v19;
	v19 =	vshll.u32 v27, v1;
	v27 =	vmov s18;
	v32 =	vld [tilespmem:s6+$0xFFFFFF50];
	[tilespmem:v21+s28+$0x0] =	vst.idx.msk $0xffff, v20  }
0x225: {  	s19 =	simm.s32 $0x5;
	v30 =	vld [tilespmem:s6+$0xFFFFFF40];
	v34 =	vbroadcast v19, $0x0;
	v19 =	vshrl.u32 v27, $0x3;
	[tilespmem:v25+s28+$0x0] =	vst.idx.msk $0xffff, v24  }
0x226: {  	v19 =	vshll.u32 v19, v1;
	v20 =	vld [tilespmem:s6+$0xFFFFFF60];
	v25 =	vadd.s32 v6, v22;
	v22 =	vmov s19;
	[tilespmem:v17+s28+$0x0] =	vst.idx.msk $0xffff, v23  }
0x227: {  	s20 =	simm.s32 $0x6;
	v35 =	vbroadcast v19, $0x0;
	v21 =	vadd.s32 v7, v34;
	[tilespmem:v18+s28+$0x0] =	vst.idx.msk $0xffff, v26;
	v17 =	vld [tilespmem:s6+$0xFFFFFF70];
	v18 =	vshrl.u32 v22, $0x3  }
0x228: {  	v19 =	vld [tilespmem:s6+$0xFFFFFF80];
	[tilespmem:v29+s28+$0x0] =	vst.idx.msk $0xffff, v28;
	v23 =	vadd.s32 v8, v34;
	v22 =	vmov s20;
	v18 =	vshll.u32 v18, v1  }
0x229: {  	s22 =	simm.s32 $0xF;
	v24 =	vld [tilespmem:s6+$0xFFFFFF90];
	[tilespmem:v33+s28+$0x0] =	vst.idx.msk $0xffff, v32;
	v26 =	vadd.s32 v9, v35;
	v29 =	vshrl.u32 v22, $0x3;
	v27 =	vbroadcast v18, $0x0  }
0x22a: {  	s12 =	simm.s32 $0x8;
	s18 =	simm.s32 $0x10;
	v28 =	vmov s22;
	[tilespmem:v31+s28+$0x0] =	vst.idx.msk $0xffff, v30;
	v22 =	vadd.s32 v10, v35;
	v18 =	vld [tilespmem:s6+$0xFFFFFFA0];
	v29 =	vshll.u32 v29, v1  }
.LBB2_11:
0x22b: {  	p0 =	slt.u32 s18, $0x78;
	v28 =	vshrl.u32 v28, $0x3;
	[tilespmem:v25+s28+$0x0] =	vst.idx.msk $0xffff, v20;
	v20 =	vld [tilespmem:s6+$0xFFFFFFB0];
	v25 =	vadd.s32 v11, v27;
	v29 =	vbroadcast v29, $0x0  }
0x22c: {  	v30 =	vmov s12;
	v28 =	vshll.u32 v28, v1;
	[tilespmem:v21+s28+$0x0] =	vst.idx.msk $0xffff, v17;
	v17 =	vld [tilespmem:s6+$0xFFFFFFC0];
	v21 =	vadd.s32 v12, v27  }
0x22d: {  	s0 =	sadd.s32 $0x1, s12;
	v27 =	vshrl.u32 v30, $0x3;
	v28 =	vbroadcast v28, $0x0;
	[tilespmem:v23+s28+$0x0] =	vst.idx.msk $0xffff, v19;
	v19 =	vld [tilespmem:s6+$0xFFFFFFD0];
	v23 =	vadd.s32 v13, v29  }
0x22e: {  	v30 =	vmov s0;
	v27 =	vshll.u32 v27, v1;
	[tilespmem:v26+s28+$0x0] =	vst.idx.msk $0xffff, v24;
	v24 =	vld [tilespmem:s6+$0xFFFFFFE0];
	v26 =	vadd.s32 v14, v29;
	s6 =	sadd.s32 $0x100, s6  }
0x22f: {  	s0 =	sadd.s32 $0x2, s12;
	v27 =	vbroadcast v27, $0x0;
	v29 =	vshrl.u32 v30, $0x3;
	v30 =	vld [tilespmem:s6+$0xFFFFFFF0];
	v31 =	vadd.s32 v15, v28;
	[tilespmem:v22+s28+$0x0] =	vst.idx.msk $0xffff, v18  }
0x230: {  	v18 =	vshll.u32 v29, v1;
	v22 =	vmov s0;
	v28 =	vadd.s32 v16, v28;
	v29 =	vld [tilespmem:s6+$0x0];
	[tilespmem:v25+s28+$0x0] =	vst.idx.msk $0xffff, v20  }
0x231: {  	s0 =	sadd.s32 $0x3, s12;
	v25 =	vadd.s32 v0, v27;
	v18 =	vbroadcast v18, $0x0;
	v22 =	vshrl.u32 v22, $0x3;
	v20 =	vld [tilespmem:s6+$0xFFFFFF10];
	[tilespmem:v21+s28+$0x0] =	vst.idx.msk $0xffff, v17  }
0x232: {  	v21 =	vadd.s32 v2, v27;
	v22 =	vshll.u32 v22, v1;
	v27 =	vmov s0;
	v17 =	vld [tilespmem:s6+$0xFFFFFF20];
	[tilespmem:v23+s28+$0x0] =	vst.idx.msk $0xffff, v19  }
0x233: {  	s0 =	sadd.s32 $0x4, s12;
	v23 =	vadd.s32 v3, v18;
	v22 =	vbroadcast v22, $0x0;
	v27 =	vshrl.u32 v27, $0x3;
	v19 =	vld [tilespmem:s6+$0xFFFFFF30];
	[tilespmem:v26+s28+$0x0] =	vst.idx.msk $0xffff, v24  }
0x234: {  	v18 =	vadd.s32 v4, v18;
	v26 =	vshll.u32 v27, v1;
	v27 =	vmov s0;
	v24 =	vld [tilespmem:s6+$0xFFFFFF40];
	[tilespmem:v31+s28+$0x0] =	vst.idx.msk $0xffff, v30  }
0x235: {  	s0 =	sadd.s32 $0x5, s12;
	v31 =	vadd.s32 v5, v22;
	v26 =	vbroadcast v26, $0x0;
	v27 =	vshrl.u32 v27, $0x3;
	v30 =	vld [tilespmem:s6+$0xFFFFFF50];
	[tilespmem:v28+s28+$0x0] =	vst.idx.msk $0xffff, v29  }
.Ltmp4:
0x236: {  	[tilespmem:v25+s28+$0x0] =	vst.idx.msk $0xffff, v20;
	v20 =	vld [tilespmem:s6+$0xFFFFFF60];
	v25 =	vadd.s32 v6, v22;
	v22 =	vshll.u32 v27, v1;
	v27 =	vmov s0;
	(pc) =	sbr.rel @p0 .LBB2_11-.Ltmp4, $4  }
0x237: {  	s0 =	sadd.s32 $0x6, s12;
	s12 =	smov.u32 s18;
	[tilespmem:v21+s28+$0x0] =	vst.idx.msk $0xffff, v17;
	v17 =	vld [tilespmem:s6+$0xFFFFFF70];
	v21 =	vadd.s32 v7, v26;
	v22 =	vbroadcast v22, $0x0;
	v27 =	vshrl.u32 v27, $0x3  }
0x238: {  	v28 =	vmov s0;
	[tilespmem:v23+s28+$0x0] =	vst.idx.msk $0xffff, v19;
	v19 =	vld [tilespmem:s6+$0xFFFFFF80];
	v23 =	vadd.s32 v8, v26;
	v27 =	vshll.u32 v27, v1  }
0x239: {  	s0 =	sadd.s32 $0x7, s18;
	v29 =	vshrl.u32 v28, $0x3;
	[tilespmem:v18+s28+$0x0] =	vst.idx.msk $0xffff, v24;
	v24 =	vld [tilespmem:s6+$0xFFFFFF90];
	v26 =	vadd.s32 v9, v22;
	v27 =	vbroadcast v27, $0x0  }
0x23a: {  	s18 =	sadd.s32 $0x8, s18;
	v28 =	vmov s0;
	v22 =	vadd.s32 v10, v22;
	v29 =	vshll.u32 v29, v1;
	[tilespmem:v31+s28+$0x0] =	vst.idx.msk $0xffff, v30;
	v18 =	vld [tilespmem:s6+$0xFFFFFFA0]  }
0x23b: {  	_ =	sdelay $0x3  }
0x23c: {  	v28 =	vshrl.u32 v28, $0x3;
	[tilespmem:v25+s28+$0x0] =	vst.idx.msk $0xffff, v20;
	v20 =	vld [tilespmem:s6+$0xFFFFFFB0];
	v25 =	vadd.s32 v11, v27;
	v29 =	vbroadcast v29, $0x0  }
0x23d: {  	v30 =	vmov s12;
	v28 =	vshll.u32 v28, v1;
	[tilespmem:v21+s28+$0x0] =	vst.idx.msk $0xffff, v17;
	v17 =	vld [tilespmem:s6+$0xFFFFFFC0];
	v21 =	vadd.s32 v12, v27  }
0x23e: {  	s0 =	sadd.s32 $0x1, s12;
	v27 =	vshrl.u32 v30, $0x3;
	v28 =	vbroadcast v28, $0x0;
	[tilespmem:v23+s28+$0x0] =	vst.idx.msk $0xffff, v19;
	v19 =	vld [tilespmem:s6+$0xFFFFFFD0];
	v23 =	vadd.s32 v13, v29  }
0x23f: {  	v30 =	vmov s0;
	v27 =	vshll.u32 v27, v1;
	[tilespmem:v26+s28+$0x0] =	vst.idx.msk $0xffff, v24;
	v24 =	vld [tilespmem:s6+$0xFFFFFFE0];
	v26 =	vadd.s32 v14, v29;
	s6 =	sadd.s32 $0x100, s6  }
0x240: {  	s19 =	sadd.s32 $0x2, s12;
	v27 =	vbroadcast v27, $0x0;
	v29 =	vshrl.u32 v30, $0x3;
	v30 =	vld [tilespmem:s6+$0xFFFFFFF0];
	v31 =	vadd.s32 v15, v28;
	[tilespmem:v22+s28+$0x0] =	vst.idx.msk $0xffff, v18  }
0x241: {  	v18 =	vshll.u32 v29, v1;
	v22 =	vmov s19;
	v29 =	vld [tilespmem:s6+$0x0];
	v28 =	vadd.s32 v16, v28;
	[tilespmem:v25+s28+$0x0] =	vst.idx.msk $0xffff, v20  }
0x242: {  	s20 =	sadd.s32 $0x3, s12;
	v20 =	vld [tilespmem:s6+$0xFFFFFF10];
	v25 =	vadd.s32 v0, v27;
	v18 =	vbroadcast v18, $0x0;
	v22 =	vshrl.u32 v22, $0x3;
	[tilespmem:v21+s28+$0x0] =	vst.idx.msk $0xffff, v17  }
0x243: {  	v17 =	vld [tilespmem:s6+$0xFFFFFF20];
	v21 =	vadd.s32 v2, v27;
	v22 =	vshll.u32 v22, v1;
	v27 =	vmov s20;
	[tilespmem:v23+s28+$0x0] =	vst.idx.msk $0xffff, v19  }
0x244: {  	s22 =	sadd.s32 $0x4, s12;
	v19 =	vld [tilespmem:s6+$0xFFFFFF30];
	v23 =	vadd.s32 v3, v18;
	v22 =	vbroadcast v22, $0x0;
	v27 =	vshrl.u32 v27, $0x3;
	[tilespmem:v26+s28+$0x0] =	vst.idx.msk $0xffff, v24  }
0x245: {  	v18 =	vadd.s32 v4, v18;
	v24 =	vld [tilespmem:s6+$0xFFFFFF40];
	v26 =	vshll.u32 v27, v1;
	v27 =	vmov s22;
	[tilespmem:v31+s28+$0x0] =	vst.idx.msk $0xffff, v30  }
0x246: {  	s18 =	sadd.s32 $0x5, s12;
	v30 =	vld [tilespmem:s6+$0xFFFFFF50];
	v31 =	vadd.s32 v5, v22;
	v26 =	vbroadcast v26, $0x0;
	v27 =	vshrl.u32 v27, $0x3;
	[tilespmem:v28+s28+$0x0] =	vst.idx.msk $0xffff, v29  }
0x247: {  	v22 =	vadd.s32 v6, v22;
	v28 =	vmov s18;
	[tilespmem:v25+s28+$0x0] =	vst.idx.msk $0xffff, v20;
	v20 =	vld [tilespmem:s6+$0xFFFFFF60];
	v25 =	vshll.u32 v27, v1  }
0x248: {  	s19 =	sadd.s32 $0x6, s12;
	[tilespmem:v21+s28+$0x0] =	vst.idx.msk $0xffff, v17;
	v17 =	vld [tilespmem:s6+$0xFFFFFF70];
	v21 =	vadd.s32 v7, v26;
	v25 =	vbroadcast v25, $0x0;
	v27 =	vshrl.u32 v28, $0x3  }
0x249: {  	[tilespmem:v23+s28+$0x0] =	vst.idx.msk $0xffff, v19;
	v19 =	vld [tilespmem:s6+$0xFFFFFF80];
	v23 =	vadd.s32 v8, v26;
	v26 =	vshll.u32 v27, v1;
	v27 =	vmov s19  }
0x24a: {  	[tilespmem:v18+s28+$0x0] =	vst.idx.msk $0xffff, v24;
	v18 =	vld [tilespmem:s6+$0xFFFFFF90];
	v24 =	vadd.s32 v9, v25;
	v26 =	vbroadcast v26, $0x0;
	v27 =	vshrl.u32 v27, $0x3  }
0x24b: {  	v28 =	vld [tilespmem:s6+$0xFFFFFFA0];
	v25 =	vadd.s32 v10, v25;
	[tilespmem:v31+s28+$0x0] =	vst.idx.msk $0xffff, v30;
	v27 =	vshll.u32 v27, v1  }
0x24c: {  	[tilespmem:v22+s28+$0x0] =	vst.idx.msk $0xffff, v20;
	v20 =	vld [tilespmem:s6+$0xFFFFFFB0];
	v22 =	vadd.s32 v11, v26;
	v27 =	vbroadcast v27, $0x0  }
0x24d: {  	[tilespmem:v21+s28+$0x0] =	vst.idx.msk $0xffff, v17;
	v17 =	vld [tilespmem:s6+$0xFFFFFFC0];
	v21 =	vadd.s32 v12, v26  }
0x24e: {  	[tilespmem:v23+s28+$0x0] =	vst.idx.msk $0xffff, v19;
	v19 =	vld [tilespmem:s6+$0xFFFFFFD0];
	v23 =	vadd.s32 v13, v27  }
0x24f: {  	[tilespmem:v24+s28+$0x0] =	vst.idx.msk $0xffff, v18;
	v18 =	vld [tilespmem:s6+$0xFFFFFFE0];
	v24 =	vadd.s32 v14, v27  }
0x250: {  	[tilespmem:v25+s28+$0x0] =	vst.idx.msk $0xffff, v28  }
0x251: {  	s20 =	sshll.u32 s30, $0x11;
	[tilespmem:v22+s28+$0x0] =	vst.idx.msk $0xffff, v20  }
0x252: {  	s0 =	sor.u32 s4, s20;
	[tilespmem:v21+s28+$0x0] =	vst.idx.msk $0xffff, v17  }
0x253: {  	s0 =	sshrl.u32 s0, $0x3;
	[tilespmem:v23+s28+$0x0] =	vst.idx.msk $0xffff, v19  }
0x254: {  	s12 =	sadd.s32 s1, s0;
	s6 =	simm.s32 $0x0;
	[tilespmem:v24+s28+$0x0] =	vst.idx.msk $0xffff, v18  }
0x255: {  	[hbm4b:s12+s6] =	stream.linear.scatter [tilespmem:s28], [sflag:$0xF], $0x80, $0x38;
	[tilespmem:$0x1AE00] =	vst v63  }
0x256: {  	s0 =	sadd.s32 $0x10, s12;
	s18 =	simm.s32 $0x14888  }
0x257: {  	[hbm4b:s0+s6] =	stream.linear.scatter [tilespmem:s18], [sflag:$0xF], $0x80, $0x38;
	[tilespmem:$0x1AE00] =	vst v63  }
0x258: {  	s30 =	simm.s32 $0x14910;
	s22 =	sadd.s32 $0x20, s12  }
0x259: {  	[hbm4b:s22+s6] =	stream.linear.scatter [tilespmem:s30], [sflag:$0xF], $0x80, $0x38;
	[tilespmem:$0x1AE00] =	vst v63  }
0x25a: {  	s20 =	simm.s32 $0x14998;
	s19 =	sadd.s32 $0x30, s12  }
0x25b: {  	[hbm4b:s19+s6] =	stream.linear.scatter [tilespmem:s20], [sflag:$0xF], $0x80, $0x38;
	[tilespmem:$0x1AE00] =	vst v63  }
0x25c: {  	s22 =	sadd.s32 $0x40, s12;
	s30 =	simm.s32 $0x14A20  }
0x25d: {  	[hbm4b:s22+s6] =	stream.linear.scatter [tilespmem:s30], [sflag:$0xF], $0x80, $0x38;
	[tilespmem:$0x1AE00] =	vst v63  }
0x25e: {  	s19 =	sadd.s32 $0x50, s12;
	s20 =	simm.s32 $0x14AA8  }
0x25f: {  	[hbm4b:s19+s6] =	stream.linear.scatter [tilespmem:s20], [sflag:$0xF], $0x80, $0x38;
	[tilespmem:$0x1AE00] =	vst v63  }
0x260: {  	s22 =	sadd.s32 $0x60, s12;
	s30 =	simm.s32 $0x14B30  }
0x261: {  	[hbm4b:s22+s6] =	stream.linear.scatter [tilespmem:s30], [sflag:$0xF], $0x80, $0x38;
	[tilespmem:$0x1AE00] =	vst v63  }
0x262: {  	s19 =	sadd.s32 $0x70, s12;
	s20 =	simm.s32 $0x14BB8  }
0x263: {  	[hbm4b:s19+s6] =	stream.linear.scatter [tilespmem:s20], [sflag:$0xF], $0x80, $0x38;
	[tilespmem:$0x1AE00] =	vst v63  }
0x264: {  	s22 =	sadd.s32 $0x1000, s12;
	s30 =	simm.s32 $0x14C40  }
0x265: {  	[hbm4b:s22+s6] =	stream.linear.scatter [tilespmem:s30], [sflag:$0xF], $0x80, $0x38;
	[tilespmem:$0x1AE00] =	vst v63  }
0x266: {  	s19 =	sadd.s32 $0x1010, s12;
	s20 =	simm.s32 $0x14CC8  }
0x267: {  	[hbm4b:s19+s6] =	stream.linear.scatter [tilespmem:s20], [sflag:$0xF], $0x80, $0x38;
	[tilespmem:$0x1AE00] =	vst v63  }
0x268: {  	s22 =	sadd.s32 $0x1020, s12;
	s30 =	simm.s32 $0x14D50  }
0x269: {  	[hbm4b:s22+s6] =	stream.linear.scatter [tilespmem:s30], [sflag:$0xF], $0x80, $0x38;
	[tilespmem:$0x1AE00] =	vst v63  }
0x26a: {  	s19 =	sadd.s32 $0x1030, s12;
	s20 =	simm.s32 $0x14DD8  }
0x26b: {  	[hbm4b:s19+s6] =	stream.linear.scatter [tilespmem:s20], [sflag:$0xF], $0x80, $0x38;
	[tilespmem:$0x1AE00] =	vst v63  }
0x26c: {  	s22 =	sadd.s32 $0x1040, s12;
	s30 =	simm.s32 $0x14E60  }
0x26d: {  	[hbm4b:s22+s6] =	stream.linear.scatter [tilespmem:s30], [sflag:$0xF], $0x80, $0x38;
	[tilespmem:$0x1AE00] =	vst v63  }
0x26e: {  	s19 =	sadd.s32 $0x1050, s12;
	s20 =	simm.s32 $0x14EE8  }
0x26f: {  	[hbm4b:s19+s6] =	stream.linear.scatter [tilespmem:s20], [sflag:$0xF], $0x80, $0x38;
	[tilespmem:$0x1AE00] =	vst v63  }
0x270: {  	s22 =	sadd.s32 $0x1060, s12;
	s30 =	simm.s32 $0x14F70  }
0x271: {  	[hbm4b:s22+s6] =	stream.linear.scatter [tilespmem:s30], [sflag:$0xF], $0x80, $0x38;
	[tilespmem:$0x1AE00] =	vst v63  }
0x272: {  	s19 =	sadd.s32 $0x1070, s12;
	s20 =	simm.s32 $0x14FF8  }
0x273: {  	[hbm4b:s19+s6] =	stream.linear.scatter [tilespmem:s20], [sflag:$0xF], $0x80, $0x38;
	[tilespmem:$0x1AE00] =	vst v63  }
0x274: {  	s22 =	sadd.s32 $0x2000, s12;
	s30 =	simm.s32 $0x15080  }
0x275: {  	[hbm4b:s22+s6] =	stream.linear.scatter [tilespmem:s30], [sflag:$0xF], $0x80, $0x38;
	[tilespmem:$0x1AE00] =	vst v63  }
0x276: {  	s19 =	sadd.s32 $0x2010, s12;
	s20 =	simm.s32 $0x15108  }
0x277: {  	[hbm4b:s19+s6] =	stream.linear.scatter [tilespmem:s20], [sflag:$0xF], $0x80, $0x38;
	[tilespmem:$0x1AE00] =	vst v63  }
0x278: {  	s22 =	sadd.s32 $0x2020, s12;
	s30 =	simm.s32 $0x15190  }
0x279: {  	[hbm4b:s22+s6] =	stream.linear.scatter [tilespmem:s30], [sflag:$0xF], $0x80, $0x38;
	[tilespmem:$0x1AE00] =	vst v63  }
0x27a: {  	s19 =	sadd.s32 $0x2030, s12;
	s20 =	simm.s32 $0x15218  }
0x27b: {  	[hbm4b:s19+s6] =	stream.linear.scatter [tilespmem:s20], [sflag:$0xF], $0x80, $0x38;
	[tilespmem:$0x1AE00] =	vst v63  }
0x27c: {  	s22 =	sadd.s32 $0x2040, s12;
	s30 =	simm.s32 $0x152A0  }
0x27d: {  	[hbm4b:s22+s6] =	stream.linear.scatter [tilespmem:s30], [sflag:$0xF], $0x80, $0x38;
	[tilespmem:$0x1AE00] =	vst v63  }
0x27e: {  	s19 =	sadd.s32 $0x2050, s12;
	s20 =	simm.s32 $0x15328  }
0x27f: {  	[hbm4b:s19+s6] =	stream.linear.scatter [tilespmem:s20], [sflag:$0xF], $0x80, $0x38;
	[tilespmem:$0x1AE00] =	vst v63  }
0x280: {  	s22 =	sadd.s32 $0x2060, s12;
	s30 =	simm.s32 $0x153B0  }
0x281: {  	[hbm4b:s22+s6] =	stream.linear.scatter [tilespmem:s30], [sflag:$0xF], $0x80, $0x38;
	[tilespmem:$0x1AE00] =	vst v63  }
0x282: {  	s19 =	sadd.s32 $0x2070, s12;
	s20 =	simm.s32 $0x15438  }
0x283: {  	[hbm4b:s19+s6] =	stream.linear.scatter [tilespmem:s20], [sflag:$0xF], $0x80, $0x38;
	[tilespmem:$0x1AE00] =	vst v63  }
0x284: {  	s22 =	sadd.s32 $0x3000, s12;
	s30 =	simm.s32 $0x154C0  }
0x285: {  	[hbm4b:s22+s6] =	stream.linear.scatter [tilespmem:s30], [sflag:$0xF], $0x80, $0x38;
	[tilespmem:$0x1AE00] =	vst v63  }
0x286: {  	s19 =	sadd.s32 $0x3010, s12;
	s20 =	simm.s32 $0x15548  }
0x287: {  	[hbm4b:s19+s6] =	stream.linear.scatter [tilespmem:s20], [sflag:$0xF], $0x80, $0x38;
	[tilespmem:$0x1AE00] =	vst v63  }
0x288: {  	s22 =	sadd.s32 $0x3020, s12;
	s30 =	simm.s32 $0x155D0  }
0x289: {  	[hbm4b:s22+s6] =	stream.linear.scatter [tilespmem:s30], [sflag:$0xF], $0x80, $0x38;
	[tilespmem:$0x1AE00] =	vst v63  }
0x28a: {  	s19 =	sadd.s32 $0x3030, s12;
	s20 =	simm.s32 $0x15658  }
0x28b: {  	[hbm4b:s19+s6] =	stream.linear.scatter [tilespmem:s20], [sflag:$0xF], $0x80, $0x38;
	[tilespmem:$0x1AE00] =	vst v63  }
0x28c: {  	s22 =	sadd.s32 $0x3040, s12;
	s30 =	simm.s32 $0x156E0  }
0x28d: {  	[hbm4b:s22+s6] =	stream.linear.scatter [tilespmem:s30], [sflag:$0xF], $0x80, $0x38;
	[tilespmem:$0x1AE00] =	vst v63  }
0x28e: {  	s19 =	sadd.s32 $0x3050, s12;
	s20 =	simm.s32 $0x15768  }
0x28f: {  	[hbm4b:s19+s6] =	stream.linear.scatter [tilespmem:s20], [sflag:$0xF], $0x80, $0x38;
	[tilespmem:$0x1AE00] =	vst v63  }
0x290: {  	s22 =	sadd.s32 $0x3060, s12;
	s30 =	simm.s32 $0x157F0;
	s19 =	simm.s32 $0x7  }
0x291: {  	[hbm4b:s22+s6] =	stream.linear.scatter [tilespmem:s30], [sflag:$0xF], $0x80, $0x38;
	[tilespmem:$0x1AE00] =	vst v63  }
0x292: {  	s12 =	sadd.s32 $0x3070, s12;
	s20 =	simm.s32 $0x15878;
	v17 =	vmov s19;
	s22 =	simm.s32 $0x6  }
0x293: {  	v18 =	vmov s6;
	v17 =	vshrl.u32 v17, $0x3;
	[hbm4b:s12+s6] =	stream.linear.scatter [tilespmem:s20], [sflag:$0xF], $0x80, $0x38;
	[tilespmem:$0x1AE00] =	vst v63  }
0x294: {  	v18 =	vshrl.u32 v18, $0x3;
	v17 =	vshll.u32 v17, v1;
	_ =	swait.ge [sflag:s22], $0x1000  }
0x295: {  	v18 =	vshll.u32 v18, v1;
	s30 =	simm.s32 $0x1;
	v17 =	vbroadcast v17, $0x0;
	[sflag:s22] =	ssyncset.done $0x0  }
0x296: {  	v18 =	vbroadcast v18, $0x0;
	v19 =	vmov s30;
	s6 =	simm.s32 $0xB4F0;
	[sflag:s22] =	ssyncadd.s32 $0xFFFFF000  }
0x297: {  	v19 =	vshrl.u32 v19, $0x3;
	s12 =	simm.s32 $0x2;
	v21 =	vadd.s32 v15, v17;
	v20 =	vld [tilespmem:s6+$0xFFFFFFF0]  }
0x298: {  	v25 =	vadd.s32 v0, v18;
	v19 =	vshll.u32 v19, v1;
	v22 =	vmov s12;
	v24 =	vld [tilespmem:s6+$0xFFFFFF10]  }
0x299: {  	s18 =	simm.s32 $0x3;
	v17 =	vadd.s32 v16, v17;
	v19 =	vbroadcast v19, $0x0;
	v22 =	vshrl.u32 v22, $0x3;
	v23 =	vld [tilespmem:s6+$0x0]  }
0x29a: {  	v27 =	vmov s18;
	v18 =	vadd.s32 v2, v18;
	v22 =	vshll.u32 v22, v1;
	v26 =	vld [tilespmem:s6+$0xFFFFFF20]  }
0x29b: {  	v27 =	vshrl.u32 v27, $0x3;
	s19 =	simm.s32 $0x4;
	v28 =	vld [tilespmem:s6+$0xFFFFFF30];
	v29 =	vadd.s32 v3, v19;
	v22 =	vbroadcast v22, $0x0  }
0x29c: {  	v30 =	vld [tilespmem:s6+$0xFFFFFF40];
	v31 =	vadd.s32 v4, v19;
	v19 =	vshll.u32 v27, v1;
	v27 =	vmov s19;
	[tilespmem:v21+s29+$0x0] =	vst.idx.msk $0xffff, v20  }
0x29d: {  	s20 =	simm.s32 $0x5;
	v32 =	vld [tilespmem:s6+$0xFFFFFF50];
	v34 =	vbroadcast v19, $0x0;
	v19 =	vshrl.u32 v27, $0x3;
	v33 =	vadd.s32 v5, v22;
	[tilespmem:v25+s29+$0x0] =	vst.idx.msk $0xffff, v24  }
0x29e: {  	v19 =	vshll.u32 v19, v1;
	v20 =	vld [tilespmem:s6+$0xFFFFFF60];
	v25 =	vadd.s32 v6, v22;
	v22 =	vmov s20;
	[tilespmem:v17+s29+$0x0] =	vst.idx.msk $0xffff, v23  }
0x29f: {  	s22 =	simm.s32 $0x6;
	v35 =	vbroadcast v19, $0x0;
	v21 =	vadd.s32 v7, v34;
	[tilespmem:v18+s29+$0x0] =	vst.idx.msk $0xffff, v26;
	v17 =	vld [tilespmem:s6+$0xFFFFFF70];
	v18 =	vshrl.u32 v22, $0x3  }
0x2a0: {  	v19 =	vld [tilespmem:s6+$0xFFFFFF80];
	[tilespmem:v29+s29+$0x0] =	vst.idx.msk $0xffff, v28;
	v23 =	vadd.s32 v8, v34;
	v22 =	vmov s22;
	v18 =	vshll.u32 v18, v1  }
0x2a1: {  	s30 =	simm.s32 $0xF;
	v24 =	vld [tilespmem:s6+$0xFFFFFF90];
	[tilespmem:v31+s29+$0x0] =	vst.idx.msk $0xffff, v30;
	v26 =	vadd.s32 v9, v35;
	v29 =	vshrl.u32 v22, $0x3;
	v27 =	vbroadcast v18, $0x0  }
0x2a2: {  	s18 =	simm.s32 $0x10;
	s12 =	simm.s32 $0x8;
	v28 =	vmov s30;
	[tilespmem:v33+s29+$0x0] =	vst.idx.msk $0xffff, v32;
	v22 =	vadd.s32 v10, v35;
	v18 =	vld [tilespmem:s6+$0xFFFFFFA0];
	v29 =	vshll.u32 v29, v1  }
.LBB2_13:
0x2a3: {  	p0 =	slt.u32 s18, $0x78;
	v28 =	vshrl.u32 v28, $0x3;
	[tilespmem:v25+s29+$0x0] =	vst.idx.msk $0xffff, v20;
	v20 =	vld [tilespmem:s6+$0xFFFFFFB0];
	v25 =	vadd.s32 v11, v27;
	v29 =	vbroadcast v29, $0x0  }
0x2a4: {  	v30 =	vmov s12;
	v28 =	vshll.u32 v28, v1;
	[tilespmem:v21+s29+$0x0] =	vst.idx.msk $0xffff, v17;
	v17 =	vld [tilespmem:s6+$0xFFFFFFC0];
	v21 =	vadd.s32 v12, v27  }
0x2a5: {  	s0 =	sadd.s32 $0x1, s12;
	v27 =	vshrl.u32 v30, $0x3;
	v28 =	vbroadcast v28, $0x0;
	[tilespmem:v23+s29+$0x0] =	vst.idx.msk $0xffff, v19;
	v19 =	vld [tilespmem:s6+$0xFFFFFFD0];
	v23 =	vadd.s32 v13, v29  }
0x2a6: {  	v30 =	vmov s0;
	v27 =	vshll.u32 v27, v1;
	[tilespmem:v26+s29+$0x0] =	vst.idx.msk $0xffff, v24;
	v24 =	vld [tilespmem:s6+$0xFFFFFFE0];
	v26 =	vadd.s32 v14, v29;
	s6 =	sadd.s32 $0x100, s6  }
0x2a7: {  	s0 =	sadd.s32 $0x2, s12;
	v27 =	vbroadcast v27, $0x0;
	v29 =	vshrl.u32 v30, $0x3;
	v30 =	vld [tilespmem:s6+$0xFFFFFFF0];
	v31 =	vadd.s32 v15, v28;
	[tilespmem:v22+s29+$0x0] =	vst.idx.msk $0xffff, v18  }
0x2a8: {  	v18 =	vshll.u32 v29, v1;
	v22 =	vmov s0;
	v28 =	vadd.s32 v16, v28;
	v29 =	vld [tilespmem:s6+$0x0];
	[tilespmem:v25+s29+$0x0] =	vst.idx.msk $0xffff, v20  }
0x2a9: {  	s0 =	sadd.s32 $0x3, s12;
	v25 =	vadd.s32 v0, v27;
	v18 =	vbroadcast v18, $0x0;
	v22 =	vshrl.u32 v22, $0x3;
	v20 =	vld [tilespmem:s6+$0xFFFFFF10];
	[tilespmem:v21+s29+$0x0] =	vst.idx.msk $0xffff, v17  }
0x2aa: {  	v21 =	vadd.s32 v2, v27;
	v22 =	vshll.u32 v22, v1;
	v27 =	vmov s0;
	v17 =	vld [tilespmem:s6+$0xFFFFFF20];
	[tilespmem:v23+s29+$0x0] =	vst.idx.msk $0xffff, v19  }
0x2ab: {  	s0 =	sadd.s32 $0x4, s12;
	v23 =	vadd.s32 v3, v18;
	v22 =	vbroadcast v22, $0x0;
	v27 =	vshrl.u32 v27, $0x3;
	v19 =	vld [tilespmem:s6+$0xFFFFFF30];
	[tilespmem:v26+s29+$0x0] =	vst.idx.msk $0xffff, v24  }
0x2ac: {  	v18 =	vadd.s32 v4, v18;
	v26 =	vshll.u32 v27, v1;
	v27 =	vmov s0;
	v24 =	vld [tilespmem:s6+$0xFFFFFF40];
	[tilespmem:v31+s29+$0x0] =	vst.idx.msk $0xffff, v30  }
0x2ad: {  	s0 =	sadd.s32 $0x5, s12;
	v31 =	vadd.s32 v5, v22;
	v26 =	vbroadcast v26, $0x0;
	v27 =	vshrl.u32 v27, $0x3;
	v30 =	vld [tilespmem:s6+$0xFFFFFF50];
	[tilespmem:v28+s29+$0x0] =	vst.idx.msk $0xffff, v29  }
.Ltmp5:
0x2ae: {  	[tilespmem:v25+s29+$0x0] =	vst.idx.msk $0xffff, v20;
	v20 =	vld [tilespmem:s6+$0xFFFFFF60];
	v25 =	vadd.s32 v6, v22;
	v22 =	vshll.u32 v27, v1;
	v27 =	vmov s0;
	(pc) =	sbr.rel @p0 .LBB2_13-.Ltmp5, $4  }
0x2af: {  	s0 =	sadd.s32 $0x6, s12;
	s12 =	smov.u32 s18;
	[tilespmem:v21+s29+$0x0] =	vst.idx.msk $0xffff, v17;
	v17 =	vld [tilespmem:s6+$0xFFFFFF70];
	v21 =	vadd.s32 v7, v26;
	v22 =	vbroadcast v22, $0x0;
	v27 =	vshrl.u32 v27, $0x3  }
0x2b0: {  	v28 =	vmov s0;
	[tilespmem:v23+s29+$0x0] =	vst.idx.msk $0xffff, v19;
	v19 =	vld [tilespmem:s6+$0xFFFFFF80];
	v23 =	vadd.s32 v8, v26;
	v27 =	vshll.u32 v27, v1  }
0x2b1: {  	s0 =	sadd.s32 $0x7, s18;
	v29 =	vshrl.u32 v28, $0x3;
	[tilespmem:v18+s29+$0x0] =	vst.idx.msk $0xffff, v24;
	v24 =	vld [tilespmem:s6+$0xFFFFFF90];
	v26 =	vadd.s32 v9, v22;
	v27 =	vbroadcast v27, $0x0  }
0x2b2: {  	s18 =	sadd.s32 $0x8, s18;
	v28 =	vmov s0;
	v22 =	vadd.s32 v10, v22;
	v29 =	vshll.u32 v29, v1;
	[tilespmem:v31+s29+$0x0] =	vst.idx.msk $0xffff, v30;
	v18 =	vld [tilespmem:s6+$0xFFFFFFA0]  }
0x2b3: {  	_ =	sdelay $0x3  }
0x2b4: {  	v28 =	vshrl.u32 v28, $0x3;
	[tilespmem:v25+s29+$0x0] =	vst.idx.msk $0xffff, v20;
	v20 =	vld [tilespmem:s6+$0xFFFFFFB0];
	v25 =	vadd.s32 v11, v27;
	v29 =	vbroadcast v29, $0x0  }
0x2b5: {  	v30 =	vmov s12;
	v28 =	vshll.u32 v28, v1;
	[tilespmem:v21+s29+$0x0] =	vst.idx.msk $0xffff, v17;
	v17 =	vld [tilespmem:s6+$0xFFFFFFC0];
	v21 =	vadd.s32 v12, v27  }
0x2b6: {  	s0 =	sadd.s32 $0x1, s12;
	v27 =	vshrl.u32 v30, $0x3;
	v28 =	vbroadcast v28, $0x0;
	[tilespmem:v23+s29+$0x0] =	vst.idx.msk $0xffff, v19;
	v19 =	vld [tilespmem:s6+$0xFFFFFFD0];
	v23 =	vadd.s32 v13, v29  }
0x2b7: {  	v30 =	vmov s0;
	v27 =	vshll.u32 v27, v1;
	[tilespmem:v26+s29+$0x0] =	vst.idx.msk $0xffff, v24;
	v24 =	vld [tilespmem:s6+$0xFFFFFFE0];
	v26 =	vadd.s32 v14, v29;
	s6 =	sadd.s32 $0x100, s6  }
0x2b8: {  	s19 =	sadd.s32 $0x2, s12;
	v27 =	vbroadcast v27, $0x0;
	v29 =	vshrl.u32 v30, $0x3;
	v30 =	vld [tilespmem:s6+$0xFFFFFFF0];
	v31 =	vadd.s32 v15, v28;
	[tilespmem:v22+s29+$0x0] =	vst.idx.msk $0xffff, v18  }
0x2b9: {  	v18 =	vshll.u32 v29, v1;
	v22 =	vmov s19;
	v29 =	vld [tilespmem:s6+$0x0];
	v28 =	vadd.s32 v16, v28;
	[tilespmem:v25+s29+$0x0] =	vst.idx.msk $0xffff, v20  }
0x2ba: {  	s20 =	sadd.s32 $0x3, s12;
	v20 =	vld [tilespmem:s6+$0xFFFFFF10];
	v25 =	vadd.s32 v0, v27;
	v18 =	vbroadcast v18, $0x0;
	v22 =	vshrl.u32 v22, $0x3;
	[tilespmem:v21+s29+$0x0] =	vst.idx.msk $0xffff, v17  }
0x2bb: {  	v17 =	vld [tilespmem:s6+$0xFFFFFF20];
	v21 =	vadd.s32 v2, v27;
	v22 =	vshll.u32 v22, v1;
	v27 =	vmov s20;
	[tilespmem:v23+s29+$0x0] =	vst.idx.msk $0xffff, v19  }
0x2bc: {  	s22 =	sadd.s32 $0x4, s12;
	v19 =	vld [tilespmem:s6+$0xFFFFFF30];
	v23 =	vadd.s32 v3, v18;
	v22 =	vbroadcast v22, $0x0;
	v27 =	vshrl.u32 v27, $0x3;
	[tilespmem:v26+s29+$0x0] =	vst.idx.msk $0xffff, v24  }
0x2bd: {  	v18 =	vadd.s32 v4, v18;
	v24 =	vld [tilespmem:s6+$0xFFFFFF40];
	v26 =	vshll.u32 v27, v1;
	v27 =	vmov s22;
	[tilespmem:v31+s29+$0x0] =	vst.idx.msk $0xffff, v30  }
0x2be: {  	s30 =	sadd.s32 $0x5, s12;
	v30 =	vld [tilespmem:s6+$0xFFFFFF50];
	v31 =	vadd.s32 v5, v22;
	v26 =	vbroadcast v26, $0x0;
	v27 =	vshrl.u32 v27, $0x3;
	[tilespmem:v28+s29+$0x0] =	vst.idx.msk $0xffff, v29  }
0x2bf: {  	v22 =	vadd.s32 v6, v22;
	v28 =	vmov s30;
	[tilespmem:v25+s29+$0x0] =	vst.idx.msk $0xffff, v20;
	v20 =	vld [tilespmem:s6+$0xFFFFFF60];
	v25 =	vshll.u32 v27, v1  }
0x2c0: {  	s18 =	sadd.s32 $0x6, s12;
	[tilespmem:v21+s29+$0x0] =	vst.idx.msk $0xffff, v17;
	v17 =	vld [tilespmem:s6+$0xFFFFFF70];
	v21 =	vadd.s32 v7, v26;
	v25 =	vbroadcast v25, $0x0;
	v27 =	vshrl.u32 v28, $0x3  }
0x2c1: {  	[tilespmem:v23+s29+$0x0] =	vst.idx.msk $0xffff, v19;
	v19 =	vld [tilespmem:s6+$0xFFFFFF80];
	v23 =	vadd.s32 v8, v26;
	v26 =	vshll.u32 v27, v1;
	v27 =	vmov s18  }
0x2c2: {  	[tilespmem:v18+s29+$0x0] =	vst.idx.msk $0xffff, v24;
	v18 =	vld [tilespmem:s6+$0xFFFFFF90];
	v24 =	vadd.s32 v9, v25;
	v26 =	vbroadcast v26, $0x0;
	v27 =	vshrl.u32 v27, $0x3  }
0x2c3: {  	v28 =	vld [tilespmem:s6+$0xFFFFFFA0];
	v25 =	vadd.s32 v10, v25;
	[tilespmem:v31+s29+$0x0] =	vst.idx.msk $0xffff, v30;
	v27 =	vshll.u32 v27, v1  }
0x2c4: {  	[tilespmem:v22+s29+$0x0] =	vst.idx.msk $0xffff, v20;
	v20 =	vld [tilespmem:s6+$0xFFFFFFB0];
	v22 =	vadd.s32 v11, v26;
	v27 =	vbroadcast v27, $0x0  }
0x2c5: {  	[tilespmem:v21+s29+$0x0] =	vst.idx.msk $0xffff, v17;
	v17 =	vld [tilespmem:s6+$0xFFFFFFC0];
	v21 =	vadd.s32 v12, v26  }
0x2c6: {  	[tilespmem:v23+s29+$0x0] =	vst.idx.msk $0xffff, v19;
	v19 =	vld [tilespmem:s6+$0xFFFFFFD0];
	v23 =	vadd.s32 v13, v27  }
0x2c7: {  	[tilespmem:v24+s29+$0x0] =	vst.idx.msk $0xffff, v18;
	v18 =	vld [tilespmem:s6+$0xFFFFFFE0];
	v24 =	vadd.s32 v14, v27  }
0x2c8: {  	[tilespmem:v25+s29+$0x0] =	vst.idx.msk $0xffff, v28  }
0x2c9: {  	s19 =	sshll.u32 s14, $0x11;
	[tilespmem:v22+s29+$0x0] =	vst.idx.msk $0xffff, v20  }
0x2ca: {  	s0 =	sor.u32 s4, s19;
	[tilespmem:v21+s29+$0x0] =	vst.idx.msk $0xffff, v17  }
0x2cb: {  	s0 =	sshrl.u32 s0, $0x3;
	[tilespmem:v23+s29+$0x0] =	vst.idx.msk $0xffff, v19  }
0x2cc: {  	s12 =	sadd.s32 s1, s0;
	s6 =	simm.s32 $0x0;
	[tilespmem:v24+s29+$0x0] =	vst.idx.msk $0xffff, v18  }
0x2cd: {  	[hbm4b:s12+s6] =	stream.linear.scatter [tilespmem:s29], [sflag:$0x10], $0x80, $0x38;
	[tilespmem:$0x1AE00] =	vst v63  }
0x2ce: {  	s20 =	simm.s32 $0x15988;
	s0 =	sadd.s32 $0x10, s12  }
0x2cf: {  	[hbm4b:s0+s6] =	stream.linear.scatter [tilespmem:s20], [sflag:$0x10], $0x80, $0x38;
	[tilespmem:$0x1AE00] =	vst v63  }
0x2d0: {  	s22 =	sadd.s32 $0x20, s12;
	s30 =	simm.s32 $0x15A10  }
0x2d1: {  	[hbm4b:s22+s6] =	stream.linear.scatter [tilespmem:s30], [sflag:$0x10], $0x80, $0x38;
	[tilespmem:$0x1AE00] =	vst v63  }
0x2d2: {  	s14 =	sadd.s32 $0x30, s12;
	s18 =	simm.s32 $0x15A98  }
0x2d3: {  	[hbm4b:s14+s6] =	stream.linear.scatter [tilespmem:s18], [sflag:$0x10], $0x80, $0x38;
	[tilespmem:$0x1AE00] =	vst v63  }
0x2d4: {  	s19 =	sadd.s32 $0x40, s12;
	s20 =	simm.s32 $0x15B20  }
0x2d5: {  	[hbm4b:s19+s6] =	stream.linear.scatter [tilespmem:s20], [sflag:$0x10], $0x80, $0x38;
	[tilespmem:$0x1AE00] =	vst v63  }
0x2d6: {  	s22 =	sadd.s32 $0x50, s12;
	s30 =	simm.s32 $0x15BA8  }
0x2d7: {  	[hbm4b:s22+s6] =	stream.linear.scatter [tilespmem:s30], [sflag:$0x10], $0x80, $0x38;
	[tilespmem:$0x1AE00] =	vst v63  }
0x2d8: {  	s14 =	sadd.s32 $0x60, s12;
	s18 =	simm.s32 $0x15C30  }
0x2d9: {  	[hbm4b:s14+s6] =	stream.linear.scatter [tilespmem:s18], [sflag:$0x10], $0x80, $0x38;
	[tilespmem:$0x1AE00] =	vst v63  }
0x2da: {  	s19 =	sadd.s32 $0x70, s12;
	s20 =	simm.s32 $0x15CB8  }
0x2db: {  	[hbm4b:s19+s6] =	stream.linear.scatter [tilespmem:s20], [sflag:$0x10], $0x80, $0x38;
	[tilespmem:$0x1AE00] =	vst v63  }
0x2dc: {  	s22 =	sadd.s32 $0x1000, s12;
	s30 =	simm.s32 $0x15D40  }
0x2dd: {  	[hbm4b:s22+s6] =	stream.linear.scatter [tilespmem:s30], [sflag:$0x10], $0x80, $0x38;
	[tilespmem:$0x1AE00] =	vst v63  }
0x2de: {  	s14 =	sadd.s32 $0x1010, s12;
	s18 =	simm.s32 $0x15DC8  }
0x2df: {  	[hbm4b:s14+s6] =	stream.linear.scatter [tilespmem:s18], [sflag:$0x10], $0x80, $0x38;
	[tilespmem:$0x1AE00] =	vst v63  }
0x2e0: {  	s19 =	sadd.s32 $0x1020, s12;
	s20 =	simm.s32 $0x15E50  }
0x2e1: {  	[hbm4b:s19+s6] =	stream.linear.scatter [tilespmem:s20], [sflag:$0x10], $0x80, $0x38;
	[tilespmem:$0x1AE00] =	vst v63  }
0x2e2: {  	s22 =	sadd.s32 $0x1030, s12;
	s30 =	simm.s32 $0x15ED8  }
0x2e3: {  	[hbm4b:s22+s6] =	stream.linear.scatter [tilespmem:s30], [sflag:$0x10], $0x80, $0x38;
	[tilespmem:$0x1AE00] =	vst v63  }
0x2e4: {  	s14 =	sadd.s32 $0x1040, s12;
	s18 =	simm.s32 $0x15F60  }
0x2e5: {  	[hbm4b:s14+s6] =	stream.linear.scatter [tilespmem:s18], [sflag:$0x10], $0x80, $0x38;
	[tilespmem:$0x1AE00] =	vst v63  }
0x2e6: {  	s19 =	sadd.s32 $0x1050, s12;
	s20 =	simm.s32 $0x15FE8  }
0x2e7: {  	[hbm4b:s19+s6] =	stream.linear.scatter [tilespmem:s20], [sflag:$0x10], $0x80, $0x38;
	[tilespmem:$0x1AE00] =	vst v63  }
0x2e8: {  	s22 =	sadd.s32 $0x1060, s12;
	s30 =	simm.s32 $0x16070  }
0x2e9: {  	[hbm4b:s22+s6] =	stream.linear.scatter [tilespmem:s30], [sflag:$0x10], $0x80, $0x38;
	[tilespmem:$0x1AE00] =	vst v63  }
0x2ea: {  	s14 =	sadd.s32 $0x1070, s12;
	s18 =	simm.s32 $0x160F8  }
0x2eb: {  	[hbm4b:s14+s6] =	stream.linear.scatter [tilespmem:s18], [sflag:$0x10], $0x80, $0x38;
	[tilespmem:$0x1AE00] =	vst v63  }
0x2ec: {  	s19 =	sadd.s32 $0x2000, s12;
	s20 =	simm.s32 $0x16180  }
0x2ed: {  	[hbm4b:s19+s6] =	stream.linear.scatter [tilespmem:s20], [sflag:$0x10], $0x80, $0x38;
	[tilespmem:$0x1AE00] =	vst v63  }
0x2ee: {  	s22 =	sadd.s32 $0x2010, s12;
	s30 =	simm.s32 $0x16208  }
0x2ef: {  	[hbm4b:s22+s6] =	stream.linear.scatter [tilespmem:s30], [sflag:$0x10], $0x80, $0x38;
	[tilespmem:$0x1AE00] =	vst v63  }
0x2f0: {  	s14 =	sadd.s32 $0x2020, s12;
	s18 =	simm.s32 $0x16290  }
0x2f1: {  	[hbm4b:s14+s6] =	stream.linear.scatter [tilespmem:s18], [sflag:$0x10], $0x80, $0x38;
	[tilespmem:$0x1AE00] =	vst v63  }
0x2f2: {  	s19 =	sadd.s32 $0x2030, s12;
	s20 =	simm.s32 $0x16318  }
0x2f3: {  	[hbm4b:s19+s6] =	stream.linear.scatter [tilespmem:s20], [sflag:$0x10], $0x80, $0x38;
	[tilespmem:$0x1AE00] =	vst v63  }
0x2f4: {  	s22 =	sadd.s32 $0x2040, s12;
	s30 =	simm.s32 $0x163A0  }
0x2f5: {  	[hbm4b:s22+s6] =	stream.linear.scatter [tilespmem:s30], [sflag:$0x10], $0x80, $0x38;
	[tilespmem:$0x1AE00] =	vst v63  }
0x2f6: {  	s14 =	sadd.s32 $0x2050, s12;
	s18 =	simm.s32 $0x16428  }
0x2f7: {  	[hbm4b:s14+s6] =	stream.linear.scatter [tilespmem:s18], [sflag:$0x10], $0x80, $0x38;
	[tilespmem:$0x1AE00] =	vst v63  }
0x2f8: {  	s19 =	sadd.s32 $0x2060, s12;
	s20 =	simm.s32 $0x164B0  }
0x2f9: {  	[hbm4b:s19+s6] =	stream.linear.scatter [tilespmem:s20], [sflag:$0x10], $0x80, $0x38;
	[tilespmem:$0x1AE00] =	vst v63  }
0x2fa: {  	s22 =	sadd.s32 $0x2070, s12;
	s30 =	simm.s32 $0x16538  }
0x2fb: {  	[hbm4b:s22+s6] =	stream.linear.scatter [tilespmem:s30], [sflag:$0x10], $0x80, $0x38;
	[tilespmem:$0x1AE00] =	vst v63  }
0x2fc: {  	s14 =	sadd.s32 $0x3000, s12;
	s18 =	simm.s32 $0x165C0  }
0x2fd: {  	[hbm4b:s14+s6] =	stream.linear.scatter [tilespmem:s18], [sflag:$0x10], $0x80, $0x38;
	[tilespmem:$0x1AE00] =	vst v63  }
0x2fe: {  	s19 =	sadd.s32 $0x3010, s12;
	s20 =	simm.s32 $0x16648  }
0x2ff: {  	[hbm4b:s19+s6] =	stream.linear.scatter [tilespmem:s20], [sflag:$0x10], $0x80, $0x38;
	[tilespmem:$0x1AE00] =	vst v63  }
0x300: {  	s22 =	sadd.s32 $0x3020, s12;
	s30 =	simm.s32 $0x166D0  }
0x301: {  	[hbm4b:s22+s6] =	stream.linear.scatter [tilespmem:s30], [sflag:$0x10], $0x80, $0x38;
	[tilespmem:$0x1AE00] =	vst v63  }
0x302: {  	s14 =	sadd.s32 $0x3030, s12;
	s18 =	simm.s32 $0x16758  }
0x303: {  	[hbm4b:s14+s6] =	stream.linear.scatter [tilespmem:s18], [sflag:$0x10], $0x80, $0x38;
	[tilespmem:$0x1AE00] =	vst v63  }
0x304: {  	s19 =	sadd.s32 $0x3040, s12;
	s20 =	simm.s32 $0x167E0  }
0x305: {  	[hbm4b:s19+s6] =	stream.linear.scatter [tilespmem:s20], [sflag:$0x10], $0x80, $0x38;
	[tilespmem:$0x1AE00] =	vst v63  }
0x306: {  	s22 =	sadd.s32 $0x3050, s12;
	s30 =	simm.s32 $0x16868  }
0x307: {  	[hbm4b:s22+s6] =	stream.linear.scatter [tilespmem:s30], [sflag:$0x10], $0x80, $0x38;
	[tilespmem:$0x1AE00] =	vst v63  }
0x308: {  	s14 =	sadd.s32 $0x3060, s12;
	s18 =	simm.s32 $0x168F0;
	s19 =	simm.s32 $0x7  }
0x309: {  	[hbm4b:s14+s6] =	stream.linear.scatter [tilespmem:s18], [sflag:$0x10], $0x80, $0x38;
	[tilespmem:$0x1AE00] =	vst v63  }
0x30a: {  	s12 =	sadd.s32 $0x3070, s12;
	s20 =	simm.s32 $0x16978;
	v17 =	vmov s19;
	s22 =	simm.s32 $0x7  }
0x30b: {  	v18 =	vmov s6;
	v17 =	vshrl.u32 v17, $0x3;
	[hbm4b:s12+s6] =	stream.linear.scatter [tilespmem:s20], [sflag:$0x10], $0x80, $0x38;
	[tilespmem:$0x1AE00] =	vst v63  }
0x30c: {  	v18 =	vshrl.u32 v18, $0x3;
	v17 =	vshll.u32 v17, v1;
	_ =	swait.ge [sflag:s22], $0x1000  }
0x30d: {  	v18 =	vshll.u32 v18, v1;
	s30 =	simm.s32 $0x1;
	v17 =	vbroadcast v17, $0x0;
	[sflag:s22] =	ssyncset.done $0x0  }
0x30e: {  	v18 =	vbroadcast v18, $0x0;
	v19 =	vmov s30;
	s14 =	simm.s32 $0x2;
	s6 =	simm.s32 $0xC4F0;
	[sflag:s22] =	ssyncadd.s32 $0xFFFFF000  }
0x30f: {  	v19 =	vshrl.u32 v19, $0x3;
	v22 =	vmov s14;
	v21 =	vadd.s32 v15, v17;
	v20 =	vld [tilespmem:s6+$0xFFFFFFF0]  }
0x310: {  	v25 =	vadd.s32 v0, v18;
	v19 =	vshll.u32 v19, v1;
	v22 =	vshrl.u32 v22, $0x3;
	v24 =	vld [tilespmem:s6+$0xFFFFFF10]  }
0x311: {  	s18 =	simm.s32 $0x3;
	v17 =	vadd.s32 v16, v17;
	v19 =	vbroadcast v19, $0x0;
	v22 =	vshll.u32 v22, v1;
	v23 =	vld [tilespmem:s6+$0x0]  }
0x312: {  	v18 =	vadd.s32 v2, v18;
	v27 =	vmov s18;
	v22 =	vbroadcast v22, $0x0;
	v26 =	vld [tilespmem:s6+$0xFFFFFF20]  }
0x313: {  	s19 =	simm.s32 $0x4;
	v27 =	vshrl.u32 v27, $0x3;
	v29 =	vadd.s32 v3, v19;
	v31 =	vadd.s32 v4, v19;
	v28 =	vld [tilespmem:s6+$0xFFFFFF30]  }
0x314: {  	v19 =	vshll.u32 v27, v1;
	v27 =	vmov s19;
	v32 =	vld [tilespmem:s6+$0xFFFFFF50];
	v33 =	vadd.s32 v5, v22;
	[tilespmem:v21+s10+$0x0] =	vst.idx.msk $0xffff, v20  }
0x315: {  	s20 =	simm.s32 $0x5;
	v34 =	vbroadcast v19, $0x0;
	v19 =	vshrl.u32 v27, $0x3;
	v30 =	vld [tilespmem:s6+$0xFFFFFF40];
	[tilespmem:v25+s10+$0x0] =	vst.idx.msk $0xffff, v24  }
0x316: {  	v19 =	vshll.u32 v19, v1;
	v20 =	vld [tilespmem:s6+$0xFFFFFF60];
	v25 =	vadd.s32 v6, v22;
	v22 =	vmov s20;
	[tilespmem:v17+s10+$0x0] =	vst.idx.msk $0xffff, v23  }
0x317: {  	s22 =	simm.s32 $0x6;
	v35 =	vbroadcast v19, $0x0;
	v21 =	vadd.s32 v7, v34;
	[tilespmem:v18+s10+$0x0] =	vst.idx.msk $0xffff, v26;
	v17 =	vld [tilespmem:s6+$0xFFFFFF70];
	v18 =	vshrl.u32 v22, $0x3  }
0x318: {  	v19 =	vld [tilespmem:s6+$0xFFFFFF80];
	[tilespmem:v29+s10+$0x0] =	vst.idx.msk $0xffff, v28;
	v23 =	vadd.s32 v8, v34;
	v22 =	vmov s22;
	v18 =	vshll.u32 v18, v1  }
0x319: {  	s30 =	simm.s32 $0xF;
	v24 =	vld [tilespmem:s6+$0xFFFFFF90];
	[tilespmem:v33+s10+$0x0] =	vst.idx.msk $0xffff, v32;
	v26 =	vadd.s32 v9, v35;
	v29 =	vshrl.u32 v22, $0x3;
	v27 =	vbroadcast v18, $0x0  }
0x31a: {  	s14 =	simm.s32 $0x10;
	s12 =	simm.s32 $0x8;
	v28 =	vmov s30;
	[tilespmem:v31+s10+$0x0] =	vst.idx.msk $0xffff, v30;
	v22 =	vadd.s32 v10, v35;
	v18 =	vld [tilespmem:s6+$0xFFFFFFA0];
	v29 =	vshll.u32 v29, v1  }
.LBB2_15:
0x31b: {  	p0 =	slt.u32 s14, $0x78;
	v28 =	vshrl.u32 v28, $0x3;
	[tilespmem:v25+s10+$0x0] =	vst.idx.msk $0xffff, v20;
	v20 =	vld [tilespmem:s6+$0xFFFFFFB0];
	v25 =	vadd.s32 v11, v27;
	v29 =	vbroadcast v29, $0x0  }
0x31c: {  	v30 =	vmov s12;
	v28 =	vshll.u32 v28, v1;
	[tilespmem:v21+s10+$0x0] =	vst.idx.msk $0xffff, v17;
	v17 =	vld [tilespmem:s6+$0xFFFFFFC0];
	v21 =	vadd.s32 v12, v27  }
0x31d: {  	s0 =	sadd.s32 $0x1, s12;
	v27 =	vshrl.u32 v30, $0x3;
	v28 =	vbroadcast v28, $0x0;
	[tilespmem:v23+s10+$0x0] =	vst.idx.msk $0xffff, v19;
	v19 =	vld [tilespmem:s6+$0xFFFFFFD0];
	v23 =	vadd.s32 v13, v29  }
0x31e: {  	v30 =	vmov s0;
	v27 =	vshll.u32 v27, v1;
	[tilespmem:v26+s10+$0x0] =	vst.idx.msk $0xffff, v24;
	v24 =	vld [tilespmem:s6+$0xFFFFFFE0];
	v26 =	vadd.s32 v14, v29;
	s6 =	sadd.s32 $0x100, s6  }
0x31f: {  	s0 =	sadd.s32 $0x2, s12;
	v27 =	vbroadcast v27, $0x0;
	v29 =	vshrl.u32 v30, $0x3;
	v30 =	vld [tilespmem:s6+$0xFFFFFFF0];
	v31 =	vadd.s32 v15, v28;
	[tilespmem:v22+s10+$0x0] =	vst.idx.msk $0xffff, v18  }
0x320: {  	v18 =	vshll.u32 v29, v1;
	v22 =	vmov s0;
	v28 =	vadd.s32 v16, v28;
	v29 =	vld [tilespmem:s6+$0x0];
	[tilespmem:v25+s10+$0x0] =	vst.idx.msk $0xffff, v20  }
0x321: {  	s0 =	sadd.s32 $0x3, s12;
	v25 =	vadd.s32 v0, v27;
	v18 =	vbroadcast v18, $0x0;
	v22 =	vshrl.u32 v22, $0x3;
	v20 =	vld [tilespmem:s6+$0xFFFFFF10];
	[tilespmem:v21+s10+$0x0] =	vst.idx.msk $0xffff, v17  }
0x322: {  	v21 =	vadd.s32 v2, v27;
	v22 =	vshll.u32 v22, v1;
	v27 =	vmov s0;
	v17 =	vld [tilespmem:s6+$0xFFFFFF20];
	[tilespmem:v23+s10+$0x0] =	vst.idx.msk $0xffff, v19  }
0x323: {  	s0 =	sadd.s32 $0x4, s12;
	v23 =	vadd.s32 v3, v18;
	v22 =	vbroadcast v22, $0x0;
	v27 =	vshrl.u32 v27, $0x3;
	v19 =	vld [tilespmem:s6+$0xFFFFFF30];
	[tilespmem:v26+s10+$0x0] =	vst.idx.msk $0xffff, v24  }
0x324: {  	v18 =	vadd.s32 v4, v18;
	v26 =	vshll.u32 v27, v1;
	v27 =	vmov s0;
	v24 =	vld [tilespmem:s6+$0xFFFFFF40];
	[tilespmem:v31+s10+$0x0] =	vst.idx.msk $0xffff, v30  }
0x325: {  	s0 =	sadd.s32 $0x5, s12;
	v31 =	vadd.s32 v5, v22;
	v26 =	vbroadcast v26, $0x0;
	v27 =	vshrl.u32 v27, $0x3;
	v30 =	vld [tilespmem:s6+$0xFFFFFF50];
	[tilespmem:v28+s10+$0x0] =	vst.idx.msk $0xffff, v29  }
.Ltmp6:
0x326: {  	[tilespmem:v25+s10+$0x0] =	vst.idx.msk $0xffff, v20;
	v20 =	vld [tilespmem:s6+$0xFFFFFF60];
	v25 =	vadd.s32 v6, v22;
	v22 =	vshll.u32 v27, v1;
	v27 =	vmov s0;
	(pc) =	sbr.rel @p0 .LBB2_15-.Ltmp6, $4  }
0x327: {  	s0 =	sadd.s32 $0x6, s12;
	s12 =	smov.u32 s14;
	[tilespmem:v21+s10+$0x0] =	vst.idx.msk $0xffff, v17;
	v17 =	vld [tilespmem:s6+$0xFFFFFF70];
	v21 =	vadd.s32 v7, v26;
	v22 =	vbroadcast v22, $0x0;
	v27 =	vshrl.u32 v27, $0x3  }
0x328: {  	v28 =	vmov s0;
	[tilespmem:v23+s10+$0x0] =	vst.idx.msk $0xffff, v19;
	v19 =	vld [tilespmem:s6+$0xFFFFFF80];
	v23 =	vadd.s32 v8, v26;
	v27 =	vshll.u32 v27, v1  }
0x329: {  	s0 =	sadd.s32 $0x7, s14;
	v29 =	vshrl.u32 v28, $0x3;
	[tilespmem:v18+s10+$0x0] =	vst.idx.msk $0xffff, v24;
	v24 =	vld [tilespmem:s6+$0xFFFFFF90];
	v26 =	vadd.s32 v9, v22;
	v27 =	vbroadcast v27, $0x0  }
0x32a: {  	s14 =	sadd.s32 $0x8, s14;
	v28 =	vmov s0;
	v22 =	vadd.s32 v10, v22;
	v29 =	vshll.u32 v29, v1;
	[tilespmem:v31+s10+$0x0] =	vst.idx.msk $0xffff, v30;
	v18 =	vld [tilespmem:s6+$0xFFFFFFA0]  }
0x32b: {  	_ =	sdelay $0x3  }
0x32c: {  	v28 =	vshrl.u32 v28, $0x3;
	[tilespmem:v25+s10+$0x0] =	vst.idx.msk $0xffff, v20;
	v20 =	vld [tilespmem:s6+$0xFFFFFFB0];
	v25 =	vadd.s32 v11, v27;
	v29 =	vbroadcast v29, $0x0  }
0x32d: {  	v30 =	vmov s12;
	v28 =	vshll.u32 v28, v1;
	[tilespmem:v21+s10+$0x0] =	vst.idx.msk $0xffff, v17;
	v17 =	vld [tilespmem:s6+$0xFFFFFFC0];
	v21 =	vadd.s32 v12, v27  }
0x32e: {  	s0 =	sadd.s32 $0x1, s12;
	v27 =	vshrl.u32 v30, $0x3;
	v28 =	vbroadcast v28, $0x0;
	[tilespmem:v23+s10+$0x0] =	vst.idx.msk $0xffff, v19;
	v19 =	vld [tilespmem:s6+$0xFFFFFFD0];
	v23 =	vadd.s32 v13, v29  }
0x32f: {  	s22 =	sadd.s32 $0x100, s6;
	v30 =	vmov s0;
	v27 =	vshll.u32 v27, v1;
	[tilespmem:v26+s10+$0x0] =	vst.idx.msk $0xffff, v24;
	v24 =	vld [tilespmem:s6+$0xFFFFFFE0];
	v26 =	vadd.s32 v14, v29  }
0x330: {  	s30 =	sadd.s32 $0x2, s12;
	v27 =	vbroadcast v27, $0x0;
	v29 =	vshrl.u32 v30, $0x3;
	v30 =	vld [tilespmem:s22+$0xFFFFFFF0];
	v31 =	vadd.s32 v15, v28;
	[tilespmem:v22+s10+$0x0] =	vst.idx.msk $0xffff, v18  }
0x331: {  	v18 =	vshll.u32 v29, v1;
	v22 =	vmov s30;
	v29 =	vld [tilespmem:s22+$0x0];
	v28 =	vadd.s32 v16, v28;
	[tilespmem:v25+s10+$0x0] =	vst.idx.msk $0xffff, v20  }
0x332: {  	s14 =	sadd.s32 $0x3, s12;
	v20 =	vld [tilespmem:s22+$0xFFFFFF10];
	v25 =	vadd.s32 v0, v27;
	v18 =	vbroadcast v18, $0x0;
	v22 =	vshrl.u32 v22, $0x3;
	[tilespmem:v21+s10+$0x0] =	vst.idx.msk $0xffff, v17  }
0x333: {  	v17 =	vld [tilespmem:s22+$0xFFFFFF20];
	v21 =	vadd.s32 v2, v27;
	v22 =	vshll.u32 v22, v1;
	v27 =	vmov s14;
	[tilespmem:v23+s10+$0x0] =	vst.idx.msk $0xffff, v19  }
0x334: {  	s18 =	sadd.s32 $0x4, s12;
	v19 =	vld [tilespmem:s22+$0xFFFFFF30];
	v23 =	vadd.s32 v3, v18;
	v22 =	vbroadcast v22, $0x0;
	v27 =	vshrl.u32 v27, $0x3;
	[tilespmem:v26+s10+$0x0] =	vst.idx.msk $0xffff, v24  }
0x335: {  	v18 =	vadd.s32 v4, v18;
	v24 =	vld [tilespmem:s22+$0xFFFFFF40];
	v26 =	vshll.u32 v27, v1;
	v27 =	vmov s18;
	[tilespmem:v31+s10+$0x0] =	vst.idx.msk $0xffff, v30  }
0x336: {  	s19 =	sadd.s32 $0x5, s12;
	v30 =	vld [tilespmem:s22+$0xFFFFFF50];
	v31 =	vadd.s32 v5, v22;
	v26 =	vbroadcast v26, $0x0;
	v27 =	vshrl.u32 v27, $0x3;
	[tilespmem:v28+s10+$0x0] =	vst.idx.msk $0xffff, v29  }
0x337: {  	v22 =	vadd.s32 v6, v22;
	v28 =	vmov s19;
	[tilespmem:v25+s10+$0x0] =	vst.idx.msk $0xffff, v20;
	v20 =	vld [tilespmem:s22+$0xFFFFFF60];
	v25 =	vshll.u32 v27, v1  }
0x338: {  	s20 =	sadd.s32 $0x6, s12;
	[tilespmem:v21+s10+$0x0] =	vst.idx.msk $0xffff, v17;
	v17 =	vld [tilespmem:s22+$0xFFFFFF70];
	v21 =	vadd.s32 v7, v26;
	v25 =	vbroadcast v25, $0x0;
	v27 =	vshrl.u32 v28, $0x3  }
0x339: {  	[tilespmem:v23+s10+$0x0] =	vst.idx.msk $0xffff, v19;
	v19 =	vld [tilespmem:s22+$0xFFFFFF80];
	v23 =	vadd.s32 v8, v26;
	v26 =	vshll.u32 v27, v1;
	v27 =	vmov s20  }
0x33a: {  	[tilespmem:v18+s10+$0x0] =	vst.idx.msk $0xffff, v24;
	v18 =	vld [tilespmem:s22+$0xFFFFFF90];
	v24 =	vadd.s32 v9, v25;
	v26 =	vbroadcast v26, $0x0;
	v27 =	vshrl.u32 v27, $0x3  }
0x33b: {  	v28 =	vld [tilespmem:s22+$0xFFFFFFA0];
	v25 =	vadd.s32 v10, v25;
	[tilespmem:v31+s10+$0x0] =	vst.idx.msk $0xffff, v30;
	v27 =	vshll.u32 v27, v1  }
0x33c: {  	[tilespmem:v22+s10+$0x0] =	vst.idx.msk $0xffff, v20;
	v20 =	vld [tilespmem:s22+$0xFFFFFFB0];
	v22 =	vadd.s32 v11, v26;
	v27 =	vbroadcast v27, $0x0  }
0x33d: {  	[tilespmem:v21+s10+$0x0] =	vst.idx.msk $0xffff, v17;
	v17 =	vld [tilespmem:s22+$0xFFFFFFC0];
	v21 =	vadd.s32 v12, v26  }
0x33e: {  	[tilespmem:v23+s10+$0x0] =	vst.idx.msk $0xffff, v19;
	v19 =	vld [tilespmem:s22+$0xFFFFFFD0];
	v23 =	vadd.s32 v13, v27  }
0x33f: {  	[tilespmem:v24+s10+$0x0] =	vst.idx.msk $0xffff, v18;
	v18 =	vld [tilespmem:s22+$0xFFFFFFE0];
	v24 =	vadd.s32 v14, v27  }
0x340: {  	[tilespmem:v25+s10+$0x0] =	vst.idx.msk $0xffff, v28  }
0x341: {  	s22 =	sshll.u32 s13, $0x11;
	[tilespmem:v22+s10+$0x0] =	vst.idx.msk $0xffff, v20  }
0x342: {  	s0 =	sor.u32 s4, s22;
	[tilespmem:v21+s10+$0x0] =	vst.idx.msk $0xffff, v17  }
0x343: {  	s0 =	sshrl.u32 s0, $0x3;
	[tilespmem:v23+s10+$0x0] =	vst.idx.msk $0xffff, v19  }
0x344: {  	s6 =	simm.s32 $0x0;
	s12 =	sadd.s32 s1, s0;
	[tilespmem:v24+s10+$0x0] =	vst.idx.msk $0xffff, v18  }
0x345: {  	[hbm4b:s12+s6] =	stream.linear.scatter [tilespmem:s10], [sflag:$0x11], $0x80, $0x38;
	[tilespmem:$0x1AE00] =	vst v63  }
0x346: {  	s30 =	simm.s32 $0x16A88;
	s0 =	sadd.s32 $0x10, s12  }
0x347: {  	[hbm4b:s0+s6] =	stream.linear.scatter [tilespmem:s30], [sflag:$0x11], $0x80, $0x38;
	[tilespmem:$0x1AE00] =	vst v63  }
0x348: {  	s18 =	simm.s32 $0x16B10;
	s14 =	sadd.s32 $0x20, s12  }
0x349: {  	[hbm4b:s14+s6] =	stream.linear.scatter [tilespmem:s18], [sflag:$0x11], $0x80, $0x38;
	[tilespmem:$0x1AE00] =	vst v63  }
0x34a: {  	s20 =	simm.s32 $0x16B98;
	s19 =	sadd.s32 $0x30, s12  }
0x34b: {  	[hbm4b:s19+s6] =	stream.linear.scatter [tilespmem:s20], [sflag:$0x11], $0x80, $0x38;
	[tilespmem:$0x1AE00] =	vst v63  }
0x34c: {  	s22 =	sadd.s32 $0x40, s12;
	s30 =	simm.s32 $0x16C20  }
0x34d: {  	[hbm4b:s22+s6] =	stream.linear.scatter [tilespmem:s30], [sflag:$0x11], $0x80, $0x38;
	[tilespmem:$0x1AE00] =	vst v63  }
0x34e: {  	s14 =	sadd.s32 $0x50, s12;
	s18 =	simm.s32 $0x16CA8  }
0x34f: {  	[hbm4b:s14+s6] =	stream.linear.scatter [tilespmem:s18], [sflag:$0x11], $0x80, $0x38;
	[tilespmem:$0x1AE00] =	vst v63  }
0x350: {  	s19 =	sadd.s32 $0x60, s12;
	s20 =	simm.s32 $0x16D30  }
0x351: {  	[hbm4b:s19+s6] =	stream.linear.scatter [tilespmem:s20], [sflag:$0x11], $0x80, $0x38;
	[tilespmem:$0x1AE00] =	vst v63  }
0x352: {  	s22 =	sadd.s32 $0x70, s12;
	s30 =	simm.s32 $0x16DB8  }
0x353: {  	[hbm4b:s22+s6] =	stream.linear.scatter [tilespmem:s30], [sflag:$0x11], $0x80, $0x38;
	[tilespmem:$0x1AE00] =	vst v63  }
0x354: {  	s14 =	sadd.s32 $0x1000, s12;
	s18 =	simm.s32 $0x16E40  }
0x355: {  	[hbm4b:s14+s6] =	stream.linear.scatter [tilespmem:s18], [sflag:$0x11], $0x80, $0x38;
	[tilespmem:$0x1AE00] =	vst v63  }
0x356: {  	s19 =	sadd.s32 $0x1010, s12;
	s20 =	simm.s32 $0x16EC8  }
0x357: {  	[hbm4b:s19+s6] =	stream.linear.scatter [tilespmem:s20], [sflag:$0x11], $0x80, $0x38;
	[tilespmem:$0x1AE00] =	vst v63  }
0x358: {  	s22 =	sadd.s32 $0x1020, s12;
	s30 =	simm.s32 $0x16F50  }
0x359: {  	[hbm4b:s22+s6] =	stream.linear.scatter [tilespmem:s30], [sflag:$0x11], $0x80, $0x38;
	[tilespmem:$0x1AE00] =	vst v63  }
0x35a: {  	s14 =	sadd.s32 $0x1030, s12;
	s18 =	simm.s32 $0x16FD8  }
0x35b: {  	[hbm4b:s14+s6] =	stream.linear.scatter [tilespmem:s18], [sflag:$0x11], $0x80, $0x38;
	[tilespmem:$0x1AE00] =	vst v63  }
0x35c: {  	s19 =	sadd.s32 $0x1040, s12;
	s20 =	simm.s32 $0x17060  }
0x35d: {  	[hbm4b:s19+s6] =	stream.linear.scatter [tilespmem:s20], [sflag:$0x11], $0x80, $0x38;
	[tilespmem:$0x1AE00] =	vst v63  }
0x35e: {  	s22 =	sadd.s32 $0x1050, s12;
	s30 =	simm.s32 $0x170E8  }
0x35f: {  	[hbm4b:s22+s6] =	stream.linear.scatter [tilespmem:s30], [sflag:$0x11], $0x80, $0x38;
	[tilespmem:$0x1AE00] =	vst v63  }
0x360: {  	s14 =	sadd.s32 $0x1060, s12;
	s18 =	simm.s32 $0x17170  }
0x361: {  	[hbm4b:s14+s6] =	stream.linear.scatter [tilespmem:s18], [sflag:$0x11], $0x80, $0x38;
	[tilespmem:$0x1AE00] =	vst v63  }
0x362: {  	s19 =	sadd.s32 $0x1070, s12;
	s20 =	simm.s32 $0x171F8  }
0x363: {  	[hbm4b:s19+s6] =	stream.linear.scatter [tilespmem:s20], [sflag:$0x11], $0x80, $0x38;
	[tilespmem:$0x1AE00] =	vst v63  }
0x364: {  	s22 =	sadd.s32 $0x2000, s12;
	s30 =	simm.s32 $0x17280  }
0x365: {  	[hbm4b:s22+s6] =	stream.linear.scatter [tilespmem:s30], [sflag:$0x11], $0x80, $0x38;
	[tilespmem:$0x1AE00] =	vst v63  }
0x366: {  	s14 =	sadd.s32 $0x2010, s12;
	s18 =	simm.s32 $0x17308  }
0x367: {  	[hbm4b:s14+s6] =	stream.linear.scatter [tilespmem:s18], [sflag:$0x11], $0x80, $0x38;
	[tilespmem:$0x1AE00] =	vst v63  }
0x368: {  	s19 =	sadd.s32 $0x2020, s12;
	s20 =	simm.s32 $0x17390  }
0x369: {  	[hbm4b:s19+s6] =	stream.linear.scatter [tilespmem:s20], [sflag:$0x11], $0x80, $0x38;
	[tilespmem:$0x1AE00] =	vst v63  }
0x36a: {  	s22 =	sadd.s32 $0x2030, s12;
	s30 =	simm.s32 $0x17418  }
0x36b: {  	[hbm4b:s22+s6] =	stream.linear.scatter [tilespmem:s30], [sflag:$0x11], $0x80, $0x38;
	[tilespmem:$0x1AE00] =	vst v63  }
0x36c: {  	s14 =	sadd.s32 $0x2040, s12;
	s18 =	simm.s32 $0x174A0  }
0x36d: {  	[hbm4b:s14+s6] =	stream.linear.scatter [tilespmem:s18], [sflag:$0x11], $0x80, $0x38;
	[tilespmem:$0x1AE00] =	vst v63  }
0x36e: {  	s19 =	sadd.s32 $0x2050, s12;
	s20 =	simm.s32 $0x17528  }
0x36f: {  	[hbm4b:s19+s6] =	stream.linear.scatter [tilespmem:s20], [sflag:$0x11], $0x80, $0x38;
	[tilespmem:$0x1AE00] =	vst v63  }
0x370: {  	s22 =	sadd.s32 $0x2060, s12;
	s30 =	simm.s32 $0x175B0  }
0x371: {  	[hbm4b:s22+s6] =	stream.linear.scatter [tilespmem:s30], [sflag:$0x11], $0x80, $0x38;
	[tilespmem:$0x1AE00] =	vst v63  }
0x372: {  	s14 =	sadd.s32 $0x2070, s12;
	s18 =	simm.s32 $0x17638  }
0x373: {  	[hbm4b:s14+s6] =	stream.linear.scatter [tilespmem:s18], [sflag:$0x11], $0x80, $0x38;
	[tilespmem:$0x1AE00] =	vst v63  }
0x374: {  	s19 =	sadd.s32 $0x3000, s12;
	s20 =	simm.s32 $0x176C0  }
0x375: {  	[hbm4b:s19+s6] =	stream.linear.scatter [tilespmem:s20], [sflag:$0x11], $0x80, $0x38;
	[tilespmem:$0x1AE00] =	vst v63  }
0x376: {  	s22 =	sadd.s32 $0x3010, s12;
	s30 =	simm.s32 $0x17748  }
0x377: {  	[hbm4b:s22+s6] =	stream.linear.scatter [tilespmem:s30], [sflag:$0x11], $0x80, $0x38;
	[tilespmem:$0x1AE00] =	vst v63  }
0x378: {  	s14 =	sadd.s32 $0x3020, s12;
	s18 =	simm.s32 $0x177D0  }
0x379: {  	[hbm4b:s14+s6] =	stream.linear.scatter [tilespmem:s18], [sflag:$0x11], $0x80, $0x38;
	[tilespmem:$0x1AE00] =	vst v63  }
0x37a: {  	s19 =	sadd.s32 $0x3030, s12;
	s20 =	simm.s32 $0x17858  }
0x37b: {  	[hbm4b:s19+s6] =	stream.linear.scatter [tilespmem:s20], [sflag:$0x11], $0x80, $0x38;
	[tilespmem:$0x1AE00] =	vst v63  }
0x37c: {  	s22 =	sadd.s32 $0x3040, s12;
	s30 =	simm.s32 $0x178E0  }
0x37d: {  	[hbm4b:s22+s6] =	stream.linear.scatter [tilespmem:s30], [sflag:$0x11], $0x80, $0x38;
	[tilespmem:$0x1AE00] =	vst v63  }
0x37e: {  	s14 =	sadd.s32 $0x3050, s12;
	s18 =	simm.s32 $0x17968  }
0x37f: {  	[hbm4b:s14+s6] =	stream.linear.scatter [tilespmem:s18], [sflag:$0x11], $0x80, $0x38;
	[tilespmem:$0x1AE00] =	vst v63  }
0x380: {  	s19 =	sadd.s32 $0x3060, s12;
	s20 =	simm.s32 $0x179F0;
	s22 =	simm.s32 $0x7  }
0x381: {  	[hbm4b:s19+s6] =	stream.linear.scatter [tilespmem:s20], [sflag:$0x11], $0x80, $0x38;
	[tilespmem:$0x1AE00] =	vst v63  }
0x382: {  	s0 =	simm.s32 $0x8;
	s12 =	sadd.s32 $0x3070, s12;
	s30 =	simm.s32 $0x17A78;
	v17 =	vmov s22  }
0x383: {  	v18 =	vmov s6;
	v17 =	vshrl.u32 v17, $0x3;
	[hbm4b:s12+s6] =	stream.linear.scatter [tilespmem:s30], [sflag:$0x11], $0x80, $0x38;
	[tilespmem:$0x1AE00] =	vst v63  }
0x384: {  	v18 =	vshrl.u32 v18, $0x3;
	v17 =	vshll.u32 v17, v1;
	_ =	swait.ge [sflag:s0], $0x1000  }
0x385: {  	s13 =	simm.s32 $0x1;
	v18 =	vshll.u32 v18, v1;
	v17 =	vbroadcast v17, $0x0;
	[sflag:s0] =	ssyncset.done $0x0  }
0x386: {  	v19 =	vmov s13;
	v18 =	vbroadcast v18, $0x0;
	s14 =	simm.s32 $0x2;
	s6 =	simm.s32 $0xD4F0;
	[sflag:s0] =	ssyncadd.s32 $0xFFFFF000  }
0x387: {  	v19 =	vshrl.u32 v19, $0x3;
	v22 =	vmov s14;
	v21 =	vadd.s32 v15, v17;
	v20 =	vld [tilespmem:s6+$0xFFFFFFF0]  }
0x388: {  	v19 =	vshll.u32 v19, v1;
	v25 =	vadd.s32 v0, v18;
	v22 =	vshrl.u32 v22, $0x3;
	v24 =	vld [tilespmem:s6+$0xFFFFFF10]  }
0x389: {  	v19 =	vbroadcast v19, $0x0;
	s18 =	simm.s32 $0x3;
	v22 =	vshll.u32 v22, v1;
	v17 =	vadd.s32 v16, v17;
	v23 =	vld [tilespmem:s6+$0x0]  }
0x38a: {  	v18 =	vadd.s32 v2, v18;
	v27 =	vmov s18;
	v22 =	vbroadcast v22, $0x0;
	v26 =	vld [tilespmem:s6+$0xFFFFFF20]  }
0x38b: {  	v29 =	vadd.s32 v3, v19;
	v31 =	vadd.s32 v4, v19;
	v27 =	vshrl.u32 v27, $0x3;
	s19 =	simm.s32 $0x4;
	v28 =	vld [tilespmem:s6+$0xFFFFFF30]  }
0x38c: {  	v19 =	vshll.u32 v27, v1;
	v27 =	vmov s19;
	v33 =	vadd.s32 v5, v22;
	v32 =	vld [tilespmem:s6+$0xFFFFFF50];
	[tilespmem:v21+s24+$0x0] =	vst.idx.msk $0xffff, v20  }
0x38d: {  	s20 =	simm.s32 $0x5;
	v34 =	vbroadcast v19, $0x0;
	v19 =	vshrl.u32 v27, $0x3;
	v30 =	vld [tilespmem:s6+$0xFFFFFF40];
	[tilespmem:v25+s24+$0x0] =	vst.idx.msk $0xffff, v24  }
0x38e: {  	v19 =	vshll.u32 v19, v1;
	v20 =	vld [tilespmem:s6+$0xFFFFFF60];
	v25 =	vadd.s32 v6, v22;
	v22 =	vmov s20;
	[tilespmem:v17+s24+$0x0] =	vst.idx.msk $0xffff, v23  }
0x38f: {  	s22 =	simm.s32 $0x6;
	v35 =	vbroadcast v19, $0x0;
	v21 =	vadd.s32 v7, v34;
	[tilespmem:v18+s24+$0x0] =	vst.idx.msk $0xffff, v26;
	v17 =	vld [tilespmem:s6+$0xFFFFFF70];
	v18 =	vshrl.u32 v22, $0x3  }
0x390: {  	v19 =	vld [tilespmem:s6+$0xFFFFFF80];
	[tilespmem:v29+s24+$0x0] =	vst.idx.msk $0xffff, v28;
	v23 =	vadd.s32 v8, v34;
	v22 =	vmov s22;
	v18 =	vshll.u32 v18, v1  }
0x391: {  	s30 =	simm.s32 $0xF;
	v24 =	vld [tilespmem:s6+$0xFFFFFF90];
	[tilespmem:v33+s24+$0x0] =	vst.idx.msk $0xffff, v32;
	v26 =	vadd.s32 v9, v35;
	v29 =	vshrl.u32 v22, $0x3;
	v27 =	vbroadcast v18, $0x0  }
0x392: {  	s13 =	simm.s32 $0x10;
	s12 =	simm.s32 $0x8;
	v28 =	vmov s30;
	[tilespmem:v31+s24+$0x0] =	vst.idx.msk $0xffff, v30;
	v22 =	vadd.s32 v10, v35;
	v18 =	vld [tilespmem:s6+$0xFFFFFFA0];
	v29 =	vshll.u32 v29, v1  }
.LBB2_17:
0x393: {  	p0 =	slt.u32 s13, $0x78;
	v28 =	vshrl.u32 v28, $0x3;
	[tilespmem:v25+s24+$0x0] =	vst.idx.msk $0xffff, v20;
	v20 =	vld [tilespmem:s6+$0xFFFFFFB0];
	v25 =	vadd.s32 v11, v27;
	v29 =	vbroadcast v29, $0x0  }
0x394: {  	v30 =	vmov s12;
	v28 =	vshll.u32 v28, v1;
	[tilespmem:v21+s24+$0x0] =	vst.idx.msk $0xffff, v17;
	v17 =	vld [tilespmem:s6+$0xFFFFFFC0];
	v21 =	vadd.s32 v12, v27  }
0x395: {  	s0 =	sadd.s32 $0x1, s12;
	v27 =	vshrl.u32 v30, $0x3;
	v28 =	vbroadcast v28, $0x0;
	[tilespmem:v23+s24+$0x0] =	vst.idx.msk $0xffff, v19;
	v19 =	vld [tilespmem:s6+$0xFFFFFFD0];
	v23 =	vadd.s32 v13, v29  }
0x396: {  	v30 =	vmov s0;
	v27 =	vshll.u32 v27, v1;
	[tilespmem:v26+s24+$0x0] =	vst.idx.msk $0xffff, v24;
	v24 =	vld [tilespmem:s6+$0xFFFFFFE0];
	v26 =	vadd.s32 v14, v29;
	s6 =	sadd.s32 $0x100, s6  }
0x397: {  	s0 =	sadd.s32 $0x2, s12;
	v27 =	vbroadcast v27, $0x0;
	v29 =	vshrl.u32 v30, $0x3;
	v30 =	vld [tilespmem:s6+$0xFFFFFFF0];
	v31 =	vadd.s32 v15, v28;
	[tilespmem:v22+s24+$0x0] =	vst.idx.msk $0xffff, v18  }
0x398: {  	v18 =	vshll.u32 v29, v1;
	v22 =	vmov s0;
	v28 =	vadd.s32 v16, v28;
	v29 =	vld [tilespmem:s6+$0x0];
	[tilespmem:v25+s24+$0x0] =	vst.idx.msk $0xffff, v20  }
0x399: {  	s0 =	sadd.s32 $0x3, s12;
	v25 =	vadd.s32 v0, v27;
	v18 =	vbroadcast v18, $0x0;
	v22 =	vshrl.u32 v22, $0x3;
	v20 =	vld [tilespmem:s6+$0xFFFFFF10];
	[tilespmem:v21+s24+$0x0] =	vst.idx.msk $0xffff, v17  }
0x39a: {  	v21 =	vadd.s32 v2, v27;
	v22 =	vshll.u32 v22, v1;
	v27 =	vmov s0;
	v17 =	vld [tilespmem:s6+$0xFFFFFF20];
	[tilespmem:v23+s24+$0x0] =	vst.idx.msk $0xffff, v19  }
0x39b: {  	s0 =	sadd.s32 $0x4, s12;
	v23 =	vadd.s32 v3, v18;
	v22 =	vbroadcast v22, $0x0;
	v27 =	vshrl.u32 v27, $0x3;
	v19 =	vld [tilespmem:s6+$0xFFFFFF30];
	[tilespmem:v26+s24+$0x0] =	vst.idx.msk $0xffff, v24  }
0x39c: {  	v18 =	vadd.s32 v4, v18;
	v26 =	vshll.u32 v27, v1;
	v27 =	vmov s0;
	v24 =	vld [tilespmem:s6+$0xFFFFFF40];
	[tilespmem:v31+s24+$0x0] =	vst.idx.msk $0xffff, v30  }
0x39d: {  	s0 =	sadd.s32 $0x5, s12;
	v31 =	vadd.s32 v5, v22;
	v26 =	vbroadcast v26, $0x0;
	v27 =	vshrl.u32 v27, $0x3;
	v30 =	vld [tilespmem:s6+$0xFFFFFF50];
	[tilespmem:v28+s24+$0x0] =	vst.idx.msk $0xffff, v29  }
.Ltmp7:
0x39e: {  	[tilespmem:v25+s24+$0x0] =	vst.idx.msk $0xffff, v20;
	v20 =	vld [tilespmem:s6+$0xFFFFFF60];
	v25 =	vadd.s32 v6, v22;
	v22 =	vshll.u32 v27, v1;
	v27 =	vmov s0;
	(pc) =	sbr.rel @p0 .LBB2_17-.Ltmp7, $4  }
0x39f: {  	s0 =	sadd.s32 $0x6, s12;
	s12 =	smov.u32 s13;
	[tilespmem:v21+s24+$0x0] =	vst.idx.msk $0xffff, v17;
	v17 =	vld [tilespmem:s6+$0xFFFFFF70];
	v21 =	vadd.s32 v7, v26;
	v22 =	vbroadcast v22, $0x0;
	v27 =	vshrl.u32 v27, $0x3  }
0x3a0: {  	v28 =	vmov s0;
	[tilespmem:v23+s24+$0x0] =	vst.idx.msk $0xffff, v19;
	v19 =	vld [tilespmem:s6+$0xFFFFFF80];
	v23 =	vadd.s32 v8, v26;
	v27 =	vshll.u32 v27, v1  }
0x3a1: {  	s0 =	sadd.s32 $0x7, s13;
	v29 =	vshrl.u32 v28, $0x3;
	[tilespmem:v18+s24+$0x0] =	vst.idx.msk $0xffff, v24;
	v24 =	vld [tilespmem:s6+$0xFFFFFF90];
	v26 =	vadd.s32 v9, v22;
	v27 =	vbroadcast v27, $0x0  }
0x3a2: {  	s13 =	sadd.s32 $0x8, s13;
	v28 =	vmov s0;
	v22 =	vadd.s32 v10, v22;
	v29 =	vshll.u32 v29, v1;
	[tilespmem:v31+s24+$0x0] =	vst.idx.msk $0xffff, v30;
	v18 =	vld [tilespmem:s6+$0xFFFFFFA0]  }
0x3a3: {  	_ =	sdelay $0x3  }
0x3a4: {  	v28 =	vshrl.u32 v28, $0x3;
	[tilespmem:v25+s24+$0x0] =	vst.idx.msk $0xffff, v20;
	v20 =	vld [tilespmem:s6+$0xFFFFFFB0];
	v25 =	vadd.s32 v11, v27;
	v29 =	vbroadcast v29, $0x0  }
0x3a5: {  	v30 =	vmov s12;
	v28 =	vshll.u32 v28, v1;
	[tilespmem:v21+s24+$0x0] =	vst.idx.msk $0xffff, v17;
	v17 =	vld [tilespmem:s6+$0xFFFFFFC0];
	v21 =	vadd.s32 v12, v27  }
0x3a6: {  	s0 =	sadd.s32 $0x1, s12;
	v27 =	vshrl.u32 v30, $0x3;
	v28 =	vbroadcast v28, $0x0;
	[tilespmem:v23+s24+$0x0] =	vst.idx.msk $0xffff, v19;
	v19 =	vld [tilespmem:s6+$0xFFFFFFD0];
	v23 =	vadd.s32 v13, v29  }
0x3a7: {  	s20 =	sadd.s32 $0x100, s6;
	v30 =	vmov s0;
	v27 =	vshll.u32 v27, v1;
	[tilespmem:v26+s24+$0x0] =	vst.idx.msk $0xffff, v24;
	v24 =	vld [tilespmem:s6+$0xFFFFFFE0];
	v26 =	vadd.s32 v14, v29  }
0x3a8: {  	s22 =	sadd.s32 $0x2, s12;
	v27 =	vbroadcast v27, $0x0;
	v29 =	vshrl.u32 v30, $0x3;
	v30 =	vld [tilespmem:s20+$0xFFFFFFF0];
	v31 =	vadd.s32 v15, v28;
	[tilespmem:v22+s24+$0x0] =	vst.idx.msk $0xffff, v18  }
0x3a9: {  	v18 =	vshll.u32 v29, v1;
	v22 =	vmov s22;
	v29 =	vld [tilespmem:s20+$0x0];
	v28 =	vadd.s32 v16, v28;
	[tilespmem:v25+s24+$0x0] =	vst.idx.msk $0xffff, v20  }
0x3aa: {  	s30 =	sadd.s32 $0x3, s12;
	v20 =	vld [tilespmem:s20+$0xFFFFFF10];
	v25 =	vadd.s32 v0, v27;
	v18 =	vbroadcast v18, $0x0;
	v22 =	vshrl.u32 v22, $0x3;
	[tilespmem:v21+s24+$0x0] =	vst.idx.msk $0xffff, v17  }
0x3ab: {  	v17 =	vld [tilespmem:s20+$0xFFFFFF20];
	v21 =	vadd.s32 v2, v27;
	v22 =	vshll.u32 v22, v1;
	v27 =	vmov s30;
	[tilespmem:v23+s24+$0x0] =	vst.idx.msk $0xffff, v19  }
0x3ac: {  	s13 =	sadd.s32 $0x4, s12;
	v19 =	vld [tilespmem:s20+$0xFFFFFF30];
	v23 =	vadd.s32 v3, v18;
	v22 =	vbroadcast v22, $0x0;
	v27 =	vshrl.u32 v27, $0x3;
	[tilespmem:v26+s24+$0x0] =	vst.idx.msk $0xffff, v24  }
0x3ad: {  	v18 =	vadd.s32 v4, v18;
	v24 =	vld [tilespmem:s20+$0xFFFFFF40];
	v26 =	vshll.u32 v27, v1;
	v27 =	vmov s13;
	[tilespmem:v31+s24+$0x0] =	vst.idx.msk $0xffff, v30  }
0x3ae: {  	s14 =	sadd.s32 $0x5, s12;
	v30 =	vld [tilespmem:s20+$0xFFFFFF50];
	v31 =	vadd.s32 v5, v22;
	v26 =	vbroadcast v26, $0x0;
	v27 =	vshrl.u32 v27, $0x3;
	[tilespmem:v28+s24+$0x0] =	vst.idx.msk $0xffff, v29  }
0x3af: {  	v22 =	vadd.s32 v6, v22;
	v28 =	vmov s14;
	[tilespmem:v25+s24+$0x0] =	vst.idx.msk $0xffff, v20;
	v20 =	vld [tilespmem:s20+$0xFFFFFF60];
	v25 =	vshll.u32 v27, v1  }
0x3b0: {  	s18 =	sadd.s32 $0x6, s12;
	[tilespmem:v21+s24+$0x0] =	vst.idx.msk $0xffff, v17;
	v17 =	vld [tilespmem:s20+$0xFFFFFF70];
	v21 =	vadd.s32 v7, v26;
	v25 =	vbroadcast v25, $0x0;
	v27 =	vshrl.u32 v28, $0x3  }
0x3b1: {  	[tilespmem:v23+s24+$0x0] =	vst.idx.msk $0xffff, v19;
	v19 =	vld [tilespmem:s20+$0xFFFFFF80];
	v23 =	vadd.s32 v8, v26;
	v26 =	vshll.u32 v27, v1;
	v27 =	vmov s18  }
0x3b2: {  	[tilespmem:v18+s24+$0x0] =	vst.idx.msk $0xffff, v24;
	v18 =	vld [tilespmem:s20+$0xFFFFFF90];
	v24 =	vadd.s32 v9, v25;
	v26 =	vbroadcast v26, $0x0;
	v27 =	vshrl.u32 v27, $0x3  }
0x3b3: {  	v28 =	vld [tilespmem:s20+$0xFFFFFFA0];
	v25 =	vadd.s32 v10, v25;
	[tilespmem:v31+s24+$0x0] =	vst.idx.msk $0xffff, v30;
	v27 =	vshll.u32 v27, v1  }
0x3b4: {  	[tilespmem:v22+s24+$0x0] =	vst.idx.msk $0xffff, v20;
	v20 =	vld [tilespmem:s20+$0xFFFFFFB0];
	v22 =	vadd.s32 v11, v26;
	v27 =	vbroadcast v27, $0x0  }
0x3b5: {  	[tilespmem:v21+s24+$0x0] =	vst.idx.msk $0xffff, v17;
	v17 =	vld [tilespmem:s20+$0xFFFFFFC0];
	v21 =	vadd.s32 v12, v26  }
0x3b6: {  	[tilespmem:v23+s24+$0x0] =	vst.idx.msk $0xffff, v19;
	v19 =	vld [tilespmem:s20+$0xFFFFFFD0];
	v23 =	vadd.s32 v13, v27  }
0x3b7: {  	[tilespmem:v24+s24+$0x0] =	vst.idx.msk $0xffff, v18;
	v18 =	vld [tilespmem:s20+$0xFFFFFFE0];
	v24 =	vadd.s32 v14, v27  }
0x3b8: {  	[tilespmem:v25+s24+$0x0] =	vst.idx.msk $0xffff, v28  }
0x3b9: {  	s19 =	sshll.u32 s21, $0x11;
	[tilespmem:v22+s24+$0x0] =	vst.idx.msk $0xffff, v20  }
0x3ba: {  	s0 =	sor.u32 s4, s19;
	[tilespmem:v21+s24+$0x0] =	vst.idx.msk $0xffff, v17  }
0x3bb: {  	s0 =	sshrl.u32 s0, $0x3;
	[tilespmem:v23+s24+$0x0] =	vst.idx.msk $0xffff, v19  }
0x3bc: {  	s12 =	sadd.s32 s1, s0;
	s6 =	simm.s32 $0x0;
	[tilespmem:v24+s24+$0x0] =	vst.idx.msk $0xffff, v18  }
0x3bd: {  	[hbm4b:s12+s6] =	stream.linear.scatter [tilespmem:s24], [sflag:$0x12], $0x80, $0x38;
	[tilespmem:$0x1AE00] =	vst v63  }
0x3be: {  	s0 =	sadd.s32 $0x10, s12;
	s13 =	simm.s32 $0x17B88  }
0x3bf: {  	[hbm4b:s0+s6] =	stream.linear.scatter [tilespmem:s13], [sflag:$0x12], $0x80, $0x38;
	[tilespmem:$0x1AE00] =	vst v63  }
0x3c0: {  	s21 =	simm.s32 $0x17C10;
	s20 =	sadd.s32 $0x20, s12  }
0x3c1: {  	[hbm4b:s20+s6] =	stream.linear.scatter [tilespmem:s21], [sflag:$0x12], $0x80, $0x38;
	[tilespmem:$0x1AE00] =	vst v63  }
0x3c2: {  	s22 =	sadd.s32 $0x30, s12;
	s30 =	simm.s32 $0x17C98  }
0x3c3: {  	[hbm4b:s22+s6] =	stream.linear.scatter [tilespmem:s30], [sflag:$0x12], $0x80, $0x38;
	[tilespmem:$0x1AE00] =	vst v63  }
0x3c4: {  	s14 =	simm.s32 $0x17D20;
	s13 =	sadd.s32 $0x40, s12  }
0x3c5: {  	[hbm4b:s13+s6] =	stream.linear.scatter [tilespmem:s14], [sflag:$0x12], $0x80, $0x38;
	[tilespmem:$0x1AE00] =	vst v63  }
0x3c6: {  	s19 =	simm.s32 $0x17DA8;
	s18 =	sadd.s32 $0x50, s12  }
0x3c7: {  	[hbm4b:s18+s6] =	stream.linear.scatter [tilespmem:s19], [sflag:$0x12], $0x80, $0x38;
	[tilespmem:$0x1AE00] =	vst v63  }
0x3c8: {  	s20 =	sadd.s32 $0x60, s12;
	s21 =	simm.s32 $0x17E30  }
0x3c9: {  	[hbm4b:s20+s6] =	stream.linear.scatter [tilespmem:s21], [sflag:$0x12], $0x80, $0x38;
	[tilespmem:$0x1AE00] =	vst v63  }
0x3ca: {  	s22 =	sadd.s32 $0x70, s12;
	s30 =	simm.s32 $0x17EB8  }
0x3cb: {  	[hbm4b:s22+s6] =	stream.linear.scatter [tilespmem:s30], [sflag:$0x12], $0x80, $0x38;
	[tilespmem:$0x1AE00] =	vst v63  }
0x3cc: {  	s13 =	sadd.s32 $0x1000, s12;
	s14 =	simm.s32 $0x17F40  }
0x3cd: {  	[hbm4b:s13+s6] =	stream.linear.scatter [tilespmem:s14], [sflag:$0x12], $0x80, $0x38;
	[tilespmem:$0x1AE00] =	vst v63  }
0x3ce: {  	s18 =	sadd.s32 $0x1010, s12;
	s19 =	simm.s32 $0x17FC8  }
0x3cf: {  	[hbm4b:s18+s6] =	stream.linear.scatter [tilespmem:s19], [sflag:$0x12], $0x80, $0x38;
	[tilespmem:$0x1AE00] =	vst v63  }
0x3d0: {  	s20 =	sadd.s32 $0x1020, s12;
	s21 =	simm.s32 $0x18050  }
0x3d1: {  	[hbm4b:s20+s6] =	stream.linear.scatter [tilespmem:s21], [sflag:$0x12], $0x80, $0x38;
	[tilespmem:$0x1AE00] =	vst v63  }
0x3d2: {  	s22 =	sadd.s32 $0x1030, s12;
	s30 =	simm.s32 $0x180D8  }
0x3d3: {  	[hbm4b:s22+s6] =	stream.linear.scatter [tilespmem:s30], [sflag:$0x12], $0x80, $0x38;
	[tilespmem:$0x1AE00] =	vst v63  }
0x3d4: {  	s13 =	sadd.s32 $0x1040, s12;
	s14 =	simm.s32 $0x18160  }
0x3d5: {  	[hbm4b:s13+s6] =	stream.linear.scatter [tilespmem:s14], [sflag:$0x12], $0x80, $0x38;
	[tilespmem:$0x1AE00] =	vst v63  }
0x3d6: {  	s18 =	sadd.s32 $0x1050, s12;
	s19 =	simm.s32 $0x181E8  }
0x3d7: {  	[hbm4b:s18+s6] =	stream.linear.scatter [tilespmem:s19], [sflag:$0x12], $0x80, $0x38;
	[tilespmem:$0x1AE00] =	vst v63  }
0x3d8: {  	s20 =	sadd.s32 $0x1060, s12;
	s21 =	simm.s32 $0x18270  }
0x3d9: {  	[hbm4b:s20+s6] =	stream.linear.scatter [tilespmem:s21], [sflag:$0x12], $0x80, $0x38;
	[tilespmem:$0x1AE00] =	vst v63  }
0x3da: {  	s22 =	sadd.s32 $0x1070, s12;
	s30 =	simm.s32 $0x182F8  }
0x3db: {  	[hbm4b:s22+s6] =	stream.linear.scatter [tilespmem:s30], [sflag:$0x12], $0x80, $0x38;
	[tilespmem:$0x1AE00] =	vst v63  }
0x3dc: {  	s13 =	sadd.s32 $0x2000, s12;
	s14 =	simm.s32 $0x18380  }
0x3dd: {  	[hbm4b:s13+s6] =	stream.linear.scatter [tilespmem:s14], [sflag:$0x12], $0x80, $0x38;
	[tilespmem:$0x1AE00] =	vst v63  }
0x3de: {  	s18 =	sadd.s32 $0x2010, s12;
	s19 =	simm.s32 $0x18408  }
0x3df: {  	[hbm4b:s18+s6] =	stream.linear.scatter [tilespmem:s19], [sflag:$0x12], $0x80, $0x38;
	[tilespmem:$0x1AE00] =	vst v63  }
0x3e0: {  	s20 =	sadd.s32 $0x2020, s12;
	s21 =	simm.s32 $0x18490  }
0x3e1: {  	[hbm4b:s20+s6] =	stream.linear.scatter [tilespmem:s21], [sflag:$0x12], $0x80, $0x38;
	[tilespmem:$0x1AE00] =	vst v63  }
0x3e2: {  	s22 =	sadd.s32 $0x2030, s12;
	s30 =	simm.s32 $0x18518  }
0x3e3: {  	[hbm4b:s22+s6] =	stream.linear.scatter [tilespmem:s30], [sflag:$0x12], $0x80, $0x38;
	[tilespmem:$0x1AE00] =	vst v63  }
0x3e4: {  	s13 =	sadd.s32 $0x2040, s12;
	s14 =	simm.s32 $0x185A0  }
0x3e5: {  	[hbm4b:s13+s6] =	stream.linear.scatter [tilespmem:s14], [sflag:$0x12], $0x80, $0x38;
	[tilespmem:$0x1AE00] =	vst v63  }
0x3e6: {  	s18 =	sadd.s32 $0x2050, s12;
	s19 =	simm.s32 $0x18628  }
0x3e7: {  	[hbm4b:s18+s6] =	stream.linear.scatter [tilespmem:s19], [sflag:$0x12], $0x80, $0x38;
	[tilespmem:$0x1AE00] =	vst v63  }
0x3e8: {  	s20 =	sadd.s32 $0x2060, s12;
	s21 =	simm.s32 $0x186B0  }
0x3e9: {  	[hbm4b:s20+s6] =	stream.linear.scatter [tilespmem:s21], [sflag:$0x12], $0x80, $0x38;
	[tilespmem:$0x1AE00] =	vst v63  }
0x3ea: {  	s22 =	sadd.s32 $0x2070, s12;
	s30 =	simm.s32 $0x18738  }
0x3eb: {  	[hbm4b:s22+s6] =	stream.linear.scatter [tilespmem:s30], [sflag:$0x12], $0x80, $0x38;
	[tilespmem:$0x1AE00] =	vst v63  }
0x3ec: {  	s13 =	sadd.s32 $0x3000, s12;
	s14 =	simm.s32 $0x187C0  }
0x3ed: {  	[hbm4b:s13+s6] =	stream.linear.scatter [tilespmem:s14], [sflag:$0x12], $0x80, $0x38;
	[tilespmem:$0x1AE00] =	vst v63  }
0x3ee: {  	s18 =	sadd.s32 $0x3010, s12;
	s19 =	simm.s32 $0x18848  }
0x3ef: {  	[hbm4b:s18+s6] =	stream.linear.scatter [tilespmem:s19], [sflag:$0x12], $0x80, $0x38;
	[tilespmem:$0x1AE00] =	vst v63  }
0x3f0: {  	s20 =	sadd.s32 $0x3020, s12;
	s21 =	simm.s32 $0x188D0  }
0x3f1: {  	[hbm4b:s20+s6] =	stream.linear.scatter [tilespmem:s21], [sflag:$0x12], $0x80, $0x38;
	[tilespmem:$0x1AE00] =	vst v63  }
0x3f2: {  	s22 =	sadd.s32 $0x3030, s12;
	s30 =	simm.s32 $0x18958  }
0x3f3: {  	[hbm4b:s22+s6] =	stream.linear.scatter [tilespmem:s30], [sflag:$0x12], $0x80, $0x38;
	[tilespmem:$0x1AE00] =	vst v63  }
0x3f4: {  	s13 =	sadd.s32 $0x3040, s12;
	s14 =	simm.s32 $0x189E0  }
0x3f5: {  	[hbm4b:s13+s6] =	stream.linear.scatter [tilespmem:s14], [sflag:$0x12], $0x80, $0x38;
	[tilespmem:$0x1AE00] =	vst v63  }
0x3f6: {  	s18 =	sadd.s32 $0x3050, s12;
	s19 =	simm.s32 $0x18A68  }
0x3f7: {  	[hbm4b:s18+s6] =	stream.linear.scatter [tilespmem:s19], [sflag:$0x12], $0x80, $0x38;
	[tilespmem:$0x1AE00] =	vst v63  }
0x3f8: {  	s20 =	sadd.s32 $0x3060, s12;
	s21 =	simm.s32 $0x18AF0;
	s22 =	simm.s32 $0x7  }
0x3f9: {  	[hbm4b:s20+s6] =	stream.linear.scatter [tilespmem:s21], [sflag:$0x12], $0x80, $0x38;
	[tilespmem:$0x1AE00] =	vst v63  }
0x3fa: {  	s12 =	sadd.s32 $0x3070, s12;
	s30 =	simm.s32 $0x18B78;
	v17 =	vmov s22;
	s13 =	simm.s32 $0x9  }
0x3fb: {  	v18 =	vmov s6;
	v17 =	vshrl.u32 v17, $0x3;
	[hbm4b:s12+s6] =	stream.linear.scatter [tilespmem:s30], [sflag:$0x12], $0x80, $0x38;
	[tilespmem:$0x1AE00] =	vst v63  }
0x3fc: {  	v18 =	vshrl.u32 v18, $0x3;
	v17 =	vshll.u32 v17, v1;
	_ =	swait.ge [sflag:s13], $0x1000  }
0x3fd: {  	v18 =	vshll.u32 v18, v1;
	s14 =	simm.s32 $0x1;
	v17 =	vbroadcast v17, $0x0;
	[sflag:s13] =	ssyncset.done $0x0  }
0x3fe: {  	v18 =	vbroadcast v18, $0x0;
	v19 =	vmov s14;
	s18 =	simm.s32 $0x2;
	s6 =	simm.s32 $0xE4F0;
	[sflag:s13] =	ssyncadd.s32 $0xFFFFF000  }
0x3ff: {  	v19 =	vshrl.u32 v19, $0x3;
	v22 =	vmov s18;
	v21 =	vadd.s32 v15, v17;
	v20 =	vld [tilespmem:s6+$0xFFFFFFF0]  }
0x400: {  	v25 =	vadd.s32 v0, v18;
	v19 =	vshll.u32 v19, v1;
	v22 =	vshrl.u32 v22, $0x3;
	v24 =	vld [tilespmem:s6+$0xFFFFFF10]  }
0x401: {  	s19 =	simm.s32 $0x3;
	v17 =	vadd.s32 v16, v17;
	v19 =	vbroadcast v19, $0x0;
	v22 =	vshll.u32 v22, v1;
	v23 =	vld [tilespmem:s6+$0x0]  }
0x402: {  	v18 =	vadd.s32 v2, v18;
	v27 =	vmov s19;
	v22 =	vbroadcast v22, $0x0;
	v26 =	vld [tilespmem:s6+$0xFFFFFF20]  }
0x403: {  	v27 =	vshrl.u32 v27, $0x3;
	s20 =	simm.s32 $0x4;
	v29 =	vadd.s32 v3, v19;
	v31 =	vadd.s32 v4, v19;
	v28 =	vld [tilespmem:s6+$0xFFFFFF30]  }
0x404: {  	v19 =	vshll.u32 v27, v1;
	v27 =	vmov s20;
	v33 =	vadd.s32 v5, v22;
	v32 =	vld [tilespmem:s6+$0xFFFFFF50];
	[tilespmem:v21+s15+$0x0] =	vst.idx.msk $0xffff, v20  }
0x405: {  	s21 =	simm.s32 $0x5;
	v34 =	vbroadcast v19, $0x0;
	v19 =	vshrl.u32 v27, $0x3;
	v30 =	vld [tilespmem:s6+$0xFFFFFF40];
	[tilespmem:v25+s15+$0x0] =	vst.idx.msk $0xffff, v24  }
0x406: {  	v19 =	vshll.u32 v19, v1;
	v20 =	vld [tilespmem:s6+$0xFFFFFF60];
	v25 =	vadd.s32 v6, v22;
	v22 =	vmov s21;
	[tilespmem:v17+s15+$0x0] =	vst.idx.msk $0xffff, v23  }
0x407: {  	s22 =	simm.s32 $0x6;
	v35 =	vbroadcast v19, $0x0;
	v21 =	vadd.s32 v7, v34;
	[tilespmem:v18+s15+$0x0] =	vst.idx.msk $0xffff, v26;
	v17 =	vld [tilespmem:s6+$0xFFFFFF70];
	v18 =	vshrl.u32 v22, $0x3  }
0x408: {  	v19 =	vld [tilespmem:s6+$0xFFFFFF80];
	[tilespmem:v29+s15+$0x0] =	vst.idx.msk $0xffff, v28;
	v23 =	vadd.s32 v8, v34;
	v22 =	vmov s22;
	v18 =	vshll.u32 v18, v1  }
0x409: {  	s30 =	simm.s32 $0xF;
	v24 =	vld [tilespmem:s6+$0xFFFFFF90];
	[tilespmem:v33+s15+$0x0] =	vst.idx.msk $0xffff, v32;
	v26 =	vadd.s32 v9, v35;
	v29 =	vshrl.u32 v22, $0x3;
	v27 =	vbroadcast v18, $0x0  }
0x40a: {  	s12 =	simm.s32 $0x8;
	s13 =	simm.s32 $0x10;
	v28 =	vmov s30;
	[tilespmem:v31+s15+$0x0] =	vst.idx.msk $0xffff, v30;
	v22 =	vadd.s32 v10, v35;
	v18 =	vld [tilespmem:s6+$0xFFFFFFA0];
	v29 =	vshll.u32 v29, v1  }
.LBB2_19:
0x40b: {  	p0 =	slt.u32 s13, $0x78;
	v28 =	vshrl.u32 v28, $0x3;
	[tilespmem:v25+s15+$0x0] =	vst.idx.msk $0xffff, v20;
	v20 =	vld [tilespmem:s6+$0xFFFFFFB0];
	v25 =	vadd.s32 v11, v27;
	v29 =	vbroadcast v29, $0x0  }
0x40c: {  	v30 =	vmov s12;
	v28 =	vshll.u32 v28, v1;
	[tilespmem:v21+s15+$0x0] =	vst.idx.msk $0xffff, v17;
	v17 =	vld [tilespmem:s6+$0xFFFFFFC0];
	v21 =	vadd.s32 v12, v27  }
0x40d: {  	s0 =	sadd.s32 $0x1, s12;
	v27 =	vshrl.u32 v30, $0x3;
	v28 =	vbroadcast v28, $0x0;
	[tilespmem:v23+s15+$0x0] =	vst.idx.msk $0xffff, v19;
	v19 =	vld [tilespmem:s6+$0xFFFFFFD0];
	v23 =	vadd.s32 v13, v29  }
0x40e: {  	v30 =	vmov s0;
	v27 =	vshll.u32 v27, v1;
	[tilespmem:v26+s15+$0x0] =	vst.idx.msk $0xffff, v24;
	v24 =	vld [tilespmem:s6+$0xFFFFFFE0];
	v26 =	vadd.s32 v14, v29;
	s6 =	sadd.s32 $0x100, s6  }
0x40f: {  	s0 =	sadd.s32 $0x2, s12;
	v27 =	vbroadcast v27, $0x0;
	v29 =	vshrl.u32 v30, $0x3;
	v30 =	vld [tilespmem:s6+$0xFFFFFFF0];
	v31 =	vadd.s32 v15, v28;
	[tilespmem:v22+s15+$0x0] =	vst.idx.msk $0xffff, v18  }
0x410: {  	v18 =	vshll.u32 v29, v1;
	v22 =	vmov s0;
	v28 =	vadd.s32 v16, v28;
	v29 =	vld [tilespmem:s6+$0x0];
	[tilespmem:v25+s15+$0x0] =	vst.idx.msk $0xffff, v20  }
0x411: {  	s0 =	sadd.s32 $0x3, s12;
	v25 =	vadd.s32 v0, v27;
	v18 =	vbroadcast v18, $0x0;
	v22 =	vshrl.u32 v22, $0x3;
	v20 =	vld [tilespmem:s6+$0xFFFFFF10];
	[tilespmem:v21+s15+$0x0] =	vst.idx.msk $0xffff, v17  }
0x412: {  	v21 =	vadd.s32 v2, v27;
	v22 =	vshll.u32 v22, v1;
	v27 =	vmov s0;
	v17 =	vld [tilespmem:s6+$0xFFFFFF20];
	[tilespmem:v23+s15+$0x0] =	vst.idx.msk $0xffff, v19  }
0x413: {  	s0 =	sadd.s32 $0x4, s12;
	v23 =	vadd.s32 v3, v18;
	v22 =	vbroadcast v22, $0x0;
	v27 =	vshrl.u32 v27, $0x3;
	v19 =	vld [tilespmem:s6+$0xFFFFFF30];
	[tilespmem:v26+s15+$0x0] =	vst.idx.msk $0xffff, v24  }
0x414: {  	v18 =	vadd.s32 v4, v18;
	v26 =	vshll.u32 v27, v1;
	v27 =	vmov s0;
	v24 =	vld [tilespmem:s6+$0xFFFFFF40];
	[tilespmem:v31+s15+$0x0] =	vst.idx.msk $0xffff, v30  }
0x415: {  	s0 =	sadd.s32 $0x5, s12;
	v31 =	vadd.s32 v5, v22;
	v26 =	vbroadcast v26, $0x0;
	v27 =	vshrl.u32 v27, $0x3;
	v30 =	vld [tilespmem:s6+$0xFFFFFF50];
	[tilespmem:v28+s15+$0x0] =	vst.idx.msk $0xffff, v29  }
.Ltmp8:
0x416: {  	[tilespmem:v25+s15+$0x0] =	vst.idx.msk $0xffff, v20;
	v20 =	vld [tilespmem:s6+$0xFFFFFF60];
	v25 =	vadd.s32 v6, v22;
	v22 =	vshll.u32 v27, v1;
	v27 =	vmov s0;
	(pc) =	sbr.rel @p0 .LBB2_19-.Ltmp8, $4  }
0x417: {  	s0 =	sadd.s32 $0x6, s12;
	s12 =	smov.u32 s13;
	[tilespmem:v21+s15+$0x0] =	vst.idx.msk $0xffff, v17;
	v17 =	vld [tilespmem:s6+$0xFFFFFF70];
	v21 =	vadd.s32 v7, v26;
	v22 =	vbroadcast v22, $0x0;
	v27 =	vshrl.u32 v27, $0x3  }
0x418: {  	v28 =	vmov s0;
	[tilespmem:v23+s15+$0x0] =	vst.idx.msk $0xffff, v19;
	v19 =	vld [tilespmem:s6+$0xFFFFFF80];
	v23 =	vadd.s32 v8, v26;
	v27 =	vshll.u32 v27, v1  }
0x419: {  	s0 =	sadd.s32 $0x7, s13;
	v29 =	vshrl.u32 v28, $0x3;
	[tilespmem:v18+s15+$0x0] =	vst.idx.msk $0xffff, v24;
	v24 =	vld [tilespmem:s6+$0xFFFFFF90];
	v26 =	vadd.s32 v9, v22;
	v27 =	vbroadcast v27, $0x0  }
0x41a: {  	s13 =	sadd.s32 $0x8, s13;
	v28 =	vmov s0;
	v22 =	vadd.s32 v10, v22;
	v29 =	vshll.u32 v29, v1;
	[tilespmem:v31+s15+$0x0] =	vst.idx.msk $0xffff, v30;
	v18 =	vld [tilespmem:s6+$0xFFFFFFA0]  }
0x41b: {  	_ =	sdelay $0x3  }
0x41c: {  	v28 =	vshrl.u32 v28, $0x3;
	[tilespmem:v25+s15+$0x0] =	vst.idx.msk $0xffff, v20;
	v20 =	vld [tilespmem:s6+$0xFFFFFFB0];
	v25 =	vadd.s32 v11, v27;
	v29 =	vbroadcast v29, $0x0  }
0x41d: {  	v30 =	vmov s12;
	v28 =	vshll.u32 v28, v1;
	[tilespmem:v21+s15+$0x0] =	vst.idx.msk $0xffff, v17;
	v17 =	vld [tilespmem:s6+$0xFFFFFFC0];
	v21 =	vadd.s32 v12, v27  }
0x41e: {  	s0 =	sadd.s32 $0x1, s12;
	v27 =	vshrl.u32 v30, $0x3;
	v28 =	vbroadcast v28, $0x0;
	[tilespmem:v23+s15+$0x0] =	vst.idx.msk $0xffff, v19;
	v19 =	vld [tilespmem:s6+$0xFFFFFFD0];
	v23 =	vadd.s32 v13, v29  }
0x41f: {  	s22 =	sadd.s32 $0x100, s6;
	v30 =	vmov s0;
	v27 =	vshll.u32 v27, v1;
	[tilespmem:v26+s15+$0x0] =	vst.idx.msk $0xffff, v24;
	v24 =	vld [tilespmem:s6+$0xFFFFFFE0];
	v26 =	vadd.s32 v14, v29  }
0x420: {  	s30 =	sadd.s32 $0x2, s12;
	v27 =	vbroadcast v27, $0x0;
	v29 =	vshrl.u32 v30, $0x3;
	v30 =	vld [tilespmem:s22+$0xFFFFFFF0];
	v31 =	vadd.s32 v15, v28;
	[tilespmem:v22+s15+$0x0] =	vst.idx.msk $0xffff, v18  }
0x421: {  	v18 =	vshll.u32 v29, v1;
	v22 =	vmov s30;
	v29 =	vld [tilespmem:s22+$0x0];
	v28 =	vadd.s32 v16, v28;
	[tilespmem:v25+s15+$0x0] =	vst.idx.msk $0xffff, v20  }
0x422: {  	s13 =	sadd.s32 $0x3, s12;
	v20 =	vld [tilespmem:s22+$0xFFFFFF10];
	v25 =	vadd.s32 v0, v27;
	v18 =	vbroadcast v18, $0x0;
	v22 =	vshrl.u32 v22, $0x3;
	[tilespmem:v21+s15+$0x0] =	vst.idx.msk $0xffff, v17  }
0x423: {  	v17 =	vld [tilespmem:s22+$0xFFFFFF20];
	v21 =	vadd.s32 v2, v27;
	v22 =	vshll.u32 v22, v1;
	v27 =	vmov s13;
	[tilespmem:v23+s15+$0x0] =	vst.idx.msk $0xffff, v19  }
0x424: {  	s14 =	sadd.s32 $0x4, s12;
	v19 =	vld [tilespmem:s22+$0xFFFFFF30];
	v23 =	vadd.s32 v3, v18;
	v22 =	vbroadcast v22, $0x0;
	v27 =	vshrl.u32 v27, $0x3;
	[tilespmem:v26+s15+$0x0] =	vst.idx.msk $0xffff, v24  }
0x425: {  	v18 =	vadd.s32 v4, v18;
	v24 =	vld [tilespmem:s22+$0xFFFFFF40];
	v26 =	vshll.u32 v27, v1;
	v27 =	vmov s14;
	[tilespmem:v31+s15+$0x0] =	vst.idx.msk $0xffff, v30  }
0x426: {  	s18 =	sadd.s32 $0x5, s12;
	v30 =	vld [tilespmem:s22+$0xFFFFFF50];
	v31 =	vadd.s32 v5, v22;
	v26 =	vbroadcast v26, $0x0;
	v27 =	vshrl.u32 v27, $0x3;
	[tilespmem:v28+s15+$0x0] =	vst.idx.msk $0xffff, v29  }
0x427: {  	v22 =	vadd.s32 v6, v22;
	v28 =	vmov s18;
	[tilespmem:v25+s15+$0x0] =	vst.idx.msk $0xffff, v20;
	v20 =	vld [tilespmem:s22+$0xFFFFFF60];
	v25 =	vshll.u32 v27, v1  }
0x428: {  	s19 =	sadd.s32 $0x6, s12;
	[tilespmem:v21+s15+$0x0] =	vst.idx.msk $0xffff, v17;
	v17 =	vld [tilespmem:s22+$0xFFFFFF70];
	v21 =	vadd.s32 v7, v26;
	v25 =	vbroadcast v25, $0x0;
	v27 =	vshrl.u32 v28, $0x3  }
0x429: {  	[tilespmem:v23+s15+$0x0] =	vst.idx.msk $0xffff, v19;
	v19 =	vld [tilespmem:s22+$0xFFFFFF80];
	v23 =	vadd.s32 v8, v26;
	v26 =	vshll.u32 v27, v1;
	v27 =	vmov s19  }
0x42a: {  	[tilespmem:v18+s15+$0x0] =	vst.idx.msk $0xffff, v24;
	v18 =	vld [tilespmem:s22+$0xFFFFFF90];
	v24 =	vadd.s32 v9, v25;
	v26 =	vbroadcast v26, $0x0;
	v27 =	vshrl.u32 v27, $0x3  }
0x42b: {  	v28 =	vld [tilespmem:s22+$0xFFFFFFA0];
	v25 =	vadd.s32 v10, v25;
	[tilespmem:v31+s15+$0x0] =	vst.idx.msk $0xffff, v30;
	v27 =	vshll.u32 v27, v1  }
0x42c: {  	[tilespmem:v22+s15+$0x0] =	vst.idx.msk $0xffff, v20;
	v20 =	vld [tilespmem:s22+$0xFFFFFFB0];
	v22 =	vadd.s32 v11, v26;
	v27 =	vbroadcast v27, $0x0  }
0x42d: {  	[tilespmem:v21+s15+$0x0] =	vst.idx.msk $0xffff, v17;
	v17 =	vld [tilespmem:s22+$0xFFFFFFC0];
	v21 =	vadd.s32 v12, v26  }
0x42e: {  	[tilespmem:v23+s15+$0x0] =	vst.idx.msk $0xffff, v19;
	v19 =	vld [tilespmem:s22+$0xFFFFFFD0];
	v23 =	vadd.s32 v13, v27  }
0x42f: {  	[tilespmem:v24+s15+$0x0] =	vst.idx.msk $0xffff, v18;
	v18 =	vld [tilespmem:s22+$0xFFFFFFE0];
	v24 =	vadd.s32 v14, v27  }
0x430: {  	[tilespmem:v25+s15+$0x0] =	vst.idx.msk $0xffff, v28  }
0x431: {  	s20 =	sshll.u32 s7, $0x11;
	[tilespmem:v22+s15+$0x0] =	vst.idx.msk $0xffff, v20  }
0x432: {  	s0 =	sor.u32 s4, s20;
	[tilespmem:v21+s15+$0x0] =	vst.idx.msk $0xffff, v17  }
0x433: {  	s0 =	sshrl.u32 s0, $0x3;
	[tilespmem:v23+s15+$0x0] =	vst.idx.msk $0xffff, v19  }
0x434: {  	s7 =	sadd.s32 s1, s0;
	s6 =	simm.s32 $0x0;
	[tilespmem:v24+s15+$0x0] =	vst.idx.msk $0xffff, v18  }
0x435: {  	[hbm4b:s7+s6] =	stream.linear.scatter [tilespmem:s15], [sflag:$0x13], $0x80, $0x38;
	[tilespmem:$0x1AE00] =	vst v63  }
0x436: {  	s21 =	simm.s32 $0x18C88;
	s0 =	sadd.s32 $0x10, s7  }
0x437: {  	[hbm4b:s0+s6] =	stream.linear.scatter [tilespmem:s21], [sflag:$0x13], $0x80, $0x38;
	[tilespmem:$0x1AE00] =	vst v63  }
0x438: {  	s30 =	simm.s32 $0x18D10;
	s22 =	sadd.s32 $0x20, s7  }
0x439: {  	[hbm4b:s22+s6] =	stream.linear.scatter [tilespmem:s30], [sflag:$0x13], $0x80, $0x38;
	[tilespmem:$0x1AE00] =	vst v63  }
0x43a: {  	s13 =	sadd.s32 $0x30, s7;
	s14 =	simm.s32 $0x18D98  }
0x43b: {  	[hbm4b:s13+s6] =	stream.linear.scatter [tilespmem:s14], [sflag:$0x13], $0x80, $0x38;
	[tilespmem:$0x1AE00] =	vst v63  }
0x43c: {  	s18 =	sadd.s32 $0x40, s7;
	s19 =	simm.s32 $0x18E20  }
0x43d: {  	[hbm4b:s18+s6] =	stream.linear.scatter [tilespmem:s19], [sflag:$0x13], $0x80, $0x38;
	[tilespmem:$0x1AE00] =	vst v63  }
0x43e: {  	s20 =	sadd.s32 $0x50, s7;
	s21 =	simm.s32 $0x18EA8  }
0x43f: {  	[hbm4b:s20+s6] =	stream.linear.scatter [tilespmem:s21], [sflag:$0x13], $0x80, $0x38;
	[tilespmem:$0x1AE00] =	vst v63  }
0x440: {  	s22 =	sadd.s32 $0x60, s7;
	s30 =	simm.s32 $0x18F30  }
0x441: {  	[hbm4b:s22+s6] =	stream.linear.scatter [tilespmem:s30], [sflag:$0x13], $0x80, $0x38;
	[tilespmem:$0x1AE00] =	vst v63  }
0x442: {  	s13 =	sadd.s32 $0x70, s7;
	s14 =	simm.s32 $0x18FB8  }
0x443: {  	[hbm4b:s13+s6] =	stream.linear.scatter [tilespmem:s14], [sflag:$0x13], $0x80, $0x38;
	[tilespmem:$0x1AE00] =	vst v63  }
0x444: {  	s18 =	sadd.s32 $0x1000, s7;
	s19 =	simm.s32 $0x19040  }
0x445: {  	[hbm4b:s18+s6] =	stream.linear.scatter [tilespmem:s19], [sflag:$0x13], $0x80, $0x38;
	[tilespmem:$0x1AE00] =	vst v63  }
0x446: {  	s20 =	sadd.s32 $0x1010, s7;
	s21 =	simm.s32 $0x190C8  }
0x447: {  	[hbm4b:s20+s6] =	stream.linear.scatter [tilespmem:s21], [sflag:$0x13], $0x80, $0x38;
	[tilespmem:$0x1AE00] =	vst v63  }
0x448: {  	s22 =	sadd.s32 $0x1020, s7;
	s30 =	simm.s32 $0x19150  }
0x449: {  	[hbm4b:s22+s6] =	stream.linear.scatter [tilespmem:s30], [sflag:$0x13], $0x80, $0x38;
	[tilespmem:$0x1AE00] =	vst v63  }
0x44a: {  	s13 =	sadd.s32 $0x1030, s7;
	s14 =	simm.s32 $0x191D8  }
0x44b: {  	[hbm4b:s13+s6] =	stream.linear.scatter [tilespmem:s14], [sflag:$0x13], $0x80, $0x38;
	[tilespmem:$0x1AE00] =	vst v63  }
0x44c: {  	s18 =	sadd.s32 $0x1040, s7;
	s19 =	simm.s32 $0x19260  }
0x44d: {  	[hbm4b:s18+s6] =	stream.linear.scatter [tilespmem:s19], [sflag:$0x13], $0x80, $0x38;
	[tilespmem:$0x1AE00] =	vst v63  }
0x44e: {  	s20 =	sadd.s32 $0x1050, s7;
	s21 =	simm.s32 $0x192E8  }
0x44f: {  	[hbm4b:s20+s6] =	stream.linear.scatter [tilespmem:s21], [sflag:$0x13], $0x80, $0x38;
	[tilespmem:$0x1AE00] =	vst v63  }
0x450: {  	s22 =	sadd.s32 $0x1060, s7;
	s30 =	simm.s32 $0x19370  }
0x451: {  	[hbm4b:s22+s6] =	stream.linear.scatter [tilespmem:s30], [sflag:$0x13], $0x80, $0x38;
	[tilespmem:$0x1AE00] =	vst v63  }
0x452: {  	s13 =	sadd.s32 $0x1070, s7;
	s14 =	simm.s32 $0x193F8  }
0x453: {  	[hbm4b:s13+s6] =	stream.linear.scatter [tilespmem:s14], [sflag:$0x13], $0x80, $0x38;
	[tilespmem:$0x1AE00] =	vst v63  }
0x454: {  	s18 =	sadd.s32 $0x2000, s7;
	s19 =	simm.s32 $0x19480  }
0x455: {  	[hbm4b:s18+s6] =	stream.linear.scatter [tilespmem:s19], [sflag:$0x13], $0x80, $0x38;
	[tilespmem:$0x1AE00] =	vst v63  }
0x456: {  	s20 =	sadd.s32 $0x2010, s7;
	s21 =	simm.s32 $0x19508  }
0x457: {  	[hbm4b:s20+s6] =	stream.linear.scatter [tilespmem:s21], [sflag:$0x13], $0x80, $0x38;
	[tilespmem:$0x1AE00] =	vst v63  }
0x458: {  	s22 =	sadd.s32 $0x2020, s7;
	s30 =	simm.s32 $0x19590  }
0x459: {  	[hbm4b:s22+s6] =	stream.linear.scatter [tilespmem:s30], [sflag:$0x13], $0x80, $0x38;
	[tilespmem:$0x1AE00] =	vst v63  }
0x45a: {  	s13 =	sadd.s32 $0x2030, s7;
	s14 =	simm.s32 $0x19618  }
0x45b: {  	[hbm4b:s13+s6] =	stream.linear.scatter [tilespmem:s14], [sflag:$0x13], $0x80, $0x38;
	[tilespmem:$0x1AE00] =	vst v63  }
0x45c: {  	s18 =	sadd.s32 $0x2040, s7;
	s19 =	simm.s32 $0x196A0  }
0x45d: {  	[hbm4b:s18+s6] =	stream.linear.scatter [tilespmem:s19], [sflag:$0x13], $0x80, $0x38;
	[tilespmem:$0x1AE00] =	vst v63  }
0x45e: {  	s20 =	sadd.s32 $0x2050, s7;
	s21 =	simm.s32 $0x19728  }
0x45f: {  	[hbm4b:s20+s6] =	stream.linear.scatter [tilespmem:s21], [sflag:$0x13], $0x80, $0x38;
	[tilespmem:$0x1AE00] =	vst v63  }
0x460: {  	s22 =	sadd.s32 $0x2060, s7;
	s30 =	simm.s32 $0x197B0  }
0x461: {  	[hbm4b:s22+s6] =	stream.linear.scatter [tilespmem:s30], [sflag:$0x13], $0x80, $0x38;
	[tilespmem:$0x1AE00] =	vst v63  }
0x462: {  	s13 =	sadd.s32 $0x2070, s7;
	s14 =	simm.s32 $0x19838  }
0x463: {  	[hbm4b:s13+s6] =	stream.linear.scatter [tilespmem:s14], [sflag:$0x13], $0x80, $0x38;
	[tilespmem:$0x1AE00] =	vst v63  }
0x464: {  	s18 =	sadd.s32 $0x3000, s7;
	s19 =	simm.s32 $0x198C0  }
0x465: {  	[hbm4b:s18+s6] =	stream.linear.scatter [tilespmem:s19], [sflag:$0x13], $0x80, $0x38;
	[tilespmem:$0x1AE00] =	vst v63  }
0x466: {  	s20 =	sadd.s32 $0x3010, s7;
	s21 =	simm.s32 $0x19948  }
0x467: {  	[hbm4b:s20+s6] =	stream.linear.scatter [tilespmem:s21], [sflag:$0x13], $0x80, $0x38;
	[tilespmem:$0x1AE00] =	vst v63  }
0x468: {  	s22 =	sadd.s32 $0x3020, s7;
	s30 =	simm.s32 $0x199D0  }
0x469: {  	[hbm4b:s22+s6] =	stream.linear.scatter [tilespmem:s30], [sflag:$0x13], $0x80, $0x38;
	[tilespmem:$0x1AE00] =	vst v63  }
0x46a: {  	s12 =	sadd.s32 $0x3030, s7;
	s13 =	simm.s32 $0x19A58  }
0x46b: {  	[hbm4b:s12+s6] =	stream.linear.scatter [tilespmem:s13], [sflag:$0x13], $0x80, $0x38;
	[tilespmem:$0x1AE00] =	vst v63  }
0x46c: {  	s14 =	sadd.s32 $0x3040, s7;
	s18 =	simm.s32 $0x19AE0  }
0x46d: {  	[hbm4b:s14+s6] =	stream.linear.scatter [tilespmem:s18], [sflag:$0x13], $0x80, $0x38;
	[tilespmem:$0x1AE00] =	vst v63  }
0x46e: {  	s19 =	sadd.s32 $0x3050, s7;
	s20 =	simm.s32 $0x19B68  }
0x46f: {  	[hbm4b:s19+s6] =	stream.linear.scatter [tilespmem:s20], [sflag:$0x13], $0x80, $0x38;
	[tilespmem:$0x1AE00] =	vst v63  }
0x470: {  	s21 =	sadd.s32 $0x3060, s7;
	s22 =	simm.s32 $0x19BF0;
	s30 =	simm.s32 $0x7  }
0x471: {  	[hbm4b:s21+s6] =	stream.linear.scatter [tilespmem:s22], [sflag:$0x13], $0x80, $0x38;
	[tilespmem:$0x1AE00] =	vst v63  }
0x472: {  	s7 =	sadd.s32 $0x3070, s7;
	v17 =	vmov s30;
	s12 =	simm.s32 $0x19C78;
	s13 =	simm.s32 $0xA  }
0x473: {  	v18 =	vmov s6;
	v17 =	vshrl.u32 v17, $0x3;
	[hbm4b:s7+s6] =	stream.linear.scatter [tilespmem:s12], [sflag:$0x13], $0x80, $0x38;
	[tilespmem:$0x1AE00] =	vst v63  }
0x474: {  	v18 =	vshrl.u32 v18, $0x3;
	v17 =	vshll.u32 v17, v1;
	_ =	swait.ge [sflag:s13], $0x1000  }
0x475: {  	v18 =	vshll.u32 v18, v1;
	s14 =	simm.s32 $0x1;
	v17 =	vbroadcast v17, $0x0;
	[sflag:s13] =	ssyncset.done $0x0  }
0x476: {  	v18 =	vbroadcast v18, $0x0;
	s18 =	simm.s32 $0x2;
	v19 =	vmov s14;
	s6 =	simm.s32 $0xF4F0;
	[sflag:s13] =	ssyncadd.s32 $0xFFFFF000  }
0x477: {  	v22 =	vmov s18;
	v19 =	vshrl.u32 v19, $0x3;
	v21 =	vadd.s32 v15, v17;
	v20 =	vld [tilespmem:s6+$0xFFFFFFF0]  }
0x478: {  	v25 =	vadd.s32 v0, v18;
	v22 =	vshrl.u32 v22, $0x3;
	v19 =	vshll.u32 v19, v1;
	v24 =	vld [tilespmem:s6+$0xFFFFFF10]  }
0x479: {  	v17 =	vadd.s32 v16, v17;
	s19 =	simm.s32 $0x3;
	v22 =	vshll.u32 v22, v1;
	v19 =	vbroadcast v19, $0x0;
	v23 =	vld [tilespmem:s6+$0x0]  }
0x47a: {  	v18 =	vadd.s32 v2, v18;
	v27 =	vmov s19;
	v22 =	vbroadcast v22, $0x0;
	v26 =	vld [tilespmem:s6+$0xFFFFFF20]  }
0x47b: {  	s20 =	simm.s32 $0x4;
	v27 =	vshrl.u32 v27, $0x3;
	v29 =	vadd.s32 v3, v19;
	v31 =	vadd.s32 v4, v19;
	v28 =	vld [tilespmem:s6+$0xFFFFFF30]  }
0x47c: {  	v19 =	vshll.u32 v27, v1;
	v27 =	vmov s20;
	v33 =	vadd.s32 v5, v22;
	v32 =	vld [tilespmem:s6+$0xFFFFFF50];
	[tilespmem:v21+s31+$0x0] =	vst.idx.msk $0xffff, v20  }
0x47d: {  	s21 =	simm.s32 $0x5;
	v34 =	vbroadcast v19, $0x0;
	v19 =	vshrl.u32 v27, $0x3;
	v30 =	vld [tilespmem:s6+$0xFFFFFF40];
	[tilespmem:v25+s31+$0x0] =	vst.idx.msk $0xffff, v24  }
0x47e: {  	v19 =	vshll.u32 v19, v1;
	v20 =	vld [tilespmem:s6+$0xFFFFFF60];
	v25 =	vadd.s32 v6, v22;
	v22 =	vmov s21;
	[tilespmem:v17+s31+$0x0] =	vst.idx.msk $0xffff, v23  }
0x47f: {  	s22 =	simm.s32 $0x6;
	v35 =	vbroadcast v19, $0x0;
	v21 =	vadd.s32 v7, v34;
	[tilespmem:v18+s31+$0x0] =	vst.idx.msk $0xffff, v26;
	v17 =	vld [tilespmem:s6+$0xFFFFFF70];
	v18 =	vshrl.u32 v22, $0x3  }
0x480: {  	v19 =	vld [tilespmem:s6+$0xFFFFFF80];
	[tilespmem:v29+s31+$0x0] =	vst.idx.msk $0xffff, v28;
	v23 =	vadd.s32 v8, v34;
	v22 =	vmov s22;
	v18 =	vshll.u32 v18, v1  }
0x481: {  	s30 =	simm.s32 $0xF;
	v24 =	vld [tilespmem:s6+$0xFFFFFF90];
	[tilespmem:v33+s31+$0x0] =	vst.idx.msk $0xffff, v32;
	v26 =	vadd.s32 v9, v35;
	v29 =	vshrl.u32 v22, $0x3;
	v27 =	vbroadcast v18, $0x0  }
0x482: {  	s7 =	simm.s32 $0x8;
	s12 =	simm.s32 $0x10;
	v28 =	vmov s30;
	[tilespmem:v31+s31+$0x0] =	vst.idx.msk $0xffff, v30;
	v22 =	vadd.s32 v10, v35;
	v18 =	vld [tilespmem:s6+$0xFFFFFFA0];
	v29 =	vshll.u32 v29, v1  }
.LBB2_21:
0x483: {  	p0 =	slt.u32 s12, $0x78;
	v28 =	vshrl.u32 v28, $0x3;
	[tilespmem:v25+s31+$0x0] =	vst.idx.msk $0xffff, v20;
	v20 =	vld [tilespmem:s6+$0xFFFFFFB0];
	v25 =	vadd.s32 v11, v27;
	v29 =	vbroadcast v29, $0x0  }
0x484: {  	v30 =	vmov s7;
	v28 =	vshll.u32 v28, v1;
	[tilespmem:v21+s31+$0x0] =	vst.idx.msk $0xffff, v17;
	v17 =	vld [tilespmem:s6+$0xFFFFFFC0];
	v21 =	vadd.s32 v12, v27  }
0x485: {  	s0 =	sadd.s32 $0x1, s7;
	v27 =	vshrl.u32 v30, $0x3;
	v28 =	vbroadcast v28, $0x0;
	[tilespmem:v23+s31+$0x0] =	vst.idx.msk $0xffff, v19;
	v19 =	vld [tilespmem:s6+$0xFFFFFFD0];
	v23 =	vadd.s32 v13, v29  }
0x486: {  	v30 =	vmov s0;
	v27 =	vshll.u32 v27, v1;
	[tilespmem:v26+s31+$0x0] =	vst.idx.msk $0xffff, v24;
	v24 =	vld [tilespmem:s6+$0xFFFFFFE0];
	v26 =	vadd.s32 v14, v29;
	s6 =	sadd.s32 $0x100, s6  }
0x487: {  	s0 =	sadd.s32 $0x2, s7;
	v27 =	vbroadcast v27, $0x0;
	v29 =	vshrl.u32 v30, $0x3;
	v30 =	vld [tilespmem:s6+$0xFFFFFFF0];
	v31 =	vadd.s32 v15, v28;
	[tilespmem:v22+s31+$0x0] =	vst.idx.msk $0xffff, v18  }
0x488: {  	v18 =	vshll.u32 v29, v1;
	v22 =	vmov s0;
	v28 =	vadd.s32 v16, v28;
	v29 =	vld [tilespmem:s6+$0x0];
	[tilespmem:v25+s31+$0x0] =	vst.idx.msk $0xffff, v20  }
0x489: {  	s0 =	sadd.s32 $0x3, s7;
	v25 =	vadd.s32 v0, v27;
	v18 =	vbroadcast v18, $0x0;
	v22 =	vshrl.u32 v22, $0x3;
	v20 =	vld [tilespmem:s6+$0xFFFFFF10];
	[tilespmem:v21+s31+$0x0] =	vst.idx.msk $0xffff, v17  }
0x48a: {  	v21 =	vadd.s32 v2, v27;
	v22 =	vshll.u32 v22, v1;
	v27 =	vmov s0;
	v17 =	vld [tilespmem:s6+$0xFFFFFF20];
	[tilespmem:v23+s31+$0x0] =	vst.idx.msk $0xffff, v19  }
0x48b: {  	s0 =	sadd.s32 $0x4, s7;
	v23 =	vadd.s32 v3, v18;
	v22 =	vbroadcast v22, $0x0;
	v27 =	vshrl.u32 v27, $0x3;
	v19 =	vld [tilespmem:s6+$0xFFFFFF30];
	[tilespmem:v26+s31+$0x0] =	vst.idx.msk $0xffff, v24  }
0x48c: {  	v18 =	vadd.s32 v4, v18;
	v26 =	vshll.u32 v27, v1;
	v27 =	vmov s0;
	v24 =	vld [tilespmem:s6+$0xFFFFFF40];
	[tilespmem:v31+s31+$0x0] =	vst.idx.msk $0xffff, v30  }
0x48d: {  	s0 =	sadd.s32 $0x5, s7;
	v31 =	vadd.s32 v5, v22;
	v26 =	vbroadcast v26, $0x0;
	v27 =	vshrl.u32 v27, $0x3;
	v30 =	vld [tilespmem:s6+$0xFFFFFF50];
	[tilespmem:v28+s31+$0x0] =	vst.idx.msk $0xffff, v29  }
.Ltmp9:
0x48e: {  	[tilespmem:v25+s31+$0x0] =	vst.idx.msk $0xffff, v20;
	v20 =	vld [tilespmem:s6+$0xFFFFFF60];
	v25 =	vadd.s32 v6, v22;
	v22 =	vshll.u32 v27, v1;
	v27 =	vmov s0;
	(pc) =	sbr.rel @p0 .LBB2_21-.Ltmp9, $4  }
0x48f: {  	s0 =	sadd.s32 $0x6, s7;
	s7 =	smov.u32 s12;
	[tilespmem:v21+s31+$0x0] =	vst.idx.msk $0xffff, v17;
	v17 =	vld [tilespmem:s6+$0xFFFFFF70];
	v21 =	vadd.s32 v7, v26;
	v22 =	vbroadcast v22, $0x0;
	v27 =	vshrl.u32 v27, $0x3  }
0x490: {  	v28 =	vmov s0;
	[tilespmem:v23+s31+$0x0] =	vst.idx.msk $0xffff, v19;
	v19 =	vld [tilespmem:s6+$0xFFFFFF80];
	v23 =	vadd.s32 v8, v26;
	v27 =	vshll.u32 v27, v1  }
0x491: {  	s0 =	sadd.s32 $0x7, s12;
	v29 =	vshrl.u32 v28, $0x3;
	[tilespmem:v18+s31+$0x0] =	vst.idx.msk $0xffff, v24;
	v24 =	vld [tilespmem:s6+$0xFFFFFF90];
	v26 =	vadd.s32 v9, v22;
	v27 =	vbroadcast v27, $0x0  }
0x492: {  	s12 =	sadd.s32 $0x8, s12;
	v28 =	vmov s0;
	v22 =	vadd.s32 v10, v22;
	v29 =	vshll.u32 v29, v1;
	[tilespmem:v31+s31+$0x0] =	vst.idx.msk $0xffff, v30;
	v18 =	vld [tilespmem:s6+$0xFFFFFFA0]  }
0x493: {  	_ =	sdelay $0x2  }
0x494: {  	v28 =	vshrl.u32 v28, $0x3  }
0x495: {  	[tilespmem:v25+s31+$0x0] =	vst.idx.msk $0xffff, v20;
	v57 =	vld [tilespmem:s6+$0xFFFFFFB0];
	v58 =	vadd.s32 v11, v27;
	v29 =	vbroadcast v29, $0x0;
	v30 =	vmov s7  }
0x496: {  	v59 =	vadd.s32 v12, v27;
	s0 =	sadd.s32 $0x1, s7;
	v28 =	vshll.u32 v28, v1;
	[tilespmem:v21+s31+$0x0] =	vst.idx.msk $0xffff, v17;
	v17 =	vld [tilespmem:s6+$0xFFFFFFC0];
	v60 =	vshrl.u32 v30, $0x3  }
0x497: {  	s20 =	sadd.s32 $0x2, s7;
	v62 =	vmov s0;
	v28 =	vbroadcast v28, $0x0;
	[tilespmem:v23+s31+$0x0] =	vst.idx.msk $0xffff, v19;
	v19 =	vld [tilespmem:s6+$0xFFFFFFD0];
	v61 =	vadd.s32 v13, v29  }
0x498: {  	v63 =	vld [tilespmem:s6+$0xFFFFFFE0];
	s19 =	sadd.s32 $0x100, s6;
	v36 =	vmov s20;
	v27 =	vshll.u32 v60, v1;
	v33 =	vadd.s32 v14, v29;
	[tilespmem:v26+s31+$0x0] =	vst.idx.msk $0xffff, v24  }
0x499: {  	s21 =	sadd.s32 $0x3, s7;
	v35 =	vld [tilespmem:s19+$0xFFFFFFF0];
	v34 =	vshrl.u32 v62, $0x3;
	v27 =	vbroadcast v27, $0x0;
	v31 =	vadd.s32 v15, v28;
	[tilespmem:v22+s31+$0x0] =	vst.idx.msk $0xffff, v18  }
0x49a: {  	v37 =	vld [tilespmem:s19+$0x0];
	v41 =	vmov s21;
	v18 =	vshll.u32 v34, v1;
	v28 =	vadd.s32 v16, v28;
	[tilespmem:v58+s31+$0x0] =	vst.idx.msk $0xffff, v57  }
0x49b: {  	s22 =	sadd.s32 $0x4, s7;
	v38 =	vld [tilespmem:s19+$0xFFFFFF10];
	v22 =	vshrl.u32 v36, $0x3;
	v39 =	vadd.s32 v0, v27;
	v18 =	vbroadcast v18, $0x0;
	[tilespmem:v59+s31+$0x0] =	vst.idx.msk $0xffff, v17  }
0x49c: {  	v45 =	vmov s22;
	v40 =	vadd.s32 v2, v27;
	v22 =	vshll.u32 v22, v1;
	v17 =	vld [tilespmem:s19+$0xFFFFFF20];
	[tilespmem:v61+s31+$0x0] =	vst.idx.msk $0xffff, v19  }
0x49d: {  	s30 =	sadd.s32 $0x5, s7;
	v27 =	vshrl.u32 v41, $0x3;
	v22 =	vbroadcast v22, $0x0;
	v19 =	vld [tilespmem:s19+$0xFFFFFF30];
	v42 =	vadd.s32 v3, v18;
	[tilespmem:v33+s31+$0x0] =	vst.idx.msk $0xffff, v63  }
0x49e: {  	v43 =	vld [tilespmem:s19+$0xFFFFFF40];
	v48 =	vmov s30;
	v44 =	vshll.u32 v27, v1;
	v18 =	vadd.s32 v4, v18;
	[tilespmem:v31+s31+$0x0] =	vst.idx.msk $0xffff, v35  }
0x49f: {  	v46 =	vld [tilespmem:s19+$0xFFFFFF50];
	v27 =	vshrl.u32 v45, $0x3;
	v26 =	vbroadcast v44, $0x0;
	v47 =	vadd.s32 v5, v22;
	[tilespmem:v28+s31+$0x0] =	vst.idx.msk $0xffff, v37  }
0x4a0: {  	v49 =	vld [tilespmem:s19+$0xFFFFFF60];
	v52 =	vshrl.u32 v48, $0x3;
	v50 =	vshll.u32 v27, v1;
	v22 =	vadd.s32 v6, v22;
	[tilespmem:v39+s31+$0x0] =	vst.idx.msk $0xffff, v38  }
0x4a1: {  	s12 =	sadd.s32 $0x6, s7;
	v55 =	vshll.u32 v52, v1;
	v25 =	vbroadcast v50, $0x0;
	v51 =	vadd.s32 v7, v26;
	[tilespmem:v40+s31+$0x0] =	vst.idx.msk $0xffff, v17;
	v17 =	vld [tilespmem:s19+$0xFFFFFF70]  }
0x4a2: {  	v53 =	vmov s12;
	v54 =	vadd.s32 v8, v26;
	v26 =	vbroadcast v55, $0x0;
	[tilespmem:v42+s31+$0x0] =	vst.idx.msk $0xffff, v19;
	v19 =	vld [tilespmem:s19+$0xFFFFFF80]  }
0x4a3: {  	v57 =	vshrl.u32 v53, $0x3;
	v56 =	vadd.s32 v9, v25;
	[tilespmem:v18+s31+$0x0] =	vst.idx.msk $0xffff, v43;
	v18 =	vld [tilespmem:s19+$0xFFFFFF90]  }
0x4a4: {  	v59 =	vld [tilespmem:s19+$0xFFFFFFB0];
	v27 =	vshll.u32 v57, v1;
	v60 =	vadd.s32 v11, v26;
	[tilespmem:v47+s31+$0x0] =	vst.idx.msk $0xffff, v46  }
0x4a5: {  	v58 =	vld [tilespmem:s19+$0xFFFFFFA0];
	v27 =	vbroadcast v27, $0x0;
	v25 =	vadd.s32 v10, v25;
	[tilespmem:v22+s31+$0x0] =	vst.idx.msk $0xffff, v49  }
0x4a6: {  	v61 =	vadd.s32 v12, v26;
	[tilespmem:v51+s31+$0x0] =	vst.idx.msk $0xffff, v17;
	v17 =	vld [tilespmem:s19+$0xFFFFFFC0]  }
0x4a7: {  	v62 =	vadd.s32 v13, v27;
	[tilespmem:v54+s31+$0x0] =	vst.idx.msk $0xffff, v19;
	v19 =	vld [tilespmem:s19+$0xFFFFFFD0]  }
0x4a8: {  	v63 =	vadd.s32 v14, v27;
	[tilespmem:v56+s31+$0x0] =	vst.idx.msk $0xffff, v18;
	v18 =	vld [tilespmem:s19+$0xFFFFFFE0]  }
0x4a9: {  	[tilespmem:v60+s31+$0x0] =	vst.idx.msk $0xffff, v59  }
0x4aa: {  	s13 =	sshll.u32 s25, $0x11;
	[tilespmem:v25+s31+$0x0] =	vst.idx.msk $0xffff, v58  }
0x4ab: {  	s0 =	sor.u32 s4, s13;
	[tilespmem:v61+s31+$0x0] =	vst.idx.msk $0xffff, v17  }
0x4ac: {  	s0 =	sshrl.u32 s0, $0x3;
	[tilespmem:v62+s31+$0x0] =	vst.idx.msk $0xffff, v19  }
0x4ad: {  	s0 =	sadd.s32 s1, s0;
	[tilespmem:v63+s31+$0x0] =	vst.idx.msk $0xffff, v18  }
0x4ae: {  	[hbm4b:s0+s3] =	stream.linear.scatter [tilespmem:s31], [sflag:$0x14], $0x80, $0x38;
	[tilespmem:$0x1AE00] =	vst v63  }
0x4af: {  	s18 =	simm.s32 $0x19D88;
	s14 =	sadd.s32 $0x10, s0  }
0x4b0: {  	[hbm4b:s14+s3] =	stream.linear.scatter [tilespmem:s18], [sflag:$0x14], $0x80, $0x38;
	[tilespmem:$0x1AE00] =	vst v63  }
0x4b1: {  	s20 =	simm.s32 $0x19E10;
	s19 =	sadd.s32 $0x20, s0  }
0x4b2: {  	[hbm4b:s19+s3] =	stream.linear.scatter [tilespmem:s20], [sflag:$0x14], $0x80, $0x38;
	[tilespmem:$0x1AE00] =	vst v63  }
0x4b3: {  	s22 =	simm.s32 $0x19E98;
	s21 =	sadd.s32 $0x30, s0  }
0x4b4: {  	[hbm4b:s21+s3] =	stream.linear.scatter [tilespmem:s22], [sflag:$0x14], $0x80, $0x38;
	[tilespmem:$0x1AE00] =	vst v63  }
0x4b5: {  	s30 =	simm.s32 $0x19F20;
	s25 =	sadd.s32 $0x40, s0  }
0x4b6: {  	[hbm4b:s25+s3] =	stream.linear.scatter [tilespmem:s30], [sflag:$0x14], $0x80, $0x38;
	[tilespmem:$0x1AE00] =	vst v63  }
0x4b7: {  	s13 =	simm.s32 $0x19FA8;
	s12 =	sadd.s32 $0x50, s0  }
0x4b8: {  	[hbm4b:s12+s3] =	stream.linear.scatter [tilespmem:s13], [sflag:$0x14], $0x80, $0x38;
	[tilespmem:$0x1AE00] =	vst v63  }
0x4b9: {  	s14 =	sadd.s32 $0x60, s0;
	s18 =	simm.s32 $0x1A030  }
0x4ba: {  	[hbm4b:s14+s3] =	stream.linear.scatter [tilespmem:s18], [sflag:$0x14], $0x80, $0x38;
	[tilespmem:$0x1AE00] =	vst v63  }
0x4bb: {  	s19 =	sadd.s32 $0x70, s0;
	s20 =	simm.s32 $0x1A0B8  }
0x4bc: {  	[hbm4b:s19+s3] =	stream.linear.scatter [tilespmem:s20], [sflag:$0x14], $0x80, $0x38;
	[tilespmem:$0x1AE00] =	vst v63  }
0x4bd: {  	s21 =	sadd.s32 $0x1000, s0;
	s22 =	simm.s32 $0x1A140  }
0x4be: {  	[hbm4b:s21+s3] =	stream.linear.scatter [tilespmem:s22], [sflag:$0x14], $0x80, $0x38;
	[tilespmem:$0x1AE00] =	vst v63  }
0x4bf: {  	s25 =	sadd.s32 $0x1010, s0;
	s30 =	simm.s32 $0x1A1C8  }
0x4c0: {  	[hbm4b:s25+s3] =	stream.linear.scatter [tilespmem:s30], [sflag:$0x14], $0x80, $0x38;
	[tilespmem:$0x1AE00] =	vst v63  }
0x4c1: {  	s12 =	sadd.s32 $0x1020, s0;
	s13 =	simm.s32 $0x1A250  }
0x4c2: {  	[hbm4b:s12+s3] =	stream.linear.scatter [tilespmem:s13], [sflag:$0x14], $0x80, $0x38;
	[tilespmem:$0x1AE00] =	vst v63  }
0x4c3: {  	s14 =	sadd.s32 $0x1030, s0;
	s18 =	simm.s32 $0x1A2D8  }
0x4c4: {  	[hbm4b:s14+s3] =	stream.linear.scatter [tilespmem:s18], [sflag:$0x14], $0x80, $0x38;
	[tilespmem:$0x1AE00] =	vst v63  }
0x4c5: {  	s19 =	sadd.s32 $0x1040, s0;
	s20 =	simm.s32 $0x1A360  }
0x4c6: {  	[hbm4b:s19+s3] =	stream.linear.scatter [tilespmem:s20], [sflag:$0x14], $0x80, $0x38;
	[tilespmem:$0x1AE00] =	vst v63  }
0x4c7: {  	s21 =	sadd.s32 $0x1050, s0;
	s22 =	simm.s32 $0x1A3E8  }
0x4c8: {  	[hbm4b:s21+s3] =	stream.linear.scatter [tilespmem:s22], [sflag:$0x14], $0x80, $0x38;
	[tilespmem:$0x1AE00] =	vst v63  }
0x4c9: {  	s25 =	sadd.s32 $0x1060, s0;
	s30 =	simm.s32 $0x1A470  }
0x4ca: {  	[hbm4b:s25+s3] =	stream.linear.scatter [tilespmem:s30], [sflag:$0x14], $0x80, $0x38;
	[tilespmem:$0x1AE00] =	vst v63  }
0x4cb: {  	s12 =	sadd.s32 $0x1070, s0;
	s13 =	simm.s32 $0x1A4F8  }
0x4cc: {  	[hbm4b:s12+s3] =	stream.linear.scatter [tilespmem:s13], [sflag:$0x14], $0x80, $0x38;
	[tilespmem:$0x1AE00] =	vst v63  }
0x4cd: {  	s14 =	sadd.s32 $0x2000, s0;
	s18 =	simm.s32 $0x1A580  }
0x4ce: {  	[hbm4b:s14+s3] =	stream.linear.scatter [tilespmem:s18], [sflag:$0x14], $0x80, $0x38;
	[tilespmem:$0x1AE00] =	vst v63  }
0x4cf: {  	s19 =	sadd.s32 $0x2010, s0;
	s20 =	simm.s32 $0x1A608  }
0x4d0: {  	[hbm4b:s19+s3] =	stream.linear.scatter [tilespmem:s20], [sflag:$0x14], $0x80, $0x38;
	[tilespmem:$0x1AE00] =	vst v63  }
0x4d1: {  	s21 =	sadd.s32 $0x2020, s0;
	s22 =	simm.s32 $0x1A690  }
0x4d2: {  	[hbm4b:s21+s3] =	stream.linear.scatter [tilespmem:s22], [sflag:$0x14], $0x80, $0x38;
	[tilespmem:$0x1AE00] =	vst v63  }
0x4d3: {  	s25 =	sadd.s32 $0x2030, s0;
	s30 =	simm.s32 $0x1A718  }
0x4d4: {  	[hbm4b:s25+s3] =	stream.linear.scatter [tilespmem:s30], [sflag:$0x14], $0x80, $0x38;
	[tilespmem:$0x1AE00] =	vst v63  }
0x4d5: {  	s12 =	sadd.s32 $0x2040, s0;
	s13 =	simm.s32 $0x1A7A0  }
0x4d6: {  	[hbm4b:s12+s3] =	stream.linear.scatter [tilespmem:s13], [sflag:$0x14], $0x80, $0x38;
	[tilespmem:$0x1AE00] =	vst v63  }
0x4d7: {  	s14 =	sadd.s32 $0x2050, s0;
	s18 =	simm.s32 $0x1A828  }
0x4d8: {  	[hbm4b:s14+s3] =	stream.linear.scatter [tilespmem:s18], [sflag:$0x14], $0x80, $0x38;
	[tilespmem:$0x1AE00] =	vst v63  }
0x4d9: {  	s19 =	sadd.s32 $0x2060, s0;
	s20 =	simm.s32 $0x1A8B0  }
0x4da: {  	[hbm4b:s19+s3] =	stream.linear.scatter [tilespmem:s20], [sflag:$0x14], $0x80, $0x38;
	[tilespmem:$0x1AE00] =	vst v63  }
0x4db: {  	s21 =	sadd.s32 $0x2070, s0;
	s22 =	simm.s32 $0x1A938  }
0x4dc: {  	[hbm4b:s21+s3] =	stream.linear.scatter [tilespmem:s22], [sflag:$0x14], $0x80, $0x38;
	[tilespmem:$0x1AE00] =	vst v63  }
0x4dd: {  	s25 =	sadd.s32 $0x3000, s0;
	s30 =	simm.s32 $0x1A9C0  }
0x4de: {  	[hbm4b:s25+s3] =	stream.linear.scatter [tilespmem:s30], [sflag:$0x14], $0x80, $0x38;
	[tilespmem:$0x1AE00] =	vst v63  }
0x4df: {  	s12 =	sadd.s32 $0x3010, s0;
	s13 =	simm.s32 $0x1AA48  }
0x4e0: {  	[hbm4b:s12+s3] =	stream.linear.scatter [tilespmem:s13], [sflag:$0x14], $0x80, $0x38;
	[tilespmem:$0x1AE00] =	vst v63  }
0x4e1: {  	s14 =	sadd.s32 $0x3020, s0;
	s18 =	simm.s32 $0x1AAD0  }
0x4e2: {  	[hbm4b:s14+s3] =	stream.linear.scatter [tilespmem:s18], [sflag:$0x14], $0x80, $0x38;
	[tilespmem:$0x1AE00] =	vst v63  }
0x4e3: {  	s19 =	sadd.s32 $0x3030, s0;
	s20 =	simm.s32 $0x1AB58  }
0x4e4: {  	[hbm4b:s19+s3] =	stream.linear.scatter [tilespmem:s20], [sflag:$0x14], $0x80, $0x38;
	[tilespmem:$0x1AE00] =	vst v63  }
0x4e5: {  	s21 =	sadd.s32 $0x3040, s0;
	s22 =	simm.s32 $0x1ABE0  }
0x4e6: {  	[hbm4b:s21+s3] =	stream.linear.scatter [tilespmem:s22], [sflag:$0x14], $0x80, $0x38;
	[tilespmem:$0x1AE00] =	vst v63  }
0x4e7: {  	s25 =	sadd.s32 $0x3050, s0;
	s30 =	simm.s32 $0x1AC68  }
0x4e8: {  	[hbm4b:s25+s3] =	stream.linear.scatter [tilespmem:s30], [sflag:$0x14], $0x80, $0x38;
	[tilespmem:$0x1AE00] =	vst v63  }
0x4e9: {  	s7 =	sadd.s32 $0x3060, s0;
	s12 =	simm.s32 $0x1ACF0  }
0x4ea: {  	[hbm4b:s7+s3] =	stream.linear.scatter [tilespmem:s12], [sflag:$0x14], $0x80, $0x38;
	[tilespmem:$0x1AE00] =	vst v63  }
0x4eb: {  	s0 =	sadd.s32 $0x3070, s0;
	s13 =	simm.s32 $0x1AD78;
	s14 =	simm.s32 $0xB  }
0x4ec: {  	[hbm4b:s0+s3] =	stream.linear.scatter [tilespmem:s13], [sflag:$0x14], $0x80, $0x38;
	[tilespmem:$0x1AE00] =	vst v63  }
0x4ed: {  	_ =	swait.ge [sflag:s14], $0x1000  }
0x4ee: {  	[sflag:s14] =	ssyncset.done $0x0  }
0x4ef: {  	s18 =	simm.s32 $0xC;
	[sflag:s14] =	ssyncadd.s32 $0xFFFFF000  }
0x4f0: {  	_ =	swait.ge [sflag:s18], $0x1000  }
0x4f1: {  	[sflag:s18] =	ssyncset.done $0x0  }
0x4f2: {  	s19 =	simm.s32 $0xD;
	[sflag:s18] =	ssyncadd.s32 $0xFFFFF000  }
0x4f3: {  	_ =	swait.ge [sflag:s19], $0x1000  }
0x4f4: {  	[sflag:s19] =	ssyncset.done $0x0  }
0x4f5: {  	s20 =	simm.s32 $0xE;
	[sflag:s19] =	ssyncadd.s32 $0xFFFFF000  }
0x4f6: {  	_ =	swait.ge [sflag:s20], $0x1000  }
0x4f7: {  	[sflag:s20] =	ssyncset.done $0x0  }
0x4f8: {  	s21 =	simm.s32 $0xF;
	[sflag:s20] =	ssyncadd.s32 $0xFFFFF000  }
0x4f9: {  	_ =	swait.ge [sflag:s21], $0x1000  }
0x4fa: {  	[sflag:s21] =	ssyncset.done $0x0  }
0x4fb: {  	s22 =	simm.s32 $0x10;
	[sflag:s21] =	ssyncadd.s32 $0xFFFFF000  }
0x4fc: {  	_ =	swait.ge [sflag:s22], $0x1000  }
0x4fd: {  	[sflag:s22] =	ssyncset.done $0x0  }
0x4fe: {  	s25 =	simm.s32 $0x11;
	[sflag:s22] =	ssyncadd.s32 $0xFFFFF000  }
0x4ff: {  	_ =	swait.ge [sflag:s25], $0x1000  }
0x500: {  	[sflag:s25] =	ssyncset.done $0x0  }
0x501: {  	s30 =	simm.s32 $0x12;
	[sflag:s25] =	ssyncadd.s32 $0xFFFFF000  }
0x502: {  	_ =	swait.ge [sflag:s30], $0x1000  }
0x503: {  	[sflag:s30] =	ssyncset.done $0x0  }
0x504: {  	s26 =	sadd.s32 $0x1, s26;
	[sflag:s30] =	ssyncadd.s32 $0xFFFFF000  }
0x505: {  	p0 =	sne.s32 s26, $0x14;
	_ =	swait.ge [sflag:s16], $0x1000  }
.Ltmp10:
0x506: {  	[sflag:s16] =	ssyncset.done $0x0;
	(pc) =	sbr.rel @p0 .LBB2_2-.Ltmp10, $4  }
0x507: {  	[sflag:s16] =	ssyncadd.s32 $0xFFFFF000  }
0x508: {  	_ =	swait.ge [sflag:s8], $0x1000  }
0x509: {  	[sflag:s8] =	ssyncset.done $0x0  }
0x50a: {  	[sflag:s8] =	ssyncadd.s32 $0xFFFFF000  }
0x50b: {  	s6 =	rddreg [dreg:$0x6]  }
0x50c: {  	s0 =	rddreg [dreg:$0x5];
	s6 =	sadd.s32 $0x1, s6  }
0x50d: {  	p0 =	sne.s32 s6, s0  }
.Ltmp11:
0x50e: {  	_ = 	snop;
	(pc) =	sbr.rel @p0 .LBB2_1-.Ltmp11, $1  }
0x50f: {  	_ =	sdelay $0x3  }
0x510: {  	_ =	sfence.sel $0x180000  }
0x511: {  	[bflag:$0x0] =	sbarrier.arrive $0xFFFF  }
0x512: {  	_ =	strace $0x90000047  }
0x513: {  	s0 =	stileid.u32;
	[bflag:$0x2] =	sbarrier.arrive $0xFFFF  }
0x514: {  	p0 =	sne.s32 s0, $0x0;
	s0 =	rddreg [dreg:$0x3]  }
0x515: {  	s0 =	sadd.s32 @!p0 $0x100000, s0  }
0x516: {  	[sflag:s0] =	ssyncadd.tile.s32 @!p0 $0x1;
	_ =	shalt  }
.Lfunc_end2:
_tile_overlayer_lowered:
.L_overlay_start_2:
0x517: {  	(tag) =	ssettag $0x2  }
0x518: {  	s0 =	rddreg [dreg:$0x0];
	s2 =	stileid.u32  }
0x519: {  	s1 =	rddreg [dreg:$0x1];
	p0 =	sne.s32 s2, $0x0  }
0x51a: {  	s3 =	rddreg [dreg:$0x2];
	[bflag:$0x3] =	sbarrier.arrive $0xFFFF;
	s2 =	simm.s32 @!p0 $0x1C15  }
0x51b: {  	[timem:s3], [sflag:s2] =	dma.local @!p0 [hbm:s0], s1  }
0x51c: {  	s0 =	simm.s32 @!p0 $0x15  }
0x51d: {  	_ =	swait.ge @!p0 [sflag:s0], s1  }
0x51e: {  	s1 =	ssub.s32 @!p0 $0x0, s1;
	[sflag:s0] =	ssyncset.done @!p0 $0x0  }
0x51f: {  	[sflag:s0] =	ssyncadd.s32 @!p0 s1  }
0x520: {  	[bflag:$0x3] =	sbarrier.arrive $0xFFFF  }
0x521: {  	_ =	shalt  }

</sc_bundles>
